<compile_context>
chip_gen: v7x
topology: tpu7x:2x2x1
jax: 0.10.2.dev20260603
libtpu: 0.0.44.dev20260713+nightly
codegen_flags: <defaults>
</compile_context>

<pallas_src>
import functools

import jax
import jax.numpy as jnp
import numpy as np
from jax import lax
from jax.experimental import pallas as pl
from jax.experimental.pallas import tpu as pltpu
from jax.experimental.pallas import tpu_sc as plsc

N = 10000
E = 320000
D = 128

NC_SC = 2
NS = 16
NW = NC_SC * NS
CH = 128
NCHUNK = 80
EPT = CH * NCHUNK
EPAD = EPT * NW
N_PAD = 10240
RPT = N_PAD // NS
RING = 2
DRING = 4
DEGW = 16

_mesh = plsc.VectorSubcoreMesh(core_axis_name="c", subcore_axis_name="s")


def _zero_buf(buf, nrows, ncols):
    @pl.loop(0, nrows)
    def _(r):
        @pl.loop(0, ncols, step=16)
        def _(cc):
            buf[r, pl.ds(cc, 16)] = jnp.zeros((16,), jnp.float32)


def _fill_ones(buf, nrows):
    @pl.loop(0, nrows)
    def _(r):
        buf[r, pl.ds(0, 16)] = jnp.ones((16,), jnp.float32)


@functools.partial(
    pl.kernel,
    out_type=jax.ShapeDtypeStruct((NC_SC, N_PAD, DEGW), jnp.float32),
    mesh=_mesh,
    scratch_types=[
        pltpu.VMEM_SHARED((N_PAD, DEGW), jnp.float32),
        pltpu.VMEM((NCHUNK, CH), jnp.int32),
        pltpu.VMEM((CH, DEGW), jnp.float32),
        pltpu.SemaphoreType.DMA,
        pltpu.SemaphoreType.DMA,
        pltpu.SemaphoreType.DMA,
        pltpu.SemaphoreType.DMA,
    ],
)
def _sc_deg(dst_hbm, out_hbm, deg_acc, dst_v, ones_v, s0, s1, s2, s3):
    ssem = (s0, s1, s2, s3)
    c = lax.axis_index("c")
    s = lax.axis_index("s")
    wid = c * NS + s

    _zero_buf(ones_v, CH, DEGW)
    for k in range(RPT // CH):
        pltpu.sync_copy(ones_v,
                        deg_acc.at[pl.ds(s * RPT + k * CH, CH)])
    _fill_ones(ones_v, CH)
    pltpu.sync_copy(dst_hbm.at[pl.ds(wid * NCHUNK, NCHUNK)], dst_v)
    plsc.subcore_barrier()

    @pl.loop(0, NCHUNK, step=DRING)
    def _(g0):
        for b in range(DRING):
            i = g0 + b

            @pl.when(i >= DRING)
            def _():
                pltpu.make_async_copy(ones_v, deg_acc.at[dst_v.at[i]],
                                      ssem[b]).wait()

            pltpu.async_copy(ones_v, deg_acc.at[dst_v.at[i]], ssem[b],
                             add=True)

    for b in range(DRING):
        pltpu.make_async_copy(ones_v, deg_acc.at[dst_v.at[0]], ssem[b]).wait()
    plsc.subcore_barrier()
    pltpu.sync_copy(deg_acc.at[pl.ds(s * RPT, RPT)],
                    out_hbm.at[c].at[pl.ds(s * RPT, RPT)])


MCH = 128
MNCHUNK = 84
MEPT = MCH * MNCHUNK
MEPAD = MEPT * NW
MR = 3
MG = 2
MS = MR - MG
MIR = 6
MRPT = N // NS


@functools.partial(
    pl.kernel,
    out_type=jax.ShapeDtypeStruct((NC_SC, N, D), jnp.float32),
    mesh=_mesh,
    scratch_types=(
        [pltpu.VMEM_SHARED((N, D), jnp.float32)]
        + [pltpu.VMEM((1, 2, MCH), jnp.int32)] * MIR
        + [pltpu.VMEM((MCH, D), jnp.float32)] * MR
        + [pltpu.SemaphoreType.DMA] * (MIR + 2 * MR)
    ),
)
def _sc_msg(s_hbm, gidx_hbm, out_hbm, acc, *refs):
    ix = refs[:MIR]
    rows = refs[MIR:MIR + MR]
    isem = refs[MIR + MR:2 * MIR + MR]
    gsem = refs[2 * MIR + MR:2 * MIR + 2 * MR]
    ssem = refs[2 * MIR + 2 * MR:]
    c = lax.axis_index("c")
    s = lax.axis_index("s")
    wid = c * NS + s

    def idx_load(chunk, slot):
        pltpu.async_copy(gidx_hbm.at[pl.ds(wid + NW * chunk, 1)], ix[slot],
                         isem[slot])

    def idx_wait(slot):
        pltpu.make_async_copy(gidx_hbm.at[pl.ds(wid, 1)], ix[slot],
                              isem[slot]).wait()

    def gather(bslot, islot):
        pltpu.async_copy(s_hbm.at[ix[islot].at[0, 0]], rows[bslot],
                         gsem[bslot])

    def gather_wait(bslot):
        pltpu.make_async_copy(s_hbm.at[ix[0].at[0, 0]], rows[bslot],
                              gsem[bslot]).wait()

    def scatter(bslot, islot):
        pltpu.async_copy(rows[bslot], acc.at[ix[islot].at[0, 1]],
                         ssem[bslot], add=True)

    def scatter_wait(bslot):
        pltpu.make_async_copy(rows[bslot], acc.at[ix[0].at[0, 1]],
                              ssem[bslot]).wait()

    _zero_buf(rows[0], MCH, D)
    for j in range(5):
        ck = s + 16 * j

        @pl.when(ck < N // MCH)
        def _():
            pltpu.sync_copy(rows[0], acc.at[pl.ds(ck * MCH, MCH)])

        @pl.when(ck == N // MCH)
        def _():
            pltpu.sync_copy(rows[0].at[pl.ds(0, N % MCH)],
                            acc.at[pl.ds(ck * MCH, N % MCH)])

    for b in range(MIR):
        idx_load(b, b)
    for b in range(MG):
        idx_wait(b)
        gather(b, b)
    plsc.subcore_barrier()

    @pl.loop(0, MNCHUNK, step=MIR)
    def _(g0):
        for u in range(MIR):
            i = g0 + u
            b = u % MR
            gather_wait(b)
            scatter(b, u)
            scatter_wait(b)
            ni = i + MG
            bn = (u + MG) % MR
            un = (u + MG) % MIR

            @pl.when(ni < MNCHUNK)
            def _():
                idx_wait(un)
                gather(bn, un)

            nl = i + MIR

            @pl.when(nl < MNCHUNK)
            def _():
                idx_load(nl, u)

    plsc.subcore_barrier()
    for j in range(5):
        ck = s + 16 * j

        @pl.when(ck < N // MCH)
        def _():
            pltpu.sync_copy(acc.at[pl.ds(ck * MCH, MCH)],
                            out_hbm.at[c].at[pl.ds(ck * MCH, MCH)])

        @pl.when(ck == N // MCH)
        def _():
            pltpu.sync_copy(acc.at[pl.ds(ck * MCH, N % MCH)],
                            out_hbm.at[c].at[pl.ds(ck * MCH, N % MCH)])


_RB = 1000
_GRID = N // _RB


def _mm_body(x_ref, w_ref, o_ref):
    o_ref[...] = jnp.dot(x_ref[...], w_ref[...],
                         preferred_element_type=jnp.float32)


def _tc_matmul(x, w):
    return pl.pallas_call(
        _mm_body,
        grid=(_GRID,),
        in_specs=[
            pl.BlockSpec((_RB, D), lambda i: (i, 0)),
            pl.BlockSpec((D, D), lambda i: (0, 0)),
        ],
        out_specs=pl.BlockSpec((_RB, D), lambda i: (i, 0)),
        out_shape=jax.ShapeDtypeStruct((N, D), jnp.float32),
    )(x, w)


def _scale_body(dp_ref, hw_ref, s_ref, dn_ref):
    deg = dp_ref[0, :, :1] + dp_ref[1, :, :1] + 1.0
    dn = lax.rsqrt(deg)
    dn_ref[...] = dn
    s_ref[...] = hw_ref[...] * dn


def _tc_scale(dp, hw):
    return pl.pallas_call(
        _scale_body,
        grid=(_GRID,),
        in_specs=[
            pl.BlockSpec((2, _RB, DEGW), lambda i: (0, i, 0)),
            pl.BlockSpec((_RB, D), lambda i: (i, 0)),
        ],
        out_specs=[
            pl.BlockSpec((_RB, D), lambda i: (i, 0)),
            pl.BlockSpec((_RB, 1), lambda i: (i, 0)),
        ],
        out_shape=[
            jax.ShapeDtypeStruct((N, D), jnp.float32),
            jax.ShapeDtypeStruct((N, 1), jnp.float32),
        ],
    )(dp, hw)


def _layer_body(acc_ref, sp_ref, dn_ref, b_ref, w_ref, o_ref):
    dn = dn_ref[...]
    t = (acc_ref[0] + acc_ref[1] + sp_ref[...]) * dn + b_ref[...]
    h = jnp.maximum(t, 0.0)
    o_ref[...] = jnp.dot(h, w_ref[...],
                         preferred_element_type=jnp.float32) * dn


def _tc_layer(acc, sp, dn, bias, w):
    return pl.pallas_call(
        _layer_body,
        grid=(_GRID,),
        in_specs=[
            pl.BlockSpec((2, _RB, D), lambda i: (0, i, 0)),
            pl.BlockSpec((_RB, D), lambda i: (i, 0)),
            pl.BlockSpec((_RB, 1), lambda i: (i, 0)),
            pl.BlockSpec((1, D), lambda i: (0, 0)),
            pl.BlockSpec((D, D), lambda i: (0, 0)),
        ],
        out_specs=pl.BlockSpec((_RB, D), lambda i: (i, 0)),
        out_shape=jax.ShapeDtypeStruct((N, D), jnp.float32),
    )(acc, sp, dn, bias, w)


def _final_body(acc_ref, sp_ref, dn_ref, b_ref, o_ref):
    t = (acc_ref[0] + acc_ref[1] + sp_ref[...]) * dn_ref[...] + b_ref[...]
    o_ref[...] = jnp.maximum(t, 0.0)


def _tc_final(acc, sp, dn, bias):
    return pl.pallas_call(
        _final_body,
        grid=(_GRID,),
        in_specs=[
            pl.BlockSpec((2, _RB, D), lambda i: (0, i, 0)),
            pl.BlockSpec((_RB, D), lambda i: (i, 0)),
            pl.BlockSpec((_RB, 1), lambda i: (i, 0)),
            pl.BlockSpec((1, D), lambda i: (0, 0)),
        ],
        out_specs=pl.BlockSpec((_RB, D), lambda i: (i, 0)),
        out_shape=jax.ShapeDtypeStruct((N, D), jnp.float32),
    )(acc, sp, dn, bias)


_ZPAD = 16


def _pad_s(sv):
    return jnp.concatenate([sv, jnp.zeros((_ZPAD, D), jnp.float32)])


def kernel(x, g, W0, b0, W1, b1, W2, b2):
    dpad = EPAD - E
    dstp = jnp.concatenate(
        [g[1], jnp.asarray(N + (np.arange(dpad) % (N_PAD - N)),
                           dtype=jnp.int32)])
    dstp = dstp.reshape(EPAD // CH, CH)

    mpad = MEPAD - E
    pidx = np.arange(mpad)
    msrc = jnp.concatenate(
        [g[0], jnp.asarray(N + (pidx % _ZPAD), dtype=jnp.int32)])
    mdst = jnp.concatenate(
        [g[1], jnp.asarray(pidx % N, dtype=jnp.int32)])
    gidx = jnp.stack([msrc.reshape(MEPAD // MCH, MCH),
                      mdst.reshape(MEPAD // MCH, MCH)], axis=1)

    degp = _sc_deg(dstp)
    hw0 = _tc_matmul(x, W0)
    s0, dn = _tc_scale(degp[:, :N], hw0)

    acc = _sc_msg(_pad_s(s0), gidx)
    s1 = _tc_layer(acc, s0, dn, b0.reshape(1, D), W1)
    acc = _sc_msg(_pad_s(s1), gidx)
    s2 = _tc_layer(acc, s1, dn, b1.reshape(1, D), W2)
    acc = _sc_msg(_pad_s(s2), gidx)
    return _tc_final(acc, s2, dn, b2.reshape(1, D))

# --- scband reference (transcript-rebuilt; emitter-appended) ---
"""Pipeline reference for scband-gcn-68118181314618 (READ-ONLY COPY).

The authoritative reference and input builder live on the scoring server;
editing this copy changes nothing except your own understanding.
"""

import jax, jax.numpy as jnp
import numpy as np

N = 10000
E = 320000
D = 128


def setup_inputs(seed: int = 0) -> dict:
    key = jax.random.key(seed)
    ks = jax.random.split(key, 9)
    x = jax.random.normal(ks[0], (N, D), dtype=jnp.float32)
    g = jax.random.randint(ks[1], (2, E), 0, N, dtype=jnp.int32)
    scale = 1.0 / np.sqrt(D)
    W0 = jax.random.uniform(ks[2], (D, D), jnp.float32, -scale, scale)
    b0 = jnp.zeros((D,), jnp.float32)
    W1 = jax.random.uniform(ks[3], (D, D), jnp.float32, -scale, scale)
    b1 = jnp.zeros((D,), jnp.float32)
    W2 = jax.random.uniform(ks[4], (D, D), jnp.float32, -scale, scale)
    b2 = jnp.zeros((D,), jnp.float32)
    return {"x": x, "g": g, "W0": W0, "b0": b0, "W1": W1, "b1": b1, "W2": W2, "b2": b2}


def _graph_norm(g):
    loop = jnp.arange(N, dtype=g.dtype)
    src = jnp.concatenate([g[0], loop])
    dst = jnp.concatenate([g[1], loop])
    deg = jax.ops.segment_sum(jnp.ones_like(dst, dtype=jnp.float32), dst, num_segments=N)
    dnorm = jnp.where(deg > 0, jax.lax.rsqrt(jnp.maximum(deg, 1e-12)), 0.0)
    norm = dnorm[src] * dnorm[dst]
    return src, dst, norm


def _gcn_layer(h, src, dst, norm, W, b):
    hw = h @ W
    msg = hw[src] * norm[:, None]
    out = jax.ops.segment_sum(msg, dst, num_segments=N)
    return out + b


def reference(x, g, W0, b0, W1, b1, W2, b2):
    src, dst, norm = _graph_norm(g)
    h = x
    for (W, b) in ((W0, b0), (W1, b1), (W2, b2)):
        h = _gcn_layer(h, src, dst, norm, W, b)
        h = jax.nn.relu(h)
    return h

if __name__ == "__main__":
    import jax
    _d = setup_inputs()
    print(jax.jit(kernel)(*tuple(_d.values())))

</pallas_src>

<mosaic_0001>
#map = affine_map<(d0, d1) -> (0, 0)>
#map1 = affine_map<(d0, d1) -> (0, 0, 0)>
module attributes {stable_mosaic.version = 14 : i64} {
  func.func @_sc_msg(%arg0: i32, %arg1: i32, %arg2: memref<10016x128xf32, #tpu.memory_space<hbm>>, %arg3: memref<2688x2x128xi32, #tpu.memory_space<hbm>>, %arg4: memref<2x10000x128xf32, #tpu.memory_space<hbm>>, %arg5: memref<10000x128xf32, #tpu.memory_space<vmem_shared>>, %arg6: memref<1x2x128xi32, #tpu.memory_space<vmem>>, %arg7: memref<1x2x128xi32, #tpu.memory_space<vmem>>, %arg8: memref<1x2x128xi32, #tpu.memory_space<vmem>>, %arg9: memref<1x2x128xi32, #tpu.memory_space<vmem>>, %arg10: memref<1x2x128xi32, #tpu.memory_space<vmem>>, %arg11: memref<1x2x128xi32, #tpu.memory_space<vmem>>, %arg12: memref<128x128xf32, #tpu.memory_space<vmem>>, %arg13: memref<128x128xf32, #tpu.memory_space<vmem>>, %arg14: memref<128x128xf32, #tpu.memory_space<vmem>>, %arg15: memref<!tpu.dma_semaphore, #tpu.memory_space<semaphore_mem>>, %arg16: memref<!tpu.dma_semaphore, #tpu.memory_space<semaphore_mem>>, %arg17: memref<!tpu.dma_semaphore, #tpu.memory_space<semaphore_mem>>, %arg18: memref<!tpu.dma_semaphore, #tpu.memory_space<semaphore_mem>>, %arg19: memref<!tpu.dma_semaphore, #tpu.memory_space<semaphore_mem>>, %arg20: memref<!tpu.dma_semaphore, #tpu.memory_space<semaphore_mem>>, %arg21: memref<!tpu.dma_semaphore, #tpu.memory_space<semaphore_mem>>, %arg22: memref<!tpu.dma_semaphore, #tpu.memory_space<semaphore_mem>>, %arg23: memref<!tpu.dma_semaphore, #tpu.memory_space<semaphore_mem>>, %arg24: memref<!tpu.dma_semaphore, #tpu.memory_space<semaphore_mem>>, %arg25: memref<!tpu.dma_semaphore, #tpu.memory_space<semaphore_mem>>, %arg26: memref<!tpu.dma_semaphore, #tpu.memory_space<semaphore_mem>>) attributes {dimension_semantics = [#tpu.dimension_semantics<core_parallel>, #tpu.dimension_semantics<subcore_parallel>], iteration_bounds = array<i64: 2, 16>, scalar_prefetch = 0 : i64, scratch_operands = 22 : i64, tpu.core_type = #tpu.core_type<sc_vector_subcore>, window_params = [{transform_indices = #map}, {transform_indices = #map1}, {transform_indices = #map1}]} {
    %mul3A = arith.constant 16 : i32
    %mul3A_0 = arith.muli %arg0, %mul3A : i32
    %add3A = arith.addi %mul3A_0, %arg1 : i32
    %scan3A = arith.constant 0 : i32
    %scan3A_1 = arith.constant 128 : i32
    %scan3A_2 = arith.addi %scan3A, %scan3A_1 : i32
    %scan3A_3 = arith.constant 1 : i32
    scf.for %scan3A_201 = %scan3A to %scan3A_2 step %scan3A_3  : i32 {
      %mul3A_202 = arith.constant 1 : i32
      %mul3A_203 = arith.muli %scan3A_201, %mul3A_202 : i32
      %add3A_204 = arith.constant 0 : i32
      %add3A_205 = arith.addi %add3A_204, %mul3A_203 : i32
      %scan3A_206 = arith.constant 0 : i32
      %scan3A_207 = arith.constant 8 : i32
      %scan3A_208 = arith.addi %scan3A_206, %scan3A_207 : i32
      %scan3A_209 = arith.constant 1 : i32
      scf.for %scan3A_211 = %scan3A_206 to %scan3A_208 step %scan3A_209  : i32 {
        %mul3A_212 = arith.constant 16 : i32
        %mul3A_213 = arith.muli %scan3A_211, %mul3A_212 : i32
        %add3A_214 = arith.constant 0 : i32
        %add3A_215 = arith.addi %add3A_214, %mul3A_213 : i32
        %broadcast_in_dim3A = arith.constant 0.000000e+00 : f32
        %broadcast_in_dim3A_216 = vector.broadcast %broadcast_in_dim3A : f32 to vector<16xf32>
        %swap3A = arith.index_cast %add3A_205 : i32 to index
        %swap3A_217 = arith.index_cast %add3A_215 : i32 to index
        %swap3A_218 = tpu.vector_load %arg12[%swap3A, %swap3A_217] {strides = array<i32>} : memref<128x128xf32, #tpu.memory_space<vmem>>, vector<1x16xf32>,
        %swap3A_219 = vector.shape_cast %swap3A_218 : vector<1x16xf32> to vector<16xf32>
        %swap3A_220 = vector.shape_cast %broadcast_in_dim3A_216 : vector<16xf32> to vector<1x16xf32>
        tpu.vector_store %arg12[%swap3A, %swap3A_217], %swap3A_220 {strides = array<i32>} : memref<128x128xf32, #tpu.memory_space<vmem>>, vector<1x16xf32>,
      }
      %scan3A_210 = arith.constant 8 : i32
    }
    %scan3A_4 = arith.constant 128 : i32
    %add3A_5 = arith.constant 0 : i32
    %add3A_6 = arith.addi %arg1, %add3A_5 : i32
    %lt3A = arith.constant 78 : i32
    %lt3A_7 = arith.cmpi slt, %add3A_6, %lt3A : i32
    %convert_element_type3A = arith.extui %lt3A_7 : i1 to i32
    %cond3A = arith.constant 0 : i32
    %cond3A_8 = arith.cmpi ne, %convert_element_type3A, %cond3A : i32
    scf.if %cond3A_8 {
      %mul3A_201 = arith.constant 128 : i32
      %mul3A_202 = arith.muli %add3A_6, %mul3A_201 : i32
      "tpu.region"() ({
        %run_scoped3A = tpu.sem_alloc : memref<!tpu.dma_semaphore, #tpu.memory_space<semaphore_mem>>
        %dma_start3A_203 = arith.constant 0 : i32
        %dma_start3A_204 = tpu.memref_slice %arg5[%mul3A_202, %dma_start3A_203] : memref<10000x128xf32, #tpu.memory_space<vmem_shared>> -> memref<128x128xf32, #tpu.memory_space<vmem_shared>>
        %dma_start3A_205 = arith.constant 0 : i32
        %dma_start3A_206 = tpu.memref_slice %arg5[%mul3A_202, %dma_start3A_205] : memref<10000x128xf32, #tpu.memory_space<vmem_shared>> -> memref<128x128xf32, #tpu.memory_space<vmem_shared>>
        tpu.enqueue_dma source(%arg12 : memref<128x128xf32, #tpu.memory_space<vmem>>) target(%dma_start3A_206 : memref<128x128xf32, #tpu.memory_space<vmem_shared>>) target_semaphore(%run_scoped3A : memref<!tpu.dma_semaphore, #tpu.memory_space<semaphore_mem>>)
        %dma_wait3A_207 = arith.constant 0 : i32
        %dma_wait3A_208 = tpu.memref_slice %arg5[%mul3A_202, %dma_wait3A_207] : memref<10000x128xf32, #tpu.memory_space<vmem_shared>> -> memref<128x128xf32, #tpu.memory_space<vmem_shared>>
        %dma_wait3A_209 = arith.constant 0 : i32
        %dma_wait3A_210 = tpu.memref_slice %arg5[%mul3A_202, %dma_wait3A_209] : memref<10000x128xf32, #tpu.memory_space<vmem_shared>> -> memref<128x128xf32, #tpu.memory_space<vmem_shared>>
        tpu.wait_dma2 semaphore(%run_scoped3A : memref<!tpu.dma_semaphore, #tpu.memory_space<semaphore_mem>>) src(%arg12 : memref<128x128xf32, #tpu.memory_space<vmem>>) dst(%dma_wait3A_210 : memref<128x128xf32, #tpu.memory_space<vmem_shared>>)
        tpu.yield
      }) : () -> ()
    } else {
    }
    %eq3A = arith.constant 78 : i32
    %eq3A_9 = arith.cmpi eq, %add3A_6, %eq3A : i32
    %convert_element_type3A_10 = arith.extui %eq3A_9 : i1 to i32
    %cond3A_11 = arith.constant 0 : i32
    %cond3A_12 = arith.cmpi ne, %convert_element_type3A_10, %cond3A_11 : i32
    scf.if %cond3A_12 {
      %mul3A_201 = arith.constant 128 : i32
      %mul3A_202 = arith.muli %add3A_6, %mul3A_201 : i32
      "tpu.region"() ({
        %run_scoped3A = tpu.sem_alloc : memref<!tpu.dma_semaphore, #tpu.memory_space<semaphore_mem>>
        %dma_start3A_203 = arith.constant 0 : i32
        %dma_start3A_204 = arith.constant 0 : i32
        %dma_start3A_205 = tpu.memref_slice %arg12[%dma_start3A_203, %dma_start3A_204] : memref<128x128xf32, #tpu.memory_space<vmem>> -> memref<16x128xf32, #tpu.memory_space<vmem>>
        %dma_start3A_206 = arith.constant 0 : i32
        %dma_start3A_207 = tpu.memref_slice %arg5[%mul3A_202, %dma_start3A_206] : memref<10000x128xf32, #tpu.memory_space<vmem_shared>> -> memref<16x128xf32, #tpu.memory_space<vmem_shared>>
        %dma_start3A_208 = arith.constant 0 : i32
        %dma_start3A_209 = tpu.memref_slice %arg5[%mul3A_202, %dma_start3A_208] : memref<10000x128xf32, #tpu.memory_space<vmem_shared>> -> memref<16x128xf32, #tpu.memory_space<vmem_shared>>
        %dma_start3A_210 = arith.constant 0 : i32
        %dma_start3A_211 = arith.constant 0 : i32
        %dma_start3A_212 = tpu.memref_slice %arg12[%dma_start3A_210, %dma_start3A_211] : memref<128x128xf32, #tpu.memory_space<vmem>> -> memref<16x128xf32, #tpu.memory_space<vmem>>
        tpu.enqueue_dma source(%dma_start3A_212 : memref<16x128xf32, #tpu.memory_space<vmem>>) target(%dma_start3A_209 : memref<16x128xf32, #tpu.memory_space<vmem_shared>>) target_semaphore(%run_scoped3A : memref<!tpu.dma_semaphore, #tpu.memory_space<semaphore_mem>>)
        %dma_wait3A_213 = arith.constant 0 : i32
        %dma_wait3A_214 = arith.constant 0 : i32
        %dma_wait3A_215 = tpu.memref_slice %arg12[%dma_wait3A_213, %dma_wait3A_214] : memref<128x128xf32, #tpu.memory_space<vmem>> -> memref<16x128xf32, #tpu.memory_space<vmem>>
        %dma_wait3A_216 = arith.constant 0 : i32
        %dma_wait3A_217 = tpu.memref_slice %arg5[%mul3A_202, %dma_wait3A_216] : memref<10000x128xf32, #tpu.memory_space<vmem_shared>> -> memref<16x128xf32, #tpu.memory_space<vmem_shared>>
        %dma_wait3A_218 = arith.constant 0 : i32
        %dma_wait3A_219 = tpu.memref_slice %arg5[%mul3A_202, %dma_wait3A_218] : memref<10000x128xf32, #tpu.memory_space<vmem_shared>> -> memref<16x128xf32, #tpu.memory_space<vmem_shared>>
        %dma_wait3A_220 = arith.constant 0 : i32
        %dma_wait3A_221 = arith.constant 0 : i32
        %dma_wait3A_222 = tpu.memref_slice %arg12[%dma_wait3A_220, %dma_wait3A_221] : memref<128x128xf32, #tpu.memory_space<vmem>> -> memref<16x128xf32, #tpu.memory_space<vmem>>
        tpu.wait_dma2 semaphore(%run_scoped3A : memref<!tpu.dma_semaphore, #tpu.memory_space<semaphore_mem>>) src(%dma_wait3A_222 : memref<16x128xf32, #tpu.memory_space<vmem>>) dst(%dma_wait3A_219 : memref<16x128xf32, #tpu.memory_space<vmem_shared>>)
        tpu.yield
      }) : () -> ()
    } else {
    }
    %add3A_13 = arith.constant 16 : i32
    %add3A_14 = arith.addi %arg1, %add3A_13 : i32
    %lt3A_15 = arith.constant 78 : i32
    %lt3A_16 = arith.cmpi slt, %add3A_14, %lt3A_15 : i32
    %convert_element_type3A_17 = arith.extui %lt3A_16 : i1 to i32
    %cond3A_18 = arith.constant 0 : i32
    %cond3A_19 = arith.cmpi ne, %convert_element_type3A_17, %cond3A_18 : i32
    scf.if %cond3A_19 {
      %mul3A_201 = arith.constant 128 : i32
      %mul3A_202 = arith.muli %add3A_14, %mul3A_201 : i32
      "tpu.region"() ({
        %run_scoped3A = tpu.sem_alloc : memref<!tpu.dma_semaphore, #tpu.memory_space<semaphore_mem>>
        %dma_start3A_203 = arith.constant 0 : i32
        %dma_start3A_204 = tpu.memref_slice %arg5[%mul3A_202, %dma_start3A_203] : memref<10000x128xf32, #tpu.memory_space<vmem_shared>> -> memref<128x128xf32, #tpu.memory_space<vmem_shared>>
        %dma_start3A_205 = arith.constant 0 : i32
        %dma_start3A_206 = tpu.memref_slice %arg5[%mul3A_202, %dma_start3A_205] : memref<10000x128xf32, #tpu.memory_space<vmem_shared>> -> memref<128x128xf32, #tpu.memory_space<vmem_shared>>
        tpu.enqueue_dma source(%arg12 : memref<128x128xf32, #tpu.memory_space<vmem>>) target(%dma_start3A_206 : memref<128x128xf32, #tpu.memory_space<vmem_shared>>) target_semaphore(%run_scoped3A : memref<!tpu.dma_semaphore, #tpu.memory_space<semaphore_mem>>)
        %dma_wait3A_207 = arith.constant 0 : i32
        %dma_wait3A_208 = tpu.memref_slice %arg5[%mul3A_202, %dma_wait3A_207] : memref<10000x128xf32, #tpu.memory_space<vmem_shared>> -> memref<128x128xf32, #tpu.memory_space<vmem_shared>>
        %dma_wait3A_209 = arith.constant 0 : i32
        %dma_wait3A_210 = tpu.memref_slice %arg5[%mul3A_202, %dma_wait3A_209] : memref<10000x128xf32, #tpu.memory_space<vmem_shared>> -> memref<128x128xf32, #tpu.memory_space<vmem_shared>>
        tpu.wait_dma2 semaphore(%run_scoped3A : memref<!tpu.dma_semaphore, #tpu.memory_space<semaphore_mem>>) src(%arg12 : memref<128x128xf32, #tpu.memory_space<vmem>>) dst(%dma_wait3A_210 : memref<128x128xf32, #tpu.memory_space<vmem_shared>>)
        tpu.yield
      }) : () -> ()
    } else {
    }
    %eq3A_20 = arith.constant 78 : i32
    %eq3A_21 = arith.cmpi eq, %add3A_14, %eq3A_20 : i32
    %convert_element_type3A_22 = arith.extui %eq3A_21 : i1 to i32
    %cond3A_23 = arith.constant 0 : i32
    %cond3A_24 = arith.cmpi ne, %convert_element_type3A_22, %cond3A_23 : i32
    scf.if %cond3A_24 {
      %mul3A_201 = arith.constant 128 : i32
      %mul3A_202 = arith.muli %add3A_14, %mul3A_201 : i32
      "tpu.region"() ({
        %run_scoped3A = tpu.sem_alloc : memref<!tpu.dma_semaphore, #tpu.memory_space<semaphore_mem>>
        %dma_start3A_203 = arith.constant 0 : i32
        %dma_start3A_204 = arith.constant 0 : i32
        %dma_start3A_205 = tpu.memref_slice %arg12[%dma_start3A_203, %dma_start3A_204] : memref<128x128xf32, #tpu.memory_space<vmem>> -> memref<16x128xf32, #tpu.memory_space<vmem>>
        %dma_start3A_206 = arith.constant 0 : i32
        %dma_start3A_207 = tpu.memref_slice %arg5[%mul3A_202, %dma_start3A_206] : memref<10000x128xf32, #tpu.memory_space<vmem_shared>> -> memref<16x128xf32, #tpu.memory_space<vmem_shared>>
        %dma_start3A_208 = arith.constant 0 : i32
        %dma_start3A_209 = tpu.memref_slice %arg5[%mul3A_202, %dma_start3A_208] : memref<10000x128xf32, #tpu.memory_space<vmem_shared>> -> memref<16x128xf32, #tpu.memory_space<vmem_shared>>
        %dma_start3A_210 = arith.constant 0 : i32
        %dma_start3A_211 = arith.constant 0 : i32
        %dma_start3A_212 = tpu.memref_slice %arg12[%dma_start3A_210, %dma_start3A_211] : memref<128x128xf32, #tpu.memory_space<vmem>> -> memref<16x128xf32, #tpu.memory_space<vmem>>
        tpu.enqueue_dma source(%dma_start3A_212 : memref<16x128xf32, #tpu.memory_space<vmem>>) target(%dma_start3A_209 : memref<16x128xf32, #tpu.memory_space<vmem_shared>>) target_semaphore(%run_scoped3A : memref<!tpu.dma_semaphore, #tpu.memory_space<semaphore_mem>>)
        %dma_wait3A_213 = arith.constant 0 : i32
        %dma_wait3A_214 = arith.constant 0 : i32
        %dma_wait3A_215 = tpu.memref_slice %arg12[%dma_wait3A_213, %dma_wait3A_214] : memref<128x128xf32, #tpu.memory_space<vmem>> -> memref<16x128xf32, #tpu.memory_space<vmem>>
        %dma_wait3A_216 = arith.constant 0 : i32
        %dma_wait3A_217 = tpu.memref_slice %arg5[%mul3A_202, %dma_wait3A_216] : memref<10000x128xf32, #tpu.memory_space<vmem_shared>> -> memref<16x128xf32, #tpu.memory_space<vmem_shared>>
        %dma_wait3A_218 = arith.constant 0 : i32
        %dma_wait3A_219 = tpu.memref_slice %arg5[%mul3A_202, %dma_wait3A_218] : memref<10000x128xf32, #tpu.memory_space<vmem_shared>> -> memref<16x128xf32, #tpu.memory_space<vmem_shared>>
        %dma_wait3A_220 = arith.constant 0 : i32
        %dma_wait3A_221 = arith.constant 0 : i32
        %dma_wait3A_222 = tpu.memref_slice %arg12[%dma_wait3A_220, %dma_wait3A_221] : memref<128x128xf32, #tpu.memory_space<vmem>> -> memref<16x128xf32, #tpu.memory_space<vmem>>
        tpu.wait_dma2 semaphore(%run_scoped3A : memref<!tpu.dma_semaphore, #tpu.memory_space<semaphore_mem>>) src(%dma_wait3A_222 : memref<16x128xf32, #tpu.memory_space<vmem>>) dst(%dma_wait3A_219 : memref<16x128xf32, #tpu.memory_space<vmem_shared>>)
        tpu.yield
      }) : () -> ()
    } else {
    }
    %add3A_25 = arith.constant 32 : i32
    %add3A_26 = arith.addi %arg1, %add3A_25 : i32
    %lt3A_27 = arith.constant 78 : i32
    %lt3A_28 = arith.cmpi slt, %add3A_26, %lt3A_27 : i32
    %convert_element_type3A_29 = arith.extui %lt3A_28 : i1 to i32
    %cond3A_30 = arith.constant 0 : i32
    %cond3A_31 = arith.cmpi ne, %convert_element_type3A_29, %cond3A_30 : i32
    scf.if %cond3A_31 {
      %mul3A_201 = arith.constant 128 : i32
      %mul3A_202 = arith.muli %add3A_26, %mul3A_201 : i32
      "tpu.region"() ({
        %run_scoped3A = tpu.sem_alloc : memref<!tpu.dma_semaphore, #tpu.memory_space<semaphore_mem>>
        %dma_start3A_203 = arith.constant 0 : i32
        %dma_start3A_204 = tpu.memref_slice %arg5[%mul3A_202, %dma_start3A_203] : memref<10000x128xf32, #tpu.memory_space<vmem_shared>> -> memref<128x128xf32, #tpu.memory_space<vmem_shared>>
        %dma_start3A_205 = arith.constant 0 : i32
        %dma_start3A_206 = tpu.memref_slice %arg5[%mul3A_202, %dma_start3A_205] : memref<10000x128xf32, #tpu.memory_space<vmem_shared>> -> memref<128x128xf32, #tpu.memory_space<vmem_shared>>
        tpu.enqueue_dma source(%arg12 : memref<128x128xf32, #tpu.memory_space<vmem>>) target(%dma_start3A_206 : memref<128x128xf32, #tpu.memory_space<vmem_shared>>) target_semaphore(%run_scoped3A : memref<!tpu.dma_semaphore, #tpu.memory_space<semaphore_mem>>)
        %dma_wait3A_207 = arith.constant 0 : i32
        %dma_wait3A_208 = tpu.memref_slice %arg5[%mul3A_202, %dma_wait3A_207] : memref<10000x128xf32, #tpu.memory_space<vmem_shared>> -> memref<128x128xf32, #tpu.memory_space<vmem_shared>>
        %dma_wait3A_209 = arith.constant 0 : i32
        %dma_wait3A_210 = tpu.memref_slice %arg5[%mul3A_202, %dma_wait3A_209] : memref<10000x128xf32, #tpu.memory_space<vmem_shared>> -> memref<128x128xf32, #tpu.memory_space<vmem_shared>>
        tpu.wait_dma2 semaphore(%run_scoped3A : memref<!tpu.dma_semaphore, #tpu.memory_space<semaphore_mem>>) src(%arg12 : memref<128x128xf32, #tpu.memory_space<vmem>>) dst(%dma_wait3A_210 : memref<128x128xf32, #tpu.memory_space<vmem_shared>>)
        tpu.yield
      }) : () -> ()
    } else {
    }
    %eq3A_32 = arith.constant 78 : i32
    %eq3A_33 = arith.cmpi eq, %add3A_26, %eq3A_32 : i32
    %convert_element_type3A_34 = arith.extui %eq3A_33 : i1 to i32
    %cond3A_35 = arith.constant 0 : i32
    %cond3A_36 = arith.cmpi ne, %convert_element_type3A_34, %cond3A_35 : i32
    scf.if %cond3A_36 {
      %mul3A_201 = arith.constant 128 : i32
      %mul3A_202 = arith.muli %add3A_26, %mul3A_201 : i32
      "tpu.region"() ({
        %run_scoped3A = tpu.sem_alloc : memref<!tpu.dma_semaphore, #tpu.memory_space<semaphore_mem>>
        %dma_start3A_203 = arith.constant 0 : i32
        %dma_start3A_204 = arith.constant 0 : i32
        %dma_start3A_205 = tpu.memref_slice %arg12[%dma_start3A_203, %dma_start3A_204] : memref<128x128xf32, #tpu.memory_space<vmem>> -> memref<16x128xf32, #tpu.memory_space<vmem>>
        %dma_start3A_206 = arith.constant 0 : i32
        %dma_start3A_207 = tpu.memref_slice %arg5[%mul3A_202, %dma_start3A_206] : memref<10000x128xf32, #tpu.memory_space<vmem_shared>> -> memref<16x128xf32, #tpu.memory_space<vmem_shared>>
        %dma_start3A_208 = arith.constant 0 : i32
        %dma_start3A_209 = tpu.memref_slice %arg5[%mul3A_202, %dma_start3A_208] : memref<10000x128xf32, #tpu.memory_space<vmem_shared>> -> memref<16x128xf32, #tpu.memory_space<vmem_shared>>
        %dma_start3A_210 = arith.constant 0 : i32
        %dma_start3A_211 = arith.constant 0 : i32
        %dma_start3A_212 = tpu.memref_slice %arg12[%dma_start3A_210, %dma_start3A_211] : memref<128x128xf32, #tpu.memory_space<vmem>> -> memref<16x128xf32, #tpu.memory_space<vmem>>
        tpu.enqueue_dma source(%dma_start3A_212 : memref<16x128xf32, #tpu.memory_space<vmem>>) target(%dma_start3A_209 : memref<16x128xf32, #tpu.memory_space<vmem_shared>>) target_semaphore(%run_scoped3A : memref<!tpu.dma_semaphore, #tpu.memory_space<semaphore_mem>>)
        %dma_wait3A_213 = arith.constant 0 : i32
        %dma_wait3A_214 = arith.constant 0 : i32
        %dma_wait3A_215 = tpu.memref_slice %arg12[%dma_wait3A_213, %dma_wait3A_214] : memref<128x128xf32, #tpu.memory_space<vmem>> -> memref<16x128xf32, #tpu.memory_space<vmem>>
        %dma_wait3A_216 = arith.constant 0 : i32
        %dma_wait3A_217 = tpu.memref_slice %arg5[%mul3A_202, %dma_wait3A_216] : memref<10000x128xf32, #tpu.memory_space<vmem_shared>> -> memref<16x128xf32, #tpu.memory_space<vmem_shared>>
        %dma_wait3A_218 = arith.constant 0 : i32
        %dma_wait3A_219 = tpu.memref_slice %arg5[%mul3A_202, %dma_wait3A_218] : memref<10000x128xf32, #tpu.memory_space<vmem_shared>> -> memref<16x128xf32, #tpu.memory_space<vmem_shared>>
        %dma_wait3A_220 = arith.constant 0 : i32
        %dma_wait3A_221 = arith.constant 0 : i32
        %dma_wait3A_222 = tpu.memref_slice %arg12[%dma_wait3A_220, %dma_wait3A_221] : memref<128x128xf32, #tpu.memory_space<vmem>> -> memref<16x128xf32, #tpu.memory_space<vmem>>
        tpu.wait_dma2 semaphore(%run_scoped3A : memref<!tpu.dma_semaphore, #tpu.memory_space<semaphore_mem>>) src(%dma_wait3A_222 : memref<16x128xf32, #tpu.memory_space<vmem>>) dst(%dma_wait3A_219 : memref<16x128xf32, #tpu.memory_space<vmem_shared>>)
        tpu.yield
      }) : () -> ()
    } else {
    }
    %add3A_37 = arith.constant 48 : i32
    %add3A_38 = arith.addi %arg1, %add3A_37 : i32
    %lt3A_39 = arith.constant 78 : i32
    %lt3A_40 = arith.cmpi slt, %add3A_38, %lt3A_39 : i32
    %convert_element_type3A_41 = arith.extui %lt3A_40 : i1 to i32
    %cond3A_42 = arith.constant 0 : i32
    %cond3A_43 = arith.cmpi ne, %convert_element_type3A_41, %cond3A_42 : i32
    scf.if %cond3A_43 {
      %mul3A_201 = arith.constant 128 : i32
      %mul3A_202 = arith.muli %add3A_38, %mul3A_201 : i32
      "tpu.region"() ({
        %run_scoped3A = tpu.sem_alloc : memref<!tpu.dma_semaphore, #tpu.memory_space<semaphore_mem>>
        %dma_start3A_203 = arith.constant 0 : i32
        %dma_start3A_204 = tpu.memref_slice %arg5[%mul3A_202, %dma_start3A_203] : memref<10000x128xf32, #tpu.memory_space<vmem_shared>> -> memref<128x128xf32, #tpu.memory_space<vmem_shared>>
        %dma_start3A_205 = arith.constant 0 : i32
        %dma_start3A_206 = tpu.memref_slice %arg5[%mul3A_202, %dma_start3A_205] : memref<10000x128xf32, #tpu.memory_space<vmem_shared>> -> memref<128x128xf32, #tpu.memory_space<vmem_shared>>
        tpu.enqueue_dma source(%arg12 : memref<128x128xf32, #tpu.memory_space<vmem>>) target(%dma_start3A_206 : memref<128x128xf32, #tpu.memory_space<vmem_shared>>) target_semaphore(%run_scoped3A : memref<!tpu.dma_semaphore, #tpu.memory_space<semaphore_mem>>)
        %dma_wait3A_207 = arith.constant 0 : i32
        %dma_wait3A_208 = tpu.memref_slice %arg5[%mul3A_202, %dma_wait3A_207] : memref<10000x128xf32, #tpu.memory_space<vmem_shared>> -> memref<128x128xf32, #tpu.memory_space<vmem_shared>>
        %dma_wait3A_209 = arith.constant 0 : i32
        %dma_wait3A_210 = tpu.memref_slice %arg5[%mul3A_202, %dma_wait3A_209] : memref<10000x128xf32, #tpu.memory_space<vmem_shared>> -> memref<128x128xf32, #tpu.memory_space<vmem_shared>>
        tpu.wait_dma2 semaphore(%run_scoped3A : memref<!tpu.dma_semaphore, #tpu.memory_space<semaphore_mem>>) src(%arg12 : memref<128x128xf32, #tpu.memory_space<vmem>>) dst(%dma_wait3A_210 : memref<128x128xf32, #tpu.memory_space<vmem_shared>>)
        tpu.yield
      }) : () -> ()
    } else {
    }
    %eq3A_44 = arith.constant 78 : i32
    %eq3A_45 = arith.cmpi eq, %add3A_38, %eq3A_44 : i32
    %convert_element_type3A_46 = arith.extui %eq3A_45 : i1 to i32
    %cond3A_47 = arith.constant 0 : i32
    %cond3A_48 = arith.cmpi ne, %convert_element_type3A_46, %cond3A_47 : i32
    scf.if %cond3A_48 {
      %mul3A_201 = arith.constant 128 : i32
      %mul3A_202 = arith.muli %add3A_38, %mul3A_201 : i32
      "tpu.region"() ({
        %run_scoped3A = tpu.sem_alloc : memref<!tpu.dma_semaphore, #tpu.memory_space<semaphore_mem>>
        %dma_start3A_203 = arith.constant 0 : i32
        %dma_start3A_204 = arith.constant 0 : i32
        %dma_start3A_205 = tpu.memref_slice %arg12[%dma_start3A_203, %dma_start3A_204] : memref<128x128xf32, #tpu.memory_space<vmem>> -> memref<16x128xf32, #tpu.memory_space<vmem>>
        %dma_start3A_206 = arith.constant 0 : i32
        %dma_start3A_207 = tpu.memref_slice %arg5[%mul3A_202, %dma_start3A_206] : memref<10000x128xf32, #tpu.memory_space<vmem_shared>> -> memref<16x128xf32, #tpu.memory_space<vmem_shared>>
        %dma_start3A_208 = arith.constant 0 : i32
        %dma_start3A_209 = tpu.memref_slice %arg5[%mul3A_202, %dma_start3A_208] : memref<10000x128xf32, #tpu.memory_space<vmem_shared>> -> memref<16x128xf32, #tpu.memory_space<vmem_shared>>
        %dma_start3A_210 = arith.constant 0 : i32
        %dma_start3A_211 = arith.constant 0 : i32
        %dma_start3A_212 = tpu.memref_slice %arg12[%dma_start3A_210, %dma_start3A_211] : memref<128x128xf32, #tpu.memory_space<vmem>> -> memref<16x128xf32, #tpu.memory_space<vmem>>
        tpu.enqueue_dma source(%dma_start3A_212 : memref<16x128xf32, #tpu.memory_space<vmem>>) target(%dma_start3A_209 : memref<16x128xf32, #tpu.memory_space<vmem_shared>>) target_semaphore(%run_scoped3A : memref<!tpu.dma_semaphore, #tpu.memory_space<semaphore_mem>>)
        %dma_wait3A_213 = arith.constant 0 : i32
        %dma_wait3A_214 = arith.constant 0 : i32
        %dma_wait3A_215 = tpu.memref_slice %arg12[%dma_wait3A_213, %dma_wait3A_214] : memref<128x128xf32, #tpu.memory_space<vmem>> -> memref<16x128xf32, #tpu.memory_space<vmem>>
        %dma_wait3A_216 = arith.constant 0 : i32
        %dma_wait3A_217 = tpu.memref_slice %arg5[%mul3A_202, %dma_wait3A_216] : memref<10000x128xf32, #tpu.memory_space<vmem_shared>> -> memref<16x128xf32, #tpu.memory_space<vmem_shared>>
        %dma_wait3A_218 = arith.constant 0 : i32
        %dma_wait3A_219 = tpu.memref_slice %arg5[%mul3A_202, %dma_wait3A_218] : memref<10000x128xf32, #tpu.memory_space<vmem_shared>> -> memref<16x128xf32, #tpu.memory_space<vmem_shared>>
        %dma_wait3A_220 = arith.constant 0 : i32
        %dma_wait3A_221 = arith.constant 0 : i32
        %dma_wait3A_222 = tpu.memref_slice %arg12[%dma_wait3A_220, %dma_wait3A_221] : memref<128x128xf32, #tpu.memory_space<vmem>> -> memref<16x128xf32, #tpu.memory_space<vmem>>
        tpu.wait_dma2 semaphore(%run_scoped3A : memref<!tpu.dma_semaphore, #tpu.memory_space<semaphore_mem>>) src(%dma_wait3A_222 : memref<16x128xf32, #tpu.memory_space<vmem>>) dst(%dma_wait3A_219 : memref<16x128xf32, #tpu.memory_space<vmem_shared>>)
        tpu.yield
      }) : () -> ()
    } else {
    }
    %add3A_49 = arith.constant 64 : i32
    %add3A_50 = arith.addi %arg1, %add3A_49 : i32
    %lt3A_51 = arith.constant 78 : i32
    %lt3A_52 = arith.cmpi slt, %add3A_50, %lt3A_51 : i32
    %convert_element_type3A_53 = arith.extui %lt3A_52 : i1 to i32
    %cond3A_54 = arith.constant 0 : i32
    %cond3A_55 = arith.cmpi ne, %convert_element_type3A_53, %cond3A_54 : i32
    scf.if %cond3A_55 {
      %mul3A_201 = arith.constant 128 : i32
      %mul3A_202 = arith.muli %add3A_50, %mul3A_201 : i32
      "tpu.region"() ({
        %run_scoped3A = tpu.sem_alloc : memref<!tpu.dma_semaphore, #tpu.memory_space<semaphore_mem>>
        %dma_start3A_203 = arith.constant 0 : i32
        %dma_start3A_204 = tpu.memref_slice %arg5[%mul3A_202, %dma_start3A_203] : memref<10000x128xf32, #tpu.memory_space<vmem_shared>> -> memref<128x128xf32, #tpu.memory_space<vmem_shared>>
        %dma_start3A_205 = arith.constant 0 : i32
        %dma_start3A_206 = tpu.memref_slice %arg5[%mul3A_202, %dma_start3A_205] : memref<10000x128xf32, #tpu.memory_space<vmem_shared>> -> memref<128x128xf32, #tpu.memory_space<vmem_shared>>
        tpu.enqueue_dma source(%arg12 : memref<128x128xf32, #tpu.memory_space<vmem>>) target(%dma_start3A_206 : memref<128x128xf32, #tpu.memory_space<vmem_shared>>) target_semaphore(%run_scoped3A : memref<!tpu.dma_semaphore, #tpu.memory_space<semaphore_mem>>)
        %dma_wait3A_207 = arith.constant 0 : i32
        %dma_wait3A_208 = tpu.memref_slice %arg5[%mul3A_202, %dma_wait3A_207] : memref<10000x128xf32, #tpu.memory_space<vmem_shared>> -> memref<128x128xf32, #tpu.memory_space<vmem_shared>>
        %dma_wait3A_209 = arith.constant 0 : i32
        %dma_wait3A_210 = tpu.memref_slice %arg5[%mul3A_202, %dma_wait3A_209] : memref<10000x128xf32, #tpu.memory_space<vmem_shared>> -> memref<128x128xf32, #tpu.memory_space<vmem_shared>>
        tpu.wait_dma2 semaphore(%run_scoped3A : memref<!tpu.dma_semaphore, #tpu.memory_space<semaphore_mem>>) src(%arg12 : memref<128x128xf32, #tpu.memory_space<vmem>>) dst(%dma_wait3A_210 : memref<128x128xf32, #tpu.memory_space<vmem_shared>>)
        tpu.yield
      }) : () -> ()
    } else {
    }
    %eq3A_56 = arith.constant 78 : i32
    %eq3A_57 = arith.cmpi eq, %add3A_50, %eq3A_56 : i32
    %convert_element_type3A_58 = arith.extui %eq3A_57 : i1 to i32
    %cond3A_59 = arith.constant 0 : i32
    %cond3A_60 = arith.cmpi ne, %convert_element_type3A_58, %cond3A_59 : i32
    scf.if %cond3A_60 {
      %mul3A_201 = arith.constant 128 : i32
      %mul3A_202 = arith.muli %add3A_50, %mul3A_201 : i32
      "tpu.region"() ({
        %run_scoped3A = tpu.sem_alloc : memref<!tpu.dma_semaphore, #tpu.memory_space<semaphore_mem>>
        %dma_start3A_203 = arith.constant 0 : i32
        %dma_start3A_204 = arith.constant 0 : i32
        %dma_start3A_205 = tpu.memref_slice %arg12[%dma_start3A_203, %dma_start3A_204] : memref<128x128xf32, #tpu.memory_space<vmem>> -> memref<16x128xf32, #tpu.memory_space<vmem>>
        %dma_start3A_206 = arith.constant 0 : i32
        %dma_start3A_207 = tpu.memref_slice %arg5[%mul3A_202, %dma_start3A_206] : memref<10000x128xf32, #tpu.memory_space<vmem_shared>> -> memref<16x128xf32, #tpu.memory_space<vmem_shared>>
        %dma_start3A_208 = arith.constant 0 : i32
        %dma_start3A_209 = tpu.memref_slice %arg5[%mul3A_202, %dma_start3A_208] : memref<10000x128xf32, #tpu.memory_space<vmem_shared>> -> memref<16x128xf32, #tpu.memory_space<vmem_shared>>
        %dma_start3A_210 = arith.constant 0 : i32
        %dma_start3A_211 = arith.constant 0 : i32
        %dma_start3A_212 = tpu.memref_slice %arg12[%dma_start3A_210, %dma_start3A_211] : memref<128x128xf32, #tpu.memory_space<vmem>> -> memref<16x128xf32, #tpu.memory_space<vmem>>
        tpu.enqueue_dma source(%dma_start3A_212 : memref<16x128xf32, #tpu.memory_space<vmem>>) target(%dma_start3A_209 : memref<16x128xf32, #tpu.memory_space<vmem_shared>>) target_semaphore(%run_scoped3A : memref<!tpu.dma_semaphore, #tpu.memory_space<semaphore_mem>>)
        %dma_wait3A_213 = arith.constant 0 : i32
        %dma_wait3A_214 = arith.constant 0 : i32
        %dma_wait3A_215 = tpu.memref_slice %arg12[%dma_wait3A_213, %dma_wait3A_214] : memref<128x128xf32, #tpu.memory_space<vmem>> -> memref<16x128xf32, #tpu.memory_space<vmem>>
        %dma_wait3A_216 = arith.constant 0 : i32
        %dma_wait3A_217 = tpu.memref_slice %arg5[%mul3A_202, %dma_wait3A_216] : memref<10000x128xf32, #tpu.memory_space<vmem_shared>> -> memref<16x128xf32, #tpu.memory_space<vmem_shared>>
        %dma_wait3A_218 = arith.constant 0 : i32
        %dma_wait3A_219 = tpu.memref_slice %arg5[%mul3A_202, %dma_wait3A_218] : memref<10000x128xf32, #tpu.memory_space<vmem_shared>> -> memref<16x128xf32, #tpu.memory_space<vmem_shared>>
        %dma_wait3A_220 = arith.constant 0 : i32
        %dma_wait3A_221 = arith.constant 0 : i32
        %dma_wait3A_222 = tpu.memref_slice %arg12[%dma_wait3A_220, %dma_wait3A_221] : memref<128x128xf32, #tpu.memory_space<vmem>> -> memref<16x128xf32, #tpu.memory_space<vmem>>
        tpu.wait_dma2 semaphore(%run_scoped3A : memref<!tpu.dma_semaphore, #tpu.memory_space<semaphore_mem>>) src(%dma_wait3A_222 : memref<16x128xf32, #tpu.memory_space<vmem>>) dst(%dma_wait3A_219 : memref<16x128xf32, #tpu.memory_space<vmem_shared>>)
        tpu.yield
      }) : () -> ()
    } else {
    }
    %add3A_61 = arith.constant 0 : i32
    %add3A_62 = arith.addi %add3A, %add3A_61 : i32
    %dma_start3A = arith.constant 0 : i32
    %dma_start3A_63 = arith.constant 0 : i32
    %dma_start3A_64 = tpu.memref_slice %arg3[%add3A_62, %dma_start3A, %dma_start3A_63] : memref<2688x2x128xi32, #tpu.memory_space<hbm>> -> memref<1x2x128xi32, #tpu.memory_space<hbm>>
    %dma_start3A_65 = arith.constant 0 : i32
    %dma_start3A_66 = arith.constant 0 : i32
    %dma_start3A_67 = tpu.memref_slice %arg3[%add3A_62, %dma_start3A_65, %dma_start3A_66] : memref<2688x2x128xi32, #tpu.memory_space<hbm>> -> memref<1x2x128xi32, #tpu.memory_space<hbm>>
    tpu.enqueue_dma source(%dma_start3A_67 : memref<1x2x128xi32, #tpu.memory_space<hbm>>) target(%arg6 : memref<1x2x128xi32, #tpu.memory_space<vmem>>) target_semaphore(%arg15 : memref<!tpu.dma_semaphore, #tpu.memory_space<semaphore_mem>>)
    %add3A_68 = arith.constant 32 : i32
    %add3A_69 = arith.addi %add3A, %add3A_68 : i32
    %dma_start3A_70 = arith.constant 0 : i32
    %dma_start3A_71 = arith.constant 0 : i32
    %dma_start3A_72 = tpu.memref_slice %arg3[%add3A_69, %dma_start3A_70, %dma_start3A_71] : memref<2688x2x128xi32, #tpu.memory_space<hbm>> -> memref<1x2x128xi32, #tpu.memory_space<hbm>>
    %dma_start3A_73 = arith.constant 0 : i32
    %dma_start3A_74 = arith.constant 0 : i32
    %dma_start3A_75 = tpu.memref_slice %arg3[%add3A_69, %dma_start3A_73, %dma_start3A_74] : memref<2688x2x128xi32, #tpu.memory_space<hbm>> -> memref<1x2x128xi32, #tpu.memory_space<hbm>>
    tpu.enqueue_dma source(%dma_start3A_75 : memref<1x2x128xi32, #tpu.memory_space<hbm>>) target(%arg7 : memref<1x2x128xi32, #tpu.memory_space<vmem>>) target_semaphore(%arg16 : memref<!tpu.dma_semaphore, #tpu.memory_space<semaphore_mem>>)
    %add3A_76 = arith.constant 64 : i32
    %add3A_77 = arith.addi %add3A, %add3A_76 : i32
    %dma_start3A_78 = arith.constant 0 : i32
    %dma_start3A_79 = arith.constant 0 : i32
    %dma_start3A_80 = tpu.memref_slice %arg3[%add3A_77, %dma_start3A_78, %dma_start3A_79] : memref<2688x2x128xi32, #tpu.memory_space<hbm>> -> memref<1x2x128xi32, #tpu.memory_space<hbm>>
    %dma_start3A_81 = arith.constant 0 : i32
    %dma_start3A_82 = arith.constant 0 : i32
    %dma_start3A_83 = tpu.memref_slice %arg3[%add3A_77, %dma_start3A_81, %dma_start3A_82] : memref<2688x2x128xi32, #tpu.memory_space<hbm>> -> memref<1x2x128xi32, #tpu.memory_space<hbm>>
    tpu.enqueue_dma source(%dma_start3A_83 : memref<1x2x128xi32, #tpu.memory_space<hbm>>) target(%arg8 : memref<1x2x128xi32, #tpu.memory_space<vmem>>) target_semaphore(%arg17 : memref<!tpu.dma_semaphore, #tpu.memory_space<semaphore_mem>>)
    %add3A_84 = arith.constant 96 : i32
    %add3A_85 = arith.addi %add3A, %add3A_84 : i32
    %dma_start3A_86 = arith.constant 0 : i32
    %dma_start3A_87 = arith.constant 0 : i32
    %dma_start3A_88 = tpu.memref_slice %arg3[%add3A_85, %dma_start3A_86, %dma_start3A_87] : memref<2688x2x128xi32, #tpu.memory_space<hbm>> -> memref<1x2x128xi32, #tpu.memory_space<hbm>>
    %dma_start3A_89 = arith.constant 0 : i32
    %dma_start3A_90 = arith.constant 0 : i32
    %dma_start3A_91 = tpu.memref_slice %arg3[%add3A_85, %dma_start3A_89, %dma_start3A_90] : memref<2688x2x128xi32, #tpu.memory_space<hbm>> -> memref<1x2x128xi32, #tpu.memory_space<hbm>>
    tpu.enqueue_dma source(%dma_start3A_91 : memref<1x2x128xi32, #tpu.memory_space<hbm>>) target(%arg9 : memref<1x2x128xi32, #tpu.memory_space<vmem>>) target_semaphore(%arg18 : memref<!tpu.dma_semaphore, #tpu.memory_space<semaphore_mem>>)
    %add3A_92 = arith.constant 128 : i32
    %add3A_93 = arith.addi %add3A, %add3A_92 : i32
    %dma_start3A_94 = arith.constant 0 : i32
    %dma_start3A_95 = arith.constant 0 : i32
    %dma_start3A_96 = tpu.memref_slice %arg3[%add3A_93, %dma_start3A_94, %dma_start3A_95] : memref<2688x2x128xi32, #tpu.memory_space<hbm>> -> memref<1x2x128xi32, #tpu.memory_space<hbm>>
    %dma_start3A_97 = arith.constant 0 : i32
    %dma_start3A_98 = arith.constant 0 : i32
    %dma_start3A_99 = tpu.memref_slice %arg3[%add3A_93, %dma_start3A_97, %dma_start3A_98] : memref<2688x2x128xi32, #tpu.memory_space<hbm>> -> memref<1x2x128xi32, #tpu.memory_space<hbm>>
    tpu.enqueue_dma source(%dma_start3A_99 : memref<1x2x128xi32, #tpu.memory_space<hbm>>) target(%arg10 : memref<1x2x128xi32, #tpu.memory_space<vmem>>) target_semaphore(%arg19 : memref<!tpu.dma_semaphore, #tpu.memory_space<semaphore_mem>>)
    %add3A_100 = arith.constant 160 : i32
    %add3A_101 = arith.addi %add3A, %add3A_100 : i32
    %dma_start3A_102 = arith.constant 0 : i32
    %dma_start3A_103 = arith.constant 0 : i32
    %dma_start3A_104 = tpu.memref_slice %arg3[%add3A_101, %dma_start3A_102, %dma_start3A_103] : memref<2688x2x128xi32, #tpu.memory_space<hbm>> -> memref<1x2x128xi32, #tpu.memory_space<hbm>>
    %dma_start3A_105 = arith.constant 0 : i32
    %dma_start3A_106 = arith.constant 0 : i32
    %dma_start3A_107 = tpu.memref_slice %arg3[%add3A_101, %dma_start3A_105, %dma_start3A_106] : memref<2688x2x128xi32, #tpu.memory_space<hbm>> -> memref<1x2x128xi32, #tpu.memory_space<hbm>>
    tpu.enqueue_dma source(%dma_start3A_107 : memref<1x2x128xi32, #tpu.memory_space<hbm>>) target(%arg11 : memref<1x2x128xi32, #tpu.memory_space<vmem>>) target_semaphore(%arg20 : memref<!tpu.dma_semaphore, #tpu.memory_space<semaphore_mem>>)
    %dma_wait3A = arith.constant 0 : i32
    %dma_wait3A_108 = arith.constant 0 : i32
    %dma_wait3A_109 = tpu.memref_slice %arg3[%add3A, %dma_wait3A, %dma_wait3A_108] : memref<2688x2x128xi32, #tpu.memory_space<hbm>> -> memref<1x2x128xi32, #tpu.memory_space<hbm>>
    %dma_wait3A_110 = arith.constant 0 : i32
    %dma_wait3A_111 = arith.constant 0 : i32
    %dma_wait3A_112 = tpu.memref_slice %arg3[%add3A, %dma_wait3A_110, %dma_wait3A_111] : memref<2688x2x128xi32, #tpu.memory_space<hbm>> -> memref<1x2x128xi32, #tpu.memory_space<hbm>>
    tpu.wait_dma2 semaphore(%arg15 : memref<!tpu.dma_semaphore, #tpu.memory_space<semaphore_mem>>) src(%dma_wait3A_112 : memref<1x2x128xi32, #tpu.memory_space<hbm>>) dst(%arg6 : memref<1x2x128xi32, #tpu.memory_space<vmem>>)
    %dma_start3A_113 = arith.constant 0 : i32
    %dma_start3A_114 = arith.constant 0 : i32
    %dma_start3A_115 = arith.constant 0 : i32
    %dma_start3A_116 = tpu.memref_slice %arg6[%dma_start3A_113, %dma_start3A_114, %dma_start3A_115] : memref<1x2x128xi32, #tpu.memory_space<vmem>> -> memref<1x1x128xi32, #tpu.memory_space<vmem>>
    %dma_start3A_117 = tpu.memref_squeeze %dma_start3A_116 : memref<1x1x128xi32, #tpu.memory_space<vmem>> -> memref<128xi32, #tpu.memory_space<vmem>>
    %dma_start3A_118 = arith.constant 0 : i32
    %dma_start3A_119 = arith.constant 0 : i32
    %dma_start3A_120 = tpu.memref_slice %arg2[%dma_start3A_118, %dma_start3A_119] : memref<10016x128xf32, #tpu.memory_space<hbm>> -> memref<10016x128xf32, #tpu.memory_space<hbm>>
    tpu.enqueue_indirect_dma source(%dma_start3A_120 : memref<10016x128xf32, #tpu.memory_space<hbm>>) target(%arg12 : memref<128x128xf32, #tpu.memory_space<vmem>>) offsets(%dma_start3A_117 : memref<128xi32, #tpu.memory_space<vmem>>) semaphore(%arg21 : memref<!tpu.dma_semaphore, #tpu.memory_space<semaphore_mem>>)
    %dma_wait3A_121 = arith.constant 0 : i32
    %dma_wait3A_122 = arith.constant 0 : i32
    %dma_wait3A_123 = tpu.memref_slice %arg3[%add3A, %dma_wait3A_121, %dma_wait3A_122] : memref<2688x2x128xi32, #tpu.memory_space<hbm>> -> memref<1x2x128xi32, #tpu.memory_space<hbm>>
    %dma_wait3A_124 = arith.constant 0 : i32
    %dma_wait3A_125 = arith.constant 0 : i32
    %dma_wait3A_126 = tpu.memref_slice %arg3[%add3A, %dma_wait3A_124, %dma_wait3A_125] : memref<2688x2x128xi32, #tpu.memory_space<hbm>> -> memref<1x2x128xi32, #tpu.memory_space<hbm>>
    tpu.wait_dma2 semaphore(%arg16 : memref<!tpu.dma_semaphore, #tpu.memory_space<semaphore_mem>>) src(%dma_wait3A_126 : memref<1x2x128xi32, #tpu.memory_space<hbm>>) dst(%arg7 : memref<1x2x128xi32, #tpu.memory_space<vmem>>)
    %dma_start3A_127 = arith.constant 0 : i32
    %dma_start3A_128 = arith.constant 0 : i32
    %dma_start3A_129 = arith.constant 0 : i32
    %dma_start3A_130 = tpu.memref_slice %arg7[%dma_start3A_127, %dma_start3A_128, %dma_start3A_129] : memref<1x2x128xi32, #tpu.memory_space<vmem>> -> memref<1x1x128xi32, #tpu.memory_space<vmem>>
    %dma_start3A_131 = tpu.memref_squeeze %dma_start3A_130 : memref<1x1x128xi32, #tpu.memory_space<vmem>> -> memref<128xi32, #tpu.memory_space<vmem>>
    %dma_start3A_132 = arith.constant 0 : i32
    %dma_start3A_133 = arith.constant 0 : i32
    %dma_start3A_134 = tpu.memref_slice %arg2[%dma_start3A_132, %dma_start3A_133] : memref<10016x128xf32, #tpu.memory_space<hbm>> -> memref<10016x128xf32, #tpu.memory_space<hbm>>
    tpu.enqueue_indirect_dma source(%dma_start3A_134 : memref<10016x128xf32, #tpu.memory_space<hbm>>) target(%arg13 : memref<128x128xf32, #tpu.memory_space<vmem>>) offsets(%dma_start3A_131 : memref<128xi32, #tpu.memory_space<vmem>>) semaphore(%arg22 : memref<!tpu.dma_semaphore, #tpu.memory_space<semaphore_mem>>)
    %barrier3A = arith.constant 0 : index
    tpu.barrier barrier_id(%barrier3A)
    %scan3A_135 = arith.constant 0 : i32
    %scan3A_136 = arith.constant 14 : i32
    %scan3A_137 = arith.addi %scan3A_135, %scan3A_136 : i32
    %scan3A_138 = arith.constant 1 : i32
    scf.for %scan3A_201 = %scan3A_135 to %scan3A_137 step %scan3A_138  : i32 {
      %mul3A_202 = arith.constant 6 : i32
      %mul3A_203 = arith.muli %scan3A_201, %mul3A_202 : i32
      %add3A_204 = arith.constant 0 : i32
      %add3A_205 = arith.addi %add3A_204, %mul3A_203 : i32
      %add3A_206 = arith.constant 0 : i32
      %add3A_207 = arith.addi %add3A_205, %add3A_206 : i32
      %dma_wait3A_208 = arith.constant 0 : i32
      %dma_wait3A_209 = arith.constant 0 : i32
      %dma_wait3A_210 = arith.constant 0 : i32
      %dma_wait3A_211 = tpu.memref_slice %arg6[%dma_wait3A_208, %dma_wait3A_209, %dma_wait3A_210] : memref<1x2x128xi32, #tpu.memory_space<vmem>> -> memref<1x1x128xi32, #tpu.memory_space<vmem>>
      %dma_wait3A_212 = tpu.memref_squeeze %dma_wait3A_211 : memref<1x1x128xi32, #tpu.memory_space<vmem>> -> memref<128xi32, #tpu.memory_space<vmem>>
      %dma_wait3A_213 = arith.constant 0 : i32
      %dma_wait3A_214 = arith.constant 0 : i32
      %dma_wait3A_215 = tpu.memref_slice %arg2[%dma_wait3A_213, %dma_wait3A_214] : memref<10016x128xf32, #tpu.memory_space<hbm>> -> memref<10016x128xf32, #tpu.memory_space<hbm>>
      tpu.wait_indirect_dma semaphore(%arg21 : memref<!tpu.dma_semaphore, #tpu.memory_space<semaphore_mem>>) src(%dma_wait3A_215 : memref<10016x128xf32, #tpu.memory_space<hbm>>) dst(%arg12 : memref<128x128xf32, #tpu.memory_space<vmem>>)
      %dma_start3A_216 = arith.constant 0 : i32
      %dma_start3A_217 = arith.constant 1 : i32
      %dma_start3A_218 = arith.constant 0 : i32
      %dma_start3A_219 = tpu.memref_slice %arg6[%dma_start3A_216, %dma_start3A_217, %dma_start3A_218] : memref<1x2x128xi32, #tpu.memory_space<vmem>> -> memref<1x1x128xi32, #tpu.memory_space<vmem>>
      %dma_start3A_220 = tpu.memref_squeeze %dma_start3A_219 : memref<1x1x128xi32, #tpu.memory_space<vmem>> -> memref<128xi32, #tpu.memory_space<vmem>>
      %dma_start3A_221 = arith.constant 0 : i32
      %dma_start3A_222 = arith.constant 0 : i32
      %dma_start3A_223 = tpu.memref_slice %arg5[%dma_start3A_221, %dma_start3A_222] : memref<10000x128xf32, #tpu.memory_space<vmem_shared>> -> memref<10000x128xf32, #tpu.memory_space<vmem_shared>>
      tpu.enqueue_indirect_dma source(%arg12 : memref<128x128xf32, #tpu.memory_space<vmem>>) target(%dma_start3A_223 : memref<10000x128xf32, #tpu.memory_space<vmem_shared>>) offsets(%dma_start3A_220 : memref<128xi32, #tpu.memory_space<vmem>>) semaphore(%arg24 : memref<!tpu.dma_semaphore, #tpu.memory_space<semaphore_mem>>) {add = true}
      %dma_wait3A_224 = arith.constant 0 : i32
      %dma_wait3A_225 = arith.constant 1 : i32
      %dma_wait3A_226 = arith.constant 0 : i32
      %dma_wait3A_227 = tpu.memref_slice %arg6[%dma_wait3A_224, %dma_wait3A_225, %dma_wait3A_226] : memref<1x2x128xi32, #tpu.memory_space<vmem>> -> memref<1x1x128xi32, #tpu.memory_space<vmem>>
      %dma_wait3A_228 = tpu.memref_squeeze %dma_wait3A_227 : memref<1x1x128xi32, #tpu.memory_space<vmem>> -> memref<128xi32, #tpu.memory_space<vmem>>
      %dma_wait3A_229 = arith.constant 0 : i32
      %dma_wait3A_230 = arith.constant 0 : i32
      %dma_wait3A_231 = tpu.memref_slice %arg5[%dma_wait3A_229, %dma_wait3A_230] : memref<10000x128xf32, #tpu.memory_space<vmem_shared>> -> memref<10000x128xf32, #tpu.memory_space<vmem_shared>>
      tpu.wait_indirect_dma semaphore(%arg24 : memref<!tpu.dma_semaphore, #tpu.memory_space<semaphore_mem>>) src(%arg12 : memref<128x128xf32, #tpu.memory_space<vmem>>) dst(%dma_wait3A_231 : memref<10000x128xf32, #tpu.memory_space<vmem_shared>>)
      %add3A_232 = arith.constant 2 : i32
      %add3A_233 = arith.addi %add3A_207, %add3A_232 : i32
      %lt3A_234 = arith.constant 84 : i32
      %lt3A_235 = arith.cmpi slt, %add3A_233, %lt3A_234 : i32
      %convert_element_type3A_236 = arith.extui %lt3A_235 : i1 to i32
      %cond3A_237 = arith.constant 0 : i32
      %cond3A_238 = arith.cmpi ne, %convert_element_type3A_236, %cond3A_237 : i32
      scf.if %cond3A_238 {
        %dma_wait3A_446 = arith.constant 0 : i32
        %dma_wait3A_447 = arith.constant 0 : i32
        %dma_wait3A_448 = tpu.memref_slice %arg3[%add3A, %dma_wait3A_446, %dma_wait3A_447] : memref<2688x2x128xi32, #tpu.memory_space<hbm>> -> memref<1x2x128xi32, #tpu.memory_space<hbm>>
        %dma_wait3A_449 = arith.constant 0 : i32
        %dma_wait3A_450 = arith.constant 0 : i32
        %dma_wait3A_451 = tpu.memref_slice %arg3[%add3A, %dma_wait3A_449, %dma_wait3A_450] : memref<2688x2x128xi32, #tpu.memory_space<hbm>> -> memref<1x2x128xi32, #tpu.memory_space<hbm>>
        tpu.wait_dma2 semaphore(%arg17 : memref<!tpu.dma_semaphore, #tpu.memory_space<semaphore_mem>>) src(%dma_wait3A_451 : memref<1x2x128xi32, #tpu.memory_space<hbm>>) dst(%arg8 : memref<1x2x128xi32, #tpu.memory_space<vmem>>)
        %dma_start3A_452 = arith.constant 0 : i32
        %dma_start3A_453 = arith.constant 0 : i32
        %dma_start3A_454 = arith.constant 0 : i32
        %dma_start3A_455 = tpu.memref_slice %arg8[%dma_start3A_452, %dma_start3A_453, %dma_start3A_454] : memref<1x2x128xi32, #tpu.memory_space<vmem>> -> memref<1x1x128xi32, #tpu.memory_space<vmem>>
        %dma_start3A_456 = tpu.memref_squeeze %dma_start3A_455 : memref<1x1x128xi32, #tpu.memory_space<vmem>> -> memref<128xi32, #tpu.memory_space<vmem>>
        %dma_start3A_457 = arith.constant 0 : i32
        %dma_start3A_458 = arith.constant 0 : i32
        %dma_start3A_459 = tpu.memref_slice %arg2[%dma_start3A_457, %dma_start3A_458] : memref<10016x128xf32, #tpu.memory_space<hbm>> -> memref<10016x128xf32, #tpu.memory_space<hbm>>
        tpu.enqueue_indirect_dma source(%dma_start3A_459 : memref<10016x128xf32, #tpu.memory_space<hbm>>) target(%arg14 : memref<128x128xf32, #tpu.memory_space<vmem>>) offsets(%dma_start3A_456 : memref<128xi32, #tpu.memory_space<vmem>>) semaphore(%arg23 : memref<!tpu.dma_semaphore, #tpu.memory_space<semaphore_mem>>)
      } else {
      }
      %add3A_239 = arith.constant 6 : i32
      %add3A_240 = arith.addi %add3A_207, %add3A_239 : i32
      %lt3A_241 = arith.constant 84 : i32
      %lt3A_242 = arith.cmpi slt, %add3A_240, %lt3A_241 : i32
      %convert_element_type3A_243 = arith.extui %lt3A_242 : i1 to i32
      %cond3A_244 = arith.constant 0 : i32
      %cond3A_245 = arith.cmpi ne, %convert_element_type3A_243, %cond3A_244 : i32
      scf.if %cond3A_245 {
        %mul3A_446 = arith.constant 32 : i32
        %mul3A_447 = arith.muli %mul3A_446, %add3A_240 : i32
        %add3A_448 = arith.addi %add3A, %mul3A_447 : i32
        %dma_start3A_449 = arith.constant 0 : i32
        %dma_start3A_450 = arith.constant 0 : i32
        %dma_start3A_451 = tpu.memref_slice %arg3[%add3A_448, %dma_start3A_449, %dma_start3A_450] : memref<2688x2x128xi32, #tpu.memory_space<hbm>> -> memref<1x2x128xi32, #tpu.memory_space<hbm>>
        %dma_start3A_452 = arith.constant 0 : i32
        %dma_start3A_453 = arith.constant 0 : i32
        %dma_start3A_454 = tpu.memref_slice %arg3[%add3A_448, %dma_start3A_452, %dma_start3A_453] : memref<2688x2x128xi32, #tpu.memory_space<hbm>> -> memref<1x2x128xi32, #tpu.memory_space<hbm>>
        tpu.enqueue_dma source(%dma_start3A_454 : memref<1x2x128xi32, #tpu.memory_space<hbm>>) target(%arg6 : memref<1x2x128xi32, #tpu.memory_space<vmem>>) target_semaphore(%arg15 : memref<!tpu.dma_semaphore, #tpu.memory_space<semaphore_mem>>)
      } else {
      }
      %add3A_246 = arith.constant 1 : i32
      %add3A_247 = arith.addi %add3A_205, %add3A_246 : i32
      %dma_wait3A_248 = arith.constant 0 : i32
      %dma_wait3A_249 = arith.constant 0 : i32
      %dma_wait3A_250 = arith.constant 0 : i32
      %dma_wait3A_251 = tpu.memref_slice %arg6[%dma_wait3A_248, %dma_wait3A_249, %dma_wait3A_250] : memref<1x2x128xi32, #tpu.memory_space<vmem>> -> memref<1x1x128xi32, #tpu.memory_space<vmem>>
      %dma_wait3A_252 = tpu.memref_squeeze %dma_wait3A_251 : memref<1x1x128xi32, #tpu.memory_space<vmem>> -> memref<128xi32, #tpu.memory_space<vmem>>
      %dma_wait3A_253 = arith.constant 0 : i32
      %dma_wait3A_254 = arith.constant 0 : i32
      %dma_wait3A_255 = tpu.memref_slice %arg2[%dma_wait3A_253, %dma_wait3A_254] : memref<10016x128xf32, #tpu.memory_space<hbm>> -> memref<10016x128xf32, #tpu.memory_space<hbm>>
      tpu.wait_indirect_dma semaphore(%arg22 : memref<!tpu.dma_semaphore, #tpu.memory_space<semaphore_mem>>) src(%dma_wait3A_255 : memref<10016x128xf32, #tpu.memory_space<hbm>>) dst(%arg13 : memref<128x128xf32, #tpu.memory_space<vmem>>)
      %dma_start3A_256 = arith.constant 0 : i32
      %dma_start3A_257 = arith.constant 1 : i32
      %dma_start3A_258 = arith.constant 0 : i32
      %dma_start3A_259 = tpu.memref_slice %arg7[%dma_start3A_256, %dma_start3A_257, %dma_start3A_258] : memref<1x2x128xi32, #tpu.memory_space<vmem>> -> memref<1x1x128xi32, #tpu.memory_space<vmem>>
      %dma_start3A_260 = tpu.memref_squeeze %dma_start3A_259 : memref<1x1x128xi32, #tpu.memory_space<vmem>> -> memref<128xi32, #tpu.memory_space<vmem>>
      %dma_start3A_261 = arith.constant 0 : i32
      %dma_start3A_262 = arith.constant 0 : i32
      %dma_start3A_263 = tpu.memref_slice %arg5[%dma_start3A_261, %dma_start3A_262] : memref<10000x128xf32, #tpu.memory_space<vmem_shared>> -> memref<10000x128xf32, #tpu.memory_space<vmem_shared>>
      tpu.enqueue_indirect_dma source(%arg13 : memref<128x128xf32, #tpu.memory_space<vmem>>) target(%dma_start3A_263 : memref<10000x128xf32, #tpu.memory_space<vmem_shared>>) offsets(%dma_start3A_260 : memref<128xi32, #tpu.memory_space<vmem>>) semaphore(%arg25 : memref<!tpu.dma_semaphore, #tpu.memory_space<semaphore_mem>>) {add = true}
      %dma_wait3A_264 = arith.constant 0 : i32
      %dma_wait3A_265 = arith.constant 1 : i32
      %dma_wait3A_266 = arith.constant 0 : i32
      %dma_wait3A_267 = tpu.memref_slice %arg6[%dma_wait3A_264, %dma_wait3A_265, %dma_wait3A_266] : memref<1x2x128xi32, #tpu.memory_space<vmem>> -> memref<1x1x128xi32, #tpu.memory_space<vmem>>
      %dma_wait3A_268 = tpu.memref_squeeze %dma_wait3A_267 : memref<1x1x128xi32, #tpu.memory_space<vmem>> -> memref<128xi32, #tpu.memory_space<vmem>>
      %dma_wait3A_269 = arith.constant 0 : i32
      %dma_wait3A_270 = arith.constant 0 : i32
      %dma_wait3A_271 = tpu.memref_slice %arg5[%dma_wait3A_269, %dma_wait3A_270] : memref<10000x128xf32, #tpu.memory_space<vmem_shared>> -> memref<10000x128xf32, #tpu.memory_space<vmem_shared>>
      tpu.wait_indirect_dma semaphore(%arg25 : memref<!tpu.dma_semaphore, #tpu.memory_space<semaphore_mem>>) src(%arg13 : memref<128x128xf32, #tpu.memory_space<vmem>>) dst(%dma_wait3A_271 : memref<10000x128xf32, #tpu.memory_space<vmem_shared>>)
      %add3A_272 = arith.constant 2 : i32
      %add3A_273 = arith.addi %add3A_247, %add3A_272 : i32
      %lt3A_274 = arith.constant 84 : i32
      %lt3A_275 = arith.cmpi slt, %add3A_273, %lt3A_274 : i32
      %convert_element_type3A_276 = arith.extui %lt3A_275 : i1 to i32
      %cond3A_277 = arith.constant 0 : i32
      %cond3A_278 = arith.cmpi ne, %convert_element_type3A_276, %cond3A_277 : i32
      scf.if %cond3A_278 {
        %dma_wait3A_446 = arith.constant 0 : i32
        %dma_wait3A_447 = arith.constant 0 : i32
        %dma_wait3A_448 = tpu.memref_slice %arg3[%add3A, %dma_wait3A_446, %dma_wait3A_447] : memref<2688x2x128xi32, #tpu.memory_space<hbm>> -> memref<1x2x128xi32, #tpu.memory_space<hbm>>
        %dma_wait3A_449 = arith.constant 0 : i32
        %dma_wait3A_450 = arith.constant 0 : i32
        %dma_wait3A_451 = tpu.memref_slice %arg3[%add3A, %dma_wait3A_449, %dma_wait3A_450] : memref<2688x2x128xi32, #tpu.memory_space<hbm>> -> memref<1x2x128xi32, #tpu.memory_space<hbm>>
        tpu.wait_dma2 semaphore(%arg18 : memref<!tpu.dma_semaphore, #tpu.memory_space<semaphore_mem>>) src(%dma_wait3A_451 : memref<1x2x128xi32, #tpu.memory_space<hbm>>) dst(%arg9 : memref<1x2x128xi32, #tpu.memory_space<vmem>>)
        %dma_start3A_452 = arith.constant 0 : i32
        %dma_start3A_453 = arith.constant 0 : i32
        %dma_start3A_454 = arith.constant 0 : i32
        %dma_start3A_455 = tpu.memref_slice %arg9[%dma_start3A_452, %dma_start3A_453, %dma_start3A_454] : memref<1x2x128xi32, #tpu.memory_space<vmem>> -> memref<1x1x128xi32, #tpu.memory_space<vmem>>
        %dma_start3A_456 = tpu.memref_squeeze %dma_start3A_455 : memref<1x1x128xi32, #tpu.memory_space<vmem>> -> memref<128xi32, #tpu.memory_space<vmem>>
        %dma_start3A_457 = arith.constant 0 : i32
        %dma_start3A_458 = arith.constant 0 : i32
        %dma_start3A_459 = tpu.memref_slice %arg2[%dma_start3A_457, %dma_start3A_458] : memref<10016x128xf32, #tpu.memory_space<hbm>> -> memref<10016x128xf32, #tpu.memory_space<hbm>>
        tpu.enqueue_indirect_dma source(%dma_start3A_459 : memref<10016x128xf32, #tpu.memory_space<hbm>>) target(%arg12 : memref<128x128xf32, #tpu.memory_space<vmem>>) offsets(%dma_start3A_456 : memref<128xi32, #tpu.memory_space<vmem>>) semaphore(%arg21 : memref<!tpu.dma_semaphore, #tpu.memory_space<semaphore_mem>>)
      } else {
      }
      %add3A_279 = arith.constant 6 : i32
      %add3A_280 = arith.addi %add3A_247, %add3A_279 : i32
      %lt3A_281 = arith.constant 84 : i32
      %lt3A_282 = arith.cmpi slt, %add3A_280, %lt3A_281 : i32
      %convert_element_type3A_283 = arith.extui %lt3A_282 : i1 to i32
      %cond3A_284 = arith.constant 0 : i32
      %cond3A_285 = arith.cmpi ne, %convert_element_type3A_283, %cond3A_284 : i32
      scf.if %cond3A_285 {
        %mul3A_446 = arith.constant 32 : i32
        %mul3A_447 = arith.muli %mul3A_446, %add3A_280 : i32
        %add3A_448 = arith.addi %add3A, %mul3A_447 : i32
        %dma_start3A_449 = arith.constant 0 : i32
        %dma_start3A_450 = arith.constant 0 : i32
        %dma_start3A_451 = tpu.memref_slice %arg3[%add3A_448, %dma_start3A_449, %dma_start3A_450] : memref<2688x2x128xi32, #tpu.memory_space<hbm>> -> memref<1x2x128xi32, #tpu.memory_space<hbm>>
        %dma_start3A_452 = arith.constant 0 : i32
        %dma_start3A_453 = arith.constant 0 : i32
        %dma_start3A_454 = tpu.memref_slice %arg3[%add3A_448, %dma_start3A_452, %dma_start3A_453] : memref<2688x2x128xi32, #tpu.memory_space<hbm>> -> memref<1x2x128xi32, #tpu.memory_space<hbm>>
        tpu.enqueue_dma source(%dma_start3A_454 : memref<1x2x128xi32, #tpu.memory_space<hbm>>) target(%arg7 : memref<1x2x128xi32, #tpu.memory_space<vmem>>) target_semaphore(%arg16 : memref<!tpu.dma_semaphore, #tpu.memory_space<semaphore_mem>>)
      } else {
      }
      %add3A_286 = arith.constant 2 : i32
      %add3A_287 = arith.addi %add3A_205, %add3A_286 : i32
      %dma_wait3A_288 = arith.constant 0 : i32
      %dma_wait3A_289 = arith.constant 0 : i32
      %dma_wait3A_290 = arith.constant 0 : i32
      %dma_wait3A_291 = tpu.memref_slice %arg6[%dma_wait3A_288, %dma_wait3A_289, %dma_wait3A_290] : memref<1x2x128xi32, #tpu.memory_space<vmem>> -> memref<1x1x128xi32, #tpu.memory_space<vmem>>
      %dma_wait3A_292 = tpu.memref_squeeze %dma_wait3A_291 : memref<1x1x128xi32, #tpu.memory_space<vmem>> -> memref<128xi32, #tpu.memory_space<vmem>>
      %dma_wait3A_293 = arith.constant 0 : i32
      %dma_wait3A_294 = arith.constant 0 : i32
      %dma_wait3A_295 = tpu.memref_slice %arg2[%dma_wait3A_293, %dma_wait3A_294] : memref<10016x128xf32, #tpu.memory_space<hbm>> -> memref<10016x128xf32, #tpu.memory_space<hbm>>
      tpu.wait_indirect_dma semaphore(%arg23 : memref<!tpu.dma_semaphore, #tpu.memory_space<semaphore_mem>>) src(%dma_wait3A_295 : memref<10016x128xf32, #tpu.memory_space<hbm>>) dst(%arg14 : memref<128x128xf32, #tpu.memory_space<vmem>>)
      %dma_start3A_296 = arith.constant 0 : i32
      %dma_start3A_297 = arith.constant 1 : i32
      %dma_start3A_298 = arith.constant 0 : i32
      %dma_start3A_299 = tpu.memref_slice %arg8[%dma_start3A_296, %dma_start3A_297, %dma_start3A_298] : memref<1x2x128xi32, #tpu.memory_space<vmem>> -> memref<1x1x128xi32, #tpu.memory_space<vmem>>
      %dma_start3A_300 = tpu.memref_squeeze %dma_start3A_299 : memref<1x1x128xi32, #tpu.memory_space<vmem>> -> memref<128xi32, #tpu.memory_space<vmem>>
      %dma_start3A_301 = arith.constant 0 : i32
      %dma_start3A_302 = arith.constant 0 : i32
      %dma_start3A_303 = tpu.memref_slice %arg5[%dma_start3A_301, %dma_start3A_302] : memref<10000x128xf32, #tpu.memory_space<vmem_shared>> -> memref<10000x128xf32, #tpu.memory_space<vmem_shared>>
      tpu.enqueue_indirect_dma source(%arg14 : memref<128x128xf32, #tpu.memory_space<vmem>>) target(%dma_start3A_303 : memref<10000x128xf32, #tpu.memory_space<vmem_shared>>) offsets(%dma_start3A_300 : memref<128xi32, #tpu.memory_space<vmem>>) semaphore(%arg26 : memref<!tpu.dma_semaphore, #tpu.memory_space<semaphore_mem>>) {add = true}
      %dma_wait3A_304 = arith.constant 0 : i32
      %dma_wait3A_305 = arith.constant 1 : i32
      %dma_wait3A_306 = arith.constant 0 : i32
      %dma_wait3A_307 = tpu.memref_slice %arg6[%dma_wait3A_304, %dma_wait3A_305, %dma_wait3A_306] : memref<1x2x128xi32, #tpu.memory_space<vmem>> -> memref<1x1x128xi32, #tpu.memory_space<vmem>>
      %dma_wait3A_308 = tpu.memref_squeeze %dma_wait3A_307 : memref<1x1x128xi32, #tpu.memory_space<vmem>> -> memref<128xi32, #tpu.memory_space<vmem>>
      %dma_wait3A_309 = arith.constant 0 : i32
      %dma_wait3A_310 = arith.constant 0 : i32
      %dma_wait3A_311 = tpu.memref_slice %arg5[%dma_wait3A_309, %dma_wait3A_310] : memref<10000x128xf32, #tpu.memory_space<vmem_shared>> -> memref<10000x128xf32, #tpu.memory_space<vmem_shared>>
      tpu.wait_indirect_dma semaphore(%arg26 : memref<!tpu.dma_semaphore, #tpu.memory_space<semaphore_mem>>) src(%arg14 : memref<128x128xf32, #tpu.memory_space<vmem>>) dst(%dma_wait3A_311 : memref<10000x128xf32, #tpu.memory_space<vmem_shared>>)
      %add3A_312 = arith.constant 2 : i32
      %add3A_313 = arith.addi %add3A_287, %add3A_312 : i32
      %lt3A_314 = arith.constant 84 : i32
      %lt3A_315 = arith.cmpi slt, %add3A_313, %lt3A_314 : i32
      %convert_element_type3A_316 = arith.extui %lt3A_315 : i1 to i32
      %cond3A_317 = arith.constant 0 : i32
      %cond3A_318 = arith.cmpi ne, %convert_element_type3A_316, %cond3A_317 : i32
      scf.if %cond3A_318 {
        %dma_wait3A_446 = arith.constant 0 : i32
        %dma_wait3A_447 = arith.constant 0 : i32
        %dma_wait3A_448 = tpu.memref_slice %arg3[%add3A, %dma_wait3A_446, %dma_wait3A_447] : memref<2688x2x128xi32, #tpu.memory_space<hbm>> -> memref<1x2x128xi32, #tpu.memory_space<hbm>>
        %dma_wait3A_449 = arith.constant 0 : i32
        %dma_wait3A_450 = arith.constant 0 : i32
        %dma_wait3A_451 = tpu.memref_slice %arg3[%add3A, %dma_wait3A_449, %dma_wait3A_450] : memref<2688x2x128xi32, #tpu.memory_space<hbm>> -> memref<1x2x128xi32, #tpu.memory_space<hbm>>
        tpu.wait_dma2 semaphore(%arg19 : memref<!tpu.dma_semaphore, #tpu.memory_space<semaphore_mem>>) src(%dma_wait3A_451 : memref<1x2x128xi32, #tpu.memory_space<hbm>>) dst(%arg10 : memref<1x2x128xi32, #tpu.memory_space<vmem>>)
        %dma_start3A_452 = arith.constant 0 : i32
        %dma_start3A_453 = arith.constant 0 : i32
        %dma_start3A_454 = arith.constant 0 : i32
        %dma_start3A_455 = tpu.memref_slice %arg10[%dma_start3A_452, %dma_start3A_453, %dma_start3A_454] : memref<1x2x128xi32, #tpu.memory_space<vmem>> -> memref<1x1x128xi32, #tpu.memory_space<vmem>>
        %dma_start3A_456 = tpu.memref_squeeze %dma_start3A_455 : memref<1x1x128xi32, #tpu.memory_space<vmem>> -> memref<128xi32, #tpu.memory_space<vmem>>
        %dma_start3A_457 = arith.constant 0 : i32
        %dma_start3A_458 = arith.constant 0 : i32
        %dma_start3A_459 = tpu.memref_slice %arg2[%dma_start3A_457, %dma_start3A_458] : memref<10016x128xf32, #tpu.memory_space<hbm>> -> memref<10016x128xf32, #tpu.memory_space<hbm>>
        tpu.enqueue_indirect_dma source(%dma_start3A_459 : memref<10016x128xf32, #tpu.memory_space<hbm>>) target(%arg13 : memref<128x128xf32, #tpu.memory_space<vmem>>) offsets(%dma_start3A_456 : memref<128xi32, #tpu.memory_space<vmem>>) semaphore(%arg22 : memref<!tpu.dma_semaphore, #tpu.memory_space<semaphore_mem>>)
      } else {
      }
      %add3A_319 = arith.constant 6 : i32
      %add3A_320 = arith.addi %add3A_287, %add3A_319 : i32
      %lt3A_321 = arith.constant 84 : i32
      %lt3A_322 = arith.cmpi slt, %add3A_320, %lt3A_321 : i32
      %convert_element_type3A_323 = arith.extui %lt3A_322 : i1 to i32
      %cond3A_324 = arith.constant 0 : i32
      %cond3A_325 = arith.cmpi ne, %convert_element_type3A_323, %cond3A_324 : i32
      scf.if %cond3A_325 {
        %mul3A_446 = arith.constant 32 : i32
        %mul3A_447 = arith.muli %mul3A_446, %add3A_320 : i32
        %add3A_448 = arith.addi %add3A, %mul3A_447 : i32
        %dma_start3A_449 = arith.constant 0 : i32
        %dma_start3A_450 = arith.constant 0 : i32
        %dma_start3A_451 = tpu.memref_slice %arg3[%add3A_448, %dma_start3A_449, %dma_start3A_450] : memref<2688x2x128xi32, #tpu.memory_space<hbm>> -> memref<1x2x128xi32, #tpu.memory_space<hbm>>
        %dma_start3A_452 = arith.constant 0 : i32
        %dma_start3A_453 = arith.constant 0 : i32
        %dma_start3A_454 = tpu.memref_slice %arg3[%add3A_448, %dma_start3A_452, %dma_start3A_453] : memref<2688x2x128xi32, #tpu.memory_space<hbm>> -> memref<1x2x128xi32, #tpu.memory_space<hbm>>
        tpu.enqueue_dma source(%dma_start3A_454 : memref<1x2x128xi32, #tpu.memory_space<hbm>>) target(%arg8 : memref<1x2x128xi32, #tpu.memory_space<vmem>>) target_semaphore(%arg17 : memref<!tpu.dma_semaphore, #tpu.memory_space<semaphore_mem>>)
      } else {
      }
      %add3A_326 = arith.constant 3 : i32
      %add3A_327 = arith.addi %add3A_205, %add3A_326 : i32
      %dma_wait3A_328 = arith.constant 0 : i32
      %dma_wait3A_329 = arith.constant 0 : i32
      %dma_wait3A_330 = arith.constant 0 : i32
      %dma_wait3A_331 = tpu.memref_slice %arg6[%dma_wait3A_328, %dma_wait3A_329, %dma_wait3A_330] : memref<1x2x128xi32, #tpu.memory_space<vmem>> -> memref<1x1x128xi32, #tpu.memory_space<vmem>>
      %dma_wait3A_332 = tpu.memref_squeeze %dma_wait3A_331 : memref<1x1x128xi32, #tpu.memory_space<vmem>> -> memref<128xi32, #tpu.memory_space<vmem>>
      %dma_wait3A_333 = arith.constant 0 : i32
      %dma_wait3A_334 = arith.constant 0 : i32
      %dma_wait3A_335 = tpu.memref_slice %arg2[%dma_wait3A_333, %dma_wait3A_334] : memref<10016x128xf32, #tpu.memory_space<hbm>> -> memref<10016x128xf32, #tpu.memory_space<hbm>>
      tpu.wait_indirect_dma semaphore(%arg21 : memref<!tpu.dma_semaphore, #tpu.memory_space<semaphore_mem>>) src(%dma_wait3A_335 : memref<10016x128xf32, #tpu.memory_space<hbm>>) dst(%arg12 : memref<128x128xf32, #tpu.memory_space<vmem>>)
      %dma_start3A_336 = arith.constant 0 : i32
      %dma_start3A_337 = arith.constant 1 : i32
      %dma_start3A_338 = arith.constant 0 : i32
      %dma_start3A_339 = tpu.memref_slice %arg9[%dma_start3A_336, %dma_start3A_337, %dma_start3A_338] : memref<1x2x128xi32, #tpu.memory_space<vmem>> -> memref<1x1x128xi32, #tpu.memory_space<vmem>>
      %dma_start3A_340 = tpu.memref_squeeze %dma_start3A_339 : memref<1x1x128xi32, #tpu.memory_space<vmem>> -> memref<128xi32, #tpu.memory_space<vmem>>
      %dma_start3A_341 = arith.constant 0 : i32
      %dma_start3A_342 = arith.constant 0 : i32
      %dma_start3A_343 = tpu.memref_slice %arg5[%dma_start3A_341, %dma_start3A_342] : memref<10000x128xf32, #tpu.memory_space<vmem_shared>> -> memref<10000x128xf32, #tpu.memory_space<vmem_shared>>
      tpu.enqueue_indirect_dma source(%arg12 : memref<128x128xf32, #tpu.memory_space<vmem>>) target(%dma_start3A_343 : memref<10000x128xf32, #tpu.memory_space<vmem_shared>>) offsets(%dma_start3A_340 : memref<128xi32, #tpu.memory_space<vmem>>) semaphore(%arg24 : memref<!tpu.dma_semaphore, #tpu.memory_space<semaphore_mem>>) {add = true}
      %dma_wait3A_344 = arith.constant 0 : i32
      %dma_wait3A_345 = arith.constant 1 : i32
      %dma_wait3A_346 = arith.constant 0 : i32
      %dma_wait3A_347 = tpu.memref_slice %arg6[%dma_wait3A_344, %dma_wait3A_345, %dma_wait3A_346] : memref<1x2x128xi32, #tpu.memory_space<vmem>> -> memref<1x1x128xi32, #tpu.memory_space<vmem>>
      %dma_wait3A_348 = tpu.memref_squeeze %dma_wait3A_347 : memref<1x1x128xi32, #tpu.memory_space<vmem>> -> memref<128xi32, #tpu.memory_space<vmem>>
      %dma_wait3A_349 = arith.constant 0 : i32
      %dma_wait3A_350 = arith.constant 0 : i32
      %dma_wait3A_351 = tpu.memref_slice %arg5[%dma_wait3A_349, %dma_wait3A_350] : memref<10000x128xf32, #tpu.memory_space<vmem_shared>> -> memref<10000x128xf32, #tpu.memory_space<vmem_shared>>
      tpu.wait_indirect_dma semaphore(%arg24 : memref<!tpu.dma_semaphore, #tpu.memory_space<semaphore_mem>>) src(%arg12 : memref<128x128xf32, #tpu.memory_space<vmem>>) dst(%dma_wait3A_351 : memref<10000x128xf32, #tpu.memory_space<vmem_shared>>)
      %add3A_352 = arith.constant 2 : i32
      %add3A_353 = arith.addi %add3A_327, %add3A_352 : i32
      %lt3A_354 = arith.constant 84 : i32
      %lt3A_355 = arith.cmpi slt, %add3A_353, %lt3A_354 : i32
      %convert_element_type3A_356 = arith.extui %lt3A_355 : i1 to i32
      %cond3A_357 = arith.constant 0 : i32
      %cond3A_358 = arith.cmpi ne, %convert_element_type3A_356, %cond3A_357 : i32
      scf.if %cond3A_358 {
        %dma_wait3A_446 = arith.constant 0 : i32
        %dma_wait3A_447 = arith.constant 0 : i32
        %dma_wait3A_448 = tpu.memref_slice %arg3[%add3A, %dma_wait3A_446, %dma_wait3A_447] : memref<2688x2x128xi32, #tpu.memory_space<hbm>> -> memref<1x2x128xi32, #tpu.memory_space<hbm>>
        %dma_wait3A_449 = arith.constant 0 : i32
        %dma_wait3A_450 = arith.constant 0 : i32
        %dma_wait3A_451 = tpu.memref_slice %arg3[%add3A, %dma_wait3A_449, %dma_wait3A_450] : memref<2688x2x128xi32, #tpu.memory_space<hbm>> -> memref<1x2x128xi32, #tpu.memory_space<hbm>>
        tpu.wait_dma2 semaphore(%arg20 : memref<!tpu.dma_semaphore, #tpu.memory_space<semaphore_mem>>) src(%dma_wait3A_451 : memref<1x2x128xi32, #tpu.memory_space<hbm>>) dst(%arg11 : memref<1x2x128xi32, #tpu.memory_space<vmem>>)
        %dma_start3A_452 = arith.constant 0 : i32
        %dma_start3A_453 = arith.constant 0 : i32
        %dma_start3A_454 = arith.constant 0 : i32
        %dma_start3A_455 = tpu.memref_slice %arg11[%dma_start3A_452, %dma_start3A_453, %dma_start3A_454] : memref<1x2x128xi32, #tpu.memory_space<vmem>> -> memref<1x1x128xi32, #tpu.memory_space<vmem>>
        %dma_start3A_456 = tpu.memref_squeeze %dma_start3A_455 : memref<1x1x128xi32, #tpu.memory_space<vmem>> -> memref<128xi32, #tpu.memory_space<vmem>>
        %dma_start3A_457 = arith.constant 0 : i32
        %dma_start3A_458 = arith.constant 0 : i32
        %dma_start3A_459 = tpu.memref_slice %arg2[%dma_start3A_457, %dma_start3A_458] : memref<10016x128xf32, #tpu.memory_space<hbm>> -> memref<10016x128xf32, #tpu.memory_space<hbm>>
        tpu.enqueue_indirect_dma source(%dma_start3A_459 : memref<10016x128xf32, #tpu.memory_space<hbm>>) target(%arg14 : memref<128x128xf32, #tpu.memory_space<vmem>>) offsets(%dma_start3A_456 : memref<128xi32, #tpu.memory_space<vmem>>) semaphore(%arg23 : memref<!tpu.dma_semaphore, #tpu.memory_space<semaphore_mem>>)
      } else {
      }
      %add3A_359 = arith.constant 6 : i32
      %add3A_360 = arith.addi %add3A_327, %add3A_359 : i32
      %lt3A_361 = arith.constant 84 : i32
      %lt3A_362 = arith.cmpi slt, %add3A_360, %lt3A_361 : i32
      %convert_element_type3A_363 = arith.extui %lt3A_362 : i1 to i32
      %cond3A_364 = arith.constant 0 : i32
      %cond3A_365 = arith.cmpi ne, %convert_element_type3A_363, %cond3A_364 : i32
      scf.if %cond3A_365 {
        %mul3A_446 = arith.constant 32 : i32
        %mul3A_447 = arith.muli %mul3A_446, %add3A_360 : i32
        %add3A_448 = arith.addi %add3A, %mul3A_447 : i32
        %dma_start3A_449 = arith.constant 0 : i32
        %dma_start3A_450 = arith.constant 0 : i32
        %dma_start3A_451 = tpu.memref_slice %arg3[%add3A_448, %dma_start3A_449, %dma_start3A_450] : memref<2688x2x128xi32, #tpu.memory_space<hbm>> -> memref<1x2x128xi32, #tpu.memory_space<hbm>>
        %dma_start3A_452 = arith.constant 0 : i32
        %dma_start3A_453 = arith.constant 0 : i32
        %dma_start3A_454 = tpu.memref_slice %arg3[%add3A_448, %dma_start3A_452, %dma_start3A_453] : memref<2688x2x128xi32, #tpu.memory_space<hbm>> -> memref<1x2x128xi32, #tpu.memory_space<hbm>>
        tpu.enqueue_dma source(%dma_start3A_454 : memref<1x2x128xi32, #tpu.memory_space<hbm>>) target(%arg9 : memref<1x2x128xi32, #tpu.memory_space<vmem>>) target_semaphore(%arg18 : memref<!tpu.dma_semaphore, #tpu.memory_space<semaphore_mem>>)
      } else {
      }
      %add3A_366 = arith.constant 4 : i32
      %add3A_367 = arith.addi %add3A_205, %add3A_366 : i32
      %dma_wait3A_368 = arith.constant 0 : i32
      %dma_wait3A_369 = arith.constant 0 : i32
      %dma_wait3A_370 = arith.constant 0 : i32
      %dma_wait3A_371 = tpu.memref_slice %arg6[%dma_wait3A_368, %dma_wait3A_369, %dma_wait3A_370] : memref<1x2x128xi32, #tpu.memory_space<vmem>> -> memref<1x1x128xi32, #tpu.memory_space<vmem>>
      %dma_wait3A_372 = tpu.memref_squeeze %dma_wait3A_371 : memref<1x1x128xi32, #tpu.memory_space<vmem>> -> memref<128xi32, #tpu.memory_space<vmem>>
      %dma_wait3A_373 = arith.constant 0 : i32
      %dma_wait3A_374 = arith.constant 0 : i32
      %dma_wait3A_375 = tpu.memref_slice %arg2[%dma_wait3A_373, %dma_wait3A_374] : memref<10016x128xf32, #tpu.memory_space<hbm>> -> memref<10016x128xf32, #tpu.memory_space<hbm>>
      tpu.wait_indirect_dma semaphore(%arg22 : memref<!tpu.dma_semaphore, #tpu.memory_space<semaphore_mem>>) src(%dma_wait3A_375 : memref<10016x128xf32, #tpu.memory_space<hbm>>) dst(%arg13 : memref<128x128xf32, #tpu.memory_space<vmem>>)
      %dma_start3A_376 = arith.constant 0 : i32
      %dma_start3A_377 = arith.constant 1 : i32
      %dma_start3A_378 = arith.constant 0 : i32
      %dma_start3A_379 = tpu.memref_slice %arg10[%dma_start3A_376, %dma_start3A_377, %dma_start3A_378] : memref<1x2x128xi32, #tpu.memory_space<vmem>> -> memref<1x1x128xi32, #tpu.memory_space<vmem>>
      %dma_start3A_380 = tpu.memref_squeeze %dma_start3A_379 : memref<1x1x128xi32, #tpu.memory_space<vmem>> -> memref<128xi32, #tpu.memory_space<vmem>>
      %dma_start3A_381 = arith.constant 0 : i32
      %dma_start3A_382 = arith.constant 0 : i32
      %dma_start3A_383 = tpu.memref_slice %arg5[%dma_start3A_381, %dma_start3A_382] : memref<10000x128xf32, #tpu.memory_space<vmem_shared>> -> memref<10000x128xf32, #tpu.memory_space<vmem_shared>>
      tpu.enqueue_indirect_dma source(%arg13 : memref<128x128xf32, #tpu.memory_space<vmem>>) target(%dma_start3A_383 : memref<10000x128xf32, #tpu.memory_space<vmem_shared>>) offsets(%dma_start3A_380 : memref<128xi32, #tpu.memory_space<vmem>>) semaphore(%arg25 : memref<!tpu.dma_semaphore, #tpu.memory_space<semaphore_mem>>) {add = true}
      %dma_wait3A_384 = arith.constant 0 : i32
      %dma_wait3A_385 = arith.constant 1 : i32
      %dma_wait3A_386 = arith.constant 0 : i32
      %dma_wait3A_387 = tpu.memref_slice %arg6[%dma_wait3A_384, %dma_wait3A_385, %dma_wait3A_386] : memref<1x2x128xi32, #tpu.memory_space<vmem>> -> memref<1x1x128xi32, #tpu.memory_space<vmem>>
      %dma_wait3A_388 = tpu.memref_squeeze %dma_wait3A_387 : memref<1x1x128xi32, #tpu.memory_space<vmem>> -> memref<128xi32, #tpu.memory_space<vmem>>
      %dma_wait3A_389 = arith.constant 0 : i32
      %dma_wait3A_390 = arith.constant 0 : i32
      %dma_wait3A_391 = tpu.memref_slice %arg5[%dma_wait3A_389, %dma_wait3A_390] : memref<10000x128xf32, #tpu.memory_space<vmem_shared>> -> memref<10000x128xf32, #tpu.memory_space<vmem_shared>>
      tpu.wait_indirect_dma semaphore(%arg25 : memref<!tpu.dma_semaphore, #tpu.memory_space<semaphore_mem>>) src(%arg13 : memref<128x128xf32, #tpu.memory_space<vmem>>) dst(%dma_wait3A_391 : memref<10000x128xf32, #tpu.memory_space<vmem_shared>>)
      %add3A_392 = arith.constant 2 : i32
      %add3A_393 = arith.addi %add3A_367, %add3A_392 : i32
      %lt3A_394 = arith.constant 84 : i32
      %lt3A_395 = arith.cmpi slt, %add3A_393, %lt3A_394 : i32
      %convert_element_type3A_396 = arith.extui %lt3A_395 : i1 to i32
      %cond3A_397 = arith.constant 0 : i32
      %cond3A_398 = arith.cmpi ne, %convert_element_type3A_396, %cond3A_397 : i32
      scf.if %cond3A_398 {
        %dma_wait3A_446 = arith.constant 0 : i32
        %dma_wait3A_447 = arith.constant 0 : i32
        %dma_wait3A_448 = tpu.memref_slice %arg3[%add3A, %dma_wait3A_446, %dma_wait3A_447] : memref<2688x2x128xi32, #tpu.memory_space<hbm>> -> memref<1x2x128xi32, #tpu.memory_space<hbm>>
        %dma_wait3A_449 = arith.constant 0 : i32
        %dma_wait3A_450 = arith.constant 0 : i32
        %dma_wait3A_451 = tpu.memref_slice %arg3[%add3A, %dma_wait3A_449, %dma_wait3A_450] : memref<2688x2x128xi32, #tpu.memory_space<hbm>> -> memref<1x2x128xi32, #tpu.memory_space<hbm>>
        tpu.wait_dma2 semaphore(%arg15 : memref<!tpu.dma_semaphore, #tpu.memory_space<semaphore_mem>>) src(%dma_wait3A_451 : memref<1x2x128xi32, #tpu.memory_space<hbm>>) dst(%arg6 : memref<1x2x128xi32, #tpu.memory_space<vmem>>)
        %dma_start3A_452 = arith.constant 0 : i32
        %dma_start3A_453 = arith.constant 0 : i32
        %dma_start3A_454 = arith.constant 0 : i32
        %dma_start3A_455 = tpu.memref_slice %arg6[%dma_start3A_452, %dma_start3A_453, %dma_start3A_454] : memref<1x2x128xi32, #tpu.memory_space<vmem>> -> memref<1x1x128xi32, #tpu.memory_space<vmem>>
        %dma_start3A_456 = tpu.memref_squeeze %dma_start3A_455 : memref<1x1x128xi32, #tpu.memory_space<vmem>> -> memref<128xi32, #tpu.memory_space<vmem>>
        %dma_start3A_457 = arith.constant 0 : i32
        %dma_start3A_458 = arith.constant 0 : i32
        %dma_start3A_459 = tpu.memref_slice %arg2[%dma_start3A_457, %dma_start3A_458] : memref<10016x128xf32, #tpu.memory_space<hbm>> -> memref<10016x128xf32, #tpu.memory_space<hbm>>
        tpu.enqueue_indirect_dma source(%dma_start3A_459 : memref<10016x128xf32, #tpu.memory_space<hbm>>) target(%arg12 : memref<128x128xf32, #tpu.memory_space<vmem>>) offsets(%dma_start3A_456 : memref<128xi32, #tpu.memory_space<vmem>>) semaphore(%arg21 : memref<!tpu.dma_semaphore, #tpu.memory_space<semaphore_mem>>)
      } else {
      }
      %add3A_399 = arith.constant 6 : i32
      %add3A_400 = arith.addi %add3A_367, %add3A_399 : i32
      %lt3A_401 = arith.constant 84 : i32
      %lt3A_402 = arith.cmpi slt, %add3A_400, %lt3A_401 : i32
      %convert_element_type3A_403 = arith.extui %lt3A_402 : i1 to i32
      %cond3A_404 = arith.constant 0 : i32
      %cond3A_405 = arith.cmpi ne, %convert_element_type3A_403, %cond3A_404 : i32
      scf.if %cond3A_405 {
        %mul3A_446 = arith.constant 32 : i32
        %mul3A_447 = arith.muli %mul3A_446, %add3A_400 : i32
        %add3A_448 = arith.addi %add3A, %mul3A_447 : i32
        %dma_start3A_449 = arith.constant 0 : i32
        %dma_start3A_450 = arith.constant 0 : i32
        %dma_start3A_451 = tpu.memref_slice %arg3[%add3A_448, %dma_start3A_449, %dma_start3A_450] : memref<2688x2x128xi32, #tpu.memory_space<hbm>> -> memref<1x2x128xi32, #tpu.memory_space<hbm>>
        %dma_start3A_452 = arith.constant 0 : i32
        %dma_start3A_453 = arith.constant 0 : i32
        %dma_start3A_454 = tpu.memref_slice %arg3[%add3A_448, %dma_start3A_452, %dma_start3A_453] : memref<2688x2x128xi32, #tpu.memory_space<hbm>> -> memref<1x2x128xi32, #tpu.memory_space<hbm>>
        tpu.enqueue_dma source(%dma_start3A_454 : memref<1x2x128xi32, #tpu.memory_space<hbm>>) target(%arg10 : memref<1x2x128xi32, #tpu.memory_space<vmem>>) target_semaphore(%arg19 : memref<!tpu.dma_semaphore, #tpu.memory_space<semaphore_mem>>)
      } else {
      }
      %add3A_406 = arith.constant 5 : i32
      %add3A_407 = arith.addi %add3A_205, %add3A_406 : i32
      %dma_wait3A_408 = arith.constant 0 : i32
      %dma_wait3A_409 = arith.constant 0 : i32
      %dma_wait3A_410 = arith.constant 0 : i32
      %dma_wait3A_411 = tpu.memref_slice %arg6[%dma_wait3A_408, %dma_wait3A_409, %dma_wait3A_410] : memref<1x2x128xi32, #tpu.memory_space<vmem>> -> memref<1x1x128xi32, #tpu.memory_space<vmem>>
      %dma_wait3A_412 = tpu.memref_squeeze %dma_wait3A_411 : memref<1x1x128xi32, #tpu.memory_space<vmem>> -> memref<128xi32, #tpu.memory_space<vmem>>
      %dma_wait3A_413 = arith.constant 0 : i32
      %dma_wait3A_414 = arith.constant 0 : i32
      %dma_wait3A_415 = tpu.memref_slice %arg2[%dma_wait3A_413, %dma_wait3A_414] : memref<10016x128xf32, #tpu.memory_space<hbm>> -> memref<10016x128xf32, #tpu.memory_space<hbm>>
      tpu.wait_indirect_dma semaphore(%arg23 : memref<!tpu.dma_semaphore, #tpu.memory_space<semaphore_mem>>) src(%dma_wait3A_415 : memref<10016x128xf32, #tpu.memory_space<hbm>>) dst(%arg14 : memref<128x128xf32, #tpu.memory_space<vmem>>)
      %dma_start3A_416 = arith.constant 0 : i32
      %dma_start3A_417 = arith.constant 1 : i32
      %dma_start3A_418 = arith.constant 0 : i32
      %dma_start3A_419 = tpu.memref_slice %arg11[%dma_start3A_416, %dma_start3A_417, %dma_start3A_418] : memref<1x2x128xi32, #tpu.memory_space<vmem>> -> memref<1x1x128xi32, #tpu.memory_space<vmem>>
      %dma_start3A_420 = tpu.memref_squeeze %dma_start3A_419 : memref<1x1x128xi32, #tpu.memory_space<vmem>> -> memref<128xi32, #tpu.memory_space<vmem>>
      %dma_start3A_421 = arith.constant 0 : i32
      %dma_start3A_422 = arith.constant 0 : i32
      %dma_start3A_423 = tpu.memref_slice %arg5[%dma_start3A_421, %dma_start3A_422] : memref<10000x128xf32, #tpu.memory_space<vmem_shared>> -> memref<10000x128xf32, #tpu.memory_space<vmem_shared>>
      tpu.enqueue_indirect_dma source(%arg14 : memref<128x128xf32, #tpu.memory_space<vmem>>) target(%dma_start3A_423 : memref<10000x128xf32, #tpu.memory_space<vmem_shared>>) offsets(%dma_start3A_420 : memref<128xi32, #tpu.memory_space<vmem>>) semaphore(%arg26 : memref<!tpu.dma_semaphore, #tpu.memory_space<semaphore_mem>>) {add = true}
      %dma_wait3A_424 = arith.constant 0 : i32
      %dma_wait3A_425 = arith.constant 1 : i32
      %dma_wait3A_426 = arith.constant 0 : i32
      %dma_wait3A_427 = tpu.memref_slice %arg6[%dma_wait3A_424, %dma_wait3A_425, %dma_wait3A_426] : memref<1x2x128xi32, #tpu.memory_space<vmem>> -> memref<1x1x128xi32, #tpu.memory_space<vmem>>
      %dma_wait3A_428 = tpu.memref_squeeze %dma_wait3A_427 : memref<1x1x128xi32, #tpu.memory_space<vmem>> -> memref<128xi32, #tpu.memory_space<vmem>>
      %dma_wait3A_429 = arith.constant 0 : i32
      %dma_wait3A_430 = arith.constant 0 : i32
      %dma_wait3A_431 = tpu.memref_slice %arg5[%dma_wait3A_429, %dma_wait3A_430] : memref<10000x128xf32, #tpu.memory_space<vmem_shared>> -> memref<10000x128xf32, #tpu.memory_space<vmem_shared>>
      tpu.wait_indirect_dma semaphore(%arg26 : memref<!tpu.dma_semaphore, #tpu.memory_space<semaphore_mem>>) src(%arg14 : memref<128x128xf32, #tpu.memory_space<vmem>>) dst(%dma_wait3A_431 : memref<10000x128xf32, #tpu.memory_space<vmem_shared>>)
      %add3A_432 = arith.constant 2 : i32
      %add3A_433 = arith.addi %add3A_407, %add3A_432 : i32
      %lt3A_434 = arith.constant 84 : i32
      %lt3A_435 = arith.cmpi slt, %add3A_433, %lt3A_434 : i32
      %convert_element_type3A_436 = arith.extui %lt3A_435 : i1 to i32
      %cond3A_437 = arith.constant 0 : i32
      %cond3A_438 = arith.cmpi ne, %convert_element_type3A_436, %cond3A_437 : i32
      scf.if %cond3A_438 {
        %dma_wait3A_446 = arith.constant 0 : i32
        %dma_wait3A_447 = arith.constant 0 : i32
        %dma_wait3A_448 = tpu.memref_slice %arg3[%add3A, %dma_wait3A_446, %dma_wait3A_447] : memref<2688x2x128xi32, #tpu.memory_space<hbm>> -> memref<1x2x128xi32, #tpu.memory_space<hbm>>
        %dma_wait3A_449 = arith.constant 0 : i32
        %dma_wait3A_450 = arith.constant 0 : i32
        %dma_wait3A_451 = tpu.memref_slice %arg3[%add3A, %dma_wait3A_449, %dma_wait3A_450] : memref<2688x2x128xi32, #tpu.memory_space<hbm>> -> memref<1x2x128xi32, #tpu.memory_space<hbm>>
        tpu.wait_dma2 semaphore(%arg16 : memref<!tpu.dma_semaphore, #tpu.memory_space<semaphore_mem>>) src(%dma_wait3A_451 : memref<1x2x128xi32, #tpu.memory_space<hbm>>) dst(%arg7 : memref<1x2x128xi32, #tpu.memory_space<vmem>>)
        %dma_start3A_452 = arith.constant 0 : i32
        %dma_start3A_453 = arith.constant 0 : i32
        %dma_start3A_454 = arith.constant 0 : i32
        %dma_start3A_455 = tpu.memref_slice %arg7[%dma_start3A_452, %dma_start3A_453, %dma_start3A_454] : memref<1x2x128xi32, #tpu.memory_space<vmem>> -> memref<1x1x128xi32, #tpu.memory_space<vmem>>
        %dma_start3A_456 = tpu.memref_squeeze %dma_start3A_455 : memref<1x1x128xi32, #tpu.memory_space<vmem>> -> memref<128xi32, #tpu.memory_space<vmem>>
        %dma_start3A_457 = arith.constant 0 : i32
        %dma_start3A_458 = arith.constant 0 : i32
        %dma_start3A_459 = tpu.memref_slice %arg2[%dma_start3A_457, %dma_start3A_458] : memref<10016x128xf32, #tpu.memory_space<hbm>> -> memref<10016x128xf32, #tpu.memory_space<hbm>>
        tpu.enqueue_indirect_dma source(%dma_start3A_459 : memref<10016x128xf32, #tpu.memory_space<hbm>>) target(%arg13 : memref<128x128xf32, #tpu.memory_space<vmem>>) offsets(%dma_start3A_456 : memref<128xi32, #tpu.memory_space<vmem>>) semaphore(%arg22 : memref<!tpu.dma_semaphore, #tpu.memory_space<semaphore_mem>>)
      } else {
      }
      %add3A_439 = arith.constant 6 : i32
      %add3A_440 = arith.addi %add3A_407, %add3A_439 : i32
      %lt3A_441 = arith.constant 84 : i32
      %lt3A_442 = arith.cmpi slt, %add3A_440, %lt3A_441 : i32
      %convert_element_type3A_443 = arith.extui %lt3A_442 : i1 to i32
      %cond3A_444 = arith.constant 0 : i32
      %cond3A_445 = arith.cmpi ne, %convert_element_type3A_443, %cond3A_444 : i32
      scf.if %cond3A_445 {
        %mul3A_446 = arith.constant 32 : i32
        %mul3A_447 = arith.muli %mul3A_446, %add3A_440 : i32
        %add3A_448 = arith.addi %add3A, %mul3A_447 : i32
        %dma_start3A_449 = arith.constant 0 : i32
        %dma_start3A_450 = arith.constant 0 : i32
        %dma_start3A_451 = tpu.memref_slice %arg3[%add3A_448, %dma_start3A_449, %dma_start3A_450] : memref<2688x2x128xi32, #tpu.memory_space<hbm>> -> memref<1x2x128xi32, #tpu.memory_space<hbm>>
        %dma_start3A_452 = arith.constant 0 : i32
        %dma_start3A_453 = arith.constant 0 : i32
        %dma_start3A_454 = tpu.memref_slice %arg3[%add3A_448, %dma_start3A_452, %dma_start3A_453] : memref<2688x2x128xi32, #tpu.memory_space<hbm>> -> memref<1x2x128xi32, #tpu.memory_space<hbm>>
        tpu.enqueue_dma source(%dma_start3A_454 : memref<1x2x128xi32, #tpu.memory_space<hbm>>) target(%arg11 : memref<1x2x128xi32, #tpu.memory_space<vmem>>) target_semaphore(%arg20 : memref<!tpu.dma_semaphore, #tpu.memory_space<semaphore_mem>>)
      } else {
      }
    }
    %scan3A_139 = arith.constant 14 : i32
    %barrier3A_140 = arith.constant 0 : index
    tpu.barrier barrier_id(%barrier3A_140)
    %add3A_141 = arith.constant 0 : i32
    %add3A_142 = arith.addi %arg1, %add3A_141 : i32
    %lt3A_143 = arith.constant 78 : i32
    %lt3A_144 = arith.cmpi slt, %add3A_142, %lt3A_143 : i32
    %convert_element_type3A_145 = arith.extui %lt3A_144 : i1 to i32
    %cond3A_146 = arith.constant 0 : i32
    %cond3A_147 = arith.cmpi ne, %convert_element_type3A_145, %cond3A_146 : i32
    scf.if %cond3A_147 {
      %mul3A_201 = arith.constant 128 : i32
      %mul3A_202 = arith.muli %add3A_142, %mul3A_201 : i32
      %mul3A_203 = arith.constant 128 : i32
      %mul3A_204 = arith.muli %add3A_142, %mul3A_203 : i32
      "tpu.region"() ({
        %run_scoped3A = tpu.sem_alloc : memref<!tpu.dma_semaphore, #tpu.memory_space<semaphore_mem>>
        %dma_start3A_205 = arith.constant 0 : i32
        %dma_start3A_206 = arith.constant 0 : i32
        %dma_start3A_207 = tpu.memref_slice %arg4[%arg0, %dma_start3A_205, %dma_start3A_206] : memref<2x10000x128xf32, #tpu.memory_space<hbm>> -> memref<1x10000x128xf32, #tpu.memory_space<hbm>>
        %dma_start3A_208 = tpu.memref_squeeze %dma_start3A_207 : memref<1x10000x128xf32, #tpu.memory_space<hbm>> -> memref<10000x128xf32, #tpu.memory_space<hbm>>
        %dma_start3A_209 = arith.constant 0 : i32
        %dma_start3A_210 = tpu.memref_slice %dma_start3A_208[%mul3A_204, %dma_start3A_209] : memref<10000x128xf32, #tpu.memory_space<hbm>> -> memref<128x128xf32, #tpu.memory_space<hbm>>
        %dma_start3A_211 = arith.constant 0 : i32
        %dma_start3A_212 = tpu.memref_slice %arg5[%mul3A_202, %dma_start3A_211] : memref<10000x128xf32, #tpu.memory_space<vmem_shared>> -> memref<128x128xf32, #tpu.memory_space<vmem_shared>>
        tpu.enqueue_dma source(%dma_start3A_212 : memref<128x128xf32, #tpu.memory_space<vmem_shared>>) target(%dma_start3A_210 : memref<128x128xf32, #tpu.memory_space<hbm>>) target_semaphore(%run_scoped3A : memref<!tpu.dma_semaphore, #tpu.memory_space<semaphore_mem>>)
        %dma_wait3A_213 = arith.constant 0 : i32
        %dma_wait3A_214 = arith.constant 0 : i32
        %dma_wait3A_215 = tpu.memref_slice %arg4[%arg0, %dma_wait3A_213, %dma_wait3A_214] : memref<2x10000x128xf32, #tpu.memory_space<hbm>> -> memref<1x10000x128xf32, #tpu.memory_space<hbm>>
        %dma_wait3A_216 = tpu.memref_squeeze %dma_wait3A_215 : memref<1x10000x128xf32, #tpu.memory_space<hbm>> -> memref<10000x128xf32, #tpu.memory_space<hbm>>
        %dma_wait3A_217 = arith.constant 0 : i32
        %dma_wait3A_218 = tpu.memref_slice %dma_wait3A_216[%mul3A_204, %dma_wait3A_217] : memref<10000x128xf32, #tpu.memory_space<hbm>> -> memref<128x128xf32, #tpu.memory_space<hbm>>
        %dma_wait3A_219 = arith.constant 0 : i32
        %dma_wait3A_220 = tpu.memref_slice %arg5[%mul3A_202, %dma_wait3A_219] : memref<10000x128xf32, #tpu.memory_space<vmem_shared>> -> memref<128x128xf32, #tpu.memory_space<vmem_shared>>
        tpu.wait_dma2 semaphore(%run_scoped3A : memref<!tpu.dma_semaphore, #tpu.memory_space<semaphore_mem>>) src(%dma_wait3A_220 : memref<128x128xf32, #tpu.memory_space<vmem_shared>>) dst(%dma_wait3A_218 : memref<128x128xf32, #tpu.memory_space<hbm>>)
        tpu.yield
      }) : () -> ()
    } else {
    }
    %eq3A_148 = arith.constant 78 : i32
    %eq3A_149 = arith.cmpi eq, %add3A_142, %eq3A_148 : i32
    %convert_element_type3A_150 = arith.extui %eq3A_149 : i1 to i32
    %cond3A_151 = arith.constant 0 : i32
    %cond3A_152 = arith.cmpi ne, %convert_element_type3A_150, %cond3A_151 : i32
    scf.if %cond3A_152 {
      %mul3A_201 = arith.constant 128 : i32
      %mul3A_202 = arith.muli %add3A_142, %mul3A_201 : i32
      %mul3A_203 = arith.constant 128 : i32
      %mul3A_204 = arith.muli %add3A_142, %mul3A_203 : i32
      "tpu.region"() ({
        %run_scoped3A = tpu.sem_alloc : memref<!tpu.dma_semaphore, #tpu.memory_space<semaphore_mem>>
        %dma_start3A_205 = arith.constant 0 : i32
        %dma_start3A_206 = arith.constant 0 : i32
        %dma_start3A_207 = tpu.memref_slice %arg4[%arg0, %dma_start3A_205, %dma_start3A_206] : memref<2x10000x128xf32, #tpu.memory_space<hbm>> -> memref<1x10000x128xf32, #tpu.memory_space<hbm>>
        %dma_start3A_208 = tpu.memref_squeeze %dma_start3A_207 : memref<1x10000x128xf32, #tpu.memory_space<hbm>> -> memref<10000x128xf32, #tpu.memory_space<hbm>>
        %dma_start3A_209 = arith.constant 0 : i32
        %dma_start3A_210 = tpu.memref_slice %dma_start3A_208[%mul3A_204, %dma_start3A_209] : memref<10000x128xf32, #tpu.memory_space<hbm>> -> memref<16x128xf32, #tpu.memory_space<hbm>>
        %dma_start3A_211 = arith.constant 0 : i32
        %dma_start3A_212 = tpu.memref_slice %arg5[%mul3A_202, %dma_start3A_211] : memref<10000x128xf32, #tpu.memory_space<vmem_shared>> -> memref<16x128xf32, #tpu.memory_space<vmem_shared>>
        tpu.enqueue_dma source(%dma_start3A_212 : memref<16x128xf32, #tpu.memory_space<vmem_shared>>) target(%dma_start3A_210 : memref<16x128xf32, #tpu.memory_space<hbm>>) target_semaphore(%run_scoped3A : memref<!tpu.dma_semaphore, #tpu.memory_space<semaphore_mem>>)
        %dma_wait3A_213 = arith.constant 0 : i32
        %dma_wait3A_214 = arith.constant 0 : i32
        %dma_wait3A_215 = tpu.memref_slice %arg4[%arg0, %dma_wait3A_213, %dma_wait3A_214] : memref<2x10000x128xf32, #tpu.memory_space<hbm>> -> memref<1x10000x128xf32, #tpu.memory_space<hbm>>
        %dma_wait3A_216 = tpu.memref_squeeze %dma_wait3A_215 : memref<1x10000x128xf32, #tpu.memory_space<hbm>> -> memref<10000x128xf32, #tpu.memory_space<hbm>>
        %dma_wait3A_217 = arith.constant 0 : i32
        %dma_wait3A_218 = tpu.memref_slice %dma_wait3A_216[%mul3A_204, %dma_wait3A_217] : memref<10000x128xf32, #tpu.memory_space<hbm>> -> memref<16x128xf32, #tpu.memory_space<hbm>>
        %dma_wait3A_219 = arith.constant 0 : i32
        %dma_wait3A_220 = tpu.memref_slice %arg5[%mul3A_202, %dma_wait3A_219] : memref<10000x128xf32, #tpu.memory_space<vmem_shared>> -> memref<16x128xf32, #tpu.memory_space<vmem_shared>>
        tpu.wait_dma2 semaphore(%run_scoped3A : memref<!tpu.dma_semaphore, #tpu.memory_space<semaphore_mem>>) src(%dma_wait3A_220 : memref<16x128xf32, #tpu.memory_space<vmem_shared>>) dst(%dma_wait3A_218 : memref<16x128xf32, #tpu.memory_space<hbm>>)
        tpu.yield
      }) : () -> ()
    } else {
    }
    %add3A_153 = arith.constant 16 : i32
    %add3A_154 = arith.addi %arg1, %add3A_153 : i32
    %lt3A_155 = arith.constant 78 : i32
    %lt3A_156 = arith.cmpi slt, %add3A_154, %lt3A_155 : i32
    %convert_element_type3A_157 = arith.extui %lt3A_156 : i1 to i32
    %cond3A_158 = arith.constant 0 : i32
    %cond3A_159 = arith.cmpi ne, %convert_element_type3A_157, %cond3A_158 : i32
    scf.if %cond3A_159 {
      %mul3A_201 = arith.constant 128 : i32
      %mul3A_202 = arith.muli %add3A_154, %mul3A_201 : i32
      %mul3A_203 = arith.constant 128 : i32
      %mul3A_204 = arith.muli %add3A_154, %mul3A_203 : i32
      "tpu.region"() ({
        %run_scoped3A = tpu.sem_alloc : memref<!tpu.dma_semaphore, #tpu.memory_space<semaphore_mem>>
        %dma_start3A_205 = arith.constant 0 : i32
        %dma_start3A_206 = arith.constant 0 : i32
        %dma_start3A_207 = tpu.memref_slice %arg4[%arg0, %dma_start3A_205, %dma_start3A_206] : memref<2x10000x128xf32, #tpu.memory_space<hbm>> -> memref<1x10000x128xf32, #tpu.memory_space<hbm>>
        %dma_start3A_208 = tpu.memref_squeeze %dma_start3A_207 : memref<1x10000x128xf32, #tpu.memory_space<hbm>> -> memref<10000x128xf32, #tpu.memory_space<hbm>>
        %dma_start3A_209 = arith.constant 0 : i32
        %dma_start3A_210 = tpu.memref_slice %dma_start3A_208[%mul3A_204, %dma_start3A_209] : memref<10000x128xf32, #tpu.memory_space<hbm>> -> memref<128x128xf32, #tpu.memory_space<hbm>>
        %dma_start3A_211 = arith.constant 0 : i32
        %dma_start3A_212 = tpu.memref_slice %arg5[%mul3A_202, %dma_start3A_211] : memref<10000x128xf32, #tpu.memory_space<vmem_shared>> -> memref<128x128xf32, #tpu.memory_space<vmem_shared>>
        tpu.enqueue_dma source(%dma_start3A_212 : memref<128x128xf32, #tpu.memory_space<vmem_shared>>) target(%dma_start3A_210 : memref<128x128xf32, #tpu.memory_space<hbm>>) target_semaphore(%run_scoped3A : memref<!tpu.dma_semaphore, #tpu.memory_space<semaphore_mem>>)
        %dma_wait3A_213 = arith.constant 0 : i32
        %dma_wait3A_214 = arith.constant 0 : i32
        %dma_wait3A_215 = tpu.memref_slice %arg4[%arg0, %dma_wait3A_213, %dma_wait3A_214] : memref<2x10000x128xf32, #tpu.memory_space<hbm>> -> memref<1x10000x128xf32, #tpu.memory_space<hbm>>
        %dma_wait3A_216 = tpu.memref_squeeze %dma_wait3A_215 : memref<1x10000x128xf32, #tpu.memory_space<hbm>> -> memref<10000x128xf32, #tpu.memory_space<hbm>>
        %dma_wait3A_217 = arith.constant 0 : i32
        %dma_wait3A_218 = tpu.memref_slice %dma_wait3A_216[%mul3A_204, %dma_wait3A_217] : memref<10000x128xf32, #tpu.memory_space<hbm>> -> memref<128x128xf32, #tpu.memory_space<hbm>>
        %dma_wait3A_219 = arith.constant 0 : i32
        %dma_wait3A_220 = tpu.memref_slice %arg5[%mul3A_202, %dma_wait3A_219] : memref<10000x128xf32, #tpu.memory_space<vmem_shared>> -> memref<128x128xf32, #tpu.memory_space<vmem_shared>>
        tpu.wait_dma2 semaphore(%run_scoped3A : memref<!tpu.dma_semaphore, #tpu.memory_space<semaphore_mem>>) src(%dma_wait3A_220 : memref<128x128xf32, #tpu.memory_space<vmem_shared>>) dst(%dma_wait3A_218 : memref<128x128xf32, #tpu.memory_space<hbm>>)
        tpu.yield
      }) : () -> ()
    } else {
    }
    %eq3A_160 = arith.constant 78 : i32
    %eq3A_161 = arith.cmpi eq, %add3A_154, %eq3A_160 : i32
    %convert_element_type3A_162 = arith.extui %eq3A_161 : i1 to i32
    %cond3A_163 = arith.constant 0 : i32
    %cond3A_164 = arith.cmpi ne, %convert_element_type3A_162, %cond3A_163 : i32
    scf.if %cond3A_164 {
      %mul3A_201 = arith.constant 128 : i32
      %mul3A_202 = arith.muli %add3A_154, %mul3A_201 : i32
      %mul3A_203 = arith.constant 128 : i32
      %mul3A_204 = arith.muli %add3A_154, %mul3A_203 : i32
      "tpu.region"() ({
        %run_scoped3A = tpu.sem_alloc : memref<!tpu.dma_semaphore, #tpu.memory_space<semaphore_mem>>
        %dma_start3A_205 = arith.constant 0 : i32
        %dma_start3A_206 = arith.constant 0 : i32
        %dma_start3A_207 = tpu.memref_slice %arg4[%arg0, %dma_start3A_205, %dma_start3A_206] : memref<2x10000x128xf32, #tpu.memory_space<hbm>> -> memref<1x10000x128xf32, #tpu.memory_space<hbm>>
        %dma_start3A_208 = tpu.memref_squeeze %dma_start3A_207 : memref<1x10000x128xf32, #tpu.memory_space<hbm>> -> memref<10000x128xf32, #tpu.memory_space<hbm>>
        %dma_start3A_209 = arith.constant 0 : i32
        %dma_start3A_210 = tpu.memref_slice %dma_start3A_208[%mul3A_204, %dma_start3A_209] : memref<10000x128xf32, #tpu.memory_space<hbm>> -> memref<16x128xf32, #tpu.memory_space<hbm>>
        %dma_start3A_211 = arith.constant 0 : i32
        %dma_start3A_212 = tpu.memref_slice %arg5[%mul3A_202, %dma_start3A_211] : memref<10000x128xf32, #tpu.memory_space<vmem_shared>> -> memref<16x128xf32, #tpu.memory_space<vmem_shared>>
        tpu.enqueue_dma source(%dma_start3A_212 : memref<16x128xf32, #tpu.memory_space<vmem_shared>>) target(%dma_start3A_210 : memref<16x128xf32, #tpu.memory_space<hbm>>) target_semaphore(%run_scoped3A : memref<!tpu.dma_semaphore, #tpu.memory_space<semaphore_mem>>)
        %dma_wait3A_213 = arith.constant 0 : i32
        %dma_wait3A_214 = arith.constant 0 : i32
        %dma_wait3A_215 = tpu.memref_slice %arg4[%arg0, %dma_wait3A_213, %dma_wait3A_214] : memref<2x10000x128xf32, #tpu.memory_space<hbm>> -> memref<1x10000x128xf32, #tpu.memory_space<hbm>>
        %dma_wait3A_216 = tpu.memref_squeeze %dma_wait3A_215 : memref<1x10000x128xf32, #tpu.memory_space<hbm>> -> memref<10000x128xf32, #tpu.memory_space<hbm>>
        %dma_wait3A_217 = arith.constant 0 : i32
        %dma_wait3A_218 = tpu.memref_slice %dma_wait3A_216[%mul3A_204, %dma_wait3A_217] : memref<10000x128xf32, #tpu.memory_space<hbm>> -> memref<16x128xf32, #tpu.memory_space<hbm>>
        %dma_wait3A_219 = arith.constant 0 : i32
        %dma_wait3A_220 = tpu.memref_slice %arg5[%mul3A_202, %dma_wait3A_219] : memref<10000x128xf32, #tpu.memory_space<vmem_shared>> -> memref<16x128xf32, #tpu.memory_space<vmem_shared>>
        tpu.wait_dma2 semaphore(%run_scoped3A : memref<!tpu.dma_semaphore, #tpu.memory_space<semaphore_mem>>) src(%dma_wait3A_220 : memref<16x128xf32, #tpu.memory_space<vmem_shared>>) dst(%dma_wait3A_218 : memref<16x128xf32, #tpu.memory_space<hbm>>)
        tpu.yield
      }) : () -> ()
    } else {
    }
    %add3A_165 = arith.constant 32 : i32
    %add3A_166 = arith.addi %arg1, %add3A_165 : i32
    %lt3A_167 = arith.constant 78 : i32
    %lt3A_168 = arith.cmpi slt, %add3A_166, %lt3A_167 : i32
    %convert_element_type3A_169 = arith.extui %lt3A_168 : i1 to i32
    %cond3A_170 = arith.constant 0 : i32
    %cond3A_171 = arith.cmpi ne, %convert_element_type3A_169, %cond3A_170 : i32
    scf.if %cond3A_171 {
      %mul3A_201 = arith.constant 128 : i32
      %mul3A_202 = arith.muli %add3A_166, %mul3A_201 : i32
      %mul3A_203 = arith.constant 128 : i32
      %mul3A_204 = arith.muli %add3A_166, %mul3A_203 : i32
      "tpu.region"() ({
        %run_scoped3A = tpu.sem_alloc : memref<!tpu.dma_semaphore, #tpu.memory_space<semaphore_mem>>
        %dma_start3A_205 = arith.constant 0 : i32
        %dma_start3A_206 = arith.constant 0 : i32
        %dma_start3A_207 = tpu.memref_slice %arg4[%arg0, %dma_start3A_205, %dma_start3A_206] : memref<2x10000x128xf32, #tpu.memory_space<hbm>> -> memref<1x10000x128xf32, #tpu.memory_space<hbm>>
        %dma_start3A_208 = tpu.memref_squeeze %dma_start3A_207 : memref<1x10000x128xf32, #tpu.memory_space<hbm>> -> memref<10000x128xf32, #tpu.memory_space<hbm>>
        %dma_start3A_209 = arith.constant 0 : i32
        %dma_start3A_210 = tpu.memref_slice %dma_start3A_208[%mul3A_204, %dma_start3A_209] : memref<10000x128xf32, #tpu.memory_space<hbm>> -> memref<128x128xf32, #tpu.memory_space<hbm>>
        %dma_start3A_211 = arith.constant 0 : i32
        %dma_start3A_212 = tpu.memref_slice %arg5[%mul3A_202, %dma_start3A_211] : memref<10000x128xf32, #tpu.memory_space<vmem_shared>> -> memref<128x128xf32, #tpu.memory_space<vmem_shared>>
        tpu.enqueue_dma source(%dma_start3A_212 : memref<128x128xf32, #tpu.memory_space<vmem_shared>>) target(%dma_start3A_210 : memref<128x128xf32, #tpu.memory_space<hbm>>) target_semaphore(%run_scoped3A : memref<!tpu.dma_semaphore, #tpu.memory_space<semaphore_mem>>)
        %dma_wait3A_213 = arith.constant 0 : i32
        %dma_wait3A_214 = arith.constant 0 : i32
        %dma_wait3A_215 = tpu.memref_slice %arg4[%arg0, %dma_wait3A_213, %dma_wait3A_214] : memref<2x10000x128xf32, #tpu.memory_space<hbm>> -> memref<1x10000x128xf32, #tpu.memory_space<hbm>>
        %dma_wait3A_216 = tpu.memref_squeeze %dma_wait3A_215 : memref<1x10000x128xf32, #tpu.memory_space<hbm>> -> memref<10000x128xf32, #tpu.memory_space<hbm>>
        %dma_wait3A_217 = arith.constant 0 : i32
        %dma_wait3A_218 = tpu.memref_slice %dma_wait3A_216[%mul3A_204, %dma_wait3A_217] : memref<10000x128xf32, #tpu.memory_space<hbm>> -> memref<128x128xf32, #tpu.memory_space<hbm>>
        %dma_wait3A_219 = arith.constant 0 : i32
        %dma_wait3A_220 = tpu.memref_slice %arg5[%mul3A_202, %dma_wait3A_219] : memref<10000x128xf32, #tpu.memory_space<vmem_shared>> -> memref<128x128xf32, #tpu.memory_space<vmem_shared>>
        tpu.wait_dma2 semaphore(%run_scoped3A : memref<!tpu.dma_semaphore, #tpu.memory_space<semaphore_mem>>) src(%dma_wait3A_220 : memref<128x128xf32, #tpu.memory_space<vmem_shared>>) dst(%dma_wait3A_218 : memref<128x128xf32, #tpu.memory_space<hbm>>)
        tpu.yield
      }) : () -> ()
    } else {
    }
    %eq3A_172 = arith.constant 78 : i32
    %eq3A_173 = arith.cmpi eq, %add3A_166, %eq3A_172 : i32
    %convert_element_type3A_174 = arith.extui %eq3A_173 : i1 to i32
    %cond3A_175 = arith.constant 0 : i32
    %cond3A_176 = arith.cmpi ne, %convert_element_type3A_174, %cond3A_175 : i32
    scf.if %cond3A_176 {
      %mul3A_201 = arith.constant 128 : i32
      %mul3A_202 = arith.muli %add3A_166, %mul3A_201 : i32
      %mul3A_203 = arith.constant 128 : i32
      %mul3A_204 = arith.muli %add3A_166, %mul3A_203 : i32
      "tpu.region"() ({
        %run_scoped3A = tpu.sem_alloc : memref<!tpu.dma_semaphore, #tpu.memory_space<semaphore_mem>>
        %dma_start3A_205 = arith.constant 0 : i32
        %dma_start3A_206 = arith.constant 0 : i32
        %dma_start3A_207 = tpu.memref_slice %arg4[%arg0, %dma_start3A_205, %dma_start3A_206] : memref<2x10000x128xf32, #tpu.memory_space<hbm>> -> memref<1x10000x128xf32, #tpu.memory_space<hbm>>
        %dma_start3A_208 = tpu.memref_squeeze %dma_start3A_207 : memref<1x10000x128xf32, #tpu.memory_space<hbm>> -> memref<10000x128xf32, #tpu.memory_space<hbm>>
        %dma_start3A_209 = arith.constant 0 : i32
        %dma_start3A_210 = tpu.memref_slice %dma_start3A_208[%mul3A_204, %dma_start3A_209] : memref<10000x128xf32, #tpu.memory_space<hbm>> -> memref<16x128xf32, #tpu.memory_space<hbm>>
        %dma_start3A_211 = arith.constant 0 : i32
        %dma_start3A_212 = tpu.memref_slice %arg5[%mul3A_202, %dma_start3A_211] : memref<10000x128xf32, #tpu.memory_space<vmem_shared>> -> memref<16x128xf32, #tpu.memory_space<vmem_shared>>
        tpu.enqueue_dma source(%dma_start3A_212 : memref<16x128xf32, #tpu.memory_space<vmem_shared>>) target(%dma_start3A_210 : memref<16x128xf32, #tpu.memory_space<hbm>>) target_semaphore(%run_scoped3A : memref<!tpu.dma_semaphore, #tpu.memory_space<semaphore_mem>>)
        %dma_wait3A_213 = arith.constant 0 : i32
        %dma_wait3A_214 = arith.constant 0 : i32
        %dma_wait3A_215 = tpu.memref_slice %arg4[%arg0, %dma_wait3A_213, %dma_wait3A_214] : memref<2x10000x128xf32, #tpu.memory_space<hbm>> -> memref<1x10000x128xf32, #tpu.memory_space<hbm>>
        %dma_wait3A_216 = tpu.memref_squeeze %dma_wait3A_215 : memref<1x10000x128xf32, #tpu.memory_space<hbm>> -> memref<10000x128xf32, #tpu.memory_space<hbm>>
        %dma_wait3A_217 = arith.constant 0 : i32
        %dma_wait3A_218 = tpu.memref_slice %dma_wait3A_216[%mul3A_204, %dma_wait3A_217] : memref<10000x128xf32, #tpu.memory_space<hbm>> -> memref<16x128xf32, #tpu.memory_space<hbm>>
        %dma_wait3A_219 = arith.constant 0 : i32
        %dma_wait3A_220 = tpu.memref_slice %arg5[%mul3A_202, %dma_wait3A_219] : memref<10000x128xf32, #tpu.memory_space<vmem_shared>> -> memref<16x128xf32, #tpu.memory_space<vmem_shared>>
        tpu.wait_dma2 semaphore(%run_scoped3A : memref<!tpu.dma_semaphore, #tpu.memory_space<semaphore_mem>>) src(%dma_wait3A_220 : memref<16x128xf32, #tpu.memory_space<vmem_shared>>) dst(%dma_wait3A_218 : memref<16x128xf32, #tpu.memory_space<hbm>>)
        tpu.yield
      }) : () -> ()
    } else {
    }
    %add3A_177 = arith.constant 48 : i32
    %add3A_178 = arith.addi %arg1, %add3A_177 : i32
    %lt3A_179 = arith.constant 78 : i32
    %lt3A_180 = arith.cmpi slt, %add3A_178, %lt3A_179 : i32
    %convert_element_type3A_181 = arith.extui %lt3A_180 : i1 to i32
    %cond3A_182 = arith.constant 0 : i32
    %cond3A_183 = arith.cmpi ne, %convert_element_type3A_181, %cond3A_182 : i32
    scf.if %cond3A_183 {
      %mul3A_201 = arith.constant 128 : i32
      %mul3A_202 = arith.muli %add3A_178, %mul3A_201 : i32
      %mul3A_203 = arith.constant 128 : i32
      %mul3A_204 = arith.muli %add3A_178, %mul3A_203 : i32
      "tpu.region"() ({
        %run_scoped3A = tpu.sem_alloc : memref<!tpu.dma_semaphore, #tpu.memory_space<semaphore_mem>>
        %dma_start3A_205 = arith.constant 0 : i32
        %dma_start3A_206 = arith.constant 0 : i32
        %dma_start3A_207 = tpu.memref_slice %arg4[%arg0, %dma_start3A_205, %dma_start3A_206] : memref<2x10000x128xf32, #tpu.memory_space<hbm>> -> memref<1x10000x128xf32, #tpu.memory_space<hbm>>
        %dma_start3A_208 = tpu.memref_squeeze %dma_start3A_207 : memref<1x10000x128xf32, #tpu.memory_space<hbm>> -> memref<10000x128xf32, #tpu.memory_space<hbm>>
        %dma_start3A_209 = arith.constant 0 : i32
        %dma_start3A_210 = tpu.memref_slice %dma_start3A_208[%mul3A_204, %dma_start3A_209] : memref<10000x128xf32, #tpu.memory_space<hbm>> -> memref<128x128xf32, #tpu.memory_space<hbm>>
        %dma_start3A_211 = arith.constant 0 : i32
        %dma_start3A_212 = tpu.memref_slice %arg5[%mul3A_202, %dma_start3A_211] : memref<10000x128xf32, #tpu.memory_space<vmem_shared>> -> memref<128x128xf32, #tpu.memory_space<vmem_shared>>
        tpu.enqueue_dma source(%dma_start3A_212 : memref<128x128xf32, #tpu.memory_space<vmem_shared>>) target(%dma_start3A_210 : memref<128x128xf32, #tpu.memory_space<hbm>>) target_semaphore(%run_scoped3A : memref<!tpu.dma_semaphore, #tpu.memory_space<semaphore_mem>>)
        %dma_wait3A_213 = arith.constant 0 : i32
        %dma_wait3A_214 = arith.constant 0 : i32
        %dma_wait3A_215 = tpu.memref_slice %arg4[%arg0, %dma_wait3A_213, %dma_wait3A_214] : memref<2x10000x128xf32, #tpu.memory_space<hbm>> -> memref<1x10000x128xf32, #tpu.memory_space<hbm>>
        %dma_wait3A_216 = tpu.memref_squeeze %dma_wait3A_215 : memref<1x10000x128xf32, #tpu.memory_space<hbm>> -> memref<10000x128xf32, #tpu.memory_space<hbm>>
        %dma_wait3A_217 = arith.constant 0 : i32
        %dma_wait3A_218 = tpu.memref_slice %dma_wait3A_216[%mul3A_204, %dma_wait3A_217] : memref<10000x128xf32, #tpu.memory_space<hbm>> -> memref<128x128xf32, #tpu.memory_space<hbm>>
        %dma_wait3A_219 = arith.constant 0 : i32
        %dma_wait3A_220 = tpu.memref_slice %arg5[%mul3A_202, %dma_wait3A_219] : memref<10000x128xf32, #tpu.memory_space<vmem_shared>> -> memref<128x128xf32, #tpu.memory_space<vmem_shared>>
        tpu.wait_dma2 semaphore(%run_scoped3A : memref<!tpu.dma_semaphore, #tpu.memory_space<semaphore_mem>>) src(%dma_wait3A_220 : memref<128x128xf32, #tpu.memory_space<vmem_shared>>) dst(%dma_wait3A_218 : memref<128x128xf32, #tpu.memory_space<hbm>>)
        tpu.yield
      }) : () -> ()
    } else {
    }
    %eq3A_184 = arith.constant 78 : i32
    %eq3A_185 = arith.cmpi eq, %add3A_178, %eq3A_184 : i32
    %convert_element_type3A_186 = arith.extui %eq3A_185 : i1 to i32
    %cond3A_187 = arith.constant 0 : i32
    %cond3A_188 = arith.cmpi ne, %convert_element_type3A_186, %cond3A_187 : i32
    scf.if %cond3A_188 {
      %mul3A_201 = arith.constant 128 : i32
      %mul3A_202 = arith.muli %add3A_178, %mul3A_201 : i32
      %mul3A_203 = arith.constant 128 : i32
      %mul3A_204 = arith.muli %add3A_178, %mul3A_203 : i32
      "tpu.region"() ({
        %run_scoped3A = tpu.sem_alloc : memref<!tpu.dma_semaphore, #tpu.memory_space<semaphore_mem>>
        %dma_start3A_205 = arith.constant 0 : i32
        %dma_start3A_206 = arith.constant 0 : i32
        %dma_start3A_207 = tpu.memref_slice %arg4[%arg0, %dma_start3A_205, %dma_start3A_206] : memref<2x10000x128xf32, #tpu.memory_space<hbm>> -> memref<1x10000x128xf32, #tpu.memory_space<hbm>>
        %dma_start3A_208 = tpu.memref_squeeze %dma_start3A_207 : memref<1x10000x128xf32, #tpu.memory_space<hbm>> -> memref<10000x128xf32, #tpu.memory_space<hbm>>
        %dma_start3A_209 = arith.constant 0 : i32
        %dma_start3A_210 = tpu.memref_slice %dma_start3A_208[%mul3A_204, %dma_start3A_209] : memref<10000x128xf32, #tpu.memory_space<hbm>> -> memref<16x128xf32, #tpu.memory_space<hbm>>
        %dma_start3A_211 = arith.constant 0 : i32
        %dma_start3A_212 = tpu.memref_slice %arg5[%mul3A_202, %dma_start3A_211] : memref<10000x128xf32, #tpu.memory_space<vmem_shared>> -> memref<16x128xf32, #tpu.memory_space<vmem_shared>>
        tpu.enqueue_dma source(%dma_start3A_212 : memref<16x128xf32, #tpu.memory_space<vmem_shared>>) target(%dma_start3A_210 : memref<16x128xf32, #tpu.memory_space<hbm>>) target_semaphore(%run_scoped3A : memref<!tpu.dma_semaphore, #tpu.memory_space<semaphore_mem>>)
        %dma_wait3A_213 = arith.constant 0 : i32
        %dma_wait3A_214 = arith.constant 0 : i32
        %dma_wait3A_215 = tpu.memref_slice %arg4[%arg0, %dma_wait3A_213, %dma_wait3A_214] : memref<2x10000x128xf32, #tpu.memory_space<hbm>> -> memref<1x10000x128xf32, #tpu.memory_space<hbm>>
        %dma_wait3A_216 = tpu.memref_squeeze %dma_wait3A_215 : memref<1x10000x128xf32, #tpu.memory_space<hbm>> -> memref<10000x128xf32, #tpu.memory_space<hbm>>
        %dma_wait3A_217 = arith.constant 0 : i32
        %dma_wait3A_218 = tpu.memref_slice %dma_wait3A_216[%mul3A_204, %dma_wait3A_217] : memref<10000x128xf32, #tpu.memory_space<hbm>> -> memref<16x128xf32, #tpu.memory_space<hbm>>
        %dma_wait3A_219 = arith.constant 0 : i32
        %dma_wait3A_220 = tpu.memref_slice %arg5[%mul3A_202, %dma_wait3A_219] : memref<10000x128xf32, #tpu.memory_space<vmem_shared>> -> memref<16x128xf32, #tpu.memory_space<vmem_shared>>
        tpu.wait_dma2 semaphore(%run_scoped3A : memref<!tpu.dma_semaphore, #tpu.memory_space<semaphore_mem>>) src(%dma_wait3A_220 : memref<16x128xf32, #tpu.memory_space<vmem_shared>>) dst(%dma_wait3A_218 : memref<16x128xf32, #tpu.memory_space<hbm>>)
        tpu.yield
      }) : () -> ()
    } else {
    }
    %add3A_189 = arith.constant 64 : i32
    %add3A_190 = arith.addi %arg1, %add3A_189 : i32
    %lt3A_191 = arith.constant 78 : i32
    %lt3A_192 = arith.cmpi slt, %add3A_190, %lt3A_191 : i32
    %convert_element_type3A_193 = arith.extui %lt3A_192 : i1 to i32
    %cond3A_194 = arith.constant 0 : i32
    %cond3A_195 = arith.cmpi ne, %convert_element_type3A_193, %cond3A_194 : i32
    scf.if %cond3A_195 {
      %mul3A_201 = arith.constant 128 : i32
      %mul3A_202 = arith.muli %add3A_190, %mul3A_201 : i32
      %mul3A_203 = arith.constant 128 : i32
      %mul3A_204 = arith.muli %add3A_190, %mul3A_203 : i32
      "tpu.region"() ({
        %run_scoped3A = tpu.sem_alloc : memref<!tpu.dma_semaphore, #tpu.memory_space<semaphore_mem>>
        %dma_start3A_205 = arith.constant 0 : i32
        %dma_start3A_206 = arith.constant 0 : i32
        %dma_start3A_207 = tpu.memref_slice %arg4[%arg0, %dma_start3A_205, %dma_start3A_206] : memref<2x10000x128xf32, #tpu.memory_space<hbm>> -> memref<1x10000x128xf32, #tpu.memory_space<hbm>>
        %dma_start3A_208 = tpu.memref_squeeze %dma_start3A_207 : memref<1x10000x128xf32, #tpu.memory_space<hbm>> -> memref<10000x128xf32, #tpu.memory_space<hbm>>
        %dma_start3A_209 = arith.constant 0 : i32
        %dma_start3A_210 = tpu.memref_slice %dma_start3A_208[%mul3A_204, %dma_start3A_209] : memref<10000x128xf32, #tpu.memory_space<hbm>> -> memref<128x128xf32, #tpu.memory_space<hbm>>
        %dma_start3A_211 = arith.constant 0 : i32
        %dma_start3A_212 = tpu.memref_slice %arg5[%mul3A_202, %dma_start3A_211] : memref<10000x128xf32, #tpu.memory_space<vmem_shared>> -> memref<128x128xf32, #tpu.memory_space<vmem_shared>>
        tpu.enqueue_dma source(%dma_start3A_212 : memref<128x128xf32, #tpu.memory_space<vmem_shared>>) target(%dma_start3A_210 : memref<128x128xf32, #tpu.memory_space<hbm>>) target_semaphore(%run_scoped3A : memref<!tpu.dma_semaphore, #tpu.memory_space<semaphore_mem>>)
        %dma_wait3A_213 = arith.constant 0 : i32
        %dma_wait3A_214 = arith.constant 0 : i32
        %dma_wait3A_215 = tpu.memref_slice %arg4[%arg0, %dma_wait3A_213, %dma_wait3A_214] : memref<2x10000x128xf32, #tpu.memory_space<hbm>> -> memref<1x10000x128xf32, #tpu.memory_space<hbm>>
        %dma_wait3A_216 = tpu.memref_squeeze %dma_wait3A_215 : memref<1x10000x128xf32, #tpu.memory_space<hbm>> -> memref<10000x128xf32, #tpu.memory_space<hbm>>
        %dma_wait3A_217 = arith.constant 0 : i32
        %dma_wait3A_218 = tpu.memref_slice %dma_wait3A_216[%mul3A_204, %dma_wait3A_217] : memref<10000x128xf32, #tpu.memory_space<hbm>> -> memref<128x128xf32, #tpu.memory_space<hbm>>
        %dma_wait3A_219 = arith.constant 0 : i32
        %dma_wait3A_220 = tpu.memref_slice %arg5[%mul3A_202, %dma_wait3A_219] : memref<10000x128xf32, #tpu.memory_space<vmem_shared>> -> memref<128x128xf32, #tpu.memory_space<vmem_shared>>
        tpu.wait_dma2 semaphore(%run_scoped3A : memref<!tpu.dma_semaphore, #tpu.memory_space<semaphore_mem>>) src(%dma_wait3A_220 : memref<128x128xf32, #tpu.memory_space<vmem_shared>>) dst(%dma_wait3A_218 : memref<128x128xf32, #tpu.memory_space<hbm>>)
        tpu.yield
      }) : () -> ()
    } else {
    }
    %eq3A_196 = arith.constant 78 : i32
    %eq3A_197 = arith.cmpi eq, %add3A_190, %eq3A_196 : i32
    %convert_element_type3A_198 = arith.extui %eq3A_197 : i1 to i32
    %cond3A_199 = arith.constant 0 : i32
    %cond3A_200 = arith.cmpi ne, %convert_element_type3A_198, %cond3A_199 : i32
    scf.if %cond3A_200 {
      %mul3A_201 = arith.constant 128 : i32
      %mul3A_202 = arith.muli %add3A_190, %mul3A_201 : i32
      %mul3A_203 = arith.constant 128 : i32
      %mul3A_204 = arith.muli %add3A_190, %mul3A_203 : i32
      "tpu.region"() ({
        %run_scoped3A = tpu.sem_alloc : memref<!tpu.dma_semaphore, #tpu.memory_space<semaphore_mem>>
        %dma_start3A_205 = arith.constant 0 : i32
        %dma_start3A_206 = arith.constant 0 : i32
        %dma_start3A_207 = tpu.memref_slice %arg4[%arg0, %dma_start3A_205, %dma_start3A_206] : memref<2x10000x128xf32, #tpu.memory_space<hbm>> -> memref<1x10000x128xf32, #tpu.memory_space<hbm>>
        %dma_start3A_208 = tpu.memref_squeeze %dma_start3A_207 : memref<1x10000x128xf32, #tpu.memory_space<hbm>> -> memref<10000x128xf32, #tpu.memory_space<hbm>>
        %dma_start3A_209 = arith.constant 0 : i32
        %dma_start3A_210 = tpu.memref_slice %dma_start3A_208[%mul3A_204, %dma_start3A_209] : memref<10000x128xf32, #tpu.memory_space<hbm>> -> memref<16x128xf32, #tpu.memory_space<hbm>>
        %dma_start3A_211 = arith.constant 0 : i32
        %dma_start3A_212 = tpu.memref_slice %arg5[%mul3A_202, %dma_start3A_211] : memref<10000x128xf32, #tpu.memory_space<vmem_shared>> -> memref<16x128xf32, #tpu.memory_space<vmem_shared>>
        tpu.enqueue_dma source(%dma_start3A_212 : memref<16x128xf32, #tpu.memory_space<vmem_shared>>) target(%dma_start3A_210 : memref<16x128xf32, #tpu.memory_space<hbm>>) target_semaphore(%run_scoped3A : memref<!tpu.dma_semaphore, #tpu.memory_space<semaphore_mem>>)
        %dma_wait3A_213 = arith.constant 0 : i32
        %dma_wait3A_214 = arith.constant 0 : i32
        %dma_wait3A_215 = tpu.memref_slice %arg4[%arg0, %dma_wait3A_213, %dma_wait3A_214] : memref<2x10000x128xf32, #tpu.memory_space<hbm>> -> memref<1x10000x128xf32, #tpu.memory_space<hbm>>
        %dma_wait3A_216 = tpu.memref_squeeze %dma_wait3A_215 : memref<1x10000x128xf32, #tpu.memory_space<hbm>> -> memref<10000x128xf32, #tpu.memory_space<hbm>>
        %dma_wait3A_217 = arith.constant 0 : i32
        %dma_wait3A_218 = tpu.memref_slice %dma_wait3A_216[%mul3A_204, %dma_wait3A_217] : memref<10000x128xf32, #tpu.memory_space<hbm>> -> memref<16x128xf32, #tpu.memory_space<hbm>>
        %dma_wait3A_219 = arith.constant 0 : i32
        %dma_wait3A_220 = tpu.memref_slice %arg5[%mul3A_202, %dma_wait3A_219] : memref<10000x128xf32, #tpu.memory_space<vmem_shared>> -> memref<16x128xf32, #tpu.memory_space<vmem_shared>>
        tpu.wait_dma2 semaphore(%run_scoped3A : memref<!tpu.dma_semaphore, #tpu.memory_space<semaphore_mem>>) src(%dma_wait3A_220 : memref<16x128xf32, #tpu.memory_space<vmem_shared>>) dst(%dma_wait3A_218 : memref<16x128xf32, #tpu.memory_space<hbm>>)
        tpu.yield
      }) : () -> ()
    } else {
    }
    return
  }
}

#map = affine_map<(d0, d1) -> (0, 0)>
#map1 = affine_map<(d0, d1) -> (0, 0, 0)>
module attributes {stable_mosaic.version = 14 : i64} {
  func.func @_sc_deg(%arg0: i32, %arg1: i32, %arg2: memref<2560x128xi32, #tpu.memory_space<hbm>>, %arg3: memref<2x10240x16xf32, #tpu.memory_space<hbm>>, %arg4: memref<10240x16xf32, #tpu.memory_space<vmem_shared>>, %arg5: memref<80x128xi32, #tpu.memory_space<vmem>>, %arg6: memref<128x16xf32, #tpu.memory_space<vmem>>, %arg7: memref<!tpu.dma_semaphore, #tpu.memory_space<semaphore_mem>>, %arg8: memref<!tpu.dma_semaphore, #tpu.memory_space<semaphore_mem>>, %arg9: memref<!tpu.dma_semaphore, #tpu.memory_space<semaphore_mem>>, %arg10: memref<!tpu.dma_semaphore, #tpu.memory_space<semaphore_mem>>) attributes {dimension_semantics = [#tpu.dimension_semantics<core_parallel>, #tpu.dimension_semantics<subcore_parallel>], iteration_bounds = array<i64: 2, 16>, scalar_prefetch = 0 : i64, scratch_operands = 7 : i64, tpu.core_type = #tpu.core_type<sc_vector_subcore>, window_params = [{transform_indices = #map}, {transform_indices = #map1}]} {
    %mul3A = arith.constant 16 : i32
    %mul3A_0 = arith.muli %arg0, %mul3A : i32
    %add3A = arith.addi %mul3A_0, %arg1 : i32
    %scan3A = arith.constant 0 : i32
    %scan3A_1 = arith.constant 128 : i32
    %scan3A_2 = arith.addi %scan3A, %scan3A_1 : i32
    %scan3A_3 = arith.constant 1 : i32
    scf.for %scan3A_69 = %scan3A to %scan3A_2 step %scan3A_3  : i32 {
      %mul3A_70 = arith.constant 1 : i32
      %mul3A_71 = arith.muli %scan3A_69, %mul3A_70 : i32
      %add3A_72 = arith.constant 0 : i32
      %add3A_73 = arith.addi %add3A_72, %mul3A_71 : i32
      %scan3A_74 = arith.constant 0 : i32
      %mul3A_75 = arith.constant 16 : i32
      %mul3A_76 = arith.muli %scan3A_74, %mul3A_75 : i32
      %add3A_77 = arith.constant 0 : i32
      %add3A_78 = arith.addi %add3A_77, %mul3A_76 : i32
      %broadcast_in_dim3A = arith.constant 0.000000e+00 : f32
      %broadcast_in_dim3A_79 = vector.broadcast %broadcast_in_dim3A : f32 to vector<16xf32>
      %swap3A = arith.index_cast %add3A_73 : i32 to index
      %swap3A_80 = arith.index_cast %add3A_78 : i32 to index
      %swap3A_81 = tpu.vector_load %arg6[%swap3A, %swap3A_80] {strides = array<i32>} : memref<128x16xf32, #tpu.memory_space<vmem>>, vector<1x16xf32>,
      %swap3A_82 = vector.shape_cast %swap3A_81 : vector<1x16xf32> to vector<16xf32>
      %swap3A_83 = vector.shape_cast %broadcast_in_dim3A_79 : vector<16xf32> to vector<1x16xf32>
      tpu.vector_store %arg6[%swap3A, %swap3A_80], %swap3A_83 {strides = array<i32>} : memref<128x16xf32, #tpu.memory_space<vmem>>, vector<1x16xf32>,
      %scan3A_84 = arith.constant 1 : i32
    }
    %scan3A_4 = arith.constant 128 : i32
    %mul3A_5 = arith.constant 640 : i32
    %mul3A_6 = arith.muli %arg1, %mul3A_5 : i32
    %add3A_7 = arith.constant 0 : i32
    %add3A_8 = arith.addi %mul3A_6, %add3A_7 : i32
    "tpu.region"() ({
      %run_scoped3A = tpu.sem_alloc : memref<!tpu.dma_semaphore, #tpu.memory_space<semaphore_mem>>
      %dma_start3A = arith.constant 0 : i32
      %dma_start3A_69 = tpu.memref_slice %arg4[%add3A_8, %dma_start3A] : memref<10240x16xf32, #tpu.memory_space<vmem_shared>> -> memref<128x16xf32, #tpu.memory_space<vmem_shared>>
      %dma_start3A_70 = arith.constant 0 : i32
      %dma_start3A_71 = tpu.memref_slice %arg4[%add3A_8, %dma_start3A_70] : memref<10240x16xf32, #tpu.memory_space<vmem_shared>> -> memref<128x16xf32, #tpu.memory_space<vmem_shared>>
      tpu.enqueue_dma source(%arg6 : memref<128x16xf32, #tpu.memory_space<vmem>>) target(%dma_start3A_71 : memref<128x16xf32, #tpu.memory_space<vmem_shared>>) target_semaphore(%run_scoped3A : memref<!tpu.dma_semaphore, #tpu.memory_space<semaphore_mem>>)
      %dma_wait3A_72 = arith.constant 0 : i32
      %dma_wait3A_73 = tpu.memref_slice %arg4[%add3A_8, %dma_wait3A_72] : memref<10240x16xf32, #tpu.memory_space<vmem_shared>> -> memref<128x16xf32, #tpu.memory_space<vmem_shared>>
      %dma_wait3A_74 = arith.constant 0 : i32
      %dma_wait3A_75 = tpu.memref_slice %arg4[%add3A_8, %dma_wait3A_74] : memref<10240x16xf32, #tpu.memory_space<vmem_shared>> -> memref<128x16xf32, #tpu.memory_space<vmem_shared>>
      tpu.wait_dma2 semaphore(%run_scoped3A : memref<!tpu.dma_semaphore, #tpu.memory_space<semaphore_mem>>) src(%arg6 : memref<128x16xf32, #tpu.memory_space<vmem>>) dst(%dma_wait3A_75 : memref<128x16xf32, #tpu.memory_space<vmem_shared>>)
      tpu.yield
    }) : () -> ()
    %mul3A_9 = arith.constant 640 : i32
    %mul3A_10 = arith.muli %arg1, %mul3A_9 : i32
    %add3A_11 = arith.constant 128 : i32
    %add3A_12 = arith.addi %mul3A_10, %add3A_11 : i32
    "tpu.region"() ({
      %run_scoped3A = tpu.sem_alloc : memref<!tpu.dma_semaphore, #tpu.memory_space<semaphore_mem>>
      %dma_start3A = arith.constant 0 : i32
      %dma_start3A_69 = tpu.memref_slice %arg4[%add3A_12, %dma_start3A] : memref<10240x16xf32, #tpu.memory_space<vmem_shared>> -> memref<128x16xf32, #tpu.memory_space<vmem_shared>>
      %dma_start3A_70 = arith.constant 0 : i32
      %dma_start3A_71 = tpu.memref_slice %arg4[%add3A_12, %dma_start3A_70] : memref<10240x16xf32, #tpu.memory_space<vmem_shared>> -> memref<128x16xf32, #tpu.memory_space<vmem_shared>>
      tpu.enqueue_dma source(%arg6 : memref<128x16xf32, #tpu.memory_space<vmem>>) target(%dma_start3A_71 : memref<128x16xf32, #tpu.memory_space<vmem_shared>>) target_semaphore(%run_scoped3A : memref<!tpu.dma_semaphore, #tpu.memory_space<semaphore_mem>>)
      %dma_wait3A_72 = arith.constant 0 : i32
      %dma_wait3A_73 = tpu.memref_slice %arg4[%add3A_12, %dma_wait3A_72] : memref<10240x16xf32, #tpu.memory_space<vmem_shared>> -> memref<128x16xf32, #tpu.memory_space<vmem_shared>>
      %dma_wait3A_74 = arith.constant 0 : i32
      %dma_wait3A_75 = tpu.memref_slice %arg4[%add3A_12, %dma_wait3A_74] : memref<10240x16xf32, #tpu.memory_space<vmem_shared>> -> memref<128x16xf32, #tpu.memory_space<vmem_shared>>
      tpu.wait_dma2 semaphore(%run_scoped3A : memref<!tpu.dma_semaphore, #tpu.memory_space<semaphore_mem>>) src(%arg6 : memref<128x16xf32, #tpu.memory_space<vmem>>) dst(%dma_wait3A_75 : memref<128x16xf32, #tpu.memory_space<vmem_shared>>)
      tpu.yield
    }) : () -> ()
    %mul3A_13 = arith.constant 640 : i32
    %mul3A_14 = arith.muli %arg1, %mul3A_13 : i32
    %add3A_15 = arith.constant 256 : i32
    %add3A_16 = arith.addi %mul3A_14, %add3A_15 : i32
    "tpu.region"() ({
      %run_scoped3A = tpu.sem_alloc : memref<!tpu.dma_semaphore, #tpu.memory_space<semaphore_mem>>
      %dma_start3A = arith.constant 0 : i32
      %dma_start3A_69 = tpu.memref_slice %arg4[%add3A_16, %dma_start3A] : memref<10240x16xf32, #tpu.memory_space<vmem_shared>> -> memref<128x16xf32, #tpu.memory_space<vmem_shared>>
      %dma_start3A_70 = arith.constant 0 : i32
      %dma_start3A_71 = tpu.memref_slice %arg4[%add3A_16, %dma_start3A_70] : memref<10240x16xf32, #tpu.memory_space<vmem_shared>> -> memref<128x16xf32, #tpu.memory_space<vmem_shared>>
      tpu.enqueue_dma source(%arg6 : memref<128x16xf32, #tpu.memory_space<vmem>>) target(%dma_start3A_71 : memref<128x16xf32, #tpu.memory_space<vmem_shared>>) target_semaphore(%run_scoped3A : memref<!tpu.dma_semaphore, #tpu.memory_space<semaphore_mem>>)
      %dma_wait3A_72 = arith.constant 0 : i32
      %dma_wait3A_73 = tpu.memref_slice %arg4[%add3A_16, %dma_wait3A_72] : memref<10240x16xf32, #tpu.memory_space<vmem_shared>> -> memref<128x16xf32, #tpu.memory_space<vmem_shared>>
      %dma_wait3A_74 = arith.constant 0 : i32
      %dma_wait3A_75 = tpu.memref_slice %arg4[%add3A_16, %dma_wait3A_74] : memref<10240x16xf32, #tpu.memory_space<vmem_shared>> -> memref<128x16xf32, #tpu.memory_space<vmem_shared>>
      tpu.wait_dma2 semaphore(%run_scoped3A : memref<!tpu.dma_semaphore, #tpu.memory_space<semaphore_mem>>) src(%arg6 : memref<128x16xf32, #tpu.memory_space<vmem>>) dst(%dma_wait3A_75 : memref<128x16xf32, #tpu.memory_space<vmem_shared>>)
      tpu.yield
    }) : () -> ()
    %mul3A_17 = arith.constant 640 : i32
    %mul3A_18 = arith.muli %arg1, %mul3A_17 : i32
    %add3A_19 = arith.constant 384 : i32
    %add3A_20 = arith.addi %mul3A_18, %add3A_19 : i32
    "tpu.region"() ({
      %run_scoped3A = tpu.sem_alloc : memref<!tpu.dma_semaphore, #tpu.memory_space<semaphore_mem>>
      %dma_start3A = arith.constant 0 : i32
      %dma_start3A_69 = tpu.memref_slice %arg4[%add3A_20, %dma_start3A] : memref<10240x16xf32, #tpu.memory_space<vmem_shared>> -> memref<128x16xf32, #tpu.memory_space<vmem_shared>>
      %dma_start3A_70 = arith.constant 0 : i32
      %dma_start3A_71 = tpu.memref_slice %arg4[%add3A_20, %dma_start3A_70] : memref<10240x16xf32, #tpu.memory_space<vmem_shared>> -> memref<128x16xf32, #tpu.memory_space<vmem_shared>>
      tpu.enqueue_dma source(%arg6 : memref<128x16xf32, #tpu.memory_space<vmem>>) target(%dma_start3A_71 : memref<128x16xf32, #tpu.memory_space<vmem_shared>>) target_semaphore(%run_scoped3A : memref<!tpu.dma_semaphore, #tpu.memory_space<semaphore_mem>>)
      %dma_wait3A_72 = arith.constant 0 : i32
      %dma_wait3A_73 = tpu.memref_slice %arg4[%add3A_20, %dma_wait3A_72] : memref<10240x16xf32, #tpu.memory_space<vmem_shared>> -> memref<128x16xf32, #tpu.memory_space<vmem_shared>>
      %dma_wait3A_74 = arith.constant 0 : i32
      %dma_wait3A_75 = tpu.memref_slice %arg4[%add3A_20, %dma_wait3A_74] : memref<10240x16xf32, #tpu.memory_space<vmem_shared>> -> memref<128x16xf32, #tpu.memory_space<vmem_shared>>
      tpu.wait_dma2 semaphore(%run_scoped3A : memref<!tpu.dma_semaphore, #tpu.memory_space<semaphore_mem>>) src(%arg6 : memref<128x16xf32, #tpu.memory_space<vmem>>) dst(%dma_wait3A_75 : memref<128x16xf32, #tpu.memory_space<vmem_shared>>)
      tpu.yield
    }) : () -> ()
    %mul3A_21 = arith.constant 640 : i32
    %mul3A_22 = arith.muli %arg1, %mul3A_21 : i32
    %add3A_23 = arith.constant 512 : i32
    %add3A_24 = arith.addi %mul3A_22, %add3A_23 : i32
    "tpu.region"() ({
      %run_scoped3A = tpu.sem_alloc : memref<!tpu.dma_semaphore, #tpu.memory_space<semaphore_mem>>
      %dma_start3A = arith.constant 0 : i32
      %dma_start3A_69 = tpu.memref_slice %arg4[%add3A_24, %dma_start3A] : memref<10240x16xf32, #tpu.memory_space<vmem_shared>> -> memref<128x16xf32, #tpu.memory_space<vmem_shared>>
      %dma_start3A_70 = arith.constant 0 : i32
      %dma_start3A_71 = tpu.memref_slice %arg4[%add3A_24, %dma_start3A_70] : memref<10240x16xf32, #tpu.memory_space<vmem_shared>> -> memref<128x16xf32, #tpu.memory_space<vmem_shared>>
      tpu.enqueue_dma source(%arg6 : memref<128x16xf32, #tpu.memory_space<vmem>>) target(%dma_start3A_71 : memref<128x16xf32, #tpu.memory_space<vmem_shared>>) target_semaphore(%run_scoped3A : memref<!tpu.dma_semaphore, #tpu.memory_space<semaphore_mem>>)
      %dma_wait3A_72 = arith.constant 0 : i32
      %dma_wait3A_73 = tpu.memref_slice %arg4[%add3A_24, %dma_wait3A_72] : memref<10240x16xf32, #tpu.memory_space<vmem_shared>> -> memref<128x16xf32, #tpu.memory_space<vmem_shared>>
      %dma_wait3A_74 = arith.constant 0 : i32
      %dma_wait3A_75 = tpu.memref_slice %arg4[%add3A_24, %dma_wait3A_74] : memref<10240x16xf32, #tpu.memory_space<vmem_shared>> -> memref<128x16xf32, #tpu.memory_space<vmem_shared>>
      tpu.wait_dma2 semaphore(%run_scoped3A : memref<!tpu.dma_semaphore, #tpu.memory_space<semaphore_mem>>) src(%arg6 : memref<128x16xf32, #tpu.memory_space<vmem>>) dst(%dma_wait3A_75 : memref<128x16xf32, #tpu.memory_space<vmem_shared>>)
      tpu.yield
    }) : () -> ()
    %scan3A_25 = arith.constant 0 : i32
    %scan3A_26 = arith.constant 128 : i32
    %scan3A_27 = arith.addi %scan3A_25, %scan3A_26 : i32
    %scan3A_28 = arith.constant 1 : i32
    scf.for %scan3A_69 = %scan3A_25 to %scan3A_27 step %scan3A_28  : i32 {
      %mul3A_70 = arith.constant 1 : i32
      %mul3A_71 = arith.muli %scan3A_69, %mul3A_70 : i32
      %add3A_72 = arith.constant 0 : i32
      %add3A_73 = arith.addi %add3A_72, %mul3A_71 : i32
      %broadcast_in_dim3A = arith.constant 1.000000e+00 : f32
      %broadcast_in_dim3A_74 = vector.broadcast %broadcast_in_dim3A : f32 to vector<16xf32>
      %swap3A = arith.index_cast %add3A_73 : i32 to index
      %swap3A_75 = arith.constant 0 : index
      %swap3A_76 = tpu.vector_load %arg6[%swap3A, %swap3A_75] {strides = array<i32>} : memref<128x16xf32, #tpu.memory_space<vmem>>, vector<1x16xf32>,
      %swap3A_77 = vector.shape_cast %swap3A_76 : vector<1x16xf32> to vector<16xf32>
      %swap3A_78 = vector.shape_cast %broadcast_in_dim3A_74 : vector<16xf32> to vector<1x16xf32>
      tpu.vector_store %arg6[%swap3A, %swap3A_75], %swap3A_78 {strides = array<i32>} : memref<128x16xf32, #tpu.memory_space<vmem>>, vector<1x16xf32>,
    }
    %scan3A_29 = arith.constant 128 : i32
    %mul3A_30 = arith.constant 80 : i32
    %mul3A_31 = arith.muli %add3A, %mul3A_30 : i32
    "tpu.region"() ({
      %run_scoped3A = tpu.sem_alloc : memref<!tpu.dma_semaphore, #tpu.memory_space<semaphore_mem>>
      %dma_start3A = arith.constant 0 : i32
      %dma_start3A_69 = tpu.memref_slice %arg2[%mul3A_31, %dma_start3A] : memref<2560x128xi32, #tpu.memory_space<hbm>> -> memref<80x128xi32, #tpu.memory_space<hbm>>
      %dma_start3A_70 = arith.constant 0 : i32
      %dma_start3A_71 = tpu.memref_slice %arg2[%mul3A_31, %dma_start3A_70] : memref<2560x128xi32, #tpu.memory_space<hbm>> -> memref<80x128xi32, #tpu.memory_space<hbm>>
      tpu.enqueue_dma source(%dma_start3A_71 : memref<80x128xi32, #tpu.memory_space<hbm>>) target(%arg5 : memref<80x128xi32, #tpu.memory_space<vmem>>) target_semaphore(%run_scoped3A : memref<!tpu.dma_semaphore, #tpu.memory_space<semaphore_mem>>)
      %dma_wait3A_72 = arith.constant 0 : i32
      %dma_wait3A_73 = tpu.memref_slice %arg2[%mul3A_31, %dma_wait3A_72] : memref<2560x128xi32, #tpu.memory_space<hbm>> -> memref<80x128xi32, #tpu.memory_space<hbm>>
      %dma_wait3A_74 = arith.constant 0 : i32
      %dma_wait3A_75 = tpu.memref_slice %arg2[%mul3A_31, %dma_wait3A_74] : memref<2560x128xi32, #tpu.memory_space<hbm>> -> memref<80x128xi32, #tpu.memory_space<hbm>>
      tpu.wait_dma2 semaphore(%run_scoped3A : memref<!tpu.dma_semaphore, #tpu.memory_space<semaphore_mem>>) src(%dma_wait3A_75 : memref<80x128xi32, #tpu.memory_space<hbm>>) dst(%arg5 : memref<80x128xi32, #tpu.memory_space<vmem>>)
      tpu.yield
    }) : () -> ()
    %barrier3A = arith.constant 0 : index
    tpu.barrier barrier_id(%barrier3A)
    %scan3A_32 = arith.constant 0 : i32
    %scan3A_33 = arith.constant 20 : i32
    %scan3A_34 = arith.addi %scan3A_32, %scan3A_33 : i32
    %scan3A_35 = arith.constant 1 : i32
    scf.for %scan3A_69 = %scan3A_32 to %scan3A_34 step %scan3A_35  : i32 {
      %mul3A_70 = arith.constant 4 : i32
      %mul3A_71 = arith.muli %scan3A_69, %mul3A_70 : i32
      %add3A_72 = arith.constant 0 : i32
      %add3A_73 = arith.addi %add3A_72, %mul3A_71 : i32
      %add3A_74 = arith.constant 0 : i32
      %add3A_75 = arith.addi %add3A_73, %add3A_74 : i32
      %ge3A = arith.constant 4 : i32
      %ge3A_76 = arith.cmpi sge, %add3A_75, %ge3A : i32
      %convert_element_type3A = arith.extui %ge3A_76 : i1 to i32
      %cond3A = arith.constant 0 : i32
      %cond3A_77 = arith.cmpi ne, %convert_element_type3A, %cond3A : i32
      scf.if %cond3A_77 {
        %dma_wait3A_122 = arith.constant 0 : i32
        %dma_wait3A_123 = tpu.memref_slice %arg5[%add3A_75, %dma_wait3A_122] : memref<80x128xi32, #tpu.memory_space<vmem>> -> memref<1x128xi32, #tpu.memory_space<vmem>>
        %dma_wait3A_124 = tpu.memref_squeeze %dma_wait3A_123 : memref<1x128xi32, #tpu.memory_space<vmem>> -> memref<128xi32, #tpu.memory_space<vmem>>
        %dma_wait3A_125 = arith.constant 0 : i32
        %dma_wait3A_126 = arith.constant 0 : i32
        %dma_wait3A_127 = tpu.memref_slice %arg4[%dma_wait3A_125, %dma_wait3A_126] : memref<10240x16xf32, #tpu.memory_space<vmem_shared>> -> memref<10240x16xf32, #tpu.memory_space<vmem_shared>>
        tpu.wait_indirect_dma semaphore(%arg7 : memref<!tpu.dma_semaphore, #tpu.memory_space<semaphore_mem>>) src(%arg6 : memref<128x16xf32, #tpu.memory_space<vmem>>) dst(%dma_wait3A_127 : memref<10240x16xf32, #tpu.memory_space<vmem_shared>>)
      } else {
      }
      %dma_start3A = arith.constant 0 : i32
      %dma_start3A_78 = tpu.memref_slice %arg5[%add3A_75, %dma_start3A] : memref<80x128xi32, #tpu.memory_space<vmem>> -> memref<1x128xi32, #tpu.memory_space<vmem>>
      %dma_start3A_79 = tpu.memref_squeeze %dma_start3A_78 : memref<1x128xi32, #tpu.memory_space<vmem>> -> memref<128xi32, #tpu.memory_space<vmem>>
      %dma_start3A_80 = arith.constant 0 : i32
      %dma_start3A_81 = arith.constant 0 : i32
      %dma_start3A_82 = tpu.memref_slice %arg4[%dma_start3A_80, %dma_start3A_81] : memref<10240x16xf32, #tpu.memory_space<vmem_shared>> -> memref<10240x16xf32, #tpu.memory_space<vmem_shared>>
      tpu.enqueue_indirect_dma source(%arg6 : memref<128x16xf32, #tpu.memory_space<vmem>>) target(%dma_start3A_82 : memref<10240x16xf32, #tpu.memory_space<vmem_shared>>) offsets(%dma_start3A_79 : memref<128xi32, #tpu.memory_space<vmem>>) semaphore(%arg7 : memref<!tpu.dma_semaphore, #tpu.memory_space<semaphore_mem>>) {add = true}
      %add3A_83 = arith.constant 1 : i32
      %add3A_84 = arith.addi %add3A_73, %add3A_83 : i32
      %ge3A_85 = arith.constant 4 : i32
      %ge3A_86 = arith.cmpi sge, %add3A_84, %ge3A_85 : i32
      %convert_element_type3A_87 = arith.extui %ge3A_86 : i1 to i32
      %cond3A_88 = arith.constant 0 : i32
      %cond3A_89 = arith.cmpi ne, %convert_element_type3A_87, %cond3A_88 : i32
      scf.if %cond3A_89 {
        %dma_wait3A_122 = arith.constant 0 : i32
        %dma_wait3A_123 = tpu.memref_slice %arg5[%add3A_84, %dma_wait3A_122] : memref<80x128xi32, #tpu.memory_space<vmem>> -> memref<1x128xi32, #tpu.memory_space<vmem>>
        %dma_wait3A_124 = tpu.memref_squeeze %dma_wait3A_123 : memref<1x128xi32, #tpu.memory_space<vmem>> -> memref<128xi32, #tpu.memory_space<vmem>>
        %dma_wait3A_125 = arith.constant 0 : i32
        %dma_wait3A_126 = arith.constant 0 : i32
        %dma_wait3A_127 = tpu.memref_slice %arg4[%dma_wait3A_125, %dma_wait3A_126] : memref<10240x16xf32, #tpu.memory_space<vmem_shared>> -> memref<10240x16xf32, #tpu.memory_space<vmem_shared>>
        tpu.wait_indirect_dma semaphore(%arg8 : memref<!tpu.dma_semaphore, #tpu.memory_space<semaphore_mem>>) src(%arg6 : memref<128x16xf32, #tpu.memory_space<vmem>>) dst(%dma_wait3A_127 : memref<10240x16xf32, #tpu.memory_space<vmem_shared>>)
      } else {
      }
      %dma_start3A_90 = arith.constant 0 : i32
      %dma_start3A_91 = tpu.memref_slice %arg5[%add3A_84, %dma_start3A_90] : memref<80x128xi32, #tpu.memory_space<vmem>> -> memref<1x128xi32, #tpu.memory_space<vmem>>
      %dma_start3A_92 = tpu.memref_squeeze %dma_start3A_91 : memref<1x128xi32, #tpu.memory_space<vmem>> -> memref<128xi32, #tpu.memory_space<vmem>>
      %dma_start3A_93 = arith.constant 0 : i32
      %dma_start3A_94 = arith.constant 0 : i32
      %dma_start3A_95 = tpu.memref_slice %arg4[%dma_start3A_93, %dma_start3A_94] : memref<10240x16xf32, #tpu.memory_space<vmem_shared>> -> memref<10240x16xf32, #tpu.memory_space<vmem_shared>>
      tpu.enqueue_indirect_dma source(%arg6 : memref<128x16xf32, #tpu.memory_space<vmem>>) target(%dma_start3A_95 : memref<10240x16xf32, #tpu.memory_space<vmem_shared>>) offsets(%dma_start3A_92 : memref<128xi32, #tpu.memory_space<vmem>>) semaphore(%arg8 : memref<!tpu.dma_semaphore, #tpu.memory_space<semaphore_mem>>) {add = true}
      %add3A_96 = arith.constant 2 : i32
      %add3A_97 = arith.addi %add3A_73, %add3A_96 : i32
      %ge3A_98 = arith.constant 4 : i32
      %ge3A_99 = arith.cmpi sge, %add3A_97, %ge3A_98 : i32
      %convert_element_type3A_100 = arith.extui %ge3A_99 : i1 to i32
      %cond3A_101 = arith.constant 0 : i32
      %cond3A_102 = arith.cmpi ne, %convert_element_type3A_100, %cond3A_101 : i32
      scf.if %cond3A_102 {
        %dma_wait3A_122 = arith.constant 0 : i32
        %dma_wait3A_123 = tpu.memref_slice %arg5[%add3A_97, %dma_wait3A_122] : memref<80x128xi32, #tpu.memory_space<vmem>> -> memref<1x128xi32, #tpu.memory_space<vmem>>
        %dma_wait3A_124 = tpu.memref_squeeze %dma_wait3A_123 : memref<1x128xi32, #tpu.memory_space<vmem>> -> memref<128xi32, #tpu.memory_space<vmem>>
        %dma_wait3A_125 = arith.constant 0 : i32
        %dma_wait3A_126 = arith.constant 0 : i32
        %dma_wait3A_127 = tpu.memref_slice %arg4[%dma_wait3A_125, %dma_wait3A_126] : memref<10240x16xf32, #tpu.memory_space<vmem_shared>> -> memref<10240x16xf32, #tpu.memory_space<vmem_shared>>
        tpu.wait_indirect_dma semaphore(%arg9 : memref<!tpu.dma_semaphore, #tpu.memory_space<semaphore_mem>>) src(%arg6 : memref<128x16xf32, #tpu.memory_space<vmem>>) dst(%dma_wait3A_127 : memref<10240x16xf32, #tpu.memory_space<vmem_shared>>)
      } else {
      }
      %dma_start3A_103 = arith.constant 0 : i32
      %dma_start3A_104 = tpu.memref_slice %arg5[%add3A_97, %dma_start3A_103] : memref<80x128xi32, #tpu.memory_space<vmem>> -> memref<1x128xi32, #tpu.memory_space<vmem>>
      %dma_start3A_105 = tpu.memref_squeeze %dma_start3A_104 : memref<1x128xi32, #tpu.memory_space<vmem>> -> memref<128xi32, #tpu.memory_space<vmem>>
      %dma_start3A_106 = arith.constant 0 : i32
      %dma_start3A_107 = arith.constant 0 : i32
      %dma_start3A_108 = tpu.memref_slice %arg4[%dma_start3A_106, %dma_start3A_107] : memref<10240x16xf32, #tpu.memory_space<vmem_shared>> -> memref<10240x16xf32, #tpu.memory_space<vmem_shared>>
      tpu.enqueue_indirect_dma source(%arg6 : memref<128x16xf32, #tpu.memory_space<vmem>>) target(%dma_start3A_108 : memref<10240x16xf32, #tpu.memory_space<vmem_shared>>) offsets(%dma_start3A_105 : memref<128xi32, #tpu.memory_space<vmem>>) semaphore(%arg9 : memref<!tpu.dma_semaphore, #tpu.memory_space<semaphore_mem>>) {add = true}
      %add3A_109 = arith.constant 3 : i32
      %add3A_110 = arith.addi %add3A_73, %add3A_109 : i32
      %ge3A_111 = arith.constant 4 : i32
      %ge3A_112 = arith.cmpi sge, %add3A_110, %ge3A_111 : i32
      %convert_element_type3A_113 = arith.extui %ge3A_112 : i1 to i32
      %cond3A_114 = arith.constant 0 : i32
      %cond3A_115 = arith.cmpi ne, %convert_element_type3A_113, %cond3A_114 : i32
      scf.if %cond3A_115 {
        %dma_wait3A_122 = arith.constant 0 : i32
        %dma_wait3A_123 = tpu.memref_slice %arg5[%add3A_110, %dma_wait3A_122] : memref<80x128xi32, #tpu.memory_space<vmem>> -> memref<1x128xi32, #tpu.memory_space<vmem>>
        %dma_wait3A_124 = tpu.memref_squeeze %dma_wait3A_123 : memref<1x128xi32, #tpu.memory_space<vmem>> -> memref<128xi32, #tpu.memory_space<vmem>>
        %dma_wait3A_125 = arith.constant 0 : i32
        %dma_wait3A_126 = arith.constant 0 : i32
        %dma_wait3A_127 = tpu.memref_slice %arg4[%dma_wait3A_125, %dma_wait3A_126] : memref<10240x16xf32, #tpu.memory_space<vmem_shared>> -> memref<10240x16xf32, #tpu.memory_space<vmem_shared>>
        tpu.wait_indirect_dma semaphore(%arg10 : memref<!tpu.dma_semaphore, #tpu.memory_space<semaphore_mem>>) src(%arg6 : memref<128x16xf32, #tpu.memory_space<vmem>>) dst(%dma_wait3A_127 : memref<10240x16xf32, #tpu.memory_space<vmem_shared>>)
      } else {
      }
      %dma_start3A_116 = arith.constant 0 : i32
      %dma_start3A_117 = tpu.memref_slice %arg5[%add3A_110, %dma_start3A_116] : memref<80x128xi32, #tpu.memory_space<vmem>> -> memref<1x128xi32, #tpu.memory_space<vmem>>
      %dma_start3A_118 = tpu.memref_squeeze %dma_start3A_117 : memref<1x128xi32, #tpu.memory_space<vmem>> -> memref<128xi32, #tpu.memory_space<vmem>>
      %dma_start3A_119 = arith.constant 0 : i32
      %dma_start3A_120 = arith.constant 0 : i32
      %dma_start3A_121 = tpu.memref_slice %arg4[%dma_start3A_119, %dma_start3A_120] : memref<10240x16xf32, #tpu.memory_space<vmem_shared>> -> memref<10240x16xf32, #tpu.memory_space<vmem_shared>>
      tpu.enqueue_indirect_dma source(%arg6 : memref<128x16xf32, #tpu.memory_space<vmem>>) target(%dma_start3A_121 : memref<10240x16xf32, #tpu.memory_space<vmem_shared>>) offsets(%dma_start3A_118 : memref<128xi32, #tpu.memory_space<vmem>>) semaphore(%arg10 : memref<!tpu.dma_semaphore, #tpu.memory_space<semaphore_mem>>) {add = true}
    }
    %scan3A_36 = arith.constant 20 : i32
    %dma_wait3A = arith.constant 0 : i32
    %dma_wait3A_37 = arith.constant 0 : i32
    %dma_wait3A_38 = tpu.memref_slice %arg5[%dma_wait3A, %dma_wait3A_37] : memref<80x128xi32, #tpu.memory_space<vmem>> -> memref<1x128xi32, #tpu.memory_space<vmem>>
    %dma_wait3A_39 = tpu.memref_squeeze %dma_wait3A_38 : memref<1x128xi32, #tpu.memory_space<vmem>> -> memref<128xi32, #tpu.memory_space<vmem>>
    %dma_wait3A_40 = arith.constant 0 : i32
    %dma_wait3A_41 = arith.constant 0 : i32
    %dma_wait3A_42 = tpu.memref_slice %arg4[%dma_wait3A_40, %dma_wait3A_41] : memref<10240x16xf32, #tpu.memory_space<vmem_shared>> -> memref<10240x16xf32, #tpu.memory_space<vmem_shared>>
    tpu.wait_indirect_dma semaphore(%arg7 : memref<!tpu.dma_semaphore, #tpu.memory_space<semaphore_mem>>) src(%arg6 : memref<128x16xf32, #tpu.memory_space<vmem>>) dst(%dma_wait3A_42 : memref<10240x16xf32, #tpu.memory_space<vmem_shared>>)
    %dma_wait3A_43 = arith.constant 0 : i32
    %dma_wait3A_44 = arith.constant 0 : i32
    %dma_wait3A_45 = tpu.memref_slice %arg5[%dma_wait3A_43, %dma_wait3A_44] : memref<80x128xi32, #tpu.memory_space<vmem>> -> memref<1x128xi32, #tpu.memory_space<vmem>>
    %dma_wait3A_46 = tpu.memref_squeeze %dma_wait3A_45 : memref<1x128xi32, #tpu.memory_space<vmem>> -> memref<128xi32, #tpu.memory_space<vmem>>
    %dma_wait3A_47 = arith.constant 0 : i32
    %dma_wait3A_48 = arith.constant 0 : i32
    %dma_wait3A_49 = tpu.memref_slice %arg4[%dma_wait3A_47, %dma_wait3A_48] : memref<10240x16xf32, #tpu.memory_space<vmem_shared>> -> memref<10240x16xf32, #tpu.memory_space<vmem_shared>>
    tpu.wait_indirect_dma semaphore(%arg8 : memref<!tpu.dma_semaphore, #tpu.memory_space<semaphore_mem>>) src(%arg6 : memref<128x16xf32, #tpu.memory_space<vmem>>) dst(%dma_wait3A_49 : memref<10240x16xf32, #tpu.memory_space<vmem_shared>>)
    %dma_wait3A_50 = arith.constant 0 : i32
    %dma_wait3A_51 = arith.constant 0 : i32
    %dma_wait3A_52 = tpu.memref_slice %arg5[%dma_wait3A_50, %dma_wait3A_51] : memref<80x128xi32, #tpu.memory_space<vmem>> -> memref<1x128xi32, #tpu.memory_space<vmem>>
    %dma_wait3A_53 = tpu.memref_squeeze %dma_wait3A_52 : memref<1x128xi32, #tpu.memory_space<vmem>> -> memref<128xi32, #tpu.memory_space<vmem>>
    %dma_wait3A_54 = arith.constant 0 : i32
    %dma_wait3A_55 = arith.constant 0 : i32
    %dma_wait3A_56 = tpu.memref_slice %arg4[%dma_wait3A_54, %dma_wait3A_55] : memref<10240x16xf32, #tpu.memory_space<vmem_shared>> -> memref<10240x16xf32, #tpu.memory_space<vmem_shared>>
    tpu.wait_indirect_dma semaphore(%arg9 : memref<!tpu.dma_semaphore, #tpu.memory_space<semaphore_mem>>) src(%arg6 : memref<128x16xf32, #tpu.memory_space<vmem>>) dst(%dma_wait3A_56 : memref<10240x16xf32, #tpu.memory_space<vmem_shared>>)
    %dma_wait3A_57 = arith.constant 0 : i32
    %dma_wait3A_58 = arith.constant 0 : i32
    %dma_wait3A_59 = tpu.memref_slice %arg5[%dma_wait3A_57, %dma_wait3A_58] : memref<80x128xi32, #tpu.memory_space<vmem>> -> memref<1x128xi32, #tpu.memory_space<vmem>>
    %dma_wait3A_60 = tpu.memref_squeeze %dma_wait3A_59 : memref<1x128xi32, #tpu.memory_space<vmem>> -> memref<128xi32, #tpu.memory_space<vmem>>
    %dma_wait3A_61 = arith.constant 0 : i32
    %dma_wait3A_62 = arith.constant 0 : i32
    %dma_wait3A_63 = tpu.memref_slice %arg4[%dma_wait3A_61, %dma_wait3A_62] : memref<10240x16xf32, #tpu.memory_space<vmem_shared>> -> memref<10240x16xf32, #tpu.memory_space<vmem_shared>>
    tpu.wait_indirect_dma semaphore(%arg10 : memref<!tpu.dma_semaphore, #tpu.memory_space<semaphore_mem>>) src(%arg6 : memref<128x16xf32, #tpu.memory_space<vmem>>) dst(%dma_wait3A_63 : memref<10240x16xf32, #tpu.memory_space<vmem_shared>>)
    %barrier3A_64 = arith.constant 0 : index
    tpu.barrier barrier_id(%barrier3A_64)
    %mul3A_65 = arith.constant 640 : i32
    %mul3A_66 = arith.muli %arg1, %mul3A_65 : i32
    %mul3A_67 = arith.constant 640 : i32
    %mul3A_68 = arith.muli %arg1, %mul3A_67 : i32
    "tpu.region"() ({
      %run_scoped3A = tpu.sem_alloc : memref<!tpu.dma_semaphore, #tpu.memory_space<semaphore_mem>>
      %dma_start3A = arith.constant 0 : i32
      %dma_start3A_69 = arith.constant 0 : i32
      %dma_start3A_70 = tpu.memref_slice %arg3[%arg0, %dma_start3A, %dma_start3A_69] : memref<2x10240x16xf32, #tpu.memory_space<hbm>> -> memref<1x10240x16xf32, #tpu.memory_space<hbm>>
      %dma_start3A_71 = tpu.memref_squeeze %dma_start3A_70 : memref<1x10240x16xf32, #tpu.memory_space<hbm>> -> memref<10240x16xf32, #tpu.memory_space<hbm>>
      %dma_start3A_72 = arith.constant 0 : i32
      %dma_start3A_73 = tpu.memref_slice %dma_start3A_71[%mul3A_68, %dma_start3A_72] : memref<10240x16xf32, #tpu.memory_space<hbm>> -> memref<640x16xf32, #tpu.memory_space<hbm>>
      %dma_start3A_74 = arith.constant 0 : i32
      %dma_start3A_75 = tpu.memref_slice %arg4[%mul3A_66, %dma_start3A_74] : memref<10240x16xf32, #tpu.memory_space<vmem_shared>> -> memref<640x16xf32, #tpu.memory_space<vmem_shared>>
      tpu.enqueue_dma source(%dma_start3A_75 : memref<640x16xf32, #tpu.memory_space<vmem_shared>>) target(%dma_start3A_73 : memref<640x16xf32, #tpu.memory_space<hbm>>) target_semaphore(%run_scoped3A : memref<!tpu.dma_semaphore, #tpu.memory_space<semaphore_mem>>)
      %dma_wait3A_76 = arith.constant 0 : i32
      %dma_wait3A_77 = arith.constant 0 : i32
      %dma_wait3A_78 = tpu.memref_slice %arg3[%arg0, %dma_wait3A_76, %dma_wait3A_77] : memref<2x10240x16xf32, #tpu.memory_space<hbm>> -> memref<1x10240x16xf32, #tpu.memory_space<hbm>>
      %dma_wait3A_79 = tpu.memref_squeeze %dma_wait3A_78 : memref<1x10240x16xf32, #tpu.memory_space<hbm>> -> memref<10240x16xf32, #tpu.memory_space<hbm>>
      %dma_wait3A_80 = arith.constant 0 : i32
      %dma_wait3A_81 = tpu.memref_slice %dma_wait3A_79[%mul3A_68, %dma_wait3A_80] : memref<10240x16xf32, #tpu.memory_space<hbm>> -> memref<640x16xf32, #tpu.memory_space<hbm>>
      %dma_wait3A_82 = arith.constant 0 : i32
      %dma_wait3A_83 = tpu.memref_slice %arg4[%mul3A_66, %dma_wait3A_82] : memref<10240x16xf32, #tpu.memory_space<vmem_shared>> -> memref<640x16xf32, #tpu.memory_space<vmem_shared>>
      tpu.wait_dma2 semaphore(%run_scoped3A : memref<!tpu.dma_semaphore, #tpu.memory_space<semaphore_mem>>) src(%dma_wait3A_83 : memref<640x16xf32, #tpu.memory_space<vmem_shared>>) dst(%dma_wait3A_81 : memref<640x16xf32, #tpu.memory_space<hbm>>)
      tpu.yield
    }) : () -> ()
    return
  }
}

#map = affine_map<(d0, d1) -> (0, 0)>
#map1 = affine_map<(d0, d1) -> (0, 0, 0)>
module attributes {stable_mosaic.version = 14 : i64} {
  func.func @_sc_msg(%arg0: i32, %arg1: i32, %arg2: memref<10016x128xf32, #tpu.memory_space<hbm>>, %arg3: memref<2688x2x128xi32, #tpu.memory_space<hbm>>, %arg4: memref<2x10000x128xf32, #tpu.memory_space<hbm>>, %arg5: memref<10000x128xf32, #tpu.memory_space<vmem_shared>>, %arg6: memref<1x2x128xi32, #tpu.memory_space<vmem>>, %arg7: memref<1x2x128xi32, #tpu.memory_space<vmem>>, %arg8: memref<1x2x128xi32, #tpu.memory_space<vmem>>, %arg9: memref<1x2x128xi32, #tpu.memory_space<vmem>>, %arg10: memref<1x2x128xi32, #tpu.memory_space<vmem>>, %arg11: memref<1x2x128xi32, #tpu.memory_space<vmem>>, %arg12: memref<128x128xf32, #tpu.memory_space<vmem>>, %arg13: memref<128x128xf32, #tpu.memory_space<vmem>>, %arg14: memref<128x128xf32, #tpu.memory_space<vmem>>, %arg15: memref<!tpu.dma_semaphore, #tpu.memory_space<semaphore_mem>>, %arg16: memref<!tpu.dma_semaphore, #tpu.memory_space<semaphore_mem>>, %arg17: memref<!tpu.dma_semaphore, #tpu.memory_space<semaphore_mem>>, %arg18: memref<!tpu.dma_semaphore, #tpu.memory_space<semaphore_mem>>, %arg19: memref<!tpu.dma_semaphore, #tpu.memory_space<semaphore_mem>>, %arg20: memref<!tpu.dma_semaphore, #tpu.memory_space<semaphore_mem>>, %arg21: memref<!tpu.dma_semaphore, #tpu.memory_space<semaphore_mem>>, %arg22: memref<!tpu.dma_semaphore, #tpu.memory_space<semaphore_mem>>, %arg23: memref<!tpu.dma_semaphore, #tpu.memory_space<semaphore_mem>>, %arg24: memref<!tpu.dma_semaphore, #tpu.memory_space<semaphore_mem>>, %arg25: memref<!tpu.dma_semaphore, #tpu.memory_space<semaphore_mem>>, %arg26: memref<!tpu.dma_semaphore, #tpu.memory_space<semaphore_mem>>) attributes {dimension_semantics = [#tpu.dimension_semantics<core_parallel>, #tpu.dimension_semantics<subcore_parallel>], iteration_bounds = array<i64: 2, 16>, scalar_prefetch = 0 : i64, scratch_operands = 22 : i64, tpu.core_type = #tpu.core_type<sc_vector_subcore>, window_params = [{transform_indices = #map}, {transform_indices = #map1}, {transform_indices = #map1}]} {
    %mul3A = arith.constant 16 : i32
    %mul3A_0 = arith.muli %arg0, %mul3A : i32
    %add3A = arith.addi %mul3A_0, %arg1 : i32
    %scan3A = arith.constant 0 : i32
    %scan3A_1 = arith.constant 128 : i32
    %scan3A_2 = arith.addi %scan3A, %scan3A_1 : i32
    %scan3A_3 = arith.constant 1 : i32
    scf.for %scan3A_201 = %scan3A to %scan3A_2 step %scan3A_3  : i32 {
      %mul3A_202 = arith.constant 1 : i32
      %mul3A_203 = arith.muli %scan3A_201, %mul3A_202 : i32
      %add3A_204 = arith.constant 0 : i32
      %add3A_205 = arith.addi %add3A_204, %mul3A_203 : i32
      %scan3A_206 = arith.constant 0 : i32
      %scan3A_207 = arith.constant 8 : i32
      %scan3A_208 = arith.addi %scan3A_206, %scan3A_207 : i32
      %scan3A_209 = arith.constant 1 : i32
      scf.for %scan3A_211 = %scan3A_206 to %scan3A_208 step %scan3A_209  : i32 {
        %mul3A_212 = arith.constant 16 : i32
        %mul3A_213 = arith.muli %scan3A_211, %mul3A_212 : i32
        %add3A_214 = arith.constant 0 : i32
        %add3A_215 = arith.addi %add3A_214, %mul3A_213 : i32
        %broadcast_in_dim3A = arith.constant 0.000000e+00 : f32
        %broadcast_in_dim3A_216 = vector.broadcast %broadcast_in_dim3A : f32 to vector<16xf32>
        %swap3A = arith.index_cast %add3A_205 : i32 to index
        %swap3A_217 = arith.index_cast %add3A_215 : i32 to index
        %swap3A_218 = tpu.vector_load %arg12[%swap3A, %swap3A_217] {strides = array<i32>} : memref<128x128xf32, #tpu.memory_space<vmem>>, vector<1x16xf32>,
        %swap3A_219 = vector.shape_cast %swap3A_218 : vector<1x16xf32> to vector<16xf32>
        %swap3A_220 = vector.shape_cast %broadcast_in_dim3A_216 : vector<16xf32> to vector<1x16xf32>
        tpu.vector_store %arg12[%swap3A, %swap3A_217], %swap3A_220 {strides = array<i32>} : memref<128x128xf32, #tpu.memory_space<vmem>>, vector<1x16xf32>,
      }
      %scan3A_210 = arith.constant 8 : i32
    }
    %scan3A_4 = arith.constant 128 : i32
    %add3A_5 = arith.constant 0 : i32
    %add3A_6 = arith.addi %arg1, %add3A_5 : i32
    %lt3A = arith.constant 78 : i32
    %lt3A_7 = arith.cmpi slt, %add3A_6, %lt3A : i32
    %convert_element_type3A = arith.extui %lt3A_7 : i1 to i32
    %cond3A = arith.constant 0 : i32
    %cond3A_8 = arith.cmpi ne, %convert_element_type3A, %cond3A : i32
    scf.if %cond3A_8 {
      %mul3A_201 = arith.constant 128 : i32
      %mul3A_202 = arith.muli %add3A_6, %mul3A_201 : i32
      "tpu.region"() ({
        %run_scoped3A = tpu.sem_alloc : memref<!tpu.dma_semaphore, #tpu.memory_space<semaphore_mem>>
        %dma_start3A_203 = arith.constant 0 : i32
        %dma_start3A_204 = tpu.memref_slice %arg5[%mul3A_202, %dma_start3A_203] : memref<10000x128xf32, #tpu.memory_space<vmem_shared>> -> memref<128x128xf32, #tpu.memory_space<vmem_shared>>
        %dma_start3A_205 = arith.constant 0 : i32
        %dma_start3A_206 = tpu.memref_slice %arg5[%mul3A_202, %dma_start3A_205] : memref<10000x128xf32, #tpu.memory_space<vmem_shared>> -> memref<128x128xf32, #tpu.memory_space<vmem_shared>>
        tpu.enqueue_dma source(%arg12 : memref<128x128xf32, #tpu.memory_space<vmem>>) target(%dma_start3A_206 : memref<128x128xf32, #tpu.memory_space<vmem_shared>>) target_semaphore(%run_scoped3A : memref<!tpu.dma_semaphore, #tpu.memory_space<semaphore_mem>>)
        %dma_wait3A_207 = arith.constant 0 : i32
        %dma_wait3A_208 = tpu.memref_slice %arg5[%mul3A_202, %dma_wait3A_207] : memref<10000x128xf32, #tpu.memory_space<vmem_shared>> -> memref<128x128xf32, #tpu.memory_space<vmem_shared>>
        %dma_wait3A_209 = arith.constant 0 : i32
        %dma_wait3A_210 = tpu.memref_slice %arg5[%mul3A_202, %dma_wait3A_209] : memref<10000x128xf32, #tpu.memory_space<vmem_shared>> -> memref<128x128xf32, #tpu.memory_space<vmem_shared>>
        tpu.wait_dma2 semaphore(%run_scoped3A : memref<!tpu.dma_semaphore, #tpu.memory_space<semaphore_mem>>) src(%arg12 : memref<128x128xf32, #tpu.memory_space<vmem>>) dst(%dma_wait3A_210 : memref<128x128xf32, #tpu.memory_space<vmem_shared>>)
        tpu.yield
      }) : () -> ()
    } else {
    }
    %eq3A = arith.constant 78 : i32
    %eq3A_9 = arith.cmpi eq, %add3A_6, %eq3A : i32
    %convert_element_type3A_10 = arith.extui %eq3A_9 : i1 to i32
    %cond3A_11 = arith.constant 0 : i32
    %cond3A_12 = arith.cmpi ne, %convert_element_type3A_10, %cond3A_11 : i32
    scf.if %cond3A_12 {
      %mul3A_201 = arith.constant 128 : i32
      %mul3A_202 = arith.muli %add3A_6, %mul3A_201 : i32
      "tpu.region"() ({
        %run_scoped3A = tpu.sem_alloc : memref<!tpu.dma_semaphore, #tpu.memory_space<semaphore_mem>>
        %dma_start3A_203 = arith.constant 0 : i32
        %dma_start3A_204 = arith.constant 0 : i32
        %dma_start3A_205 = tpu.memref_slice %arg12[%dma_start3A_203, %dma_start3A_204] : memref<128x128xf32, #tpu.memory_space<vmem>> -> memref<16x128xf32, #tpu.memory_space<vmem>>
        %dma_start3A_206 = arith.constant 0 : i32
        %dma_start3A_207 = tpu.memref_slice %arg5[%mul3A_202, %dma_start3A_206] : memref<10000x128xf32, #tpu.memory_space<vmem_shared>> -> memref<16x128xf32, #tpu.memory_space<vmem_shared>>
        %dma_start3A_208 = arith.constant 0 : i32
        %dma_start3A_209 = tpu.memref_slice %arg5[%mul3A_202, %dma_start3A_208] : memref<10000x128xf32, #tpu.memory_space<vmem_shared>> -> memref<16x128xf32, #tpu.memory_space<vmem_shared>>
        %dma_start3A_210 = arith.constant 0 : i32
        %dma_start3A_211 = arith.constant 0 : i32
        %dma_start3A_212 = tpu.memref_slice %arg12[%dma_start3A_210, %dma_start3A_211] : memref<128x128xf32, #tpu.memory_space<vmem>> -> memref<16x128xf32, #tpu.memory_space<vmem>>
        tpu.enqueue_dma source(%dma_start3A_212 : memref<16x128xf32, #tpu.memory_space<vmem>>) target(%dma_start3A_209 : memref<16x128xf32, #tpu.memory_space<vmem_shared>>) target_semaphore(%run_scoped3A : memref<!tpu.dma_semaphore, #tpu.memory_space<semaphore_mem>>)
        %dma_wait3A_213 = arith.constant 0 : i32
        %dma_wait3A_214 = arith.constant 0 : i32
        %dma_wait3A_215 = tpu.memref_slice %arg12[%dma_wait3A_213, %dma_wait3A_214] : memref<128x128xf32, #tpu.memory_space<vmem>> -> memref<16x128xf32, #tpu.memory_space<vmem>>
        %dma_wait3A_216 = arith.constant 0 : i32
        %dma_wait3A_217 = tpu.memref_slice %arg5[%mul3A_202, %dma_wait3A_216] : memref<10000x128xf32, #tpu.memory_space<vmem_shared>> -> memref<16x128xf32, #tpu.memory_space<vmem_shared>>
        %dma_wait3A_218 = arith.constant 0 : i32
        %dma_wait3A_219 = tpu.memref_slice %arg5[%mul3A_202, %dma_wait3A_218] : memref<10000x128xf32, #tpu.memory_space<vmem_shared>> -> memref<16x128xf32, #tpu.memory_space<vmem_shared>>
        %dma_wait3A_220 = arith.constant 0 : i32
        %dma_wait3A_221 = arith.constant 0 : i32
        %dma_wait3A_222 = tpu.memref_slice %arg12[%dma_wait3A_220, %dma_wait3A_221] : memref<128x128xf32, #tpu.memory_space<vmem>> -> memref<16x128xf32, #tpu.memory_space<vmem>>
        tpu.wait_dma2 semaphore(%run_scoped3A : memref<!tpu.dma_semaphore, #tpu.memory_space<semaphore_mem>>) src(%dma_wait3A_222 : memref<16x128xf32, #tpu.memory_space<vmem>>) dst(%dma_wait3A_219 : memref<16x128xf32, #tpu.memory_space<vmem_shared>>)
        tpu.yield
      }) : () -> ()
    } else {
    }
    %add3A_13 = arith.constant 16 : i32
    %add3A_14 = arith.addi %arg1, %add3A_13 : i32
    %lt3A_15 = arith.constant 78 : i32
    %lt3A_16 = arith.cmpi slt, %add3A_14, %lt3A_15 : i32
    %convert_element_type3A_17 = arith.extui %lt3A_16 : i1 to i32
    %cond3A_18 = arith.constant 0 : i32
    %cond3A_19 = arith.cmpi ne, %convert_element_type3A_17, %cond3A_18 : i32
    scf.if %cond3A_19 {
      %mul3A_201 = arith.constant 128 : i32
      %mul3A_202 = arith.muli %add3A_14, %mul3A_201 : i32
      "tpu.region"() ({
        %run_scoped3A = tpu.sem_alloc : memref<!tpu.dma_semaphore, #tpu.memory_space<semaphore_mem>>
        %dma_start3A_203 = arith.constant 0 : i32
        %dma_start3A_204 = tpu.memref_slice %arg5[%mul3A_202, %dma_start3A_203] : memref<10000x128xf32, #tpu.memory_space<vmem_shared>> -> memref<128x128xf32, #tpu.memory_space<vmem_shared>>
        %dma_start3A_205 = arith.constant 0 : i32
        %dma_start3A_206 = tpu.memref_slice %arg5[%mul3A_202, %dma_start3A_205] : memref<10000x128xf32, #tpu.memory_space<vmem_shared>> -> memref<128x128xf32, #tpu.memory_space<vmem_shared>>
        tpu.enqueue_dma source(%arg12 : memref<128x128xf32, #tpu.memory_space<vmem>>) target(%dma_start3A_206 : memref<128x128xf32, #tpu.memory_space<vmem_shared>>) target_semaphore(%run_scoped3A : memref<!tpu.dma_semaphore, #tpu.memory_space<semaphore_mem>>)
        %dma_wait3A_207 = arith.constant 0 : i32
        %dma_wait3A_208 = tpu.memref_slice %arg5[%mul3A_202, %dma_wait3A_207] : memref<10000x128xf32, #tpu.memory_space<vmem_shared>> -> memref<128x128xf32, #tpu.memory_space<vmem_shared>>
        %dma_wait3A_209 = arith.constant 0 : i32
        %dma_wait3A_210 = tpu.memref_slice %arg5[%mul3A_202, %dma_wait3A_209] : memref<10000x128xf32, #tpu.memory_space<vmem_shared>> -> memref<128x128xf32, #tpu.memory_space<vmem_shared>>
        tpu.wait_dma2 semaphore(%run_scoped3A : memref<!tpu.dma_semaphore, #tpu.memory_space<semaphore_mem>>) src(%arg12 : memref<128x128xf32, #tpu.memory_space<vmem>>) dst(%dma_wait3A_210 : memref<128x128xf32, #tpu.memory_space<vmem_shared>>)
        tpu.yield
      }) : () -> ()
    } else {
    }
    %eq3A_20 = arith.constant 78 : i32
    %eq3A_21 = arith.cmpi eq, %add3A_14, %eq3A_20 : i32
    %convert_element_type3A_22 = arith.extui %eq3A_21 : i1 to i32
    %cond3A_23 = arith.constant 0 : i32
    %cond3A_24 = arith.cmpi ne, %convert_element_type3A_22, %cond3A_23 : i32
    scf.if %cond3A_24 {
      %mul3A_201 = arith.constant 128 : i32
      %mul3A_202 = arith.muli %add3A_14, %mul3A_201 : i32
      "tpu.region"() ({
        %run_scoped3A = tpu.sem_alloc : memref<!tpu.dma_semaphore, #tpu.memory_space<semaphore_mem>>
        %dma_start3A_203 = arith.constant 0 : i32
        %dma_start3A_204 = arith.constant 0 : i32
        %dma_start3A_205 = tpu.memref_slice %arg12[%dma_start3A_203, %dma_start3A_204] : memref<128x128xf32, #tpu.memory_space<vmem>> -> memref<16x128xf32, #tpu.memory_space<vmem>>
        %dma_start3A_206 = arith.constant 0 : i32
        %dma_start3A_207 = tpu.memref_slice %arg5[%mul3A_202, %dma_start3A_206] : memref<10000x128xf32, #tpu.memory_space<vmem_shared>> -> memref<16x128xf32, #tpu.memory_space<vmem_shared>>
        %dma_start3A_208 = arith.constant 0 : i32
        %dma_start3A_209 = tpu.memref_slice %arg5[%mul3A_202, %dma_start3A_208] : memref<10000x128xf32, #tpu.memory_space<vmem_shared>> -> memref<16x128xf32, #tpu.memory_space<vmem_shared>>
        %dma_start3A_210 = arith.constant 0 : i32
        %dma_start3A_211 = arith.constant 0 : i32
        %dma_start3A_212 = tpu.memref_slice %arg12[%dma_start3A_210, %dma_start3A_211] : memref<128x128xf32, #tpu.memory_space<vmem>> -> memref<16x128xf32, #tpu.memory_space<vmem>>
        tpu.enqueue_dma source(%dma_start3A_212 : memref<16x128xf32, #tpu.memory_space<vmem>>) target(%dma_start3A_209 : memref<16x128xf32, #tpu.memory_space<vmem_shared>>) target_semaphore(%run_scoped3A : memref<!tpu.dma_semaphore, #tpu.memory_space<semaphore_mem>>)
        %dma_wait3A_213 = arith.constant 0 : i32
        %dma_wait3A_214 = arith.constant 0 : i32
        %dma_wait3A_215 = tpu.memref_slice %arg12[%dma_wait3A_213, %dma_wait3A_214] : memref<128x128xf32, #tpu.memory_space<vmem>> -> memref<16x128xf32, #tpu.memory_space<vmem>>
        %dma_wait3A_216 = arith.constant 0 : i32
        %dma_wait3A_217 = tpu.memref_slice %arg5[%mul3A_202, %dma_wait3A_216] : memref<10000x128xf32, #tpu.memory_space<vmem_shared>> -> memref<16x128xf32, #tpu.memory_space<vmem_shared>>
        %dma_wait3A_218 = arith.constant 0 : i32
        %dma_wait3A_219 = tpu.memref_slice %arg5[%mul3A_202, %dma_wait3A_218] : memref<10000x128xf32, #tpu.memory_space<vmem_shared>> -> memref<16x128xf32, #tpu.memory_space<vmem_shared>>
        %dma_wait3A_220 = arith.constant 0 : i32
        %dma_wait3A_221 = arith.constant 0 : i32
        %dma_wait3A_222 = tpu.memref_slice %arg12[%dma_wait3A_220, %dma_wait3A_221] : memref<128x128xf32, #tpu.memory_space<vmem>> -> memref<16x128xf32, #tpu.memory_space<vmem>>
        tpu.wait_dma2 semaphore(%run_scoped3A : memref<!tpu.dma_semaphore, #tpu.memory_space<semaphore_mem>>) src(%dma_wait3A_222 : memref<16x128xf32, #tpu.memory_space<vmem>>) dst(%dma_wait3A_219 : memref<16x128xf32, #tpu.memory_space<vmem_shared>>)
        tpu.yield
      }) : () -> ()
    } else {
    }
    %add3A_25 = arith.constant 32 : i32
    %add3A_26 = arith.addi %arg1, %add3A_25 : i32
    %lt3A_27 = arith.constant 78 : i32
    %lt3A_28 = arith.cmpi slt, %add3A_26, %lt3A_27 : i32
    %convert_element_type3A_29 = arith.extui %lt3A_28 : i1 to i32
    %cond3A_30 = arith.constant 0 : i32
    %cond3A_31 = arith.cmpi ne, %convert_element_type3A_29, %cond3A_30 : i32
    scf.if %cond3A_31 {
      %mul3A_201 = arith.constant 128 : i32
      %mul3A_202 = arith.muli %add3A_26, %mul3A_201 : i32
      "tpu.region"() ({
        %run_scoped3A = tpu.sem_alloc : memref<!tpu.dma_semaphore, #tpu.memory_space<semaphore_mem>>
        %dma_start3A_203 = arith.constant 0 : i32
        %dma_start3A_204 = tpu.memref_slice %arg5[%mul3A_202, %dma_start3A_203] : memref<10000x128xf32, #tpu.memory_space<vmem_shared>> -> memref<128x128xf32, #tpu.memory_space<vmem_shared>>
        %dma_start3A_205 = arith.constant 0 : i32
        %dma_start3A_206 = tpu.memref_slice %arg5[%mul3A_202, %dma_start3A_205] : memref<10000x128xf32, #tpu.memory_space<vmem_shared>> -> memref<128x128xf32, #tpu.memory_space<vmem_shared>>
        tpu.enqueue_dma source(%arg12 : memref<128x128xf32, #tpu.memory_space<vmem>>) target(%dma_start3A_206 : memref<128x128xf32, #tpu.memory_space<vmem_shared>>) target_semaphore(%run_scoped3A : memref<!tpu.dma_semaphore, #tpu.memory_space<semaphore_mem>>)
        %dma_wait3A_207 = arith.constant 0 : i32
        %dma_wait3A_208 = tpu.memref_slice %arg5[%mul3A_202, %dma_wait3A_207] : memref<10000x128xf32, #tpu.memory_space<vmem_shared>> -> memref<128x128xf32, #tpu.memory_space<vmem_shared>>
        %dma_wait3A_209 = arith.constant 0 : i32
        %dma_wait3A_210 = tpu.memref_slice %arg5[%mul3A_202, %dma_wait3A_209] : memref<10000x128xf32, #tpu.memory_space<vmem_shared>> -> memref<128x128xf32, #tpu.memory_space<vmem_shared>>
        tpu.wait_dma2 semaphore(%run_scoped3A : memref<!tpu.dma_semaphore, #tpu.memory_space<semaphore_mem>>) src(%arg12 : memref<128x128xf32, #tpu.memory_space<vmem>>) dst(%dma_wait3A_210 : memref<128x128xf32, #tpu.memory_space<vmem_shared>>)
        tpu.yield
      }) : () -> ()
    } else {
    }
    %eq3A_32 = arith.constant 78 : i32
    %eq3A_33 = arith.cmpi eq, %add3A_26, %eq3A_32 : i32
    %convert_element_type3A_34 = arith.extui %eq3A_33 : i1 to i32
    %cond3A_35 = arith.constant 0 : i32
    %cond3A_36 = arith.cmpi ne, %convert_element_type3A_34, %cond3A_35 : i32
    scf.if %cond3A_36 {
      %mul3A_201 = arith.constant 128 : i32
      %mul3A_202 = arith.muli %add3A_26, %mul3A_201 : i32
      "tpu.region"() ({
        %run_scoped3A = tpu.sem_alloc : memref<!tpu.dma_semaphore, #tpu.memory_space<semaphore_mem>>
        %dma_start3A_203 = arith.constant 0 : i32
        %dma_start3A_204 = arith.constant 0 : i32
        %dma_start3A_205 = tpu.memref_slice %arg12[%dma_start3A_203, %dma_start3A_204] : memref<128x128xf32, #tpu.memory_space<vmem>> -> memref<16x128xf32, #tpu.memory_space<vmem>>
        %dma_start3A_206 = arith.constant 0 : i32
        %dma_start3A_207 = tpu.memref_slice %arg5[%mul3A_202, %dma_start3A_206] : memref<10000x128xf32, #tpu.memory_space<vmem_shared>> -> memref<16x128xf32, #tpu.memory_space<vmem_shared>>
        %dma_start3A_208 = arith.constant 0 : i32
        %dma_start3A_209 = tpu.memref_slice %arg5[%mul3A_202, %dma_start3A_208] : memref<10000x128xf32, #tpu.memory_space<vmem_shared>> -> memref<16x128xf32, #tpu.memory_space<vmem_shared>>
        %dma_start3A_210 = arith.constant 0 : i32
        %dma_start3A_211 = arith.constant 0 : i32
        %dma_start3A_212 = tpu.memref_slice %arg12[%dma_start3A_210, %dma_start3A_211] : memref<128x128xf32, #tpu.memory_space<vmem>> -> memref<16x128xf32, #tpu.memory_space<vmem>>
        tpu.enqueue_dma source(%dma_start3A_212 : memref<16x128xf32, #tpu.memory_space<vmem>>) target(%dma_start3A_209 : memref<16x128xf32, #tpu.memory_space<vmem_shared>>) target_semaphore(%run_scoped3A : memref<!tpu.dma_semaphore, #tpu.memory_space<semaphore_mem>>)
        %dma_wait3A_213 = arith.constant 0 : i32
        %dma_wait3A_214 = arith.constant 0 : i32
        %dma_wait3A_215 = tpu.memref_slice %arg12[%dma_wait3A_213, %dma_wait3A_214] : memref<128x128xf32, #tpu.memory_space<vmem>> -> memref<16x128xf32, #tpu.memory_space<vmem>>
        %dma_wait3A_216 = arith.constant 0 : i32
        %dma_wait3A_217 = tpu.memref_slice %arg5[%mul3A_202, %dma_wait3A_216] : memref<10000x128xf32, #tpu.memory_space<vmem_shared>> -> memref<16x128xf32, #tpu.memory_space<vmem_shared>>
        %dma_wait3A_218 = arith.constant 0 : i32
        %dma_wait3A_219 = tpu.memref_slice %arg5[%mul3A_202, %dma_wait3A_218] : memref<10000x128xf32, #tpu.memory_space<vmem_shared>> -> memref<16x128xf32, #tpu.memory_space<vmem_shared>>
        %dma_wait3A_220 = arith.constant 0 : i32
        %dma_wait3A_221 = arith.constant 0 : i32
        %dma_wait3A_222 = tpu.memref_slice %arg12[%dma_wait3A_220, %dma_wait3A_221] : memref<128x128xf32, #tpu.memory_space<vmem>> -> memref<16x128xf32, #tpu.memory_space<vmem>>
        tpu.wait_dma2 semaphore(%run_scoped3A : memref<!tpu.dma_semaphore, #tpu.memory_space<semaphore_mem>>) src(%dma_wait3A_222 : memref<16x128xf32, #tpu.memory_space<vmem>>) dst(%dma_wait3A_219 : memref<16x128xf32, #tpu.memory_space<vmem_shared>>)
        tpu.yield
      }) : () -> ()
    } else {
    }
    %add3A_37 = arith.constant 48 : i32
    %add3A_38 = arith.addi %arg1, %add3A_37 : i32
    %lt3A_39 = arith.constant 78 : i32
    %lt3A_40 = arith.cmpi slt, %add3A_38, %lt3A_39 : i32
    %convert_element_type3A_41 = arith.extui %lt3A_40 : i1 to i32
    %cond3A_42 = arith.constant 0 : i32
    %cond3A_43 = arith.cmpi ne, %convert_element_type3A_41, %cond3A_42 : i32
    scf.if %cond3A_43 {
      %mul3A_201 = arith.constant 128 : i32
      %mul3A_202 = arith.muli %add3A_38, %mul3A_201 : i32
      "tpu.region"() ({
        %run_scoped3A = tpu.sem_alloc : memref<!tpu.dma_semaphore, #tpu.memory_space<semaphore_mem>>
        %dma_start3A_203 = arith.constant 0 : i32
        %dma_start3A_204 = tpu.memref_slice %arg5[%mul3A_202, %dma_start3A_203] : memref<10000x128xf32, #tpu.memory_space<vmem_shared>> -> memref<128x128xf32, #tpu.memory_space<vmem_shared>>
        %dma_start3A_205 = arith.constant 0 : i32
        %dma_start3A_206 = tpu.memref_slice %arg5[%mul3A_202, %dma_start3A_205] : memref<10000x128xf32, #tpu.memory_space<vmem_shared>> -> memref<128x128xf32, #tpu.memory_space<vmem_shared>>
        tpu.enqueue_dma source(%arg12 : memref<128x128xf32, #tpu.memory_space<vmem>>) target(%dma_start3A_206 : memref<128x128xf32, #tpu.memory_space<vmem_shared>>) target_semaphore(%run_scoped3A : memref<!tpu.dma_semaphore, #tpu.memory_space<semaphore_mem>>)
        %dma_wait3A_207 = arith.constant 0 : i32
        %dma_wait3A_208 = tpu.memref_slice %arg5[%mul3A_202, %dma_wait3A_207] : memref<10000x128xf32, #tpu.memory_space<vmem_shared>> -> memref<128x128xf32, #tpu.memory_space<vmem_shared>>
        %dma_wait3A_209 = arith.constant 0 : i32
        %dma_wait3A_210 = tpu.memref_slice %arg5[%mul3A_202, %dma_wait3A_209] : memref<10000x128xf32, #tpu.memory_space<vmem_shared>> -> memref<128x128xf32, #tpu.memory_space<vmem_shared>>
        tpu.wait_dma2 semaphore(%run_scoped3A : memref<!tpu.dma_semaphore, #tpu.memory_space<semaphore_mem>>) src(%arg12 : memref<128x128xf32, #tpu.memory_space<vmem>>) dst(%dma_wait3A_210 : memref<128x128xf32, #tpu.memory_space<vmem_shared>>)
        tpu.yield
      }) : () -> ()
    } else {
    }
    %eq3A_44 = arith.constant 78 : i32
    %eq3A_45 = arith.cmpi eq, %add3A_38, %eq3A_44 : i32
    %convert_element_type3A_46 = arith.extui %eq3A_45 : i1 to i32
    %cond3A_47 = arith.constant 0 : i32
    %cond3A_48 = arith.cmpi ne, %convert_element_type3A_46, %cond3A_47 : i32
    scf.if %cond3A_48 {
      %mul3A_201 = arith.constant 128 : i32
      %mul3A_202 = arith.muli %add3A_38, %mul3A_201 : i32
      "tpu.region"() ({
        %run_scoped3A = tpu.sem_alloc : memref<!tpu.dma_semaphore, #tpu.memory_space<semaphore_mem>>
        %dma_start3A_203 = arith.constant 0 : i32
        %dma_start3A_204 = arith.constant 0 : i32
        %dma_start3A_205 = tpu.memref_slice %arg12[%dma_start3A_203, %dma_start3A_204] : memref<128x128xf32, #tpu.memory_space<vmem>> -> memref<16x128xf32, #tpu.memory_space<vmem>>
        %dma_start3A_206 = arith.constant 0 : i32
        %dma_start3A_207 = tpu.memref_slice %arg5[%mul3A_202, %dma_start3A_206] : memref<10000x128xf32, #tpu.memory_space<vmem_shared>> -> memref<16x128xf32, #tpu.memory_space<vmem_shared>>
        %dma_start3A_208 = arith.constant 0 : i32
        %dma_start3A_209 = tpu.memref_slice %arg5[%mul3A_202, %dma_start3A_208] : memref<10000x128xf32, #tpu.memory_space<vmem_shared>> -> memref<16x128xf32, #tpu.memory_space<vmem_shared>>
        %dma_start3A_210 = arith.constant 0 : i32
        %dma_start3A_211 = arith.constant 0 : i32
        %dma_start3A_212 = tpu.memref_slice %arg12[%dma_start3A_210, %dma_start3A_211] : memref<128x128xf32, #tpu.memory_space<vmem>> -> memref<16x128xf32, #tpu.memory_space<vmem>>
        tpu.enqueue_dma source(%dma_start3A_212 : memref<16x128xf32, #tpu.memory_space<vmem>>) target(%dma_start3A_209 : memref<16x128xf32, #tpu.memory_space<vmem_shared>>) target_semaphore(%run_scoped3A : memref<!tpu.dma_semaphore, #tpu.memory_space<semaphore_mem>>)
        %dma_wait3A_213 = arith.constant 0 : i32
        %dma_wait3A_214 = arith.constant 0 : i32
        %dma_wait3A_215 = tpu.memref_slice %arg12[%dma_wait3A_213, %dma_wait3A_214] : memref<128x128xf32, #tpu.memory_space<vmem>> -> memref<16x128xf32, #tpu.memory_space<vmem>>
        %dma_wait3A_216 = arith.constant 0 : i32
        %dma_wait3A_217 = tpu.memref_slice %arg5[%mul3A_202, %dma_wait3A_216] : memref<10000x128xf32, #tpu.memory_space<vmem_shared>> -> memref<16x128xf32, #tpu.memory_space<vmem_shared>>
        %dma_wait3A_218 = arith.constant 0 : i32
        %dma_wait3A_219 = tpu.memref_slice %arg5[%mul3A_202, %dma_wait3A_218] : memref<10000x128xf32, #tpu.memory_space<vmem_shared>> -> memref<16x128xf32, #tpu.memory_space<vmem_shared>>
        %dma_wait3A_220 = arith.constant 0 : i32
        %dma_wait3A_221 = arith.constant 0 : i32
        %dma_wait3A_222 = tpu.memref_slice %arg12[%dma_wait3A_220, %dma_wait3A_221] : memref<128x128xf32, #tpu.memory_space<vmem>> -> memref<16x128xf32, #tpu.memory_space<vmem>>
        tpu.wait_dma2 semaphore(%run_scoped3A : memref<!tpu.dma_semaphore, #tpu.memory_space<semaphore_mem>>) src(%dma_wait3A_222 : memref<16x128xf32, #tpu.memory_space<vmem>>) dst(%dma_wait3A_219 : memref<16x128xf32, #tpu.memory_space<vmem_shared>>)
        tpu.yield
      }) : () -> ()
    } else {
    }
    %add3A_49 = arith.constant 64 : i32
    %add3A_50 = arith.addi %arg1, %add3A_49 : i32
    %lt3A_51 = arith.constant 78 : i32
    %lt3A_52 = arith.cmpi slt, %add3A_50, %lt3A_51 : i32
    %convert_element_type3A_53 = arith.extui %lt3A_52 : i1 to i32
    %cond3A_54 = arith.constant 0 : i32
    %cond3A_55 = arith.cmpi ne, %convert_element_type3A_53, %cond3A_54 : i32
    scf.if %cond3A_55 {
      %mul3A_201 = arith.constant 128 : i32
      %mul3A_202 = arith.muli %add3A_50, %mul3A_201 : i32
      "tpu.region"() ({
        %run_scoped3A = tpu.sem_alloc : memref<!tpu.dma_semaphore, #tpu.memory_space<semaphore_mem>>
        %dma_start3A_203 = arith.constant 0 : i32
        %dma_start3A_204 = tpu.memref_slice %arg5[%mul3A_202, %dma_start3A_203] : memref<10000x128xf32, #tpu.memory_space<vmem_shared>> -> memref<128x128xf32, #tpu.memory_space<vmem_shared>>
        %dma_start3A_205 = arith.constant 0 : i32
        %dma_start3A_206 = tpu.memref_slice %arg5[%mul3A_202, %dma_start3A_205] : memref<10000x128xf32, #tpu.memory_space<vmem_shared>> -> memref<128x128xf32, #tpu.memory_space<vmem_shared>>
        tpu.enqueue_dma source(%arg12 : memref<128x128xf32, #tpu.memory_space<vmem>>) target(%dma_start3A_206 : memref<128x128xf32, #tpu.memory_space<vmem_shared>>) target_semaphore(%run_scoped3A : memref<!tpu.dma_semaphore, #tpu.memory_space<semaphore_mem>>)
        %dma_wait3A_207 = arith.constant 0 : i32
        %dma_wait3A_208 = tpu.memref_slice %arg5[%mul3A_202, %dma_wait3A_207] : memref<10000x128xf32, #tpu.memory_space<vmem_shared>> -> memref<128x128xf32, #tpu.memory_space<vmem_shared>>
        %dma_wait3A_209 = arith.constant 0 : i32
        %dma_wait3A_210 = tpu.memref_slice %arg5[%mul3A_202, %dma_wait3A_209] : memref<10000x128xf32, #tpu.memory_space<vmem_shared>> -> memref<128x128xf32, #tpu.memory_space<vmem_shared>>
        tpu.wait_dma2 semaphore(%run_scoped3A : memref<!tpu.dma_semaphore, #tpu.memory_space<semaphore_mem>>) src(%arg12 : memref<128x128xf32, #tpu.memory_space<vmem>>) dst(%dma_wait3A_210 : memref<128x128xf32, #tpu.memory_space<vmem_shared>>)
        tpu.yield
      }) : () -> ()
    } else {
    }
    %eq3A_56 = arith.constant 78 : i32
    %eq3A_57 = arith.cmpi eq, %add3A_50, %eq3A_56 : i32
    %convert_element_type3A_58 = arith.extui %eq3A_57 : i1 to i32
    %cond3A_59 = arith.constant 0 : i32
    %cond3A_60 = arith.cmpi ne, %convert_element_type3A_58, %cond3A_59 : i32
    scf.if %cond3A_60 {
      %mul3A_201 = arith.constant 128 : i32
      %mul3A_202 = arith.muli %add3A_50, %mul3A_201 : i32
      "tpu.region"() ({
        %run_scoped3A = tpu.sem_alloc : memref<!tpu.dma_semaphore, #tpu.memory_space<semaphore_mem>>
        %dma_start3A_203 = arith.constant 0 : i32
        %dma_start3A_204 = arith.constant 0 : i32
        %dma_start3A_205 = tpu.memref_slice %arg12[%dma_start3A_203, %dma_start3A_204] : memref<128x128xf32, #tpu.memory_space<vmem>> -> memref<16x128xf32, #tpu.memory_space<vmem>>
        %dma_start3A_206 = arith.constant 0 : i32
        %dma_start3A_207 = tpu.memref_slice %arg5[%mul3A_202, %dma_start3A_206] : memref<10000x128xf32, #tpu.memory_space<vmem_shared>> -> memref<16x128xf32, #tpu.memory_space<vmem_shared>>
        %dma_start3A_208 = arith.constant 0 : i32
        %dma_start3A_209 = tpu.memref_slice %arg5[%mul3A_202, %dma_start3A_208] : memref<10000x128xf32, #tpu.memory_space<vmem_shared>> -> memref<16x128xf32, #tpu.memory_space<vmem_shared>>
        %dma_start3A_210 = arith.constant 0 : i32
        %dma_start3A_211 = arith.constant 0 : i32
        %dma_start3A_212 = tpu.memref_slice %arg12[%dma_start3A_210, %dma_start3A_211] : memref<128x128xf32, #tpu.memory_space<vmem>> -> memref<16x128xf32, #tpu.memory_space<vmem>>
        tpu.enqueue_dma source(%dma_start3A_212 : memref<16x128xf32, #tpu.memory_space<vmem>>) target(%dma_start3A_209 : memref<16x128xf32, #tpu.memory_space<vmem_shared>>) target_semaphore(%run_scoped3A : memref<!tpu.dma_semaphore, #tpu.memory_space<semaphore_mem>>)
        %dma_wait3A_213 = arith.constant 0 : i32
        %dma_wait3A_214 = arith.constant 0 : i32
        %dma_wait3A_215 = tpu.memref_slice %arg12[%dma_wait3A_213, %dma_wait3A_214] : memref<128x128xf32, #tpu.memory_space<vmem>> -> memref<16x128xf32, #tpu.memory_space<vmem>>
        %dma_wait3A_216 = arith.constant 0 : i32
        %dma_wait3A_217 = tpu.memref_slice %arg5[%mul3A_202, %dma_wait3A_216] : memref<10000x128xf32, #tpu.memory_space<vmem_shared>> -> memref<16x128xf32, #tpu.memory_space<vmem_shared>>
        %dma_wait3A_218 = arith.constant 0 : i32
        %dma_wait3A_219 = tpu.memref_slice %arg5[%mul3A_202, %dma_wait3A_218] : memref<10000x128xf32, #tpu.memory_space<vmem_shared>> -> memref<16x128xf32, #tpu.memory_space<vmem_shared>>
        %dma_wait3A_220 = arith.constant 0 : i32
        %dma_wait3A_221 = arith.constant 0 : i32
        %dma_wait3A_222 = tpu.memref_slice %arg12[%dma_wait3A_220, %dma_wait3A_221] : memref<128x128xf32, #tpu.memory_space<vmem>> -> memref<16x128xf32, #tpu.memory_space<vmem>>
        tpu.wait_dma2 semaphore(%run_scoped3A : memref<!tpu.dma_semaphore, #tpu.memory_space<semaphore_mem>>) src(%dma_wait3A_222 : memref<16x128xf32, #tpu.memory_space<vmem>>) dst(%dma_wait3A_219 : memref<16x128xf32, #tpu.memory_space<vmem_shared>>)
        tpu.yield
      }) : () -> ()
    } else {
    }
    %add3A_61 = arith.constant 0 : i32
    %add3A_62 = arith.addi %add3A, %add3A_61 : i32
    %dma_start3A = arith.constant 0 : i32
    %dma_start3A_63 = arith.constant 0 : i32
    %dma_start3A_64 = tpu.memref_slice %arg3[%add3A_62, %dma_start3A, %dma_start3A_63] : memref<2688x2x128xi32, #tpu.memory_space<hbm>> -> memref<1x2x128xi32, #tpu.memory_space<hbm>>
    %dma_start3A_65 = arith.constant 0 : i32
    %dma_start3A_66 = arith.constant 0 : i32
    %dma_start3A_67 = tpu.memref_slice %arg3[%add3A_62, %dma_start3A_65, %dma_start3A_66] : memref<2688x2x128xi32, #tpu.memory_space<hbm>> -> memref<1x2x128xi32, #tpu.memory_space<hbm>>
    tpu.enqueue_dma source(%dma_start3A_67 : memref<1x2x128xi32, #tpu.memory_space<hbm>>) target(%arg6 : memref<1x2x128xi32, #tpu.memory_space<vmem>>) target_semaphore(%arg15 : memref<!tpu.dma_semaphore, #tpu.memory_space<semaphore_mem>>)
    %add3A_68 = arith.constant 32 : i32
    %add3A_69 = arith.addi %add3A, %add3A_68 : i32
    %dma_start3A_70 = arith.constant 0 : i32
    %dma_start3A_71 = arith.constant 0 : i32
    %dma_start3A_72 = tpu.memref_slice %arg3[%add3A_69, %dma_start3A_70, %dma_start3A_71] : memref<2688x2x128xi32, #tpu.memory_space<hbm>> -> memref<1x2x128xi32, #tpu.memory_space<hbm>>
    %dma_start3A_73 = arith.constant 0 : i32
    %dma_start3A_74 = arith.constant 0 : i32
    %dma_start3A_75 = tpu.memref_slice %arg3[%add3A_69, %dma_start3A_73, %dma_start3A_74] : memref<2688x2x128xi32, #tpu.memory_space<hbm>> -> memref<1x2x128xi32, #tpu.memory_space<hbm>>
    tpu.enqueue_dma source(%dma_start3A_75 : memref<1x2x128xi32, #tpu.memory_space<hbm>>) target(%arg7 : memref<1x2x128xi32, #tpu.memory_space<vmem>>) target_semaphore(%arg16 : memref<!tpu.dma_semaphore, #tpu.memory_space<semaphore_mem>>)
    %add3A_76 = arith.constant 64 : i32
    %add3A_77 = arith.addi %add3A, %add3A_76 : i32
    %dma_start3A_78 = arith.constant 0 : i32
    %dma_start3A_79 = arith.constant 0 : i32
    %dma_start3A_80 = tpu.memref_slice %arg3[%add3A_77, %dma_start3A_78, %dma_start3A_79] : memref<2688x2x128xi32, #tpu.memory_space<hbm>> -> memref<1x2x128xi32, #tpu.memory_space<hbm>>
    %dma_start3A_81 = arith.constant 0 : i32
    %dma_start3A_82 = arith.constant 0 : i32
    %dma_start3A_83 = tpu.memref_slice %arg3[%add3A_77, %dma_start3A_81, %dma_start3A_82] : memref<2688x2x128xi32, #tpu.memory_space<hbm>> -> memref<1x2x128xi32, #tpu.memory_space<hbm>>
    tpu.enqueue_dma source(%dma_start3A_83 : memref<1x2x128xi32, #tpu.memory_space<hbm>>) target(%arg8 : memref<1x2x128xi32, #tpu.memory_space<vmem>>) target_semaphore(%arg17 : memref<!tpu.dma_semaphore, #tpu.memory_space<semaphore_mem>>)
    %add3A_84 = arith.constant 96 : i32
    %add3A_85 = arith.addi %add3A, %add3A_84 : i32
    %dma_start3A_86 = arith.constant 0 : i32
    %dma_start3A_87 = arith.constant 0 : i32
    %dma_start3A_88 = tpu.memref_slice %arg3[%add3A_85, %dma_start3A_86, %dma_start3A_87] : memref<2688x2x128xi32, #tpu.memory_space<hbm>> -> memref<1x2x128xi32, #tpu.memory_space<hbm>>
    %dma_start3A_89 = arith.constant 0 : i32
    %dma_start3A_90 = arith.constant 0 : i32
    %dma_start3A_91 = tpu.memref_slice %arg3[%add3A_85, %dma_start3A_89, %dma_start3A_90] : memref<2688x2x128xi32, #tpu.memory_space<hbm>> -> memref<1x2x128xi32, #tpu.memory_space<hbm>>
    tpu.enqueue_dma source(%dma_start3A_91 : memref<1x2x128xi32, #tpu.memory_space<hbm>>) target(%arg9 : memref<1x2x128xi32, #tpu.memory_space<vmem>>) target_semaphore(%arg18 : memref<!tpu.dma_semaphore, #tpu.memory_space<semaphore_mem>>)
    %add3A_92 = arith.constant 128 : i32
    %add3A_93 = arith.addi %add3A, %add3A_92 : i32
    %dma_start3A_94 = arith.constant 0 : i32
    %dma_start3A_95 = arith.constant 0 : i32
    %dma_start3A_96 = tpu.memref_slice %arg3[%add3A_93, %dma_start3A_94, %dma_start3A_95] : memref<2688x2x128xi32, #tpu.memory_space<hbm>> -> memref<1x2x128xi32, #tpu.memory_space<hbm>>
    %dma_start3A_97 = arith.constant 0 : i32
    %dma_start3A_98 = arith.constant 0 : i32
    %dma_start3A_99 = tpu.memref_slice %arg3[%add3A_93, %dma_start3A_97, %dma_start3A_98] : memref<2688x2x128xi32, #tpu.memory_space<hbm>> -> memref<1x2x128xi32, #tpu.memory_space<hbm>>
    tpu.enqueue_dma source(%dma_start3A_99 : memref<1x2x128xi32, #tpu.memory_space<hbm>>) target(%arg10 : memref<1x2x128xi32, #tpu.memory_space<vmem>>) target_semaphore(%arg19 : memref<!tpu.dma_semaphore, #tpu.memory_space<semaphore_mem>>)
    %add3A_100 = arith.constant 160 : i32
    %add3A_101 = arith.addi %add3A, %add3A_100 : i32
    %dma_start3A_102 = arith.constant 0 : i32
    %dma_start3A_103 = arith.constant 0 : i32
    %dma_start3A_104 = tpu.memref_slice %arg3[%add3A_101, %dma_start3A_102, %dma_start3A_103] : memref<2688x2x128xi32, #tpu.memory_space<hbm>> -> memref<1x2x128xi32, #tpu.memory_space<hbm>>
    %dma_start3A_105 = arith.constant 0 : i32
    %dma_start3A_106 = arith.constant 0 : i32
    %dma_start3A_107 = tpu.memref_slice %arg3[%add3A_101, %dma_start3A_105, %dma_start3A_106] : memref<2688x2x128xi32, #tpu.memory_space<hbm>> -> memref<1x2x128xi32, #tpu.memory_space<hbm>>
    tpu.enqueue_dma source(%dma_start3A_107 : memref<1x2x128xi32, #tpu.memory_space<hbm>>) target(%arg11 : memref<1x2x128xi32, #tpu.memory_space<vmem>>) target_semaphore(%arg20 : memref<!tpu.dma_semaphore, #tpu.memory_space<semaphore_mem>>)
    %dma_wait3A = arith.constant 0 : i32
    %dma_wait3A_108 = arith.constant 0 : i32
    %dma_wait3A_109 = tpu.memref_slice %arg3[%add3A, %dma_wait3A, %dma_wait3A_108] : memref<2688x2x128xi32, #tpu.memory_space<hbm>> -> memref<1x2x128xi32, #tpu.memory_space<hbm>>
    %dma_wait3A_110 = arith.constant 0 : i32
    %dma_wait3A_111 = arith.constant 0 : i32
    %dma_wait3A_112 = tpu.memref_slice %arg3[%add3A, %dma_wait3A_110, %dma_wait3A_111] : memref<2688x2x128xi32, #tpu.memory_space<hbm>> -> memref<1x2x128xi32, #tpu.memory_space<hbm>>
    tpu.wait_dma2 semaphore(%arg15 : memref<!tpu.dma_semaphore, #tpu.memory_space<semaphore_mem>>) src(%dma_wait3A_112 : memref<1x2x128xi32, #tpu.memory_space<hbm>>) dst(%arg6 : memref<1x2x128xi32, #tpu.memory_space<vmem>>)
    %dma_start3A_113 = arith.constant 0 : i32
    %dma_start3A_114 = arith.constant 0 : i32
    %dma_start3A_115 = arith.constant 0 : i32
    %dma_start3A_116 = tpu.memref_slice %arg6[%dma_start3A_113, %dma_start3A_114, %dma_start3A_115] : memref<1x2x128xi32, #tpu.memory_space<vmem>> -> memref<1x1x128xi32, #tpu.memory_space<vmem>>
    %dma_start3A_117 = tpu.memref_squeeze %dma_start3A_116 : memref<1x1x128xi32, #tpu.memory_space<vmem>> -> memref<128xi32, #tpu.memory_space<vmem>>
    %dma_start3A_118 = arith.constant 0 : i32
    %dma_start3A_119 = arith.constant 0 : i32
    %dma_start3A_120 = tpu.memref_slice %arg2[%dma_start3A_118, %dma_start3A_119] : memref<10016x128xf32, #tpu.memory_space<hbm>> -> memref<10016x128xf32, #tpu.memory_space<hbm>>
    tpu.enqueue_indirect_dma source(%dma_start3A_120 : memref<10016x128xf32, #tpu.memory_space<hbm>>) target(%arg12 : memref<128x128xf32, #tpu.memory_space<vmem>>) offsets(%dma_start3A_117 : memref<128xi32, #tpu.memory_space<vmem>>) semaphore(%arg21 : memref<!tpu.dma_semaphore, #tpu.memory_space<semaphore_mem>>)
    %dma_wait3A_121 = arith.constant 0 : i32
    %dma_wait3A_122 = arith.constant 0 : i32
    %dma_wait3A_123 = tpu.memref_slice %arg3[%add3A, %dma_wait3A_121, %dma_wait3A_122] : memref<2688x2x128xi32, #tpu.memory_space<hbm>> -> memref<1x2x128xi32, #tpu.memory_space<hbm>>
    %dma_wait3A_124 = arith.constant 0 : i32
    %dma_wait3A_125 = arith.constant 0 : i32
    %dma_wait3A_126 = tpu.memref_slice %arg3[%add3A, %dma_wait3A_124, %dma_wait3A_125] : memref<2688x2x128xi32, #tpu.memory_space<hbm>> -> memref<1x2x128xi32, #tpu.memory_space<hbm>>
    tpu.wait_dma2 semaphore(%arg16 : memref<!tpu.dma_semaphore, #tpu.memory_space<semaphore_mem>>) src(%dma_wait3A_126 : memref<1x2x128xi32, #tpu.memory_space<hbm>>) dst(%arg7 : memref<1x2x128xi32, #tpu.memory_space<vmem>>)
    %dma_start3A_127 = arith.constant 0 : i32
    %dma_start3A_128 = arith.constant 0 : i32
    %dma_start3A_129 = arith.constant 0 : i32
    %dma_start3A_130 = tpu.memref_slice %arg7[%dma_start3A_127, %dma_start3A_128, %dma_start3A_129] : memref<1x2x128xi32, #tpu.memory_space<vmem>> -> memref<1x1x128xi32, #tpu.memory_space<vmem>>
    %dma_start3A_131 = tpu.memref_squeeze %dma_start3A_130 : memref<1x1x128xi32, #tpu.memory_space<vmem>> -> memref<128xi32, #tpu.memory_space<vmem>>
    %dma_start3A_132 = arith.constant 0 : i32
    %dma_start3A_133 = arith.constant 0 : i32
    %dma_start3A_134 = tpu.memref_slice %arg2[%dma_start3A_132, %dma_start3A_133] : memref<10016x128xf32, #tpu.memory_space<hbm>> -> memref<10016x128xf32, #tpu.memory_space<hbm>>
    tpu.enqueue_indirect_dma source(%dma_start3A_134 : memref<10016x128xf32, #tpu.memory_space<hbm>>) target(%arg13 : memref<128x128xf32, #tpu.memory_space<vmem>>) offsets(%dma_start3A_131 : memref<128xi32, #tpu.memory_space<vmem>>) semaphore(%arg22 : memref<!tpu.dma_semaphore, #tpu.memory_space<semaphore_mem>>)
    %barrier3A = arith.constant 0 : index
    tpu.barrier barrier_id(%barrier3A)
    %scan3A_135 = arith.constant 0 : i32
    %scan3A_136 = arith.constant 14 : i32
    %scan3A_137 = arith.addi %scan3A_135, %scan3A_136 : i32
    %scan3A_138 = arith.constant 1 : i32
    scf.for %scan3A_201 = %scan3A_135 to %scan3A_137 step %scan3A_138  : i32 {
      %mul3A_202 = arith.constant 6 : i32
      %mul3A_203 = arith.muli %scan3A_201, %mul3A_202 : i32
      %add3A_204 = arith.constant 0 : i32
      %add3A_205 = arith.addi %add3A_204, %mul3A_203 : i32
      %add3A_206 = arith.constant 0 : i32
      %add3A_207 = arith.addi %add3A_205, %add3A_206 : i32
      %dma_wait3A_208 = arith.constant 0 : i32
      %dma_wait3A_209 = arith.constant 0 : i32
      %dma_wait3A_210 = arith.constant 0 : i32
      %dma_wait3A_211 = tpu.memref_slice %arg6[%dma_wait3A_208, %dma_wait3A_209, %dma_wait3A_210] : memref<1x2x128xi32, #tpu.memory_space<vmem>> -> memref<1x1x128xi32, #tpu.memory_space<vmem>>
      %dma_wait3A_212 = tpu.memref_squeeze %dma_wait3A_211 : memref<1x1x128xi32, #tpu.memory_space<vmem>> -> memref<128xi32, #tpu.memory_space<vmem>>
      %dma_wait3A_213 = arith.constant 0 : i32
      %dma_wait3A_214 = arith.constant 0 : i32
      %dma_wait3A_215 = tpu.memref_slice %arg2[%dma_wait3A_213, %dma_wait3A_214] : memref<10016x128xf32, #tpu.memory_space<hbm>> -> memref<10016x128xf32, #tpu.memory_space<hbm>>
      tpu.wait_indirect_dma semaphore(%arg21 : memref<!tpu.dma_semaphore, #tpu.memory_space<semaphore_mem>>) src(%dma_wait3A_215 : memref<10016x128xf32, #tpu.memory_space<hbm>>) dst(%arg12 : memref<128x128xf32, #tpu.memory_space<vmem>>)
      %dma_start3A_216 = arith.constant 0 : i32
      %dma_start3A_217 = arith.constant 1 : i32
      %dma_start3A_218 = arith.constant 0 : i32
      %dma_start3A_219 = tpu.memref_slice %arg6[%dma_start3A_216, %dma_start3A_217, %dma_start3A_218] : memref<1x2x128xi32, #tpu.memory_space<vmem>> -> memref<1x1x128xi32, #tpu.memory_space<vmem>>
      %dma_start3A_220 = tpu.memref_squeeze %dma_start3A_219 : memref<1x1x128xi32, #tpu.memory_space<vmem>> -> memref<128xi32, #tpu.memory_space<vmem>>
      %dma_start3A_221 = arith.constant 0 : i32
      %dma_start3A_222 = arith.constant 0 : i32
      %dma_start3A_223 = tpu.memref_slice %arg5[%dma_start3A_221, %dma_start3A_222] : memref<10000x128xf32, #tpu.memory_space<vmem_shared>> -> memref<10000x128xf32, #tpu.memory_space<vmem_shared>>
      tpu.enqueue_indirect_dma source(%arg12 : memref<128x128xf32, #tpu.memory_space<vmem>>) target(%dma_start3A_223 : memref<10000x128xf32, #tpu.memory_space<vmem_shared>>) offsets(%dma_start3A_220 : memref<128xi32, #tpu.memory_space<vmem>>) semaphore(%arg24 : memref<!tpu.dma_semaphore, #tpu.memory_space<semaphore_mem>>) {add = true}
      %dma_wait3A_224 = arith.constant 0 : i32
      %dma_wait3A_225 = arith.constant 1 : i32
      %dma_wait3A_226 = arith.constant 0 : i32
      %dma_wait3A_227 = tpu.memref_slice %arg6[%dma_wait3A_224, %dma_wait3A_225, %dma_wait3A_226] : memref<1x2x128xi32, #tpu.memory_space<vmem>> -> memref<1x1x128xi32, #tpu.memory_space<vmem>>
      %dma_wait3A_228 = tpu.memref_squeeze %dma_wait3A_227 : memref<1x1x128xi32, #tpu.memory_space<vmem>> -> memref<128xi32, #tpu.memory_space<vmem>>
      %dma_wait3A_229 = arith.constant 0 : i32
      %dma_wait3A_230 = arith.constant 0 : i32
      %dma_wait3A_231 = tpu.memref_slice %arg5[%dma_wait3A_229, %dma_wait3A_230] : memref<10000x128xf32, #tpu.memory_space<vmem_shared>> -> memref<10000x128xf32, #tpu.memory_space<vmem_shared>>
      tpu.wait_indirect_dma semaphore(%arg24 : memref<!tpu.dma_semaphore, #tpu.memory_space<semaphore_mem>>) src(%arg12 : memref<128x128xf32, #tpu.memory_space<vmem>>) dst(%dma_wait3A_231 : memref<10000x128xf32, #tpu.memory_space<vmem_shared>>)
      %add3A_232 = arith.constant 2 : i32
      %add3A_233 = arith.addi %add3A_207, %add3A_232 : i32
      %lt3A_234 = arith.constant 84 : i32
      %lt3A_235 = arith.cmpi slt, %add3A_233, %lt3A_234 : i32
      %convert_element_type3A_236 = arith.extui %lt3A_235 : i1 to i32
      %cond3A_237 = arith.constant 0 : i32
      %cond3A_238 = arith.cmpi ne, %convert_element_type3A_236, %cond3A_237 : i32
      scf.if %cond3A_238 {
        %dma_wait3A_446 = arith.constant 0 : i32
        %dma_wait3A_447 = arith.constant 0 : i32
        %dma_wait3A_448 = tpu.memref_slice %arg3[%add3A, %dma_wait3A_446, %dma_wait3A_447] : memref<2688x2x128xi32, #tpu.memory_space<hbm>> -> memref<1x2x128xi32, #tpu.memory_space<hbm>>
        %dma_wait3A_449 = arith.constant 0 : i32
        %dma_wait3A_450 = arith.constant 0 : i32
        %dma_wait3A_451 = tpu.memref_slice %arg3[%add3A, %dma_wait3A_449, %dma_wait3A_450] : memref<2688x2x128xi32, #tpu.memory_space<hbm>> -> memref<1x2x128xi32, #tpu.memory_space<hbm>>
        tpu.wait_dma2 semaphore(%arg17 : memref<!tpu.dma_semaphore, #tpu.memory_space<semaphore_mem>>) src(%dma_wait3A_451 : memref<1x2x128xi32, #tpu.memory_space<hbm>>) dst(%arg8 : memref<1x2x128xi32, #tpu.memory_space<vmem>>)
        %dma_start3A_452 = arith.constant 0 : i32
        %dma_start3A_453 = arith.constant 0 : i32
        %dma_start3A_454 = arith.constant 0 : i32
        %dma_start3A_455 = tpu.memref_slice %arg8[%dma_start3A_452, %dma_start3A_453, %dma_start3A_454] : memref<1x2x128xi32, #tpu.memory_space<vmem>> -> memref<1x1x128xi32, #tpu.memory_space<vmem>>
        %dma_start3A_456 = tpu.memref_squeeze %dma_start3A_455 : memref<1x1x128xi32, #tpu.memory_space<vmem>> -> memref<128xi32, #tpu.memory_space<vmem>>
        %dma_start3A_457 = arith.constant 0 : i32
        %dma_start3A_458 = arith.constant 0 : i32
        %dma_start3A_459 = tpu.memref_slice %arg2[%dma_start3A_457, %dma_start3A_458] : memref<10016x128xf32, #tpu.memory_space<hbm>> -> memref<10016x128xf32, #tpu.memory_space<hbm>>
        tpu.enqueue_indirect_dma source(%dma_start3A_459 : memref<10016x128xf32, #tpu.memory_space<hbm>>) target(%arg14 : memref<128x128xf32, #tpu.memory_space<vmem>>) offsets(%dma_start3A_456 : memref<128xi32, #tpu.memory_space<vmem>>) semaphore(%arg23 : memref<!tpu.dma_semaphore, #tpu.memory_space<semaphore_mem>>)
      } else {
      }
      %add3A_239 = arith.constant 6 : i32
      %add3A_240 = arith.addi %add3A_207, %add3A_239 : i32
      %lt3A_241 = arith.constant 84 : i32
      %lt3A_242 = arith.cmpi slt, %add3A_240, %lt3A_241 : i32
      %convert_element_type3A_243 = arith.extui %lt3A_242 : i1 to i32
      %cond3A_244 = arith.constant 0 : i32
      %cond3A_245 = arith.cmpi ne, %convert_element_type3A_243, %cond3A_244 : i32
      scf.if %cond3A_245 {
        %mul3A_446 = arith.constant 32 : i32
        %mul3A_447 = arith.muli %mul3A_446, %add3A_240 : i32
        %add3A_448 = arith.addi %add3A, %mul3A_447 : i32
        %dma_start3A_449 = arith.constant 0 : i32
        %dma_start3A_450 = arith.constant 0 : i32
        %dma_start3A_451 = tpu.memref_slice %arg3[%add3A_448, %dma_start3A_449, %dma_start3A_450] : memref<2688x2x128xi32, #tpu.memory_space<hbm>> -> memref<1x2x128xi32, #tpu.memory_space<hbm>>
        %dma_start3A_452 = arith.constant 0 : i32
        %dma_start3A_453 = arith.constant 0 : i32
        %dma_start3A_454 = tpu.memref_slice %arg3[%add3A_448, %dma_start3A_452, %dma_start3A_453] : memref<2688x2x128xi32, #tpu.memory_space<hbm>> -> memref<1x2x128xi32, #tpu.memory_space<hbm>>
        tpu.enqueue_dma source(%dma_start3A_454 : memref<1x2x128xi32, #tpu.memory_space<hbm>>) target(%arg6 : memref<1x2x128xi32, #tpu.memory_space<vmem>>) target_semaphore(%arg15 : memref<!tpu.dma_semaphore, #tpu.memory_space<semaphore_mem>>)
      } else {
      }
      %add3A_246 = arith.constant 1 : i32
      %add3A_247 = arith.addi %add3A_205, %add3A_246 : i32
      %dma_wait3A_248 = arith.constant 0 : i32
      %dma_wait3A_249 = arith.constant 0 : i32
      %dma_wait3A_250 = arith.constant 0 : i32
      %dma_wait3A_251 = tpu.memref_slice %arg6[%dma_wait3A_248, %dma_wait3A_249, %dma_wait3A_250] : memref<1x2x128xi32, #tpu.memory_space<vmem>> -> memref<1x1x128xi32, #tpu.memory_space<vmem>>
      %dma_wait3A_252 = tpu.memref_squeeze %dma_wait3A_251 : memref<1x1x128xi32, #tpu.memory_space<vmem>> -> memref<128xi32, #tpu.memory_space<vmem>>
      %dma_wait3A_253 = arith.constant 0 : i32
      %dma_wait3A_254 = arith.constant 0 : i32
      %dma_wait3A_255 = tpu.memref_slice %arg2[%dma_wait3A_253, %dma_wait3A_254] : memref<10016x128xf32, #tpu.memory_space<hbm>> -> memref<10016x128xf32, #tpu.memory_space<hbm>>
      tpu.wait_indirect_dma semaphore(%arg22 : memref<!tpu.dma_semaphore, #tpu.memory_space<semaphore_mem>>) src(%dma_wait3A_255 : memref<10016x128xf32, #tpu.memory_space<hbm>>) dst(%arg13 : memref<128x128xf32, #tpu.memory_space<vmem>>)
      %dma_start3A_256 = arith.constant 0 : i32
      %dma_start3A_257 = arith.constant 1 : i32
      %dma_start3A_258 = arith.constant 0 : i32
      %dma_start3A_259 = tpu.memref_slice %arg7[%dma_start3A_256, %dma_start3A_257, %dma_start3A_258] : memref<1x2x128xi32, #tpu.memory_space<vmem>> -> memref<1x1x128xi32, #tpu.memory_space<vmem>>
      %dma_start3A_260 = tpu.memref_squeeze %dma_start3A_259 : memref<1x1x128xi32, #tpu.memory_space<vmem>> -> memref<128xi32, #tpu.memory_space<vmem>>
      %dma_start3A_261 = arith.constant 0 : i32
      %dma_start3A_262 = arith.constant 0 : i32
      %dma_start3A_263 = tpu.memref_slice %arg5[%dma_start3A_261, %dma_start3A_262] : memref<10000x128xf32, #tpu.memory_space<vmem_shared>> -> memref<10000x128xf32, #tpu.memory_space<vmem_shared>>
      tpu.enqueue_indirect_dma source(%arg13 : memref<128x128xf32, #tpu.memory_space<vmem>>) target(%dma_start3A_263 : memref<10000x128xf32, #tpu.memory_space<vmem_shared>>) offsets(%dma_start3A_260 : memref<128xi32, #tpu.memory_space<vmem>>) semaphore(%arg25 : memref<!tpu.dma_semaphore, #tpu.memory_space<semaphore_mem>>) {add = true}
      %dma_wait3A_264 = arith.constant 0 : i32
      %dma_wait3A_265 = arith.constant 1 : i32
      %dma_wait3A_266 = arith.constant 0 : i32
      %dma_wait3A_267 = tpu.memref_slice %arg6[%dma_wait3A_264, %dma_wait3A_265, %dma_wait3A_266] : memref<1x2x128xi32, #tpu.memory_space<vmem>> -> memref<1x1x128xi32, #tpu.memory_space<vmem>>
      %dma_wait3A_268 = tpu.memref_squeeze %dma_wait3A_267 : memref<1x1x128xi32, #tpu.memory_space<vmem>> -> memref<128xi32, #tpu.memory_space<vmem>>
      %dma_wait3A_269 = arith.constant 0 : i32
      %dma_wait3A_270 = arith.constant 0 : i32
      %dma_wait3A_271 = tpu.memref_slice %arg5[%dma_wait3A_269, %dma_wait3A_270] : memref<10000x128xf32, #tpu.memory_space<vmem_shared>> -> memref<10000x128xf32, #tpu.memory_space<vmem_shared>>
      tpu.wait_indirect_dma semaphore(%arg25 : memref<!tpu.dma_semaphore, #tpu.memory_space<semaphore_mem>>) src(%arg13 : memref<128x128xf32, #tpu.memory_space<vmem>>) dst(%dma_wait3A_271 : memref<10000x128xf32, #tpu.memory_space<vmem_shared>>)
      %add3A_272 = arith.constant 2 : i32
      %add3A_273 = arith.addi %add3A_247, %add3A_272 : i32
      %lt3A_274 = arith.constant 84 : i32
      %lt3A_275 = arith.cmpi slt, %add3A_273, %lt3A_274 : i32
      %convert_element_type3A_276 = arith.extui %lt3A_275 : i1 to i32
      %cond3A_277 = arith.constant 0 : i32
      %cond3A_278 = arith.cmpi ne, %convert_element_type3A_276, %cond3A_277 : i32
      scf.if %cond3A_278 {
        %dma_wait3A_446 = arith.constant 0 : i32
        %dma_wait3A_447 = arith.constant 0 : i32
        %dma_wait3A_448 = tpu.memref_slice %arg3[%add3A, %dma_wait3A_446, %dma_wait3A_447] : memref<2688x2x128xi32, #tpu.memory_space<hbm>> -> memref<1x2x128xi32, #tpu.memory_space<hbm>>
        %dma_wait3A_449 = arith.constant 0 : i32
        %dma_wait3A_450 = arith.constant 0 : i32
        %dma_wait3A_451 = tpu.memref_slice %arg3[%add3A, %dma_wait3A_449, %dma_wait3A_450] : memref<2688x2x128xi32, #tpu.memory_space<hbm>> -> memref<1x2x128xi32, #tpu.memory_space<hbm>>
        tpu.wait_dma2 semaphore(%arg18 : memref<!tpu.dma_semaphore, #tpu.memory_space<semaphore_mem>>) src(%dma_wait3A_451 : memref<1x2x128xi32, #tpu.memory_space<hbm>>) dst(%arg9 : memref<1x2x128xi32, #tpu.memory_space<vmem>>)
        %dma_start3A_452 = arith.constant 0 : i32
        %dma_start3A_453 = arith.constant 0 : i32
        %dma_start3A_454 = arith.constant 0 : i32
        %dma_start3A_455 = tpu.memref_slice %arg9[%dma_start3A_452, %dma_start3A_453, %dma_start3A_454] : memref<1x2x128xi32, #tpu.memory_space<vmem>> -> memref<1x1x128xi32, #tpu.memory_space<vmem>>
        %dma_start3A_456 = tpu.memref_squeeze %dma_start3A_455 : memref<1x1x128xi32, #tpu.memory_space<vmem>> -> memref<128xi32, #tpu.memory_space<vmem>>
        %dma_start3A_457 = arith.constant 0 : i32
        %dma_start3A_458 = arith.constant 0 : i32
        %dma_start3A_459 = tpu.memref_slice %arg2[%dma_start3A_457, %dma_start3A_458] : memref<10016x128xf32, #tpu.memory_space<hbm>> -> memref<10016x128xf32, #tpu.memory_space<hbm>>
        tpu.enqueue_indirect_dma source(%dma_start3A_459 : memref<10016x128xf32, #tpu.memory_space<hbm>>) target(%arg12 : memref<128x128xf32, #tpu.memory_space<vmem>>) offsets(%dma_start3A_456 : memref<128xi32, #tpu.memory_space<vmem>>) semaphore(%arg21 : memref<!tpu.dma_semaphore, #tpu.memory_space<semaphore_mem>>)
      } else {
      }
      %add3A_279 = arith.constant 6 : i32
      %add3A_280 = arith.addi %add3A_247, %add3A_279 : i32
      %lt3A_281 = arith.constant 84 : i32
      %lt3A_282 = arith.cmpi slt, %add3A_280, %lt3A_281 : i32
      %convert_element_type3A_283 = arith.extui %lt3A_282 : i1 to i32
      %cond3A_284 = arith.constant 0 : i32
      %cond3A_285 = arith.cmpi ne, %convert_element_type3A_283, %cond3A_284 : i32
      scf.if %cond3A_285 {
        %mul3A_446 = arith.constant 32 : i32
        %mul3A_447 = arith.muli %mul3A_446, %add3A_280 : i32
        %add3A_448 = arith.addi %add3A, %mul3A_447 : i32
        %dma_start3A_449 = arith.constant 0 : i32
        %dma_start3A_450 = arith.constant 0 : i32
        %dma_start3A_451 = tpu.memref_slice %arg3[%add3A_448, %dma_start3A_449, %dma_start3A_450] : memref<2688x2x128xi32, #tpu.memory_space<hbm>> -> memref<1x2x128xi32, #tpu.memory_space<hbm>>
        %dma_start3A_452 = arith.constant 0 : i32
        %dma_start3A_453 = arith.constant 0 : i32
        %dma_start3A_454 = tpu.memref_slice %arg3[%add3A_448, %dma_start3A_452, %dma_start3A_453] : memref<2688x2x128xi32, #tpu.memory_space<hbm>> -> memref<1x2x128xi32, #tpu.memory_space<hbm>>
        tpu.enqueue_dma source(%dma_start3A_454 : memref<1x2x128xi32, #tpu.memory_space<hbm>>) target(%arg7 : memref<1x2x128xi32, #tpu.memory_space<vmem>>) target_semaphore(%arg16 : memref<!tpu.dma_semaphore, #tpu.memory_space<semaphore_mem>>)
      } else {
      }
      %add3A_286 = arith.constant 2 : i32
      %add3A_287 = arith.addi %add3A_205, %add3A_286 : i32
      %dma_wait3A_288 = arith.constant 0 : i32
      %dma_wait3A_289 = arith.constant 0 : i32
      %dma_wait3A_290 = arith.constant 0 : i32
      %dma_wait3A_291 = tpu.memref_slice %arg6[%dma_wait3A_288, %dma_wait3A_289, %dma_wait3A_290] : memref<1x2x128xi32, #tpu.memory_space<vmem>> -> memref<1x1x128xi32, #tpu.memory_space<vmem>>
      %dma_wait3A_292 = tpu.memref_squeeze %dma_wait3A_291 : memref<1x1x128xi32, #tpu.memory_space<vmem>> -> memref<128xi32, #tpu.memory_space<vmem>>
      %dma_wait3A_293 = arith.constant 0 : i32
      %dma_wait3A_294 = arith.constant 0 : i32
      %dma_wait3A_295 = tpu.memref_slice %arg2[%dma_wait3A_293, %dma_wait3A_294] : memref<10016x128xf32, #tpu.memory_space<hbm>> -> memref<10016x128xf32, #tpu.memory_space<hbm>>
      tpu.wait_indirect_dma semaphore(%arg23 : memref<!tpu.dma_semaphore, #tpu.memory_space<semaphore_mem>>) src(%dma_wait3A_295 : memref<10016x128xf32, #tpu.memory_space<hbm>>) dst(%arg14 : memref<128x128xf32, #tpu.memory_space<vmem>>)
      %dma_start3A_296 = arith.constant 0 : i32
      %dma_start3A_297 = arith.constant 1 : i32
      %dma_start3A_298 = arith.constant 0 : i32
      %dma_start3A_299 = tpu.memref_slice %arg8[%dma_start3A_296, %dma_start3A_297, %dma_start3A_298] : memref<1x2x128xi32, #tpu.memory_space<vmem>> -> memref<1x1x128xi32, #tpu.memory_space<vmem>>
      %dma_start3A_300 = tpu.memref_squeeze %dma_start3A_299 : memref<1x1x128xi32, #tpu.memory_space<vmem>> -> memref<128xi32, #tpu.memory_space<vmem>>
      %dma_start3A_301 = arith.constant 0 : i32
      %dma_start3A_302 = arith.constant 0 : i32
      %dma_start3A_303 = tpu.memref_slice %arg5[%dma_start3A_301, %dma_start3A_302] : memref<10000x128xf32, #tpu.memory_space<vmem_shared>> -> memref<10000x128xf32, #tpu.memory_space<vmem_shared>>
      tpu.enqueue_indirect_dma source(%arg14 : memref<128x128xf32, #tpu.memory_space<vmem>>) target(%dma_start3A_303 : memref<10000x128xf32, #tpu.memory_space<vmem_shared>>) offsets(%dma_start3A_300 : memref<128xi32, #tpu.memory_space<vmem>>) semaphore(%arg26 : memref<!tpu.dma_semaphore, #tpu.memory_space<semaphore_mem>>) {add = true}
      %dma_wait3A_304 = arith.constant 0 : i32
      %dma_wait3A_305 = arith.constant 1 : i32
      %dma_wait3A_306 = arith.constant 0 : i32
      %dma_wait3A_307 = tpu.memref_slice %arg6[%dma_wait3A_304, %dma_wait3A_305, %dma_wait3A_306] : memref<1x2x128xi32, #tpu.memory_space<vmem>> -> memref<1x1x128xi32, #tpu.memory_space<vmem>>
      %dma_wait3A_308 = tpu.memref_squeeze %dma_wait3A_307 : memref<1x1x128xi32, #tpu.memory_space<vmem>> -> memref<128xi32, #tpu.memory_space<vmem>>
      %dma_wait3A_309 = arith.constant 0 : i32
      %dma_wait3A_310 = arith.constant 0 : i32
      %dma_wait3A_311 = tpu.memref_slice %arg5[%dma_wait3A_309, %dma_wait3A_310] : memref<10000x128xf32, #tpu.memory_space<vmem_shared>> -> memref<10000x128xf32, #tpu.memory_space<vmem_shared>>
      tpu.wait_indirect_dma semaphore(%arg26 : memref<!tpu.dma_semaphore, #tpu.memory_space<semaphore_mem>>) src(%arg14 : memref<128x128xf32, #tpu.memory_space<vmem>>) dst(%dma_wait3A_311 : memref<10000x128xf32, #tpu.memory_space<vmem_shared>>)
      %add3A_312 = arith.constant 2 : i32
      %add3A_313 = arith.addi %add3A_287, %add3A_312 : i32
      %lt3A_314 = arith.constant 84 : i32
      %lt3A_315 = arith.cmpi slt, %add3A_313, %lt3A_314 : i32
      %convert_element_type3A_316 = arith.extui %lt3A_315 : i1 to i32
      %cond3A_317 = arith.constant 0 : i32
      %cond3A_318 = arith.cmpi ne, %convert_element_type3A_316, %cond3A_317 : i32
      scf.if %cond3A_318 {
        %dma_wait3A_446 = arith.constant 0 : i32
        %dma_wait3A_447 = arith.constant 0 : i32
        %dma_wait3A_448 = tpu.memref_slice %arg3[%add3A, %dma_wait3A_446, %dma_wait3A_447] : memref<2688x2x128xi32, #tpu.memory_space<hbm>> -> memref<1x2x128xi32, #tpu.memory_space<hbm>>
        %dma_wait3A_449 = arith.constant 0 : i32
        %dma_wait3A_450 = arith.constant 0 : i32
        %dma_wait3A_451 = tpu.memref_slice %arg3[%add3A, %dma_wait3A_449, %dma_wait3A_450] : memref<2688x2x128xi32, #tpu.memory_space<hbm>> -> memref<1x2x128xi32, #tpu.memory_space<hbm>>
        tpu.wait_dma2 semaphore(%arg19 : memref<!tpu.dma_semaphore, #tpu.memory_space<semaphore_mem>>) src(%dma_wait3A_451 : memref<1x2x128xi32, #tpu.memory_space<hbm>>) dst(%arg10 : memref<1x2x128xi32, #tpu.memory_space<vmem>>)
        %dma_start3A_452 = arith.constant 0 : i32
        %dma_start3A_453 = arith.constant 0 : i32
        %dma_start3A_454 = arith.constant 0 : i32
        %dma_start3A_455 = tpu.memref_slice %arg10[%dma_start3A_452, %dma_start3A_453, %dma_start3A_454] : memref<1x2x128xi32, #tpu.memory_space<vmem>> -> memref<1x1x128xi32, #tpu.memory_space<vmem>>
        %dma_start3A_456 = tpu.memref_squeeze %dma_start3A_455 : memref<1x1x128xi32, #tpu.memory_space<vmem>> -> memref<128xi32, #tpu.memory_space<vmem>>
        %dma_start3A_457 = arith.constant 0 : i32
        %dma_start3A_458 = arith.constant 0 : i32
        %dma_start3A_459 = tpu.memref_slice %arg2[%dma_start3A_457, %dma_start3A_458] : memref<10016x128xf32, #tpu.memory_space<hbm>> -> memref<10016x128xf32, #tpu.memory_space<hbm>>
        tpu.enqueue_indirect_dma source(%dma_start3A_459 : memref<10016x128xf32, #tpu.memory_space<hbm>>) target(%arg13 : memref<128x128xf32, #tpu.memory_space<vmem>>) offsets(%dma_start3A_456 : memref<128xi32, #tpu.memory_space<vmem>>) semaphore(%arg22 : memref<!tpu.dma_semaphore, #tpu.memory_space<semaphore_mem>>)
      } else {
      }
      %add3A_319 = arith.constant 6 : i32
      %add3A_320 = arith.addi %add3A_287, %add3A_319 : i32
      %lt3A_321 = arith.constant 84 : i32
      %lt3A_322 = arith.cmpi slt, %add3A_320, %lt3A_321 : i32
      %convert_element_type3A_323 = arith.extui %lt3A_322 : i1 to i32
      %cond3A_324 = arith.constant 0 : i32
      %cond3A_325 = arith.cmpi ne, %convert_element_type3A_323, %cond3A_324 : i32
      scf.if %cond3A_325 {
        %mul3A_446 = arith.constant 32 : i32
        %mul3A_447 = arith.muli %mul3A_446, %add3A_320 : i32
        %add3A_448 = arith.addi %add3A, %mul3A_447 : i32
        %dma_start3A_449 = arith.constant 0 : i32
        %dma_start3A_450 = arith.constant 0 : i32
        %dma_start3A_451 = tpu.memref_slice %arg3[%add3A_448, %dma_start3A_449, %dma_start3A_450] : memref<2688x2x128xi32, #tpu.memory_space<hbm>> -> memref<1x2x128xi32, #tpu.memory_space<hbm>>
        %dma_start3A_452 = arith.constant 0 : i32
        %dma_start3A_453 = arith.constant 0 : i32
        %dma_start3A_454 = tpu.memref_slice %arg3[%add3A_448, %dma_start3A_452, %dma_start3A_453] : memref<2688x2x128xi32, #tpu.memory_space<hbm>> -> memref<1x2x128xi32, #tpu.memory_space<hbm>>
        tpu.enqueue_dma source(%dma_start3A_454 : memref<1x2x128xi32, #tpu.memory_space<hbm>>) target(%arg8 : memref<1x2x128xi32, #tpu.memory_space<vmem>>) target_semaphore(%arg17 : memref<!tpu.dma_semaphore, #tpu.memory_space<semaphore_mem>>)
      } else {
      }
      %add3A_326 = arith.constant 3 : i32
      %add3A_327 = arith.addi %add3A_205, %add3A_326 : i32
      %dma_wait3A_328 = arith.constant 0 : i32
      %dma_wait3A_329 = arith.constant 0 : i32
      %dma_wait3A_330 = arith.constant 0 : i32
      %dma_wait3A_331 = tpu.memref_slice %arg6[%dma_wait3A_328, %dma_wait3A_329, %dma_wait3A_330] : memref<1x2x128xi32, #tpu.memory_space<vmem>> -> memref<1x1x128xi32, #tpu.memory_space<vmem>>
      %dma_wait3A_332 = tpu.memref_squeeze %dma_wait3A_331 : memref<1x1x128xi32, #tpu.memory_space<vmem>> -> memref<128xi32, #tpu.memory_space<vmem>>
      %dma_wait3A_333 = arith.constant 0 : i32
      %dma_wait3A_334 = arith.constant 0 : i32
      %dma_wait3A_335 = tpu.memref_slice %arg2[%dma_wait3A_333, %dma_wait3A_334] : memref<10016x128xf32, #tpu.memory_space<hbm>> -> memref<10016x128xf32, #tpu.memory_space<hbm>>
      tpu.wait_indirect_dma semaphore(%arg21 : memref<!tpu.dma_semaphore, #tpu.memory_space<semaphore_mem>>) src(%dma_wait3A_335 : memref<10016x128xf32, #tpu.memory_space<hbm>>) dst(%arg12 : memref<128x128xf32, #tpu.memory_space<vmem>>)
      %dma_start3A_336 = arith.constant 0 : i32
      %dma_start3A_337 = arith.constant 1 : i32
      %dma_start3A_338 = arith.constant 0 : i32
      %dma_start3A_339 = tpu.memref_slice %arg9[%dma_start3A_336, %dma_start3A_337, %dma_start3A_338] : memref<1x2x128xi32, #tpu.memory_space<vmem>> -> memref<1x1x128xi32, #tpu.memory_space<vmem>>
      %dma_start3A_340 = tpu.memref_squeeze %dma_start3A_339 : memref<1x1x128xi32, #tpu.memory_space<vmem>> -> memref<128xi32, #tpu.memory_space<vmem>>
      %dma_start3A_341 = arith.constant 0 : i32
      %dma_start3A_342 = arith.constant 0 : i32
      %dma_start3A_343 = tpu.memref_slice %arg5[%dma_start3A_341, %dma_start3A_342] : memref<10000x128xf32, #tpu.memory_space<vmem_shared>> -> memref<10000x128xf32, #tpu.memory_space<vmem_shared>>
      tpu.enqueue_indirect_dma source(%arg12 : memref<128x128xf32, #tpu.memory_space<vmem>>) target(%dma_start3A_343 : memref<10000x128xf32, #tpu.memory_space<vmem_shared>>) offsets(%dma_start3A_340 : memref<128xi32, #tpu.memory_space<vmem>>) semaphore(%arg24 : memref<!tpu.dma_semaphore, #tpu.memory_space<semaphore_mem>>) {add = true}
      %dma_wait3A_344 = arith.constant 0 : i32
      %dma_wait3A_345 = arith.constant 1 : i32
      %dma_wait3A_346 = arith.constant 0 : i32
      %dma_wait3A_347 = tpu.memref_slice %arg6[%dma_wait3A_344, %dma_wait3A_345, %dma_wait3A_346] : memref<1x2x128xi32, #tpu.memory_space<vmem>> -> memref<1x1x128xi32, #tpu.memory_space<vmem>>
      %dma_wait3A_348 = tpu.memref_squeeze %dma_wait3A_347 : memref<1x1x128xi32, #tpu.memory_space<vmem>> -> memref<128xi32, #tpu.memory_space<vmem>>
      %dma_wait3A_349 = arith.constant 0 : i32
      %dma_wait3A_350 = arith.constant 0 : i32
      %dma_wait3A_351 = tpu.memref_slice %arg5[%dma_wait3A_349, %dma_wait3A_350] : memref<10000x128xf32, #tpu.memory_space<vmem_shared>> -> memref<10000x128xf32, #tpu.memory_space<vmem_shared>>
      tpu.wait_indirect_dma semaphore(%arg24 : memref<!tpu.dma_semaphore, #tpu.memory_space<semaphore_mem>>) src(%arg12 : memref<128x128xf32, #tpu.memory_space<vmem>>) dst(%dma_wait3A_351 : memref<10000x128xf32, #tpu.memory_space<vmem_shared>>)
      %add3A_352 = arith.constant 2 : i32
      %add3A_353 = arith.addi %add3A_327, %add3A_352 : i32
      %lt3A_354 = arith.constant 84 : i32
      %lt3A_355 = arith.cmpi slt, %add3A_353, %lt3A_354 : i32
      %convert_element_type3A_356 = arith.extui %lt3A_355 : i1 to i32
      %cond3A_357 = arith.constant 0 : i32
      %cond3A_358 = arith.cmpi ne, %convert_element_type3A_356, %cond3A_357 : i32
      scf.if %cond3A_358 {
        %dma_wait3A_446 = arith.constant 0 : i32
        %dma_wait3A_447 = arith.constant 0 : i32
        %dma_wait3A_448 = tpu.memref_slice %arg3[%add3A, %dma_wait3A_446, %dma_wait3A_447] : memref<2688x2x128xi32, #tpu.memory_space<hbm>> -> memref<1x2x128xi32, #tpu.memory_space<hbm>>
        %dma_wait3A_449 = arith.constant 0 : i32
        %dma_wait3A_450 = arith.constant 0 : i32
        %dma_wait3A_451 = tpu.memref_slice %arg3[%add3A, %dma_wait3A_449, %dma_wait3A_450] : memref<2688x2x128xi32, #tpu.memory_space<hbm>> -> memref<1x2x128xi32, #tpu.memory_space<hbm>>
        tpu.wait_dma2 semaphore(%arg20 : memref<!tpu.dma_semaphore, #tpu.memory_space<semaphore_mem>>) src(%dma_wait3A_451 : memref<1x2x128xi32, #tpu.memory_space<hbm>>) dst(%arg11 : memref<1x2x128xi32, #tpu.memory_space<vmem>>)
        %dma_start3A_452 = arith.constant 0 : i32
        %dma_start3A_453 = arith.constant 0 : i32
        %dma_start3A_454 = arith.constant 0 : i32
        %dma_start3A_455 = tpu.memref_slice %arg11[%dma_start3A_452, %dma_start3A_453, %dma_start3A_454] : memref<1x2x128xi32, #tpu.memory_space<vmem>> -> memref<1x1x128xi32, #tpu.memory_space<vmem>>
        %dma_start3A_456 = tpu.memref_squeeze %dma_start3A_455 : memref<1x1x128xi32, #tpu.memory_space<vmem>> -> memref<128xi32, #tpu.memory_space<vmem>>
        %dma_start3A_457 = arith.constant 0 : i32
        %dma_start3A_458 = arith.constant 0 : i32
        %dma_start3A_459 = tpu.memref_slice %arg2[%dma_start3A_457, %dma_start3A_458] : memref<10016x128xf32, #tpu.memory_space<hbm>> -> memref<10016x128xf32, #tpu.memory_space<hbm>>
        tpu.enqueue_indirect_dma source(%dma_start3A_459 : memref<10016x128xf32, #tpu.memory_space<hbm>>) target(%arg14 : memref<128x128xf32, #tpu.memory_space<vmem>>) offsets(%dma_start3A_456 : memref<128xi32, #tpu.memory_space<vmem>>) semaphore(%arg23 : memref<!tpu.dma_semaphore, #tpu.memory_space<semaphore_mem>>)
      } else {
      }
      %add3A_359 = arith.constant 6 : i32
      %add3A_360 = arith.addi %add3A_327, %add3A_359 : i32
      %lt3A_361 = arith.constant 84 : i32
      %lt3A_362 = arith.cmpi slt, %add3A_360, %lt3A_361 : i32
      %convert_element_type3A_363 = arith.extui %lt3A_362 : i1 to i32
      %cond3A_364 = arith.constant 0 : i32
      %cond3A_365 = arith.cmpi ne, %convert_element_type3A_363, %cond3A_364 : i32
      scf.if %cond3A_365 {
        %mul3A_446 = arith.constant 32 : i32
        %mul3A_447 = arith.muli %mul3A_446, %add3A_360 : i32
        %add3A_448 = arith.addi %add3A, %mul3A_447 : i32
        %dma_start3A_449 = arith.constant 0 : i32
        %dma_start3A_450 = arith.constant 0 : i32
        %dma_start3A_451 = tpu.memref_slice %arg3[%add3A_448, %dma_start3A_449, %dma_start3A_450] : memref<2688x2x128xi32, #tpu.memory_space<hbm>> -> memref<1x2x128xi32, #tpu.memory_space<hbm>>
        %dma_start3A_452 = arith.constant 0 : i32
        %dma_start3A_453 = arith.constant 0 : i32
        %dma_start3A_454 = tpu.memref_slice %arg3[%add3A_448, %dma_start3A_452, %dma_start3A_453] : memref<2688x2x128xi32, #tpu.memory_space<hbm>> -> memref<1x2x128xi32, #tpu.memory_space<hbm>>
        tpu.enqueue_dma source(%dma_start3A_454 : memref<1x2x128xi32, #tpu.memory_space<hbm>>) target(%arg9 : memref<1x2x128xi32, #tpu.memory_space<vmem>>) target_semaphore(%arg18 : memref<!tpu.dma_semaphore, #tpu.memory_space<semaphore_mem>>)
      } else {
      }
      %add3A_366 = arith.constant 4 : i32
      %add3A_367 = arith.addi %add3A_205, %add3A_366 : i32
      %dma_wait3A_368 = arith.constant 0 : i32
      %dma_wait3A_369 = arith.constant 0 : i32
      %dma_wait3A_370 = arith.constant 0 : i32
      %dma_wait3A_371 = tpu.memref_slice %arg6[%dma_wait3A_368, %dma_wait3A_369, %dma_wait3A_370] : memref<1x2x128xi32, #tpu.memory_space<vmem>> -> memref<1x1x128xi32, #tpu.memory_space<vmem>>
      %dma_wait3A_372 = tpu.memref_squeeze %dma_wait3A_371 : memref<1x1x128xi32, #tpu.memory_space<vmem>> -> memref<128xi32, #tpu.memory_space<vmem>>
      %dma_wait3A_373 = arith.constant 0 : i32
      %dma_wait3A_374 = arith.constant 0 : i32
      %dma_wait3A_375 = tpu.memref_slice %arg2[%dma_wait3A_373, %dma_wait3A_374] : memref<10016x128xf32, #tpu.memory_space<hbm>> -> memref<10016x128xf32, #tpu.memory_space<hbm>>
      tpu.wait_indirect_dma semaphore(%arg22 : memref<!tpu.dma_semaphore, #tpu.memory_space<semaphore_mem>>) src(%dma_wait3A_375 : memref<10016x128xf32, #tpu.memory_space<hbm>>) dst(%arg13 : memref<128x128xf32, #tpu.memory_space<vmem>>)
      %dma_start3A_376 = arith.constant 0 : i32
      %dma_start3A_377 = arith.constant 1 : i32
      %dma_start3A_378 = arith.constant 0 : i32
      %dma_start3A_379 = tpu.memref_slice %arg10[%dma_start3A_376, %dma_start3A_377, %dma_start3A_378] : memref<1x2x128xi32, #tpu.memory_space<vmem>> -> memref<1x1x128xi32, #tpu.memory_space<vmem>>
      %dma_start3A_380 = tpu.memref_squeeze %dma_start3A_379 : memref<1x1x128xi32, #tpu.memory_space<vmem>> -> memref<128xi32, #tpu.memory_space<vmem>>
      %dma_start3A_381 = arith.constant 0 : i32
      %dma_start3A_382 = arith.constant 0 : i32
      %dma_start3A_383 = tpu.memref_slice %arg5[%dma_start3A_381, %dma_start3A_382] : memref<10000x128xf32, #tpu.memory_space<vmem_shared>> -> memref<10000x128xf32, #tpu.memory_space<vmem_shared>>
      tpu.enqueue_indirect_dma source(%arg13 : memref<128x128xf32, #tpu.memory_space<vmem>>) target(%dma_start3A_383 : memref<10000x128xf32, #tpu.memory_space<vmem_shared>>) offsets(%dma_start3A_380 : memref<128xi32, #tpu.memory_space<vmem>>) semaphore(%arg25 : memref<!tpu.dma_semaphore, #tpu.memory_space<semaphore_mem>>) {add = true}
      %dma_wait3A_384 = arith.constant 0 : i32
      %dma_wait3A_385 = arith.constant 1 : i32
      %dma_wait3A_386 = arith.constant 0 : i32
      %dma_wait3A_387 = tpu.memref_slice %arg6[%dma_wait3A_384, %dma_wait3A_385, %dma_wait3A_386] : memref<1x2x128xi32, #tpu.memory_space<vmem>> -> memref<1x1x128xi32, #tpu.memory_space<vmem>>
      %dma_wait3A_388 = tpu.memref_squeeze %dma_wait3A_387 : memref<1x1x128xi32, #tpu.memory_space<vmem>> -> memref<128xi32, #tpu.memory_space<vmem>>
      %dma_wait3A_389 = arith.constant 0 : i32
      %dma_wait3A_390 = arith.constant 0 : i32
      %dma_wait3A_391 = tpu.memref_slice %arg5[%dma_wait3A_389, %dma_wait3A_390] : memref<10000x128xf32, #tpu.memory_space<vmem_shared>> -> memref<10000x128xf32, #tpu.memory_space<vmem_shared>>
      tpu.wait_indirect_dma semaphore(%arg25 : memref<!tpu.dma_semaphore, #tpu.memory_space<semaphore_mem>>) src(%arg13 : memref<128x128xf32, #tpu.memory_space<vmem>>) dst(%dma_wait3A_391 : memref<10000x128xf32, #tpu.memory_space<vmem_shared>>)
      %add3A_392 = arith.constant 2 : i32
      %add3A_393 = arith.addi %add3A_367, %add3A_392 : i32
      %lt3A_394 = arith.constant 84 : i32
      %lt3A_395 = arith.cmpi slt, %add3A_393, %lt3A_394 : i32
      %convert_element_type3A_396 = arith.extui %lt3A_395 : i1 to i32
      %cond3A_397 = arith.constant 0 : i32
      %cond3A_398 = arith.cmpi ne, %convert_element_type3A_396, %cond3A_397 : i32
      scf.if %cond3A_398 {
        %dma_wait3A_446 = arith.constant 0 : i32
        %dma_wait3A_447 = arith.constant 0 : i32
        %dma_wait3A_448 = tpu.memref_slice %arg3[%add3A, %dma_wait3A_446, %dma_wait3A_447] : memref<2688x2x128xi32, #tpu.memory_space<hbm>> -> memref<1x2x128xi32, #tpu.memory_space<hbm>>
        %dma_wait3A_449 = arith.constant 0 : i32
        %dma_wait3A_450 = arith.constant 0 : i32
        %dma_wait3A_451 = tpu.memref_slice %arg3[%add3A, %dma_wait3A_449, %dma_wait3A_450] : memref<2688x2x128xi32, #tpu.memory_space<hbm>> -> memref<1x2x128xi32, #tpu.memory_space<hbm>>
        tpu.wait_dma2 semaphore(%arg15 : memref<!tpu.dma_semaphore, #tpu.memory_space<semaphore_mem>>) src(%dma_wait3A_451 : memref<1x2x128xi32, #tpu.memory_space<hbm>>) dst(%arg6 : memref<1x2x128xi32, #tpu.memory_space<vmem>>)
        %dma_start3A_452 = arith.constant 0 : i32
        %dma_start3A_453 = arith.constant 0 : i32
        %dma_start3A_454 = arith.constant 0 : i32
        %dma_start3A_455 = tpu.memref_slice %arg6[%dma_start3A_452, %dma_start3A_453, %dma_start3A_454] : memref<1x2x128xi32, #tpu.memory_space<vmem>> -> memref<1x1x128xi32, #tpu.memory_space<vmem>>
        %dma_start3A_456 = tpu.memref_squeeze %dma_start3A_455 : memref<1x1x128xi32, #tpu.memory_space<vmem>> -> memref<128xi32, #tpu.memory_space<vmem>>
        %dma_start3A_457 = arith.constant 0 : i32
        %dma_start3A_458 = arith.constant 0 : i32
        %dma_start3A_459 = tpu.memref_slice %arg2[%dma_start3A_457, %dma_start3A_458] : memref<10016x128xf32, #tpu.memory_space<hbm>> -> memref<10016x128xf32, #tpu.memory_space<hbm>>
        tpu.enqueue_indirect_dma source(%dma_start3A_459 : memref<10016x128xf32, #tpu.memory_space<hbm>>) target(%arg12 : memref<128x128xf32, #tpu.memory_space<vmem>>) offsets(%dma_start3A_456 : memref<128xi32, #tpu.memory_space<vmem>>) semaphore(%arg21 : memref<!tpu.dma_semaphore, #tpu.memory_space<semaphore_mem>>)
      } else {
      }
      %add3A_399 = arith.constant 6 : i32
      %add3A_400 = arith.addi %add3A_367, %add3A_399 : i32
      %lt3A_401 = arith.constant 84 : i32
      %lt3A_402 = arith.cmpi slt, %add3A_400, %lt3A_401 : i32
      %convert_element_type3A_403 = arith.extui %lt3A_402 : i1 to i32
      %cond3A_404 = arith.constant 0 : i32
      %cond3A_405 = arith.cmpi ne, %convert_element_type3A_403, %cond3A_404 : i32
      scf.if %cond3A_405 {
        %mul3A_446 = arith.constant 32 : i32
        %mul3A_447 = arith.muli %mul3A_446, %add3A_400 : i32
        %add3A_448 = arith.addi %add3A, %mul3A_447 : i32
        %dma_start3A_449 = arith.constant 0 : i32
        %dma_start3A_450 = arith.constant 0 : i32
        %dma_start3A_451 = tpu.memref_slice %arg3[%add3A_448, %dma_start3A_449, %dma_start3A_450] : memref<2688x2x128xi32, #tpu.memory_space<hbm>> -> memref<1x2x128xi32, #tpu.memory_space<hbm>>
        %dma_start3A_452 = arith.constant 0 : i32
        %dma_start3A_453 = arith.constant 0 : i32
        %dma_start3A_454 = tpu.memref_slice %arg3[%add3A_448, %dma_start3A_452, %dma_start3A_453] : memref<2688x2x128xi32, #tpu.memory_space<hbm>> -> memref<1x2x128xi32, #tpu.memory_space<hbm>>
        tpu.enqueue_dma source(%dma_start3A_454 : memref<1x2x128xi32, #tpu.memory_space<hbm>>) target(%arg10 : memref<1x2x128xi32, #tpu.memory_space<vmem>>) target_semaphore(%arg19 : memref<!tpu.dma_semaphore, #tpu.memory_space<semaphore_mem>>)
      } else {
      }
      %add3A_406 = arith.constant 5 : i32
      %add3A_407 = arith.addi %add3A_205, %add3A_406 : i32
      %dma_wait3A_408 = arith.constant 0 : i32
      %dma_wait3A_409 = arith.constant 0 : i32
      %dma_wait3A_410 = arith.constant 0 : i32
      %dma_wait3A_411 = tpu.memref_slice %arg6[%dma_wait3A_408, %dma_wait3A_409, %dma_wait3A_410] : memref<1x2x128xi32, #tpu.memory_space<vmem>> -> memref<1x1x128xi32, #tpu.memory_space<vmem>>
      %dma_wait3A_412 = tpu.memref_squeeze %dma_wait3A_411 : memref<1x1x128xi32, #tpu.memory_space<vmem>> -> memref<128xi32, #tpu.memory_space<vmem>>
      %dma_wait3A_413 = arith.constant 0 : i32
      %dma_wait3A_414 = arith.constant 0 : i32
      %dma_wait3A_415 = tpu.memref_slice %arg2[%dma_wait3A_413, %dma_wait3A_414] : memref<10016x128xf32, #tpu.memory_space<hbm>> -> memref<10016x128xf32, #tpu.memory_space<hbm>>
      tpu.wait_indirect_dma semaphore(%arg23 : memref<!tpu.dma_semaphore, #tpu.memory_space<semaphore_mem>>) src(%dma_wait3A_415 : memref<10016x128xf32, #tpu.memory_space<hbm>>) dst(%arg14 : memref<128x128xf32, #tpu.memory_space<vmem>>)
      %dma_start3A_416 = arith.constant 0 : i32
      %dma_start3A_417 = arith.constant 1 : i32
      %dma_start3A_418 = arith.constant 0 : i32
      %dma_start3A_419 = tpu.memref_slice %arg11[%dma_start3A_416, %dma_start3A_417, %dma_start3A_418] : memref<1x2x128xi32, #tpu.memory_space<vmem>> -> memref<1x1x128xi32, #tpu.memory_space<vmem>>
      %dma_start3A_420 = tpu.memref_squeeze %dma_start3A_419 : memref<1x1x128xi32, #tpu.memory_space<vmem>> -> memref<128xi32, #tpu.memory_space<vmem>>
      %dma_start3A_421 = arith.constant 0 : i32
      %dma_start3A_422 = arith.constant 0 : i32
      %dma_start3A_423 = tpu.memref_slice %arg5[%dma_start3A_421, %dma_start3A_422] : memref<10000x128xf32, #tpu.memory_space<vmem_shared>> -> memref<10000x128xf32, #tpu.memory_space<vmem_shared>>
      tpu.enqueue_indirect_dma source(%arg14 : memref<128x128xf32, #tpu.memory_space<vmem>>) target(%dma_start3A_423 : memref<10000x128xf32, #tpu.memory_space<vmem_shared>>) offsets(%dma_start3A_420 : memref<128xi32, #tpu.memory_space<vmem>>) semaphore(%arg26 : memref<!tpu.dma_semaphore, #tpu.memory_space<semaphore_mem>>) {add = true}
      %dma_wait3A_424 = arith.constant 0 : i32
      %dma_wait3A_425 = arith.constant 1 : i32
      %dma_wait3A_426 = arith.constant 0 : i32
      %dma_wait3A_427 = tpu.memref_slice %arg6[%dma_wait3A_424, %dma_wait3A_425, %dma_wait3A_426] : memref<1x2x128xi32, #tpu.memory_space<vmem>> -> memref<1x1x128xi32, #tpu.memory_space<vmem>>
      %dma_wait3A_428 = tpu.memref_squeeze %dma_wait3A_427 : memref<1x1x128xi32, #tpu.memory_space<vmem>> -> memref<128xi32, #tpu.memory_space<vmem>>
      %dma_wait3A_429 = arith.constant 0 : i32
      %dma_wait3A_430 = arith.constant 0 : i32
      %dma_wait3A_431 = tpu.memref_slice %arg5[%dma_wait3A_429, %dma_wait3A_430] : memref<10000x128xf32, #tpu.memory_space<vmem_shared>> -> memref<10000x128xf32, #tpu.memory_space<vmem_shared>>
      tpu.wait_indirect_dma semaphore(%arg26 : memref<!tpu.dma_semaphore, #tpu.memory_space<semaphore_mem>>) src(%arg14 : memref<128x128xf32, #tpu.memory_space<vmem>>) dst(%dma_wait3A_431 : memref<10000x128xf32, #tpu.memory_space<vmem_shared>>)
      %add3A_432 = arith.constant 2 : i32
      %add3A_433 = arith.addi %add3A_407, %add3A_432 : i32
      %lt3A_434 = arith.constant 84 : i32
      %lt3A_435 = arith.cmpi slt, %add3A_433, %lt3A_434 : i32
      %convert_element_type3A_436 = arith.extui %lt3A_435 : i1 to i32
      %cond3A_437 = arith.constant 0 : i32
      %cond3A_438 = arith.cmpi ne, %convert_element_type3A_436, %cond3A_437 : i32
      scf.if %cond3A_438 {
        %dma_wait3A_446 = arith.constant 0 : i32
        %dma_wait3A_447 = arith.constant 0 : i32
        %dma_wait3A_448 = tpu.memref_slice %arg3[%add3A, %dma_wait3A_446, %dma_wait3A_447] : memref<2688x2x128xi32, #tpu.memory_space<hbm>> -> memref<1x2x128xi32, #tpu.memory_space<hbm>>
        %dma_wait3A_449 = arith.constant 0 : i32
        %dma_wait3A_450 = arith.constant 0 : i32
        %dma_wait3A_451 = tpu.memref_slice %arg3[%add3A, %dma_wait3A_449, %dma_wait3A_450] : memref<2688x2x128xi32, #tpu.memory_space<hbm>> -> memref<1x2x128xi32, #tpu.memory_space<hbm>>
        tpu.wait_dma2 semaphore(%arg16 : memref<!tpu.dma_semaphore, #tpu.memory_space<semaphore_mem>>) src(%dma_wait3A_451 : memref<1x2x128xi32, #tpu.memory_space<hbm>>) dst(%arg7 : memref<1x2x128xi32, #tpu.memory_space<vmem>>)
        %dma_start3A_452 = arith.constant 0 : i32
        %dma_start3A_453 = arith.constant 0 : i32
        %dma_start3A_454 = arith.constant 0 : i32
        %dma_start3A_455 = tpu.memref_slice %arg7[%dma_start3A_452, %dma_start3A_453, %dma_start3A_454] : memref<1x2x128xi32, #tpu.memory_space<vmem>> -> memref<1x1x128xi32, #tpu.memory_space<vmem>>
        %dma_start3A_456 = tpu.memref_squeeze %dma_start3A_455 : memref<1x1x128xi32, #tpu.memory_space<vmem>> -> memref<128xi32, #tpu.memory_space<vmem>>
        %dma_start3A_457 = arith.constant 0 : i32
        %dma_start3A_458 = arith.constant 0 : i32
        %dma_start3A_459 = tpu.memref_slice %arg2[%dma_start3A_457, %dma_start3A_458] : memref<10016x128xf32, #tpu.memory_space<hbm>> -> memref<10016x128xf32, #tpu.memory_space<hbm>>
        tpu.enqueue_indirect_dma source(%dma_start3A_459 : memref<10016x128xf32, #tpu.memory_space<hbm>>) target(%arg13 : memref<128x128xf32, #tpu.memory_space<vmem>>) offsets(%dma_start3A_456 : memref<128xi32, #tpu.memory_space<vmem>>) semaphore(%arg22 : memref<!tpu.dma_semaphore, #tpu.memory_space<semaphore_mem>>)
      } else {
      }
      %add3A_439 = arith.constant 6 : i32
      %add3A_440 = arith.addi %add3A_407, %add3A_439 : i32
      %lt3A_441 = arith.constant 84 : i32
      %lt3A_442 = arith.cmpi slt, %add3A_440, %lt3A_441 : i32
      %convert_element_type3A_443 = arith.extui %lt3A_442 : i1 to i32
      %cond3A_444 = arith.constant 0 : i32
      %cond3A_445 = arith.cmpi ne, %convert_element_type3A_443, %cond3A_444 : i32
      scf.if %cond3A_445 {
        %mul3A_446 = arith.constant 32 : i32
        %mul3A_447 = arith.muli %mul3A_446, %add3A_440 : i32
        %add3A_448 = arith.addi %add3A, %mul3A_447 : i32
        %dma_start3A_449 = arith.constant 0 : i32
        %dma_start3A_450 = arith.constant 0 : i32
        %dma_start3A_451 = tpu.memref_slice %arg3[%add3A_448, %dma_start3A_449, %dma_start3A_450] : memref<2688x2x128xi32, #tpu.memory_space<hbm>> -> memref<1x2x128xi32, #tpu.memory_space<hbm>>
        %dma_start3A_452 = arith.constant 0 : i32
        %dma_start3A_453 = arith.constant 0 : i32
        %dma_start3A_454 = tpu.memref_slice %arg3[%add3A_448, %dma_start3A_452, %dma_start3A_453] : memref<2688x2x128xi32, #tpu.memory_space<hbm>> -> memref<1x2x128xi32, #tpu.memory_space<hbm>>
        tpu.enqueue_dma source(%dma_start3A_454 : memref<1x2x128xi32, #tpu.memory_space<hbm>>) target(%arg11 : memref<1x2x128xi32, #tpu.memory_space<vmem>>) target_semaphore(%arg20 : memref<!tpu.dma_semaphore, #tpu.memory_space<semaphore_mem>>)
      } else {
      }
    }
    %scan3A_139 = arith.constant 14 : i32
    %barrier3A_140 = arith.constant 0 : index
    tpu.barrier barrier_id(%barrier3A_140)
    %add3A_141 = arith.constant 0 : i32
    %add3A_142 = arith.addi %arg1, %add3A_141 : i32
    %lt3A_143 = arith.constant 78 : i32
    %lt3A_144 = arith.cmpi slt, %add3A_142, %lt3A_143 : i32
    %convert_element_type3A_145 = arith.extui %lt3A_144 : i1 to i32
    %cond3A_146 = arith.constant 0 : i32
    %cond3A_147 = arith.cmpi ne, %convert_element_type3A_145, %cond3A_146 : i32
    scf.if %cond3A_147 {
      %mul3A_201 = arith.constant 128 : i32
      %mul3A_202 = arith.muli %add3A_142, %mul3A_201 : i32
      %mul3A_203 = arith.constant 128 : i32
      %mul3A_204 = arith.muli %add3A_142, %mul3A_203 : i32
      "tpu.region"() ({
        %run_scoped3A = tpu.sem_alloc : memref<!tpu.dma_semaphore, #tpu.memory_space<semaphore_mem>>
        %dma_start3A_205 = arith.constant 0 : i32
        %dma_start3A_206 = arith.constant 0 : i32
        %dma_start3A_207 = tpu.memref_slice %arg4[%arg0, %dma_start3A_205, %dma_start3A_206] : memref<2x10000x128xf32, #tpu.memory_space<hbm>> -> memref<1x10000x128xf32, #tpu.memory_space<hbm>>
        %dma_start3A_208 = tpu.memref_squeeze %dma_start3A_207 : memref<1x10000x128xf32, #tpu.memory_space<hbm>> -> memref<10000x128xf32, #tpu.memory_space<hbm>>
        %dma_start3A_209 = arith.constant 0 : i32
        %dma_start3A_210 = tpu.memref_slice %dma_start3A_208[%mul3A_204, %dma_start3A_209] : memref<10000x128xf32, #tpu.memory_space<hbm>> -> memref<128x128xf32, #tpu.memory_space<hbm>>
        %dma_start3A_211 = arith.constant 0 : i32
        %dma_start3A_212 = tpu.memref_slice %arg5[%mul3A_202, %dma_start3A_211] : memref<10000x128xf32, #tpu.memory_space<vmem_shared>> -> memref<128x128xf32, #tpu.memory_space<vmem_shared>>
        tpu.enqueue_dma source(%dma_start3A_212 : memref<128x128xf32, #tpu.memory_space<vmem_shared>>) target(%dma_start3A_210 : memref<128x128xf32, #tpu.memory_space<hbm>>) target_semaphore(%run_scoped3A : memref<!tpu.dma_semaphore, #tpu.memory_space<semaphore_mem>>)
        %dma_wait3A_213 = arith.constant 0 : i32
        %dma_wait3A_214 = arith.constant 0 : i32
        %dma_wait3A_215 = tpu.memref_slice %arg4[%arg0, %dma_wait3A_213, %dma_wait3A_214] : memref<2x10000x128xf32, #tpu.memory_space<hbm>> -> memref<1x10000x128xf32, #tpu.memory_space<hbm>>
        %dma_wait3A_216 = tpu.memref_squeeze %dma_wait3A_215 : memref<1x10000x128xf32, #tpu.memory_space<hbm>> -> memref<10000x128xf32, #tpu.memory_space<hbm>>
        %dma_wait3A_217 = arith.constant 0 : i32
        %dma_wait3A_218 = tpu.memref_slice %dma_wait3A_216[%mul3A_204, %dma_wait3A_217] : memref<10000x128xf32, #tpu.memory_space<hbm>> -> memref<128x128xf32, #tpu.memory_space<hbm>>
        %dma_wait3A_219 = arith.constant 0 : i32
        %dma_wait3A_220 = tpu.memref_slice %arg5[%mul3A_202, %dma_wait3A_219] : memref<10000x128xf32, #tpu.memory_space<vmem_shared>> -> memref<128x128xf32, #tpu.memory_space<vmem_shared>>
        tpu.wait_dma2 semaphore(%run_scoped3A : memref<!tpu.dma_semaphore, #tpu.memory_space<semaphore_mem>>) src(%dma_wait3A_220 : memref<128x128xf32, #tpu.memory_space<vmem_shared>>) dst(%dma_wait3A_218 : memref<128x128xf32, #tpu.memory_space<hbm>>)
        tpu.yield
      }) : () -> ()
    } else {
    }
    %eq3A_148 = arith.constant 78 : i32
    %eq3A_149 = arith.cmpi eq, %add3A_142, %eq3A_148 : i32
    %convert_element_type3A_150 = arith.extui %eq3A_149 : i1 to i32
    %cond3A_151 = arith.constant 0 : i32
    %cond3A_152 = arith.cmpi ne, %convert_element_type3A_150, %cond3A_151 : i32
    scf.if %cond3A_152 {
      %mul3A_201 = arith.constant 128 : i32
      %mul3A_202 = arith.muli %add3A_142, %mul3A_201 : i32
      %mul3A_203 = arith.constant 128 : i32
      %mul3A_204 = arith.muli %add3A_142, %mul3A_203 : i32
      "tpu.region"() ({
        %run_scoped3A = tpu.sem_alloc : memref<!tpu.dma_semaphore, #tpu.memory_space<semaphore_mem>>
        %dma_start3A_205 = arith.constant 0 : i32
        %dma_start3A_206 = arith.constant 0 : i32
        %dma_start3A_207 = tpu.memref_slice %arg4[%arg0, %dma_start3A_205, %dma_start3A_206] : memref<2x10000x128xf32, #tpu.memory_space<hbm>> -> memref<1x10000x128xf32, #tpu.memory_space<hbm>>
        %dma_start3A_208 = tpu.memref_squeeze %dma_start3A_207 : memref<1x10000x128xf32, #tpu.memory_space<hbm>> -> memref<10000x128xf32, #tpu.memory_space<hbm>>
        %dma_start3A_209 = arith.constant 0 : i32
        %dma_start3A_210 = tpu.memref_slice %dma_start3A_208[%mul3A_204, %dma_start3A_209] : memref<10000x128xf32, #tpu.memory_space<hbm>> -> memref<16x128xf32, #tpu.memory_space<hbm>>
        %dma_start3A_211 = arith.constant 0 : i32
        %dma_start3A_212 = tpu.memref_slice %arg5[%mul3A_202, %dma_start3A_211] : memref<10000x128xf32, #tpu.memory_space<vmem_shared>> -> memref<16x128xf32, #tpu.memory_space<vmem_shared>>
        tpu.enqueue_dma source(%dma_start3A_212 : memref<16x128xf32, #tpu.memory_space<vmem_shared>>) target(%dma_start3A_210 : memref<16x128xf32, #tpu.memory_space<hbm>>) target_semaphore(%run_scoped3A : memref<!tpu.dma_semaphore, #tpu.memory_space<semaphore_mem>>)
        %dma_wait3A_213 = arith.constant 0 : i32
        %dma_wait3A_214 = arith.constant 0 : i32
        %dma_wait3A_215 = tpu.memref_slice %arg4[%arg0, %dma_wait3A_213, %dma_wait3A_214] : memref<2x10000x128xf32, #tpu.memory_space<hbm>> -> memref<1x10000x128xf32, #tpu.memory_space<hbm>>
        %dma_wait3A_216 = tpu.memref_squeeze %dma_wait3A_215 : memref<1x10000x128xf32, #tpu.memory_space<hbm>> -> memref<10000x128xf32, #tpu.memory_space<hbm>>
        %dma_wait3A_217 = arith.constant 0 : i32
        %dma_wait3A_218 = tpu.memref_slice %dma_wait3A_216[%mul3A_204, %dma_wait3A_217] : memref<10000x128xf32, #tpu.memory_space<hbm>> -> memref<16x128xf32, #tpu.memory_space<hbm>>
        %dma_wait3A_219 = arith.constant 0 : i32
        %dma_wait3A_220 = tpu.memref_slice %arg5[%mul3A_202, %dma_wait3A_219] : memref<10000x128xf32, #tpu.memory_space<vmem_shared>> -> memref<16x128xf32, #tpu.memory_space<vmem_shared>>
        tpu.wait_dma2 semaphore(%run_scoped3A : memref<!tpu.dma_semaphore, #tpu.memory_space<semaphore_mem>>) src(%dma_wait3A_220 : memref<16x128xf32, #tpu.memory_space<vmem_shared>>) dst(%dma_wait3A_218 : memref<16x128xf32, #tpu.memory_space<hbm>>)
        tpu.yield
      }) : () -> ()
    } else {
    }
    %add3A_153 = arith.constant 16 : i32
    %add3A_154 = arith.addi %arg1, %add3A_153 : i32
    %lt3A_155 = arith.constant 78 : i32
    %lt3A_156 = arith.cmpi slt, %add3A_154, %lt3A_155 : i32
    %convert_element_type3A_157 = arith.extui %lt3A_156 : i1 to i32
    %cond3A_158 = arith.constant 0 : i32
    %cond3A_159 = arith.cmpi ne, %convert_element_type3A_157, %cond3A_158 : i32
    scf.if %cond3A_159 {
      %mul3A_201 = arith.constant 128 : i32
      %mul3A_202 = arith.muli %add3A_154, %mul3A_201 : i32
      %mul3A_203 = arith.constant 128 : i32
      %mul3A_204 = arith.muli %add3A_154, %mul3A_203 : i32
      "tpu.region"() ({
        %run_scoped3A = tpu.sem_alloc : memref<!tpu.dma_semaphore, #tpu.memory_space<semaphore_mem>>
        %dma_start3A_205 = arith.constant 0 : i32
        %dma_start3A_206 = arith.constant 0 : i32
        %dma_start3A_207 = tpu.memref_slice %arg4[%arg0, %dma_start3A_205, %dma_start3A_206] : memref<2x10000x128xf32, #tpu.memory_space<hbm>> -> memref<1x10000x128xf32, #tpu.memory_space<hbm>>
        %dma_start3A_208 = tpu.memref_squeeze %dma_start3A_207 : memref<1x10000x128xf32, #tpu.memory_space<hbm>> -> memref<10000x128xf32, #tpu.memory_space<hbm>>
        %dma_start3A_209 = arith.constant 0 : i32
        %dma_start3A_210 = tpu.memref_slice %dma_start3A_208[%mul3A_204, %dma_start3A_209] : memref<10000x128xf32, #tpu.memory_space<hbm>> -> memref<128x128xf32, #tpu.memory_space<hbm>>
        %dma_start3A_211 = arith.constant 0 : i32
        %dma_start3A_212 = tpu.memref_slice %arg5[%mul3A_202, %dma_start3A_211] : memref<10000x128xf32, #tpu.memory_space<vmem_shared>> -> memref<128x128xf32, #tpu.memory_space<vmem_shared>>
        tpu.enqueue_dma source(%dma_start3A_212 : memref<128x128xf32, #tpu.memory_space<vmem_shared>>) target(%dma_start3A_210 : memref<128x128xf32, #tpu.memory_space<hbm>>) target_semaphore(%run_scoped3A : memref<!tpu.dma_semaphore, #tpu.memory_space<semaphore_mem>>)
        %dma_wait3A_213 = arith.constant 0 : i32
        %dma_wait3A_214 = arith.constant 0 : i32
        %dma_wait3A_215 = tpu.memref_slice %arg4[%arg0, %dma_wait3A_213, %dma_wait3A_214] : memref<2x10000x128xf32, #tpu.memory_space<hbm>> -> memref<1x10000x128xf32, #tpu.memory_space<hbm>>
        %dma_wait3A_216 = tpu.memref_squeeze %dma_wait3A_215 : memref<1x10000x128xf32, #tpu.memory_space<hbm>> -> memref<10000x128xf32, #tpu.memory_space<hbm>>
        %dma_wait3A_217 = arith.constant 0 : i32
        %dma_wait3A_218 = tpu.memref_slice %dma_wait3A_216[%mul3A_204, %dma_wait3A_217] : memref<10000x128xf32, #tpu.memory_space<hbm>> -> memref<128x128xf32, #tpu.memory_space<hbm>>
        %dma_wait3A_219 = arith.constant 0 : i32
        %dma_wait3A_220 = tpu.memref_slice %arg5[%mul3A_202, %dma_wait3A_219] : memref<10000x128xf32, #tpu.memory_space<vmem_shared>> -> memref<128x128xf32, #tpu.memory_space<vmem_shared>>
        tpu.wait_dma2 semaphore(%run_scoped3A : memref<!tpu.dma_semaphore, #tpu.memory_space<semaphore_mem>>) src(%dma_wait3A_220 : memref<128x128xf32, #tpu.memory_space<vmem_shared>>) dst(%dma_wait3A_218 : memref<128x128xf32, #tpu.memory_space<hbm>>)
        tpu.yield
      }) : () -> ()
    } else {
    }
    %eq3A_160 = arith.constant 78 : i32
    %eq3A_161 = arith.cmpi eq, %add3A_154, %eq3A_160 : i32
    %convert_element_type3A_162 = arith.extui %eq3A_161 : i1 to i32
    %cond3A_163 = arith.constant 0 : i32
    %cond3A_164 = arith.cmpi ne, %convert_element_type3A_162, %cond3A_163 : i32
    scf.if %cond3A_164 {
      %mul3A_201 = arith.constant 128 : i32
      %mul3A_202 = arith.muli %add3A_154, %mul3A_201 : i32
      %mul3A_203 = arith.constant 128 : i32
      %mul3A_204 = arith.muli %add3A_154, %mul3A_203 : i32
      "tpu.region"() ({
        %run_scoped3A = tpu.sem_alloc : memref<!tpu.dma_semaphore, #tpu.memory_space<semaphore_mem>>
        %dma_start3A_205 = arith.constant 0 : i32
        %dma_start3A_206 = arith.constant 0 : i32
        %dma_start3A_207 = tpu.memref_slice %arg4[%arg0, %dma_start3A_205, %dma_start3A_206] : memref<2x10000x128xf32, #tpu.memory_space<hbm>> -> memref<1x10000x128xf32, #tpu.memory_space<hbm>>
        %dma_start3A_208 = tpu.memref_squeeze %dma_start3A_207 : memref<1x10000x128xf32, #tpu.memory_space<hbm>> -> memref<10000x128xf32, #tpu.memory_space<hbm>>
        %dma_start3A_209 = arith.constant 0 : i32
        %dma_start3A_210 = tpu.memref_slice %dma_start3A_208[%mul3A_204, %dma_start3A_209] : memref<10000x128xf32, #tpu.memory_space<hbm>> -> memref<16x128xf32, #tpu.memory_space<hbm>>
        %dma_start3A_211 = arith.constant 0 : i32
        %dma_start3A_212 = tpu.memref_slice %arg5[%mul3A_202, %dma_start3A_211] : memref<10000x128xf32, #tpu.memory_space<vmem_shared>> -> memref<16x128xf32, #tpu.memory_space<vmem_shared>>
        tpu.enqueue_dma source(%dma_start3A_212 : memref<16x128xf32, #tpu.memory_space<vmem_shared>>) target(%dma_start3A_210 : memref<16x128xf32, #tpu.memory_space<hbm>>) target_semaphore(%run_scoped3A : memref<!tpu.dma_semaphore, #tpu.memory_space<semaphore_mem>>)
        %dma_wait3A_213 = arith.constant 0 : i32
        %dma_wait3A_214 = arith.constant 0 : i32
        %dma_wait3A_215 = tpu.memref_slice %arg4[%arg0, %dma_wait3A_213, %dma_wait3A_214] : memref<2x10000x128xf32, #tpu.memory_space<hbm>> -> memref<1x10000x128xf32, #tpu.memory_space<hbm>>
        %dma_wait3A_216 = tpu.memref_squeeze %dma_wait3A_215 : memref<1x10000x128xf32, #tpu.memory_space<hbm>> -> memref<10000x128xf32, #tpu.memory_space<hbm>>
        %dma_wait3A_217 = arith.constant 0 : i32
        %dma_wait3A_218 = tpu.memref_slice %dma_wait3A_216[%mul3A_204, %dma_wait3A_217] : memref<10000x128xf32, #tpu.memory_space<hbm>> -> memref<16x128xf32, #tpu.memory_space<hbm>>
        %dma_wait3A_219 = arith.constant 0 : i32
        %dma_wait3A_220 = tpu.memref_slice %arg5[%mul3A_202, %dma_wait3A_219] : memref<10000x128xf32, #tpu.memory_space<vmem_shared>> -> memref<16x128xf32, #tpu.memory_space<vmem_shared>>
        tpu.wait_dma2 semaphore(%run_scoped3A : memref<!tpu.dma_semaphore, #tpu.memory_space<semaphore_mem>>) src(%dma_wait3A_220 : memref<16x128xf32, #tpu.memory_space<vmem_shared>>) dst(%dma_wait3A_218 : memref<16x128xf32, #tpu.memory_space<hbm>>)
        tpu.yield
      }) : () -> ()
    } else {
    }
    %add3A_165 = arith.constant 32 : i32
    %add3A_166 = arith.addi %arg1, %add3A_165 : i32
    %lt3A_167 = arith.constant 78 : i32
    %lt3A_168 = arith.cmpi slt, %add3A_166, %lt3A_167 : i32
    %convert_element_type3A_169 = arith.extui %lt3A_168 : i1 to i32
    %cond3A_170 = arith.constant 0 : i32
    %cond3A_171 = arith.cmpi ne, %convert_element_type3A_169, %cond3A_170 : i32
    scf.if %cond3A_171 {
      %mul3A_201 = arith.constant 128 : i32
      %mul3A_202 = arith.muli %add3A_166, %mul3A_201 : i32
      %mul3A_203 = arith.constant 128 : i32
      %mul3A_204 = arith.muli %add3A_166, %mul3A_203 : i32
      "tpu.region"() ({
        %run_scoped3A = tpu.sem_alloc : memref<!tpu.dma_semaphore, #tpu.memory_space<semaphore_mem>>
        %dma_start3A_205 = arith.constant 0 : i32
        %dma_start3A_206 = arith.constant 0 : i32
        %dma_start3A_207 = tpu.memref_slice %arg4[%arg0, %dma_start3A_205, %dma_start3A_206] : memref<2x10000x128xf32, #tpu.memory_space<hbm>> -> memref<1x10000x128xf32, #tpu.memory_space<hbm>>
        %dma_start3A_208 = tpu.memref_squeeze %dma_start3A_207 : memref<1x10000x128xf32, #tpu.memory_space<hbm>> -> memref<10000x128xf32, #tpu.memory_space<hbm>>
        %dma_start3A_209 = arith.constant 0 : i32
        %dma_start3A_210 = tpu.memref_slice %dma_start3A_208[%mul3A_204, %dma_start3A_209] : memref<10000x128xf32, #tpu.memory_space<hbm>> -> memref<128x128xf32, #tpu.memory_space<hbm>>
        %dma_start3A_211 = arith.constant 0 : i32
        %dma_start3A_212 = tpu.memref_slice %arg5[%mul3A_202, %dma_start3A_211] : memref<10000x128xf32, #tpu.memory_space<vmem_shared>> -> memref<128x128xf32, #tpu.memory_space<vmem_shared>>
        tpu.enqueue_dma source(%dma_start3A_212 : memref<128x128xf32, #tpu.memory_space<vmem_shared>>) target(%dma_start3A_210 : memref<128x128xf32, #tpu.memory_space<hbm>>) target_semaphore(%run_scoped3A : memref<!tpu.dma_semaphore, #tpu.memory_space<semaphore_mem>>)
        %dma_wait3A_213 = arith.constant 0 : i32
        %dma_wait3A_214 = arith.constant 0 : i32
        %dma_wait3A_215 = tpu.memref_slice %arg4[%arg0, %dma_wait3A_213, %dma_wait3A_214] : memref<2x10000x128xf32, #tpu.memory_space<hbm>> -> memref<1x10000x128xf32, #tpu.memory_space<hbm>>
        %dma_wait3A_216 = tpu.memref_squeeze %dma_wait3A_215 : memref<1x10000x128xf32, #tpu.memory_space<hbm>> -> memref<10000x128xf32, #tpu.memory_space<hbm>>
        %dma_wait3A_217 = arith.constant 0 : i32
        %dma_wait3A_218 = tpu.memref_slice %dma_wait3A_216[%mul3A_204, %dma_wait3A_217] : memref<10000x128xf32, #tpu.memory_space<hbm>> -> memref<128x128xf32, #tpu.memory_space<hbm>>
        %dma_wait3A_219 = arith.constant 0 : i32
        %dma_wait3A_220 = tpu.memref_slice %arg5[%mul3A_202, %dma_wait3A_219] : memref<10000x128xf32, #tpu.memory_space<vmem_shared>> -> memref<128x128xf32, #tpu.memory_space<vmem_shared>>
        tpu.wait_dma2 semaphore(%run_scoped3A : memref<!tpu.dma_semaphore, #tpu.memory_space<semaphore_mem>>) src(%dma_wait3A_220 : memref<128x128xf32, #tpu.memory_space<vmem_shared>>) dst(%dma_wait3A_218 : memref<128x128xf32, #tpu.memory_space<hbm>>)
        tpu.yield
      }) : () -> ()
    } else {
    }
    %eq3A_172 = arith.constant 78 : i32
    %eq3A_173 = arith.cmpi eq, %add3A_166, %eq3A_172 : i32
    %convert_element_type3A_174 = arith.extui %eq3A_173 : i1 to i32
    %cond3A_175 = arith.constant 0 : i32
    %cond3A_176 = arith.cmpi ne, %convert_element_type3A_174, %cond3A_175 : i32
    scf.if %cond3A_176 {
      %mul3A_201 = arith.constant 128 : i32
      %mul3A_202 = arith.muli %add3A_166, %mul3A_201 : i32
      %mul3A_203 = arith.constant 128 : i32
      %mul3A_204 = arith.muli %add3A_166, %mul3A_203 : i32
      "tpu.region"() ({
        %run_scoped3A = tpu.sem_alloc : memref<!tpu.dma_semaphore, #tpu.memory_space<semaphore_mem>>
        %dma_start3A_205 = arith.constant 0 : i32
        %dma_start3A_206 = arith.constant 0 : i32
        %dma_start3A_207 = tpu.memref_slice %arg4[%arg0, %dma_start3A_205, %dma_start3A_206] : memref<2x10000x128xf32, #tpu.memory_space<hbm>> -> memref<1x10000x128xf32, #tpu.memory_space<hbm>>
        %dma_start3A_208 = tpu.memref_squeeze %dma_start3A_207 : memref<1x10000x128xf32, #tpu.memory_space<hbm>> -> memref<10000x128xf32, #tpu.memory_space<hbm>>
        %dma_start3A_209 = arith.constant 0 : i32
        %dma_start3A_210 = tpu.memref_slice %dma_start3A_208[%mul3A_204, %dma_start3A_209] : memref<10000x128xf32, #tpu.memory_space<hbm>> -> memref<16x128xf32, #tpu.memory_space<hbm>>
        %dma_start3A_211 = arith.constant 0 : i32
        %dma_start3A_212 = tpu.memref_slice %arg5[%mul3A_202, %dma_start3A_211] : memref<10000x128xf32, #tpu.memory_space<vmem_shared>> -> memref<16x128xf32, #tpu.memory_space<vmem_shared>>
        tpu.enqueue_dma source(%dma_start3A_212 : memref<16x128xf32, #tpu.memory_space<vmem_shared>>) target(%dma_start3A_210 : memref<16x128xf32, #tpu.memory_space<hbm>>) target_semaphore(%run_scoped3A : memref<!tpu.dma_semaphore, #tpu.memory_space<semaphore_mem>>)
        %dma_wait3A_213 = arith.constant 0 : i32
        %dma_wait3A_214 = arith.constant 0 : i32
        %dma_wait3A_215 = tpu.memref_slice %arg4[%arg0, %dma_wait3A_213, %dma_wait3A_214] : memref<2x10000x128xf32, #tpu.memory_space<hbm>> -> memref<1x10000x128xf32, #tpu.memory_space<hbm>>
        %dma_wait3A_216 = tpu.memref_squeeze %dma_wait3A_215 : memref<1x10000x128xf32, #tpu.memory_space<hbm>> -> memref<10000x128xf32, #tpu.memory_space<hbm>>
        %dma_wait3A_217 = arith.constant 0 : i32
        %dma_wait3A_218 = tpu.memref_slice %dma_wait3A_216[%mul3A_204, %dma_wait3A_217] : memref<10000x128xf32, #tpu.memory_space<hbm>> -> memref<16x128xf32, #tpu.memory_space<hbm>>
        %dma_wait3A_219 = arith.constant 0 : i32
        %dma_wait3A_220 = tpu.memref_slice %arg5[%mul3A_202, %dma_wait3A_219] : memref<10000x128xf32, #tpu.memory_space<vmem_shared>> -> memref<16x128xf32, #tpu.memory_space<vmem_shared>>
        tpu.wait_dma2 semaphore(%run_scoped3A : memref<!tpu.dma_semaphore, #tpu.memory_space<semaphore_mem>>) src(%dma_wait3A_220 : memref<16x128xf32, #tpu.memory_space<vmem_shared>>) dst(%dma_wait3A_218 : memref<16x128xf32, #tpu.memory_space<hbm>>)
        tpu.yield
      }) : () -> ()
    } else {
    }
    %add3A_177 = arith.constant 48 : i32
    %add3A_178 = arith.addi %arg1, %add3A_177 : i32
    %lt3A_179 = arith.constant 78 : i32
    %lt3A_180 = arith.cmpi slt, %add3A_178, %lt3A_179 : i32
    %convert_element_type3A_181 = arith.extui %lt3A_180 : i1 to i32
    %cond3A_182 = arith.constant 0 : i32
    %cond3A_183 = arith.cmpi ne, %convert_element_type3A_181, %cond3A_182 : i32
    scf.if %cond3A_183 {
      %mul3A_201 = arith.constant 128 : i32
      %mul3A_202 = arith.muli %add3A_178, %mul3A_201 : i32
      %mul3A_203 = arith.constant 128 : i32
      %mul3A_204 = arith.muli %add3A_178, %mul3A_203 : i32
      "tpu.region"() ({
        %run_scoped3A = tpu.sem_alloc : memref<!tpu.dma_semaphore, #tpu.memory_space<semaphore_mem>>
        %dma_start3A_205 = arith.constant 0 : i32
        %dma_start3A_206 = arith.constant 0 : i32
        %dma_start3A_207 = tpu.memref_slice %arg4[%arg0, %dma_start3A_205, %dma_start3A_206] : memref<2x10000x128xf32, #tpu.memory_space<hbm>> -> memref<1x10000x128xf32, #tpu.memory_space<hbm>>
        %dma_start3A_208 = tpu.memref_squeeze %dma_start3A_207 : memref<1x10000x128xf32, #tpu.memory_space<hbm>> -> memref<10000x128xf32, #tpu.memory_space<hbm>>
        %dma_start3A_209 = arith.constant 0 : i32
        %dma_start3A_210 = tpu.memref_slice %dma_start3A_208[%mul3A_204, %dma_start3A_209] : memref<10000x128xf32, #tpu.memory_space<hbm>> -> memref<128x128xf32, #tpu.memory_space<hbm>>
        %dma_start3A_211 = arith.constant 0 : i32
        %dma_start3A_212 = tpu.memref_slice %arg5[%mul3A_202, %dma_start3A_211] : memref<10000x128xf32, #tpu.memory_space<vmem_shared>> -> memref<128x128xf32, #tpu.memory_space<vmem_shared>>
        tpu.enqueue_dma source(%dma_start3A_212 : memref<128x128xf32, #tpu.memory_space<vmem_shared>>) target(%dma_start3A_210 : memref<128x128xf32, #tpu.memory_space<hbm>>) target_semaphore(%run_scoped3A : memref<!tpu.dma_semaphore, #tpu.memory_space<semaphore_mem>>)
        %dma_wait3A_213 = arith.constant 0 : i32
        %dma_wait3A_214 = arith.constant 0 : i32
        %dma_wait3A_215 = tpu.memref_slice %arg4[%arg0, %dma_wait3A_213, %dma_wait3A_214] : memref<2x10000x128xf32, #tpu.memory_space<hbm>> -> memref<1x10000x128xf32, #tpu.memory_space<hbm>>
        %dma_wait3A_216 = tpu.memref_squeeze %dma_wait3A_215 : memref<1x10000x128xf32, #tpu.memory_space<hbm>> -> memref<10000x128xf32, #tpu.memory_space<hbm>>
        %dma_wait3A_217 = arith.constant 0 : i32
        %dma_wait3A_218 = tpu.memref_slice %dma_wait3A_216[%mul3A_204, %dma_wait3A_217] : memref<10000x128xf32, #tpu.memory_space<hbm>> -> memref<128x128xf32, #tpu.memory_space<hbm>>
        %dma_wait3A_219 = arith.constant 0 : i32
        %dma_wait3A_220 = tpu.memref_slice %arg5[%mul3A_202, %dma_wait3A_219] : memref<10000x128xf32, #tpu.memory_space<vmem_shared>> -> memref<128x128xf32, #tpu.memory_space<vmem_shared>>
        tpu.wait_dma2 semaphore(%run_scoped3A : memref<!tpu.dma_semaphore, #tpu.memory_space<semaphore_mem>>) src(%dma_wait3A_220 : memref<128x128xf32, #tpu.memory_space<vmem_shared>>) dst(%dma_wait3A_218 : memref<128x128xf32, #tpu.memory_space<hbm>>)
        tpu.yield
      }) : () -> ()
    } else {
    }
    %eq3A_184 = arith.constant 78 : i32
    %eq3A_185 = arith.cmpi eq, %add3A_178, %eq3A_184 : i32
    %convert_element_type3A_186 = arith.extui %eq3A_185 : i1 to i32
    %cond3A_187 = arith.constant 0 : i32
    %cond3A_188 = arith.cmpi ne, %convert_element_type3A_186, %cond3A_187 : i32
    scf.if %cond3A_188 {
      %mul3A_201 = arith.constant 128 : i32
      %mul3A_202 = arith.muli %add3A_178, %mul3A_201 : i32
      %mul3A_203 = arith.constant 128 : i32
      %mul3A_204 = arith.muli %add3A_178, %mul3A_203 : i32
      "tpu.region"() ({
        %run_scoped3A = tpu.sem_alloc : memref<!tpu.dma_semaphore, #tpu.memory_space<semaphore_mem>>
        %dma_start3A_205 = arith.constant 0 : i32
        %dma_start3A_206 = arith.constant 0 : i32
        %dma_start3A_207 = tpu.memref_slice %arg4[%arg0, %dma_start3A_205, %dma_start3A_206] : memref<2x10000x128xf32, #tpu.memory_space<hbm>> -> memref<1x10000x128xf32, #tpu.memory_space<hbm>>
        %dma_start3A_208 = tpu.memref_squeeze %dma_start3A_207 : memref<1x10000x128xf32, #tpu.memory_space<hbm>> -> memref<10000x128xf32, #tpu.memory_space<hbm>>
        %dma_start3A_209 = arith.constant 0 : i32
        %dma_start3A_210 = tpu.memref_slice %dma_start3A_208[%mul3A_204, %dma_start3A_209] : memref<10000x128xf32, #tpu.memory_space<hbm>> -> memref<16x128xf32, #tpu.memory_space<hbm>>
        %dma_start3A_211 = arith.constant 0 : i32
        %dma_start3A_212 = tpu.memref_slice %arg5[%mul3A_202, %dma_start3A_211] : memref<10000x128xf32, #tpu.memory_space<vmem_shared>> -> memref<16x128xf32, #tpu.memory_space<vmem_shared>>
        tpu.enqueue_dma source(%dma_start3A_212 : memref<16x128xf32, #tpu.memory_space<vmem_shared>>) target(%dma_start3A_210 : memref<16x128xf32, #tpu.memory_space<hbm>>) target_semaphore(%run_scoped3A : memref<!tpu.dma_semaphore, #tpu.memory_space<semaphore_mem>>)
        %dma_wait3A_213 = arith.constant 0 : i32
        %dma_wait3A_214 = arith.constant 0 : i32
        %dma_wait3A_215 = tpu.memref_slice %arg4[%arg0, %dma_wait3A_213, %dma_wait3A_214] : memref<2x10000x128xf32, #tpu.memory_space<hbm>> -> memref<1x10000x128xf32, #tpu.memory_space<hbm>>
        %dma_wait3A_216 = tpu.memref_squeeze %dma_wait3A_215 : memref<1x10000x128xf32, #tpu.memory_space<hbm>> -> memref<10000x128xf32, #tpu.memory_space<hbm>>
        %dma_wait3A_217 = arith.constant 0 : i32
        %dma_wait3A_218 = tpu.memref_slice %dma_wait3A_216[%mul3A_204, %dma_wait3A_217] : memref<10000x128xf32, #tpu.memory_space<hbm>> -> memref<16x128xf32, #tpu.memory_space<hbm>>
        %dma_wait3A_219 = arith.constant 0 : i32
        %dma_wait3A_220 = tpu.memref_slice %arg5[%mul3A_202, %dma_wait3A_219] : memref<10000x128xf32, #tpu.memory_space<vmem_shared>> -> memref<16x128xf32, #tpu.memory_space<vmem_shared>>
        tpu.wait_dma2 semaphore(%run_scoped3A : memref<!tpu.dma_semaphore, #tpu.memory_space<semaphore_mem>>) src(%dma_wait3A_220 : memref<16x128xf32, #tpu.memory_space<vmem_shared>>) dst(%dma_wait3A_218 : memref<16x128xf32, #tpu.memory_space<hbm>>)
        tpu.yield
      }) : () -> ()
    } else {
    }
    %add3A_189 = arith.constant 64 : i32
    %add3A_190 = arith.addi %arg1, %add3A_189 : i32
    %lt3A_191 = arith.constant 78 : i32
    %lt3A_192 = arith.cmpi slt, %add3A_190, %lt3A_191 : i32
    %convert_element_type3A_193 = arith.extui %lt3A_192 : i1 to i32
    %cond3A_194 = arith.constant 0 : i32
    %cond3A_195 = arith.cmpi ne, %convert_element_type3A_193, %cond3A_194 : i32
    scf.if %cond3A_195 {
      %mul3A_201 = arith.constant 128 : i32
      %mul3A_202 = arith.muli %add3A_190, %mul3A_201 : i32
      %mul3A_203 = arith.constant 128 : i32
      %mul3A_204 = arith.muli %add3A_190, %mul3A_203 : i32
      "tpu.region"() ({
        %run_scoped3A = tpu.sem_alloc : memref<!tpu.dma_semaphore, #tpu.memory_space<semaphore_mem>>
        %dma_start3A_205 = arith.constant 0 : i32
        %dma_start3A_206 = arith.constant 0 : i32
        %dma_start3A_207 = tpu.memref_slice %arg4[%arg0, %dma_start3A_205, %dma_start3A_206] : memref<2x10000x128xf32, #tpu.memory_space<hbm>> -> memref<1x10000x128xf32, #tpu.memory_space<hbm>>
        %dma_start3A_208 = tpu.memref_squeeze %dma_start3A_207 : memref<1x10000x128xf32, #tpu.memory_space<hbm>> -> memref<10000x128xf32, #tpu.memory_space<hbm>>
        %dma_start3A_209 = arith.constant 0 : i32
        %dma_start3A_210 = tpu.memref_slice %dma_start3A_208[%mul3A_204, %dma_start3A_209] : memref<10000x128xf32, #tpu.memory_space<hbm>> -> memref<128x128xf32, #tpu.memory_space<hbm>>
        %dma_start3A_211 = arith.constant 0 : i32
        %dma_start3A_212 = tpu.memref_slice %arg5[%mul3A_202, %dma_start3A_211] : memref<10000x128xf32, #tpu.memory_space<vmem_shared>> -> memref<128x128xf32, #tpu.memory_space<vmem_shared>>
        tpu.enqueue_dma source(%dma_start3A_212 : memref<128x128xf32, #tpu.memory_space<vmem_shared>>) target(%dma_start3A_210 : memref<128x128xf32, #tpu.memory_space<hbm>>) target_semaphore(%run_scoped3A : memref<!tpu.dma_semaphore, #tpu.memory_space<semaphore_mem>>)
        %dma_wait3A_213 = arith.constant 0 : i32
        %dma_wait3A_214 = arith.constant 0 : i32
        %dma_wait3A_215 = tpu.memref_slice %arg4[%arg0, %dma_wait3A_213, %dma_wait3A_214] : memref<2x10000x128xf32, #tpu.memory_space<hbm>> -> memref<1x10000x128xf32, #tpu.memory_space<hbm>>
        %dma_wait3A_216 = tpu.memref_squeeze %dma_wait3A_215 : memref<1x10000x128xf32, #tpu.memory_space<hbm>> -> memref<10000x128xf32, #tpu.memory_space<hbm>>
        %dma_wait3A_217 = arith.constant 0 : i32
        %dma_wait3A_218 = tpu.memref_slice %dma_wait3A_216[%mul3A_204, %dma_wait3A_217] : memref<10000x128xf32, #tpu.memory_space<hbm>> -> memref<128x128xf32, #tpu.memory_space<hbm>>
        %dma_wait3A_219 = arith.constant 0 : i32
        %dma_wait3A_220 = tpu.memref_slice %arg5[%mul3A_202, %dma_wait3A_219] : memref<10000x128xf32, #tpu.memory_space<vmem_shared>> -> memref<128x128xf32, #tpu.memory_space<vmem_shared>>
        tpu.wait_dma2 semaphore(%run_scoped3A : memref<!tpu.dma_semaphore, #tpu.memory_space<semaphore_mem>>) src(%dma_wait3A_220 : memref<128x128xf32, #tpu.memory_space<vmem_shared>>) dst(%dma_wait3A_218 : memref<128x128xf32, #tpu.memory_space<hbm>>)
        tpu.yield
      }) : () -> ()
    } else {
    }
    %eq3A_196 = arith.constant 78 : i32
    %eq3A_197 = arith.cmpi eq, %add3A_190, %eq3A_196 : i32
    %convert_element_type3A_198 = arith.extui %eq3A_197 : i1 to i32
    %cond3A_199 = arith.constant 0 : i32
    %cond3A_200 = arith.cmpi ne, %convert_element_type3A_198, %cond3A_199 : i32
    scf.if %cond3A_200 {
      %mul3A_201 = arith.constant 128 : i32
      %mul3A_202 = arith.muli %add3A_190, %mul3A_201 : i32
      %mul3A_203 = arith.constant 128 : i32
      %mul3A_204 = arith.muli %add3A_190, %mul3A_203 : i32
      "tpu.region"() ({
        %run_scoped3A = tpu.sem_alloc : memref<!tpu.dma_semaphore, #tpu.memory_space<semaphore_mem>>
        %dma_start3A_205 = arith.constant 0 : i32
        %dma_start3A_206 = arith.constant 0 : i32
        %dma_start3A_207 = tpu.memref_slice %arg4[%arg0, %dma_start3A_205, %dma_start3A_206] : memref<2x10000x128xf32, #tpu.memory_space<hbm>> -> memref<1x10000x128xf32, #tpu.memory_space<hbm>>
        %dma_start3A_208 = tpu.memref_squeeze %dma_start3A_207 : memref<1x10000x128xf32, #tpu.memory_space<hbm>> -> memref<10000x128xf32, #tpu.memory_space<hbm>>
        %dma_start3A_209 = arith.constant 0 : i32
        %dma_start3A_210 = tpu.memref_slice %dma_start3A_208[%mul3A_204, %dma_start3A_209] : memref<10000x128xf32, #tpu.memory_space<hbm>> -> memref<16x128xf32, #tpu.memory_space<hbm>>
        %dma_start3A_211 = arith.constant 0 : i32
        %dma_start3A_212 = tpu.memref_slice %arg5[%mul3A_202, %dma_start3A_211] : memref<10000x128xf32, #tpu.memory_space<vmem_shared>> -> memref<16x128xf32, #tpu.memory_space<vmem_shared>>
        tpu.enqueue_dma source(%dma_start3A_212 : memref<16x128xf32, #tpu.memory_space<vmem_shared>>) target(%dma_start3A_210 : memref<16x128xf32, #tpu.memory_space<hbm>>) target_semaphore(%run_scoped3A : memref<!tpu.dma_semaphore, #tpu.memory_space<semaphore_mem>>)
        %dma_wait3A_213 = arith.constant 0 : i32
        %dma_wait3A_214 = arith.constant 0 : i32
        %dma_wait3A_215 = tpu.memref_slice %arg4[%arg0, %dma_wait3A_213, %dma_wait3A_214] : memref<2x10000x128xf32, #tpu.memory_space<hbm>> -> memref<1x10000x128xf32, #tpu.memory_space<hbm>>
        %dma_wait3A_216 = tpu.memref_squeeze %dma_wait3A_215 : memref<1x10000x128xf32, #tpu.memory_space<hbm>> -> memref<10000x128xf32, #tpu.memory_space<hbm>>
        %dma_wait3A_217 = arith.constant 0 : i32
        %dma_wait3A_218 = tpu.memref_slice %dma_wait3A_216[%mul3A_204, %dma_wait3A_217] : memref<10000x128xf32, #tpu.memory_space<hbm>> -> memref<16x128xf32, #tpu.memory_space<hbm>>
        %dma_wait3A_219 = arith.constant 0 : i32
        %dma_wait3A_220 = tpu.memref_slice %arg5[%mul3A_202, %dma_wait3A_219] : memref<10000x128xf32, #tpu.memory_space<vmem_shared>> -> memref<16x128xf32, #tpu.memory_space<vmem_shared>>
        tpu.wait_dma2 semaphore(%run_scoped3A : memref<!tpu.dma_semaphore, #tpu.memory_space<semaphore_mem>>) src(%dma_wait3A_220 : memref<16x128xf32, #tpu.memory_space<vmem_shared>>) dst(%dma_wait3A_218 : memref<16x128xf32, #tpu.memory_space<hbm>>)
        tpu.yield
      }) : () -> ()
    } else {
    }
    return
  }
}

#map = affine_map<(d0, d1) -> (0, 0)>
#map1 = affine_map<(d0, d1) -> (0, 0, 0)>
module attributes {stable_mosaic.version = 14 : i64} {
  func.func @_sc_msg(%arg0: i32, %arg1: i32, %arg2: memref<10016x128xf32, #tpu.memory_space<hbm>>, %arg3: memref<2688x2x128xi32, #tpu.memory_space<hbm>>, %arg4: memref<2x10000x128xf32, #tpu.memory_space<hbm>>, %arg5: memref<10000x128xf32, #tpu.memory_space<vmem_shared>>, %arg6: memref<1x2x128xi32, #tpu.memory_space<vmem>>, %arg7: memref<1x2x128xi32, #tpu.memory_space<vmem>>, %arg8: memref<1x2x128xi32, #tpu.memory_space<vmem>>, %arg9: memref<1x2x128xi32, #tpu.memory_space<vmem>>, %arg10: memref<1x2x128xi32, #tpu.memory_space<vmem>>, %arg11: memref<1x2x128xi32, #tpu.memory_space<vmem>>, %arg12: memref<128x128xf32, #tpu.memory_space<vmem>>, %arg13: memref<128x128xf32, #tpu.memory_space<vmem>>, %arg14: memref<128x128xf32, #tpu.memory_space<vmem>>, %arg15: memref<!tpu.dma_semaphore, #tpu.memory_space<semaphore_mem>>, %arg16: memref<!tpu.dma_semaphore, #tpu.memory_space<semaphore_mem>>, %arg17: memref<!tpu.dma_semaphore, #tpu.memory_space<semaphore_mem>>, %arg18: memref<!tpu.dma_semaphore, #tpu.memory_space<semaphore_mem>>, %arg19: memref<!tpu.dma_semaphore, #tpu.memory_space<semaphore_mem>>, %arg20: memref<!tpu.dma_semaphore, #tpu.memory_space<semaphore_mem>>, %arg21: memref<!tpu.dma_semaphore, #tpu.memory_space<semaphore_mem>>, %arg22: memref<!tpu.dma_semaphore, #tpu.memory_space<semaphore_mem>>, %arg23: memref<!tpu.dma_semaphore, #tpu.memory_space<semaphore_mem>>, %arg24: memref<!tpu.dma_semaphore, #tpu.memory_space<semaphore_mem>>, %arg25: memref<!tpu.dma_semaphore, #tpu.memory_space<semaphore_mem>>, %arg26: memref<!tpu.dma_semaphore, #tpu.memory_space<semaphore_mem>>) attributes {dimension_semantics = [#tpu.dimension_semantics<core_parallel>, #tpu.dimension_semantics<subcore_parallel>], iteration_bounds = array<i64: 2, 16>, scalar_prefetch = 0 : i64, scratch_operands = 22 : i64, tpu.core_type = #tpu.core_type<sc_vector_subcore>, window_params = [{transform_indices = #map}, {transform_indices = #map1}, {transform_indices = #map1}]} {
    %mul3A = arith.constant 16 : i32
    %mul3A_0 = arith.muli %arg0, %mul3A : i32
    %add3A = arith.addi %mul3A_0, %arg1 : i32
    %scan3A = arith.constant 0 : i32
    %scan3A_1 = arith.constant 128 : i32
    %scan3A_2 = arith.addi %scan3A, %scan3A_1 : i32
    %scan3A_3 = arith.constant 1 : i32
    scf.for %scan3A_201 = %scan3A to %scan3A_2 step %scan3A_3  : i32 {
      %mul3A_202 = arith.constant 1 : i32
      %mul3A_203 = arith.muli %scan3A_201, %mul3A_202 : i32
      %add3A_204 = arith.constant 0 : i32
      %add3A_205 = arith.addi %add3A_204, %mul3A_203 : i32
      %scan3A_206 = arith.constant 0 : i32
      %scan3A_207 = arith.constant 8 : i32
      %scan3A_208 = arith.addi %scan3A_206, %scan3A_207 : i32
      %scan3A_209 = arith.constant 1 : i32
      scf.for %scan3A_211 = %scan3A_206 to %scan3A_208 step %scan3A_209  : i32 {
        %mul3A_212 = arith.constant 16 : i32
        %mul3A_213 = arith.muli %scan3A_211, %mul3A_212 : i32
        %add3A_214 = arith.constant 0 : i32
        %add3A_215 = arith.addi %add3A_214, %mul3A_213 : i32
        %broadcast_in_dim3A = arith.constant 0.000000e+00 : f32
        %broadcast_in_dim3A_216 = vector.broadcast %broadcast_in_dim3A : f32 to vector<16xf32>
        %swap3A = arith.index_cast %add3A_205 : i32 to index
        %swap3A_217 = arith.index_cast %add3A_215 : i32 to index
        %swap3A_218 = tpu.vector_load %arg12[%swap3A, %swap3A_217] {strides = array<i32>} : memref<128x128xf32, #tpu.memory_space<vmem>>, vector<1x16xf32>,
        %swap3A_219 = vector.shape_cast %swap3A_218 : vector<1x16xf32> to vector<16xf32>
        %swap3A_220 = vector.shape_cast %broadcast_in_dim3A_216 : vector<16xf32> to vector<1x16xf32>
        tpu.vector_store %arg12[%swap3A, %swap3A_217], %swap3A_220 {strides = array<i32>} : memref<128x128xf32, #tpu.memory_space<vmem>>, vector<1x16xf32>,
      }
      %scan3A_210 = arith.constant 8 : i32
    }
    %scan3A_4 = arith.constant 128 : i32
    %add3A_5 = arith.constant 0 : i32
    %add3A_6 = arith.addi %arg1, %add3A_5 : i32
    %lt3A = arith.constant 78 : i32
    %lt3A_7 = arith.cmpi slt, %add3A_6, %lt3A : i32
    %convert_element_type3A = arith.extui %lt3A_7 : i1 to i32
    %cond3A = arith.constant 0 : i32
    %cond3A_8 = arith.cmpi ne, %convert_element_type3A, %cond3A : i32
    scf.if %cond3A_8 {
      %mul3A_201 = arith.constant 128 : i32
      %mul3A_202 = arith.muli %add3A_6, %mul3A_201 : i32
      "tpu.region"() ({
        %run_scoped3A = tpu.sem_alloc : memref<!tpu.dma_semaphore, #tpu.memory_space<semaphore_mem>>
        %dma_start3A_203 = arith.constant 0 : i32
        %dma_start3A_204 = tpu.memref_slice %arg5[%mul3A_202, %dma_start3A_203] : memref<10000x128xf32, #tpu.memory_space<vmem_shared>> -> memref<128x128xf32, #tpu.memory_space<vmem_shared>>
        %dma_start3A_205 = arith.constant 0 : i32
        %dma_start3A_206 = tpu.memref_slice %arg5[%mul3A_202, %dma_start3A_205] : memref<10000x128xf32, #tpu.memory_space<vmem_shared>> -> memref<128x128xf32, #tpu.memory_space<vmem_shared>>
        tpu.enqueue_dma source(%arg12 : memref<128x128xf32, #tpu.memory_space<vmem>>) target(%dma_start3A_206 : memref<128x128xf32, #tpu.memory_space<vmem_shared>>) target_semaphore(%run_scoped3A : memref<!tpu.dma_semaphore, #tpu.memory_space<semaphore_mem>>)
        %dma_wait3A_207 = arith.constant 0 : i32
        %dma_wait3A_208 = tpu.memref_slice %arg5[%mul3A_202, %dma_wait3A_207] : memref<10000x128xf32, #tpu.memory_space<vmem_shared>> -> memref<128x128xf32, #tpu.memory_space<vmem_shared>>
        %dma_wait3A_209 = arith.constant 0 : i32
        %dma_wait3A_210 = tpu.memref_slice %arg5[%mul3A_202, %dma_wait3A_209] : memref<10000x128xf32, #tpu.memory_space<vmem_shared>> -> memref<128x128xf32, #tpu.memory_space<vmem_shared>>
        tpu.wait_dma2 semaphore(%run_scoped3A : memref<!tpu.dma_semaphore, #tpu.memory_space<semaphore_mem>>) src(%arg12 : memref<128x128xf32, #tpu.memory_space<vmem>>) dst(%dma_wait3A_210 : memref<128x128xf32, #tpu.memory_space<vmem_shared>>)
        tpu.yield
      }) : () -> ()
    } else {
    }
    %eq3A = arith.constant 78 : i32
    %eq3A_9 = arith.cmpi eq, %add3A_6, %eq3A : i32
    %convert_element_type3A_10 = arith.extui %eq3A_9 : i1 to i32
    %cond3A_11 = arith.constant 0 : i32
    %cond3A_12 = arith.cmpi ne, %convert_element_type3A_10, %cond3A_11 : i32
    scf.if %cond3A_12 {
      %mul3A_201 = arith.constant 128 : i32
      %mul3A_202 = arith.muli %add3A_6, %mul3A_201 : i32
      "tpu.region"() ({
        %run_scoped3A = tpu.sem_alloc : memref<!tpu.dma_semaphore, #tpu.memory_space<semaphore_mem>>
        %dma_start3A_203 = arith.constant 0 : i32
        %dma_start3A_204 = arith.constant 0 : i32
        %dma_start3A_205 = tpu.memref_slice %arg12[%dma_start3A_203, %dma_start3A_204] : memref<128x128xf32, #tpu.memory_space<vmem>> -> memref<16x128xf32, #tpu.memory_space<vmem>>
        %dma_start3A_206 = arith.constant 0 : i32
        %dma_start3A_207 = tpu.memref_slice %arg5[%mul3A_202, %dma_start3A_206] : memref<10000x128xf32, #tpu.memory_space<vmem_shared>> -> memref<16x128xf32, #tpu.memory_space<vmem_shared>>
        %dma_start3A_208 = arith.constant 0 : i32
        %dma_start3A_209 = tpu.memref_slice %arg5[%mul3A_202, %dma_start3A_208] : memref<10000x128xf32, #tpu.memory_space<vmem_shared>> -> memref<16x128xf32, #tpu.memory_space<vmem_shared>>
        %dma_start3A_210 = arith.constant 0 : i32
        %dma_start3A_211 = arith.constant 0 : i32
        %dma_start3A_212 = tpu.memref_slice %arg12[%dma_start3A_210, %dma_start3A_211] : memref<128x128xf32, #tpu.memory_space<vmem>> -> memref<16x128xf32, #tpu.memory_space<vmem>>
        tpu.enqueue_dma source(%dma_start3A_212 : memref<16x128xf32, #tpu.memory_space<vmem>>) target(%dma_start3A_209 : memref<16x128xf32, #tpu.memory_space<vmem_shared>>) target_semaphore(%run_scoped3A : memref<!tpu.dma_semaphore, #tpu.memory_space<semaphore_mem>>)
        %dma_wait3A_213 = arith.constant 0 : i32
        %dma_wait3A_214 = arith.constant 0 : i32
        %dma_wait3A_215 = tpu.memref_slice %arg12[%dma_wait3A_213, %dma_wait3A_214] : memref<128x128xf32, #tpu.memory_space<vmem>> -> memref<16x128xf32, #tpu.memory_space<vmem>>
        %dma_wait3A_216 = arith.constant 0 : i32
        %dma_wait3A_217 = tpu.memref_slice %arg5[%mul3A_202, %dma_wait3A_216] : memref<10000x128xf32, #tpu.memory_space<vmem_shared>> -> memref<16x128xf32, #tpu.memory_space<vmem_shared>>
        %dma_wait3A_218 = arith.constant 0 : i32
        %dma_wait3A_219 = tpu.memref_slice %arg5[%mul3A_202, %dma_wait3A_218] : memref<10000x128xf32, #tpu.memory_space<vmem_shared>> -> memref<16x128xf32, #tpu.memory_space<vmem_shared>>
        %dma_wait3A_220 = arith.constant 0 : i32
        %dma_wait3A_221 = arith.constant 0 : i32
        %dma_wait3A_222 = tpu.memref_slice %arg12[%dma_wait3A_220, %dma_wait3A_221] : memref<128x128xf32, #tpu.memory_space<vmem>> -> memref<16x128xf32, #tpu.memory_space<vmem>>
        tpu.wait_dma2 semaphore(%run_scoped3A : memref<!tpu.dma_semaphore, #tpu.memory_space<semaphore_mem>>) src(%dma_wait3A_222 : memref<16x128xf32, #tpu.memory_space<vmem>>) dst(%dma_wait3A_219 : memref<16x128xf32, #tpu.memory_space<vmem_shared>>)
        tpu.yield
      }) : () -> ()
    } else {
    }
    %add3A_13 = arith.constant 16 : i32
    %add3A_14 = arith.addi %arg1, %add3A_13 : i32
    %lt3A_15 = arith.constant 78 : i32
    %lt3A_16 = arith.cmpi slt, %add3A_14, %lt3A_15 : i32
    %convert_element_type3A_17 = arith.extui %lt3A_16 : i1 to i32
    %cond3A_18 = arith.constant 0 : i32
    %cond3A_19 = arith.cmpi ne, %convert_element_type3A_17, %cond3A_18 : i32
    scf.if %cond3A_19 {
      %mul3A_201 = arith.constant 128 : i32
      %mul3A_202 = arith.muli %add3A_14, %mul3A_201 : i32
      "tpu.region"() ({
        %run_scoped3A = tpu.sem_alloc : memref<!tpu.dma_semaphore, #tpu.memory_space<semaphore_mem>>
        %dma_start3A_203 = arith.constant 0 : i32
        %dma_start3A_204 = tpu.memref_slice %arg5[%mul3A_202, %dma_start3A_203] : memref<10000x128xf32, #tpu.memory_space<vmem_shared>> -> memref<128x128xf32, #tpu.memory_space<vmem_shared>>
        %dma_start3A_205 = arith.constant 0 : i32
        %dma_start3A_206 = tpu.memref_slice %arg5[%mul3A_202, %dma_start3A_205] : memref<10000x128xf32, #tpu.memory_space<vmem_shared>> -> memref<128x128xf32, #tpu.memory_space<vmem_shared>>
        tpu.enqueue_dma source(%arg12 : memref<128x128xf32, #tpu.memory_space<vmem>>) target(%dma_start3A_206 : memref<128x128xf32, #tpu.memory_space<vmem_shared>>) target_semaphore(%run_scoped3A : memref<!tpu.dma_semaphore, #tpu.memory_space<semaphore_mem>>)
        %dma_wait3A_207 = arith.constant 0 : i32
        %dma_wait3A_208 = tpu.memref_slice %arg5[%mul3A_202, %dma_wait3A_207] : memref<10000x128xf32, #tpu.memory_space<vmem_shared>> -> memref<128x128xf32, #tpu.memory_space<vmem_shared>>
        %dma_wait3A_209 = arith.constant 0 : i32
        %dma_wait3A_210 = tpu.memref_slice %arg5[%mul3A_202, %dma_wait3A_209] : memref<10000x128xf32, #tpu.memory_space<vmem_shared>> -> memref<128x128xf32, #tpu.memory_space<vmem_shared>>
        tpu.wait_dma2 semaphore(%run_scoped3A : memref<!tpu.dma_semaphore, #tpu.memory_space<semaphore_mem>>) src(%arg12 : memref<128x128xf32, #tpu.memory_space<vmem>>) dst(%dma_wait3A_210 : memref<128x128xf32, #tpu.memory_space<vmem_shared>>)
        tpu.yield
      }) : () -> ()
    } else {
    }
    %eq3A_20 = arith.constant 78 : i32
    %eq3A_21 = arith.cmpi eq, %add3A_14, %eq3A_20 : i32
    %convert_element_type3A_22 = arith.extui %eq3A_21 : i1 to i32
    %cond3A_23 = arith.constant 0 : i32
    %cond3A_24 = arith.cmpi ne, %convert_element_type3A_22, %cond3A_23 : i32
    scf.if %cond3A_24 {
      %mul3A_201 = arith.constant 128 : i32
      %mul3A_202 = arith.muli %add3A_14, %mul3A_201 : i32
      "tpu.region"() ({
        %run_scoped3A = tpu.sem_alloc : memref<!tpu.dma_semaphore, #tpu.memory_space<semaphore_mem>>
        %dma_start3A_203 = arith.constant 0 : i32
        %dma_start3A_204 = arith.constant 0 : i32
        %dma_start3A_205 = tpu.memref_slice %arg12[%dma_start3A_203, %dma_start3A_204] : memref<128x128xf32, #tpu.memory_space<vmem>> -> memref<16x128xf32, #tpu.memory_space<vmem>>
        %dma_start3A_206 = arith.constant 0 : i32
        %dma_start3A_207 = tpu.memref_slice %arg5[%mul3A_202, %dma_start3A_206] : memref<10000x128xf32, #tpu.memory_space<vmem_shared>> -> memref<16x128xf32, #tpu.memory_space<vmem_shared>>
        %dma_start3A_208 = arith.constant 0 : i32
        %dma_start3A_209 = tpu.memref_slice %arg5[%mul3A_202, %dma_start3A_208] : memref<10000x128xf32, #tpu.memory_space<vmem_shared>> -> memref<16x128xf32, #tpu.memory_space<vmem_shared>>
        %dma_start3A_210 = arith.constant 0 : i32
        %dma_start3A_211 = arith.constant 0 : i32
        %dma_start3A_212 = tpu.memref_slice %arg12[%dma_start3A_210, %dma_start3A_211] : memref<128x128xf32, #tpu.memory_space<vmem>> -> memref<16x128xf32, #tpu.memory_space<vmem>>
        tpu.enqueue_dma source(%dma_start3A_212 : memref<16x128xf32, #tpu.memory_space<vmem>>) target(%dma_start3A_209 : memref<16x128xf32, #tpu.memory_space<vmem_shared>>) target_semaphore(%run_scoped3A : memref<!tpu.dma_semaphore, #tpu.memory_space<semaphore_mem>>)
        %dma_wait3A_213 = arith.constant 0 : i32
        %dma_wait3A_214 = arith.constant 0 : i32
        %dma_wait3A_215 = tpu.memref_slice %arg12[%dma_wait3A_213, %dma_wait3A_214] : memref<128x128xf32, #tpu.memory_space<vmem>> -> memref<16x128xf32, #tpu.memory_space<vmem>>
        %dma_wait3A_216 = arith.constant 0 : i32
        %dma_wait3A_217 = tpu.memref_slice %arg5[%mul3A_202, %dma_wait3A_216] : memref<10000x128xf32, #tpu.memory_space<vmem_shared>> -> memref<16x128xf32, #tpu.memory_space<vmem_shared>>
        %dma_wait3A_218 = arith.constant 0 : i32
        %dma_wait3A_219 = tpu.memref_slice %arg5[%mul3A_202, %dma_wait3A_218] : memref<10000x128xf32, #tpu.memory_space<vmem_shared>> -> memref<16x128xf32, #tpu.memory_space<vmem_shared>>
        %dma_wait3A_220 = arith.constant 0 : i32
        %dma_wait3A_221 = arith.constant 0 : i32
        %dma_wait3A_222 = tpu.memref_slice %arg12[%dma_wait3A_220, %dma_wait3A_221] : memref<128x128xf32, #tpu.memory_space<vmem>> -> memref<16x128xf32, #tpu.memory_space<vmem>>
        tpu.wait_dma2 semaphore(%run_scoped3A : memref<!tpu.dma_semaphore, #tpu.memory_space<semaphore_mem>>) src(%dma_wait3A_222 : memref<16x128xf32, #tpu.memory_space<vmem>>) dst(%dma_wait3A_219 : memref<16x128xf32, #tpu.memory_space<vmem_shared>>)
        tpu.yield
      }) : () -> ()
    } else {
    }
    %add3A_25 = arith.constant 32 : i32
    %add3A_26 = arith.addi %arg1, %add3A_25 : i32
    %lt3A_27 = arith.constant 78 : i32
    %lt3A_28 = arith.cmpi slt, %add3A_26, %lt3A_27 : i32
    %convert_element_type3A_29 = arith.extui %lt3A_28 : i1 to i32
    %cond3A_30 = arith.constant 0 : i32
    %cond3A_31 = arith.cmpi ne, %convert_element_type3A_29, %cond3A_30 : i32
    scf.if %cond3A_31 {
      %mul3A_201 = arith.constant 128 : i32
      %mul3A_202 = arith.muli %add3A_26, %mul3A_201 : i32
      "tpu.region"() ({
        %run_scoped3A = tpu.sem_alloc : memref<!tpu.dma_semaphore, #tpu.memory_space<semaphore_mem>>
        %dma_start3A_203 = arith.constant 0 : i32
        %dma_start3A_204 = tpu.memref_slice %arg5[%mul3A_202, %dma_start3A_203] : memref<10000x128xf32, #tpu.memory_space<vmem_shared>> -> memref<128x128xf32, #tpu.memory_space<vmem_shared>>
        %dma_start3A_205 = arith.constant 0 : i32
        %dma_start3A_206 = tpu.memref_slice %arg5[%mul3A_202, %dma_start3A_205] : memref<10000x128xf32, #tpu.memory_space<vmem_shared>> -> memref<128x128xf32, #tpu.memory_space<vmem_shared>>
        tpu.enqueue_dma source(%arg12 : memref<128x128xf32, #tpu.memory_space<vmem>>) target(%dma_start3A_206 : memref<128x128xf32, #tpu.memory_space<vmem_shared>>) target_semaphore(%run_scoped3A : memref<!tpu.dma_semaphore, #tpu.memory_space<semaphore_mem>>)
        %dma_wait3A_207 = arith.constant 0 : i32
        %dma_wait3A_208 = tpu.memref_slice %arg5[%mul3A_202, %dma_wait3A_207] : memref<10000x128xf32, #tpu.memory_space<vmem_shared>> -> memref<128x128xf32, #tpu.memory_space<vmem_shared>>
        %dma_wait3A_209 = arith.constant 0 : i32
        %dma_wait3A_210 = tpu.memref_slice %arg5[%mul3A_202, %dma_wait3A_209] : memref<10000x128xf32, #tpu.memory_space<vmem_shared>> -> memref<128x128xf32, #tpu.memory_space<vmem_shared>>
        tpu.wait_dma2 semaphore(%run_scoped3A : memref<!tpu.dma_semaphore, #tpu.memory_space<semaphore_mem>>) src(%arg12 : memref<128x128xf32, #tpu.memory_space<vmem>>) dst(%dma_wait3A_210 : memref<128x128xf32, #tpu.memory_space<vmem_shared>>)
        tpu.yield
      }) : () -> ()
    } else {
    }
    %eq3A_32 = arith.constant 78 : i32
    %eq3A_33 = arith.cmpi eq, %add3A_26, %eq3A_32 : i32
    %convert_element_type3A_34 = arith.extui %eq3A_33 : i1 to i32
    %cond3A_35 = arith.constant 0 : i32
    %cond3A_36 = arith.cmpi ne, %convert_element_type3A_34, %cond3A_35 : i32
    scf.if %cond3A_36 {
      %mul3A_201 = arith.constant 128 : i32
      %mul3A_202 = arith.muli %add3A_26, %mul3A_201 : i32
      "tpu.region"() ({
        %run_scoped3A = tpu.sem_alloc : memref<!tpu.dma_semaphore, #tpu.memory_space<semaphore_mem>>
        %dma_start3A_203 = arith.constant 0 : i32
        %dma_start3A_204 = arith.constant 0 : i32
        %dma_start3A_205 = tpu.memref_slice %arg12[%dma_start3A_203, %dma_start3A_204] : memref<128x128xf32, #tpu.memory_space<vmem>> -> memref<16x128xf32, #tpu.memory_space<vmem>>
        %dma_start3A_206 = arith.constant 0 : i32
        %dma_start3A_207 = tpu.memref_slice %arg5[%mul3A_202, %dma_start3A_206] : memref<10000x128xf32, #tpu.memory_space<vmem_shared>> -> memref<16x128xf32, #tpu.memory_space<vmem_shared>>
        %dma_start3A_208 = arith.constant 0 : i32
        %dma_start3A_209 = tpu.memref_slice %arg5[%mul3A_202, %dma_start3A_208] : memref<10000x128xf32, #tpu.memory_space<vmem_shared>> -> memref<16x128xf32, #tpu.memory_space<vmem_shared>>
        %dma_start3A_210 = arith.constant 0 : i32
        %dma_start3A_211 = arith.constant 0 : i32
        %dma_start3A_212 = tpu.memref_slice %arg12[%dma_start3A_210, %dma_start3A_211] : memref<128x128xf32, #tpu.memory_space<vmem>> -> memref<16x128xf32, #tpu.memory_space<vmem>>
        tpu.enqueue_dma source(%dma_start3A_212 : memref<16x128xf32, #tpu.memory_space<vmem>>) target(%dma_start3A_209 : memref<16x128xf32, #tpu.memory_space<vmem_shared>>) target_semaphore(%run_scoped3A : memref<!tpu.dma_semaphore, #tpu.memory_space<semaphore_mem>>)
        %dma_wait3A_213 = arith.constant 0 : i32
        %dma_wait3A_214 = arith.constant 0 : i32
        %dma_wait3A_215 = tpu.memref_slice %arg12[%dma_wait3A_213, %dma_wait3A_214] : memref<128x128xf32, #tpu.memory_space<vmem>> -> memref<16x128xf32, #tpu.memory_space<vmem>>
        %dma_wait3A_216 = arith.constant 0 : i32
        %dma_wait3A_217 = tpu.memref_slice %arg5[%mul3A_202, %dma_wait3A_216] : memref<10000x128xf32, #tpu.memory_space<vmem_shared>> -> memref<16x128xf32, #tpu.memory_space<vmem_shared>>
        %dma_wait3A_218 = arith.constant 0 : i32
        %dma_wait3A_219 = tpu.memref_slice %arg5[%mul3A_202, %dma_wait3A_218] : memref<10000x128xf32, #tpu.memory_space<vmem_shared>> -> memref<16x128xf32, #tpu.memory_space<vmem_shared>>
        %dma_wait3A_220 = arith.constant 0 : i32
        %dma_wait3A_221 = arith.constant 0 : i32
        %dma_wait3A_222 = tpu.memref_slice %arg12[%dma_wait3A_220, %dma_wait3A_221] : memref<128x128xf32, #tpu.memory_space<vmem>> -> memref<16x128xf32, #tpu.memory_space<vmem>>
        tpu.wait_dma2 semaphore(%run_scoped3A : memref<!tpu.dma_semaphore, #tpu.memory_space<semaphore_mem>>) src(%dma_wait3A_222 : memref<16x128xf32, #tpu.memory_space<vmem>>) dst(%dma_wait3A_219 : memref<16x128xf32, #tpu.memory_space<vmem_shared>>)
        tpu.yield
      }) : () -> ()
    } else {
    }
    %add3A_37 = arith.constant 48 : i32
    %add3A_38 = arith.addi %arg1, %add3A_37 : i32
    %lt3A_39 = arith.constant 78 : i32
    %lt3A_40 = arith.cmpi slt, %add3A_38, %lt3A_39 : i32
    %convert_element_type3A_41 = arith.extui %lt3A_40 : i1 to i32
    %cond3A_42 = arith.constant 0 : i32
    %cond3A_43 = arith.cmpi ne, %convert_element_type3A_41, %cond3A_42 : i32
    scf.if %cond3A_43 {
      %mul3A_201 = arith.constant 128 : i32
      %mul3A_202 = arith.muli %add3A_38, %mul3A_201 : i32
      "tpu.region"() ({
        %run_scoped3A = tpu.sem_alloc : memref<!tpu.dma_semaphore, #tpu.memory_space<semaphore_mem>>
        %dma_start3A_203 = arith.constant 0 : i32
        %dma_start3A_204 = tpu.memref_slice %arg5[%mul3A_202, %dma_start3A_203] : memref<10000x128xf32, #tpu.memory_space<vmem_shared>> -> memref<128x128xf32, #tpu.memory_space<vmem_shared>>
        %dma_start3A_205 = arith.constant 0 : i32
        %dma_start3A_206 = tpu.memref_slice %arg5[%mul3A_202, %dma_start3A_205] : memref<10000x128xf32, #tpu.memory_space<vmem_shared>> -> memref<128x128xf32, #tpu.memory_space<vmem_shared>>
        tpu.enqueue_dma source(%arg12 : memref<128x128xf32, #tpu.memory_space<vmem>>) target(%dma_start3A_206 : memref<128x128xf32, #tpu.memory_space<vmem_shared>>) target_semaphore(%run_scoped3A : memref<!tpu.dma_semaphore, #tpu.memory_space<semaphore_mem>>)
        %dma_wait3A_207 = arith.constant 0 : i32
        %dma_wait3A_208 = tpu.memref_slice %arg5[%mul3A_202, %dma_wait3A_207] : memref<10000x128xf32, #tpu.memory_space<vmem_shared>> -> memref<128x128xf32, #tpu.memory_space<vmem_shared>>
        %dma_wait3A_209 = arith.constant 0 : i32
        %dma_wait3A_210 = tpu.memref_slice %arg5[%mul3A_202, %dma_wait3A_209] : memref<10000x128xf32, #tpu.memory_space<vmem_shared>> -> memref<128x128xf32, #tpu.memory_space<vmem_shared>>
        tpu.wait_dma2 semaphore(%run_scoped3A : memref<!tpu.dma_semaphore, #tpu.memory_space<semaphore_mem>>) src(%arg12 : memref<128x128xf32, #tpu.memory_space<vmem>>) dst(%dma_wait3A_210 : memref<128x128xf32, #tpu.memory_space<vmem_shared>>)
        tpu.yield
      }) : () -> ()
    } else {
    }
    %eq3A_44 = arith.constant 78 : i32
    %eq3A_45 = arith.cmpi eq, %add3A_38, %eq3A_44 : i32
    %convert_element_type3A_46 = arith.extui %eq3A_45 : i1 to i32
    %cond3A_47 = arith.constant 0 : i32
    %cond3A_48 = arith.cmpi ne, %convert_element_type3A_46, %cond3A_47 : i32
    scf.if %cond3A_48 {
      %mul3A_201 = arith.constant 128 : i32
      %mul3A_202 = arith.muli %add3A_38, %mul3A_201 : i32
      "tpu.region"() ({
        %run_scoped3A = tpu.sem_alloc : memref<!tpu.dma_semaphore, #tpu.memory_space<semaphore_mem>>
        %dma_start3A_203 = arith.constant 0 : i32
        %dma_start3A_204 = arith.constant 0 : i32
        %dma_start3A_205 = tpu.memref_slice %arg12[%dma_start3A_203, %dma_start3A_204] : memref<128x128xf32, #tpu.memory_space<vmem>> -> memref<16x128xf32, #tpu.memory_space<vmem>>
        %dma_start3A_206 = arith.constant 0 : i32
        %dma_start3A_207 = tpu.memref_slice %arg5[%mul3A_202, %dma_start3A_206] : memref<10000x128xf32, #tpu.memory_space<vmem_shared>> -> memref<16x128xf32, #tpu.memory_space<vmem_shared>>
        %dma_start3A_208 = arith.constant 0 : i32
        %dma_start3A_209 = tpu.memref_slice %arg5[%mul3A_202, %dma_start3A_208] : memref<10000x128xf32, #tpu.memory_space<vmem_shared>> -> memref<16x128xf32, #tpu.memory_space<vmem_shared>>
        %dma_start3A_210 = arith.constant 0 : i32
        %dma_start3A_211 = arith.constant 0 : i32
        %dma_start3A_212 = tpu.memref_slice %arg12[%dma_start3A_210, %dma_start3A_211] : memref<128x128xf32, #tpu.memory_space<vmem>> -> memref<16x128xf32, #tpu.memory_space<vmem>>
        tpu.enqueue_dma source(%dma_start3A_212 : memref<16x128xf32, #tpu.memory_space<vmem>>) target(%dma_start3A_209 : memref<16x128xf32, #tpu.memory_space<vmem_shared>>) target_semaphore(%run_scoped3A : memref<!tpu.dma_semaphore, #tpu.memory_space<semaphore_mem>>)
        %dma_wait3A_213 = arith.constant 0 : i32
        %dma_wait3A_214 = arith.constant 0 : i32
        %dma_wait3A_215 = tpu.memref_slice %arg12[%dma_wait3A_213, %dma_wait3A_214] : memref<128x128xf32, #tpu.memory_space<vmem>> -> memref<16x128xf32, #tpu.memory_space<vmem>>
        %dma_wait3A_216 = arith.constant 0 : i32
        %dma_wait3A_217 = tpu.memref_slice %arg5[%mul3A_202, %dma_wait3A_216] : memref<10000x128xf32, #tpu.memory_space<vmem_shared>> -> memref<16x128xf32, #tpu.memory_space<vmem_shared>>
        %dma_wait3A_218 = arith.constant 0 : i32
        %dma_wait3A_219 = tpu.memref_slice %arg5[%mul3A_202, %dma_wait3A_218] : memref<10000x128xf32, #tpu.memory_space<vmem_shared>> -> memref<16x128xf32, #tpu.memory_space<vmem_shared>>
        %dma_wait3A_220 = arith.constant 0 : i32
        %dma_wait3A_221 = arith.constant 0 : i32
        %dma_wait3A_222 = tpu.memref_slice %arg12[%dma_wait3A_220, %dma_wait3A_221] : memref<128x128xf32, #tpu.memory_space<vmem>> -> memref<16x128xf32, #tpu.memory_space<vmem>>
        tpu.wait_dma2 semaphore(%run_scoped3A : memref<!tpu.dma_semaphore, #tpu.memory_space<semaphore_mem>>) src(%dma_wait3A_222 : memref<16x128xf32, #tpu.memory_space<vmem>>) dst(%dma_wait3A_219 : memref<16x128xf32, #tpu.memory_space<vmem_shared>>)
        tpu.yield
      }) : () -> ()
    } else {
    }
    %add3A_49 = arith.constant 64 : i32
    %add3A_50 = arith.addi %arg1, %add3A_49 : i32
    %lt3A_51 = arith.constant 78 : i32
    %lt3A_52 = arith.cmpi slt, %add3A_50, %lt3A_51 : i32
    %convert_element_type3A_53 = arith.extui %lt3A_52 : i1 to i32
    %cond3A_54 = arith.constant 0 : i32
    %cond3A_55 = arith.cmpi ne, %convert_element_type3A_53, %cond3A_54 : i32
    scf.if %cond3A_55 {
      %mul3A_201 = arith.constant 128 : i32
      %mul3A_202 = arith.muli %add3A_50, %mul3A_201 : i32
      "tpu.region"() ({
        %run_scoped3A = tpu.sem_alloc : memref<!tpu.dma_semaphore, #tpu.memory_space<semaphore_mem>>
        %dma_start3A_203 = arith.constant 0 : i32
        %dma_start3A_204 = tpu.memref_slice %arg5[%mul3A_202, %dma_start3A_203] : memref<10000x128xf32, #tpu.memory_space<vmem_shared>> -> memref<128x128xf32, #tpu.memory_space<vmem_shared>>
        %dma_start3A_205 = arith.constant 0 : i32
        %dma_start3A_206 = tpu.memref_slice %arg5[%mul3A_202, %dma_start3A_205] : memref<10000x128xf32, #tpu.memory_space<vmem_shared>> -> memref<128x128xf32, #tpu.memory_space<vmem_shared>>
        tpu.enqueue_dma source(%arg12 : memref<128x128xf32, #tpu.memory_space<vmem>>) target(%dma_start3A_206 : memref<128x128xf32, #tpu.memory_space<vmem_shared>>) target_semaphore(%run_scoped3A : memref<!tpu.dma_semaphore, #tpu.memory_space<semaphore_mem>>)
        %dma_wait3A_207 = arith.constant 0 : i32
        %dma_wait3A_208 = tpu.memref_slice %arg5[%mul3A_202, %dma_wait3A_207] : memref<10000x128xf32, #tpu.memory_space<vmem_shared>> -> memref<128x128xf32, #tpu.memory_space<vmem_shared>>
        %dma_wait3A_209 = arith.constant 0 : i32
        %dma_wait3A_210 = tpu.memref_slice %arg5[%mul3A_202, %dma_wait3A_209] : memref<10000x128xf32, #tpu.memory_space<vmem_shared>> -> memref<128x128xf32, #tpu.memory_space<vmem_shared>>
        tpu.wait_dma2 semaphore(%run_scoped3A : memref<!tpu.dma_semaphore, #tpu.memory_space<semaphore_mem>>) src(%arg12 : memref<128x128xf32, #tpu.memory_space<vmem>>) dst(%dma_wait3A_210 : memref<128x128xf32, #tpu.memory_space<vmem_shared>>)
        tpu.yield
      }) : () -> ()
    } else {
    }
    %eq3A_56 = arith.constant 78 : i32
    %eq3A_57 = arith.cmpi eq, %add3A_50, %eq3A_56 : i32
    %convert_element_type3A_58 = arith.extui %eq3A_57 : i1 to i32
    %cond3A_59 = arith.constant 0 : i32
    %cond3A_60 = arith.cmpi ne, %convert_element_type3A_58, %cond3A_59 : i32
    scf.if %cond3A_60 {
      %mul3A_201 = arith.constant 128 : i32
      %mul3A_202 = arith.muli %add3A_50, %mul3A_201 : i32
      "tpu.region"() ({
        %run_scoped3A = tpu.sem_alloc : memref<!tpu.dma_semaphore, #tpu.memory_space<semaphore_mem>>
        %dma_start3A_203 = arith.constant 0 : i32
        %dma_start3A_204 = arith.constant 0 : i32
        %dma_start3A_205 = tpu.memref_slice %arg12[%dma_start3A_203, %dma_start3A_204] : memref<128x128xf32, #tpu.memory_space<vmem>> -> memref<16x128xf32, #tpu.memory_space<vmem>>
        %dma_start3A_206 = arith.constant 0 : i32
        %dma_start3A_207 = tpu.memref_slice %arg5[%mul3A_202, %dma_start3A_206] : memref<10000x128xf32, #tpu.memory_space<vmem_shared>> -> memref<16x128xf32, #tpu.memory_space<vmem_shared>>
        %dma_start3A_208 = arith.constant 0 : i32
        %dma_start3A_209 = tpu.memref_slice %arg5[%mul3A_202, %dma_start3A_208] : memref<10000x128xf32, #tpu.memory_space<vmem_shared>> -> memref<16x128xf32, #tpu.memory_space<vmem_shared>>
        %dma_start3A_210 = arith.constant 0 : i32
        %dma_start3A_211 = arith.constant 0 : i32
        %dma_start3A_212 = tpu.memref_slice %arg12[%dma_start3A_210, %dma_start3A_211] : memref<128x128xf32, #tpu.memory_space<vmem>> -> memref<16x128xf32, #tpu.memory_space<vmem>>
        tpu.enqueue_dma source(%dma_start3A_212 : memref<16x128xf32, #tpu.memory_space<vmem>>) target(%dma_start3A_209 : memref<16x128xf32, #tpu.memory_space<vmem_shared>>) target_semaphore(%run_scoped3A : memref<!tpu.dma_semaphore, #tpu.memory_space<semaphore_mem>>)
        %dma_wait3A_213 = arith.constant 0 : i32
        %dma_wait3A_214 = arith.constant 0 : i32
        %dma_wait3A_215 = tpu.memref_slice %arg12[%dma_wait3A_213, %dma_wait3A_214] : memref<128x128xf32, #tpu.memory_space<vmem>> -> memref<16x128xf32, #tpu.memory_space<vmem>>
        %dma_wait3A_216 = arith.constant 0 : i32
        %dma_wait3A_217 = tpu.memref_slice %arg5[%mul3A_202, %dma_wait3A_216] : memref<10000x128xf32, #tpu.memory_space<vmem_shared>> -> memref<16x128xf32, #tpu.memory_space<vmem_shared>>
        %dma_wait3A_218 = arith.constant 0 : i32
        %dma_wait3A_219 = tpu.memref_slice %arg5[%mul3A_202, %dma_wait3A_218] : memref<10000x128xf32, #tpu.memory_space<vmem_shared>> -> memref<16x128xf32, #tpu.memory_space<vmem_shared>>
        %dma_wait3A_220 = arith.constant 0 : i32
        %dma_wait3A_221 = arith.constant 0 : i32
        %dma_wait3A_222 = tpu.memref_slice %arg12[%dma_wait3A_220, %dma_wait3A_221] : memref<128x128xf32, #tpu.memory_space<vmem>> -> memref<16x128xf32, #tpu.memory_space<vmem>>
        tpu.wait_dma2 semaphore(%run_scoped3A : memref<!tpu.dma_semaphore, #tpu.memory_space<semaphore_mem>>) src(%dma_wait3A_222 : memref<16x128xf32, #tpu.memory_space<vmem>>) dst(%dma_wait3A_219 : memref<16x128xf32, #tpu.memory_space<vmem_shared>>)
        tpu.yield
      }) : () -> ()
    } else {
    }
    %add3A_61 = arith.constant 0 : i32
    %add3A_62 = arith.addi %add3A, %add3A_61 : i32
    %dma_start3A = arith.constant 0 : i32
    %dma_start3A_63 = arith.constant 0 : i32
    %dma_start3A_64 = tpu.memref_slice %arg3[%add3A_62, %dma_start3A, %dma_start3A_63] : memref<2688x2x128xi32, #tpu.memory_space<hbm>> -> memref<1x2x128xi32, #tpu.memory_space<hbm>>
    %dma_start3A_65 = arith.constant 0 : i32
    %dma_start3A_66 = arith.constant 0 : i32
    %dma_start3A_67 = tpu.memref_slice %arg3[%add3A_62, %dma_start3A_65, %dma_start3A_66] : memref<2688x2x128xi32, #tpu.memory_space<hbm>> -> memref<1x2x128xi32, #tpu.memory_space<hbm>>
    tpu.enqueue_dma source(%dma_start3A_67 : memref<1x2x128xi32, #tpu.memory_space<hbm>>) target(%arg6 : memref<1x2x128xi32, #tpu.memory_space<vmem>>) target_semaphore(%arg15 : memref<!tpu.dma_semaphore, #tpu.memory_space<semaphore_mem>>)
    %add3A_68 = arith.constant 32 : i32
    %add3A_69 = arith.addi %add3A, %add3A_68 : i32
    %dma_start3A_70 = arith.constant 0 : i32
    %dma_start3A_71 = arith.constant 0 : i32
    %dma_start3A_72 = tpu.memref_slice %arg3[%add3A_69, %dma_start3A_70, %dma_start3A_71] : memref<2688x2x128xi32, #tpu.memory_space<hbm>> -> memref<1x2x128xi32, #tpu.memory_space<hbm>>
    %dma_start3A_73 = arith.constant 0 : i32
    %dma_start3A_74 = arith.constant 0 : i32
    %dma_start3A_75 = tpu.memref_slice %arg3[%add3A_69, %dma_start3A_73, %dma_start3A_74] : memref<2688x2x128xi32, #tpu.memory_space<hbm>> -> memref<1x2x128xi32, #tpu.memory_space<hbm>>
    tpu.enqueue_dma source(%dma_start3A_75 : memref<1x2x128xi32, #tpu.memory_space<hbm>>) target(%arg7 : memref<1x2x128xi32, #tpu.memory_space<vmem>>) target_semaphore(%arg16 : memref<!tpu.dma_semaphore, #tpu.memory_space<semaphore_mem>>)
    %add3A_76 = arith.constant 64 : i32
    %add3A_77 = arith.addi %add3A, %add3A_76 : i32
    %dma_start3A_78 = arith.constant 0 : i32
    %dma_start3A_79 = arith.constant 0 : i32
    %dma_start3A_80 = tpu.memref_slice %arg3[%add3A_77, %dma_start3A_78, %dma_start3A_79] : memref<2688x2x128xi32, #tpu.memory_space<hbm>> -> memref<1x2x128xi32, #tpu.memory_space<hbm>>
    %dma_start3A_81 = arith.constant 0 : i32
    %dma_start3A_82 = arith.constant 0 : i32
    %dma_start3A_83 = tpu.memref_slice %arg3[%add3A_77, %dma_start3A_81, %dma_start3A_82] : memref<2688x2x128xi32, #tpu.memory_space<hbm>> -> memref<1x2x128xi32, #tpu.memory_space<hbm>>
    tpu.enqueue_dma source(%dma_start3A_83 : memref<1x2x128xi32, #tpu.memory_space<hbm>>) target(%arg8 : memref<1x2x128xi32, #tpu.memory_space<vmem>>) target_semaphore(%arg17 : memref<!tpu.dma_semaphore, #tpu.memory_space<semaphore_mem>>)
    %add3A_84 = arith.constant 96 : i32
    %add3A_85 = arith.addi %add3A, %add3A_84 : i32
    %dma_start3A_86 = arith.constant 0 : i32
    %dma_start3A_87 = arith.constant 0 : i32
    %dma_start3A_88 = tpu.memref_slice %arg3[%add3A_85, %dma_start3A_86, %dma_start3A_87] : memref<2688x2x128xi32, #tpu.memory_space<hbm>> -> memref<1x2x128xi32, #tpu.memory_space<hbm>>
    %dma_start3A_89 = arith.constant 0 : i32
    %dma_start3A_90 = arith.constant 0 : i32
    %dma_start3A_91 = tpu.memref_slice %arg3[%add3A_85, %dma_start3A_89, %dma_start3A_90] : memref<2688x2x128xi32, #tpu.memory_space<hbm>> -> memref<1x2x128xi32, #tpu.memory_space<hbm>>
    tpu.enqueue_dma source(%dma_start3A_91 : memref<1x2x128xi32, #tpu.memory_space<hbm>>) target(%arg9 : memref<1x2x128xi32, #tpu.memory_space<vmem>>) target_semaphore(%arg18 : memref<!tpu.dma_semaphore, #tpu.memory_space<semaphore_mem>>)
    %add3A_92 = arith.constant 128 : i32
    %add3A_93 = arith.addi %add3A, %add3A_92 : i32
    %dma_start3A_94 = arith.constant 0 : i32
    %dma_start3A_95 = arith.constant 0 : i32
    %dma_start3A_96 = tpu.memref_slice %arg3[%add3A_93, %dma_start3A_94, %dma_start3A_95] : memref<2688x2x128xi32, #tpu.memory_space<hbm>> -> memref<1x2x128xi32, #tpu.memory_space<hbm>>
    %dma_start3A_97 = arith.constant 0 : i32
    %dma_start3A_98 = arith.constant 0 : i32
    %dma_start3A_99 = tpu.memref_slice %arg3[%add3A_93, %dma_start3A_97, %dma_start3A_98] : memref<2688x2x128xi32, #tpu.memory_space<hbm>> -> memref<1x2x128xi32, #tpu.memory_space<hbm>>
    tpu.enqueue_dma source(%dma_start3A_99 : memref<1x2x128xi32, #tpu.memory_space<hbm>>) target(%arg10 : memref<1x2x128xi32, #tpu.memory_space<vmem>>) target_semaphore(%arg19 : memref<!tpu.dma_semaphore, #tpu.memory_space<semaphore_mem>>)
    %add3A_100 = arith.constant 160 : i32
    %add3A_101 = arith.addi %add3A, %add3A_100 : i32
    %dma_start3A_102 = arith.constant 0 : i32
    %dma_start3A_103 = arith.constant 0 : i32
    %dma_start3A_104 = tpu.memref_slice %arg3[%add3A_101, %dma_start3A_102, %dma_start3A_103] : memref<2688x2x128xi32, #tpu.memory_space<hbm>> -> memref<1x2x128xi32, #tpu.memory_space<hbm>>
    %dma_start3A_105 = arith.constant 0 : i32
    %dma_start3A_106 = arith.constant 0 : i32
    %dma_start3A_107 = tpu.memref_slice %arg3[%add3A_101, %dma_start3A_105, %dma_start3A_106] : memref<2688x2x128xi32, #tpu.memory_space<hbm>> -> memref<1x2x128xi32, #tpu.memory_space<hbm>>
    tpu.enqueue_dma source(%dma_start3A_107 : memref<1x2x128xi32, #tpu.memory_space<hbm>>) target(%arg11 : memref<1x2x128xi32, #tpu.memory_space<vmem>>) target_semaphore(%arg20 : memref<!tpu.dma_semaphore, #tpu.memory_space<semaphore_mem>>)
    %dma_wait3A = arith.constant 0 : i32
    %dma_wait3A_108 = arith.constant 0 : i32
    %dma_wait3A_109 = tpu.memref_slice %arg3[%add3A, %dma_wait3A, %dma_wait3A_108] : memref<2688x2x128xi32, #tpu.memory_space<hbm>> -> memref<1x2x128xi32, #tpu.memory_space<hbm>>
    %dma_wait3A_110 = arith.constant 0 : i32
    %dma_wait3A_111 = arith.constant 0 : i32
    %dma_wait3A_112 = tpu.memref_slice %arg3[%add3A, %dma_wait3A_110, %dma_wait3A_111] : memref<2688x2x128xi32, #tpu.memory_space<hbm>> -> memref<1x2x128xi32, #tpu.memory_space<hbm>>
    tpu.wait_dma2 semaphore(%arg15 : memref<!tpu.dma_semaphore, #tpu.memory_space<semaphore_mem>>) src(%dma_wait3A_112 : memref<1x2x128xi32, #tpu.memory_space<hbm>>) dst(%arg6 : memref<1x2x128xi32, #tpu.memory_space<vmem>>)
    %dma_start3A_113 = arith.constant 0 : i32
    %dma_start3A_114 = arith.constant 0 : i32
    %dma_start3A_115 = arith.constant 0 : i32
    %dma_start3A_116 = tpu.memref_slice %arg6[%dma_start3A_113, %dma_start3A_114, %dma_start3A_115] : memref<1x2x128xi32, #tpu.memory_space<vmem>> -> memref<1x1x128xi32, #tpu.memory_space<vmem>>
    %dma_start3A_117 = tpu.memref_squeeze %dma_start3A_116 : memref<1x1x128xi32, #tpu.memory_space<vmem>> -> memref<128xi32, #tpu.memory_space<vmem>>
    %dma_start3A_118 = arith.constant 0 : i32
    %dma_start3A_119 = arith.constant 0 : i32
    %dma_start3A_120 = tpu.memref_slice %arg2[%dma_start3A_118, %dma_start3A_119] : memref<10016x128xf32, #tpu.memory_space<hbm>> -> memref<10016x128xf32, #tpu.memory_space<hbm>>
    tpu.enqueue_indirect_dma source(%dma_start3A_120 : memref<10016x128xf32, #tpu.memory_space<hbm>>) target(%arg12 : memref<128x128xf32, #tpu.memory_space<vmem>>) offsets(%dma_start3A_117 : memref<128xi32, #tpu.memory_space<vmem>>) semaphore(%arg21 : memref<!tpu.dma_semaphore, #tpu.memory_space<semaphore_mem>>)
    %dma_wait3A_121 = arith.constant 0 : i32
    %dma_wait3A_122 = arith.constant 0 : i32
    %dma_wait3A_123 = tpu.memref_slice %arg3[%add3A, %dma_wait3A_121, %dma_wait3A_122] : memref<2688x2x128xi32, #tpu.memory_space<hbm>> -> memref<1x2x128xi32, #tpu.memory_space<hbm>>
    %dma_wait3A_124 = arith.constant 0 : i32
    %dma_wait3A_125 = arith.constant 0 : i32
    %dma_wait3A_126 = tpu.memref_slice %arg3[%add3A, %dma_wait3A_124, %dma_wait3A_125] : memref<2688x2x128xi32, #tpu.memory_space<hbm>> -> memref<1x2x128xi32, #tpu.memory_space<hbm>>
    tpu.wait_dma2 semaphore(%arg16 : memref<!tpu.dma_semaphore, #tpu.memory_space<semaphore_mem>>) src(%dma_wait3A_126 : memref<1x2x128xi32, #tpu.memory_space<hbm>>) dst(%arg7 : memref<1x2x128xi32, #tpu.memory_space<vmem>>)
    %dma_start3A_127 = arith.constant 0 : i32
    %dma_start3A_128 = arith.constant 0 : i32
    %dma_start3A_129 = arith.constant 0 : i32
    %dma_start3A_130 = tpu.memref_slice %arg7[%dma_start3A_127, %dma_start3A_128, %dma_start3A_129] : memref<1x2x128xi32, #tpu.memory_space<vmem>> -> memref<1x1x128xi32, #tpu.memory_space<vmem>>
    %dma_start3A_131 = tpu.memref_squeeze %dma_start3A_130 : memref<1x1x128xi32, #tpu.memory_space<vmem>> -> memref<128xi32, #tpu.memory_space<vmem>>
    %dma_start3A_132 = arith.constant 0 : i32
    %dma_start3A_133 = arith.constant 0 : i32
    %dma_start3A_134 = tpu.memref_slice %arg2[%dma_start3A_132, %dma_start3A_133] : memref<10016x128xf32, #tpu.memory_space<hbm>> -> memref<10016x128xf32, #tpu.memory_space<hbm>>
    tpu.enqueue_indirect_dma source(%dma_start3A_134 : memref<10016x128xf32, #tpu.memory_space<hbm>>) target(%arg13 : memref<128x128xf32, #tpu.memory_space<vmem>>) offsets(%dma_start3A_131 : memref<128xi32, #tpu.memory_space<vmem>>) semaphore(%arg22 : memref<!tpu.dma_semaphore, #tpu.memory_space<semaphore_mem>>)
    %barrier3A = arith.constant 0 : index
    tpu.barrier barrier_id(%barrier3A)
    %scan3A_135 = arith.constant 0 : i32
    %scan3A_136 = arith.constant 14 : i32
    %scan3A_137 = arith.addi %scan3A_135, %scan3A_136 : i32
    %scan3A_138 = arith.constant 1 : i32
    scf.for %scan3A_201 = %scan3A_135 to %scan3A_137 step %scan3A_138  : i32 {
      %mul3A_202 = arith.constant 6 : i32
      %mul3A_203 = arith.muli %scan3A_201, %mul3A_202 : i32
      %add3A_204 = arith.constant 0 : i32
      %add3A_205 = arith.addi %add3A_204, %mul3A_203 : i32
      %add3A_206 = arith.constant 0 : i32
      %add3A_207 = arith.addi %add3A_205, %add3A_206 : i32
      %dma_wait3A_208 = arith.constant 0 : i32
      %dma_wait3A_209 = arith.constant 0 : i32
      %dma_wait3A_210 = arith.constant 0 : i32
      %dma_wait3A_211 = tpu.memref_slice %arg6[%dma_wait3A_208, %dma_wait3A_209, %dma_wait3A_210] : memref<1x2x128xi32, #tpu.memory_space<vmem>> -> memref<1x1x128xi32, #tpu.memory_space<vmem>>
      %dma_wait3A_212 = tpu.memref_squeeze %dma_wait3A_211 : memref<1x1x128xi32, #tpu.memory_space<vmem>> -> memref<128xi32, #tpu.memory_space<vmem>>
      %dma_wait3A_213 = arith.constant 0 : i32
      %dma_wait3A_214 = arith.constant 0 : i32
      %dma_wait3A_215 = tpu.memref_slice %arg2[%dma_wait3A_213, %dma_wait3A_214] : memref<10016x128xf32, #tpu.memory_space<hbm>> -> memref<10016x128xf32, #tpu.memory_space<hbm>>
      tpu.wait_indirect_dma semaphore(%arg21 : memref<!tpu.dma_semaphore, #tpu.memory_space<semaphore_mem>>) src(%dma_wait3A_215 : memref<10016x128xf32, #tpu.memory_space<hbm>>) dst(%arg12 : memref<128x128xf32, #tpu.memory_space<vmem>>)
      %dma_start3A_216 = arith.constant 0 : i32
      %dma_start3A_217 = arith.constant 1 : i32
      %dma_start3A_218 = arith.constant 0 : i32
      %dma_start3A_219 = tpu.memref_slice %arg6[%dma_start3A_216, %dma_start3A_217, %dma_start3A_218] : memref<1x2x128xi32, #tpu.memory_space<vmem>> -> memref<1x1x128xi32, #tpu.memory_space<vmem>>
      %dma_start3A_220 = tpu.memref_squeeze %dma_start3A_219 : memref<1x1x128xi32, #tpu.memory_space<vmem>> -> memref<128xi32, #tpu.memory_space<vmem>>
      %dma_start3A_221 = arith.constant 0 : i32
      %dma_start3A_222 = arith.constant 0 : i32
      %dma_start3A_223 = tpu.memref_slice %arg5[%dma_start3A_221, %dma_start3A_222] : memref<10000x128xf32, #tpu.memory_space<vmem_shared>> -> memref<10000x128xf32, #tpu.memory_space<vmem_shared>>
      tpu.enqueue_indirect_dma source(%arg12 : memref<128x128xf32, #tpu.memory_space<vmem>>) target(%dma_start3A_223 : memref<10000x128xf32, #tpu.memory_space<vmem_shared>>) offsets(%dma_start3A_220 : memref<128xi32, #tpu.memory_space<vmem>>) semaphore(%arg24 : memref<!tpu.dma_semaphore, #tpu.memory_space<semaphore_mem>>) {add = true}
      %dma_wait3A_224 = arith.constant 0 : i32
      %dma_wait3A_225 = arith.constant 1 : i32
      %dma_wait3A_226 = arith.constant 0 : i32
      %dma_wait3A_227 = tpu.memref_slice %arg6[%dma_wait3A_224, %dma_wait3A_225, %dma_wait3A_226] : memref<1x2x128xi32, #tpu.memory_space<vmem>> -> memref<1x1x128xi32, #tpu.memory_space<vmem>>
      %dma_wait3A_228 = tpu.memref_squeeze %dma_wait3A_227 : memref<1x1x128xi32, #tpu.memory_space<vmem>> -> memref<128xi32, #tpu.memory_space<vmem>>
      %dma_wait3A_229 = arith.constant 0 : i32
      %dma_wait3A_230 = arith.constant 0 : i32
      %dma_wait3A_231 = tpu.memref_slice %arg5[%dma_wait3A_229, %dma_wait3A_230] : memref<10000x128xf32, #tpu.memory_space<vmem_shared>> -> memref<10000x128xf32, #tpu.memory_space<vmem_shared>>
      tpu.wait_indirect_dma semaphore(%arg24 : memref<!tpu.dma_semaphore, #tpu.memory_space<semaphore_mem>>) src(%arg12 : memref<128x128xf32, #tpu.memory_space<vmem>>) dst(%dma_wait3A_231 : memref<10000x128xf32, #tpu.memory_space<vmem_shared>>)
      %add3A_232 = arith.constant 2 : i32
      %add3A_233 = arith.addi %add3A_207, %add3A_232 : i32
      %lt3A_234 = arith.constant 84 : i32
      %lt3A_235 = arith.cmpi slt, %add3A_233, %lt3A_234 : i32
      %convert_element_type3A_236 = arith.extui %lt3A_235 : i1 to i32
      %cond3A_237 = arith.constant 0 : i32
      %cond3A_238 = arith.cmpi ne, %convert_element_type3A_236, %cond3A_237 : i32
      scf.if %cond3A_238 {
        %dma_wait3A_446 = arith.constant 0 : i32
        %dma_wait3A_447 = arith.constant 0 : i32
        %dma_wait3A_448 = tpu.memref_slice %arg3[%add3A, %dma_wait3A_446, %dma_wait3A_447] : memref<2688x2x128xi32, #tpu.memory_space<hbm>> -> memref<1x2x128xi32, #tpu.memory_space<hbm>>
        %dma_wait3A_449 = arith.constant 0 : i32
        %dma_wait3A_450 = arith.constant 0 : i32
        %dma_wait3A_451 = tpu.memref_slice %arg3[%add3A, %dma_wait3A_449, %dma_wait3A_450] : memref<2688x2x128xi32, #tpu.memory_space<hbm>> -> memref<1x2x128xi32, #tpu.memory_space<hbm>>
        tpu.wait_dma2 semaphore(%arg17 : memref<!tpu.dma_semaphore, #tpu.memory_space<semaphore_mem>>) src(%dma_wait3A_451 : memref<1x2x128xi32, #tpu.memory_space<hbm>>) dst(%arg8 : memref<1x2x128xi32, #tpu.memory_space<vmem>>)
        %dma_start3A_452 = arith.constant 0 : i32
        %dma_start3A_453 = arith.constant 0 : i32
        %dma_start3A_454 = arith.constant 0 : i32
        %dma_start3A_455 = tpu.memref_slice %arg8[%dma_start3A_452, %dma_start3A_453, %dma_start3A_454] : memref<1x2x128xi32, #tpu.memory_space<vmem>> -> memref<1x1x128xi32, #tpu.memory_space<vmem>>
        %dma_start3A_456 = tpu.memref_squeeze %dma_start3A_455 : memref<1x1x128xi32, #tpu.memory_space<vmem>> -> memref<128xi32, #tpu.memory_space<vmem>>
        %dma_start3A_457 = arith.constant 0 : i32
        %dma_start3A_458 = arith.constant 0 : i32
        %dma_start3A_459 = tpu.memref_slice %arg2[%dma_start3A_457, %dma_start3A_458] : memref<10016x128xf32, #tpu.memory_space<hbm>> -> memref<10016x128xf32, #tpu.memory_space<hbm>>
        tpu.enqueue_indirect_dma source(%dma_start3A_459 : memref<10016x128xf32, #tpu.memory_space<hbm>>) target(%arg14 : memref<128x128xf32, #tpu.memory_space<vmem>>) offsets(%dma_start3A_456 : memref<128xi32, #tpu.memory_space<vmem>>) semaphore(%arg23 : memref<!tpu.dma_semaphore, #tpu.memory_space<semaphore_mem>>)
      } else {
      }
      %add3A_239 = arith.constant 6 : i32
      %add3A_240 = arith.addi %add3A_207, %add3A_239 : i32
      %lt3A_241 = arith.constant 84 : i32
      %lt3A_242 = arith.cmpi slt, %add3A_240, %lt3A_241 : i32
      %convert_element_type3A_243 = arith.extui %lt3A_242 : i1 to i32
      %cond3A_244 = arith.constant 0 : i32
      %cond3A_245 = arith.cmpi ne, %convert_element_type3A_243, %cond3A_244 : i32
      scf.if %cond3A_245 {
        %mul3A_446 = arith.constant 32 : i32
        %mul3A_447 = arith.muli %mul3A_446, %add3A_240 : i32
        %add3A_448 = arith.addi %add3A, %mul3A_447 : i32
        %dma_start3A_449 = arith.constant 0 : i32
        %dma_start3A_450 = arith.constant 0 : i32
        %dma_start3A_451 = tpu.memref_slice %arg3[%add3A_448, %dma_start3A_449, %dma_start3A_450] : memref<2688x2x128xi32, #tpu.memory_space<hbm>> -> memref<1x2x128xi32, #tpu.memory_space<hbm>>
        %dma_start3A_452 = arith.constant 0 : i32
        %dma_start3A_453 = arith.constant 0 : i32
        %dma_start3A_454 = tpu.memref_slice %arg3[%add3A_448, %dma_start3A_452, %dma_start3A_453] : memref<2688x2x128xi32, #tpu.memory_space<hbm>> -> memref<1x2x128xi32, #tpu.memory_space<hbm>>
        tpu.enqueue_dma source(%dma_start3A_454 : memref<1x2x128xi32, #tpu.memory_space<hbm>>) target(%arg6 : memref<1x2x128xi32, #tpu.memory_space<vmem>>) target_semaphore(%arg15 : memref<!tpu.dma_semaphore, #tpu.memory_space<semaphore_mem>>)
      } else {
      }
      %add3A_246 = arith.constant 1 : i32
      %add3A_247 = arith.addi %add3A_205, %add3A_246 : i32
      %dma_wait3A_248 = arith.constant 0 : i32
      %dma_wait3A_249 = arith.constant 0 : i32
      %dma_wait3A_250 = arith.constant 0 : i32
      %dma_wait3A_251 = tpu.memref_slice %arg6[%dma_wait3A_248, %dma_wait3A_249, %dma_wait3A_250] : memref<1x2x128xi32, #tpu.memory_space<vmem>> -> memref<1x1x128xi32, #tpu.memory_space<vmem>>
      %dma_wait3A_252 = tpu.memref_squeeze %dma_wait3A_251 : memref<1x1x128xi32, #tpu.memory_space<vmem>> -> memref<128xi32, #tpu.memory_space<vmem>>
      %dma_wait3A_253 = arith.constant 0 : i32
      %dma_wait3A_254 = arith.constant 0 : i32
      %dma_wait3A_255 = tpu.memref_slice %arg2[%dma_wait3A_253, %dma_wait3A_254] : memref<10016x128xf32, #tpu.memory_space<hbm>> -> memref<10016x128xf32, #tpu.memory_space<hbm>>
      tpu.wait_indirect_dma semaphore(%arg22 : memref<!tpu.dma_semaphore, #tpu.memory_space<semaphore_mem>>) src(%dma_wait3A_255 : memref<10016x128xf32, #tpu.memory_space<hbm>>) dst(%arg13 : memref<128x128xf32, #tpu.memory_space<vmem>>)
      %dma_start3A_256 = arith.constant 0 : i32
      %dma_start3A_257 = arith.constant 1 : i32
      %dma_start3A_258 = arith.constant 0 : i32
      %dma_start3A_259 = tpu.memref_slice %arg7[%dma_start3A_256, %dma_start3A_257, %dma_start3A_258] : memref<1x2x128xi32, #tpu.memory_space<vmem>> -> memref<1x1x128xi32, #tpu.memory_space<vmem>>
      %dma_start3A_260 = tpu.memref_squeeze %dma_start3A_259 : memref<1x1x128xi32, #tpu.memory_space<vmem>> -> memref<128xi32, #tpu.memory_space<vmem>>
      %dma_start3A_261 = arith.constant 0 : i32
      %dma_start3A_262 = arith.constant 0 : i32
      %dma_start3A_263 = tpu.memref_slice %arg5[%dma_start3A_261, %dma_start3A_262] : memref<10000x128xf32, #tpu.memory_space<vmem_shared>> -> memref<10000x128xf32, #tpu.memory_space<vmem_shared>>
      tpu.enqueue_indirect_dma source(%arg13 : memref<128x128xf32, #tpu.memory_space<vmem>>) target(%dma_start3A_263 : memref<10000x128xf32, #tpu.memory_space<vmem_shared>>) offsets(%dma_start3A_260 : memref<128xi32, #tpu.memory_space<vmem>>) semaphore(%arg25 : memref<!tpu.dma_semaphore, #tpu.memory_space<semaphore_mem>>) {add = true}
      %dma_wait3A_264 = arith.constant 0 : i32
      %dma_wait3A_265 = arith.constant 1 : i32
      %dma_wait3A_266 = arith.constant 0 : i32
      %dma_wait3A_267 = tpu.memref_slice %arg6[%dma_wait3A_264, %dma_wait3A_265, %dma_wait3A_266] : memref<1x2x128xi32, #tpu.memory_space<vmem>> -> memref<1x1x128xi32, #tpu.memory_space<vmem>>
      %dma_wait3A_268 = tpu.memref_squeeze %dma_wait3A_267 : memref<1x1x128xi32, #tpu.memory_space<vmem>> -> memref<128xi32, #tpu.memory_space<vmem>>
      %dma_wait3A_269 = arith.constant 0 : i32
      %dma_wait3A_270 = arith.constant 0 : i32
      %dma_wait3A_271 = tpu.memref_slice %arg5[%dma_wait3A_269, %dma_wait3A_270] : memref<10000x128xf32, #tpu.memory_space<vmem_shared>> -> memref<10000x128xf32, #tpu.memory_space<vmem_shared>>
      tpu.wait_indirect_dma semaphore(%arg25 : memref<!tpu.dma_semaphore, #tpu.memory_space<semaphore_mem>>) src(%arg13 : memref<128x128xf32, #tpu.memory_space<vmem>>) dst(%dma_wait3A_271 : memref<10000x128xf32, #tpu.memory_space<vmem_shared>>)
      %add3A_272 = arith.constant 2 : i32
      %add3A_273 = arith.addi %add3A_247, %add3A_272 : i32
      %lt3A_274 = arith.constant 84 : i32
      %lt3A_275 = arith.cmpi slt, %add3A_273, %lt3A_274 : i32
      %convert_element_type3A_276 = arith.extui %lt3A_275 : i1 to i32
      %cond3A_277 = arith.constant 0 : i32
      %cond3A_278 = arith.cmpi ne, %convert_element_type3A_276, %cond3A_277 : i32
      scf.if %cond3A_278 {
        %dma_wait3A_446 = arith.constant 0 : i32
        %dma_wait3A_447 = arith.constant 0 : i32
        %dma_wait3A_448 = tpu.memref_slice %arg3[%add3A, %dma_wait3A_446, %dma_wait3A_447] : memref<2688x2x128xi32, #tpu.memory_space<hbm>> -> memref<1x2x128xi32, #tpu.memory_space<hbm>>
        %dma_wait3A_449 = arith.constant 0 : i32
        %dma_wait3A_450 = arith.constant 0 : i32
        %dma_wait3A_451 = tpu.memref_slice %arg3[%add3A, %dma_wait3A_449, %dma_wait3A_450] : memref<2688x2x128xi32, #tpu.memory_space<hbm>> -> memref<1x2x128xi32, #tpu.memory_space<hbm>>
        tpu.wait_dma2 semaphore(%arg18 : memref<!tpu.dma_semaphore, #tpu.memory_space<semaphore_mem>>) src(%dma_wait3A_451 : memref<1x2x128xi32, #tpu.memory_space<hbm>>) dst(%arg9 : memref<1x2x128xi32, #tpu.memory_space<vmem>>)
        %dma_start3A_452 = arith.constant 0 : i32
        %dma_start3A_453 = arith.constant 0 : i32
        %dma_start3A_454 = arith.constant 0 : i32
        %dma_start3A_455 = tpu.memref_slice %arg9[%dma_start3A_452, %dma_start3A_453, %dma_start3A_454] : memref<1x2x128xi32, #tpu.memory_space<vmem>> -> memref<1x1x128xi32, #tpu.memory_space<vmem>>
        %dma_start3A_456 = tpu.memref_squeeze %dma_start3A_455 : memref<1x1x128xi32, #tpu.memory_space<vmem>> -> memref<128xi32, #tpu.memory_space<vmem>>
        %dma_start3A_457 = arith.constant 0 : i32
        %dma_start3A_458 = arith.constant 0 : i32
        %dma_start3A_459 = tpu.memref_slice %arg2[%dma_start3A_457, %dma_start3A_458] : memref<10016x128xf32, #tpu.memory_space<hbm>> -> memref<10016x128xf32, #tpu.memory_space<hbm>>
        tpu.enqueue_indirect_dma source(%dma_start3A_459 : memref<10016x128xf32, #tpu.memory_space<hbm>>) target(%arg12 : memref<128x128xf32, #tpu.memory_space<vmem>>) offsets(%dma_start3A_456 : memref<128xi32, #tpu.memory_space<vmem>>) semaphore(%arg21 : memref<!tpu.dma_semaphore, #tpu.memory_space<semaphore_mem>>)
      } else {
      }
      %add3A_279 = arith.constant 6 : i32
      %add3A_280 = arith.addi %add3A_247, %add3A_279 : i32
      %lt3A_281 = arith.constant 84 : i32
      %lt3A_282 = arith.cmpi slt, %add3A_280, %lt3A_281 : i32
      %convert_element_type3A_283 = arith.extui %lt3A_282 : i1 to i32
      %cond3A_284 = arith.constant 0 : i32
      %cond3A_285 = arith.cmpi ne, %convert_element_type3A_283, %cond3A_284 : i32
      scf.if %cond3A_285 {
        %mul3A_446 = arith.constant 32 : i32
        %mul3A_447 = arith.muli %mul3A_446, %add3A_280 : i32
        %add3A_448 = arith.addi %add3A, %mul3A_447 : i32
        %dma_start3A_449 = arith.constant 0 : i32
        %dma_start3A_450 = arith.constant 0 : i32
        %dma_start3A_451 = tpu.memref_slice %arg3[%add3A_448, %dma_start3A_449, %dma_start3A_450] : memref<2688x2x128xi32, #tpu.memory_space<hbm>> -> memref<1x2x128xi32, #tpu.memory_space<hbm>>
        %dma_start3A_452 = arith.constant 0 : i32
        %dma_start3A_453 = arith.constant 0 : i32
        %dma_start3A_454 = tpu.memref_slice %arg3[%add3A_448, %dma_start3A_452, %dma_start3A_453] : memref<2688x2x128xi32, #tpu.memory_space<hbm>> -> memref<1x2x128xi32, #tpu.memory_space<hbm>>
        tpu.enqueue_dma source(%dma_start3A_454 : memref<1x2x128xi32, #tpu.memory_space<hbm>>) target(%arg7 : memref<1x2x128xi32, #tpu.memory_space<vmem>>) target_semaphore(%arg16 : memref<!tpu.dma_semaphore, #tpu.memory_space<semaphore_mem>>)
      } else {
      }
      %add3A_286 = arith.constant 2 : i32
      %add3A_287 = arith.addi %add3A_205, %add3A_286 : i32
      %dma_wait3A_288 = arith.constant 0 : i32
      %dma_wait3A_289 = arith.constant 0 : i32
      %dma_wait3A_290 = arith.constant 0 : i32
      %dma_wait3A_291 = tpu.memref_slice %arg6[%dma_wait3A_288, %dma_wait3A_289, %dma_wait3A_290] : memref<1x2x128xi32, #tpu.memory_space<vmem>> -> memref<1x1x128xi32, #tpu.memory_space<vmem>>
      %dma_wait3A_292 = tpu.memref_squeeze %dma_wait3A_291 : memref<1x1x128xi32, #tpu.memory_space<vmem>> -> memref<128xi32, #tpu.memory_space<vmem>>
      %dma_wait3A_293 = arith.constant 0 : i32
      %dma_wait3A_294 = arith.constant 0 : i32
      %dma_wait3A_295 = tpu.memref_slice %arg2[%dma_wait3A_293, %dma_wait3A_294] : memref<10016x128xf32, #tpu.memory_space<hbm>> -> memref<10016x128xf32, #tpu.memory_space<hbm>>
      tpu.wait_indirect_dma semaphore(%arg23 : memref<!tpu.dma_semaphore, #tpu.memory_space<semaphore_mem>>) src(%dma_wait3A_295 : memref<10016x128xf32, #tpu.memory_space<hbm>>) dst(%arg14 : memref<128x128xf32, #tpu.memory_space<vmem>>)
      %dma_start3A_296 = arith.constant 0 : i32
      %dma_start3A_297 = arith.constant 1 : i32
      %dma_start3A_298 = arith.constant 0 : i32
      %dma_start3A_299 = tpu.memref_slice %arg8[%dma_start3A_296, %dma_start3A_297, %dma_start3A_298] : memref<1x2x128xi32, #tpu.memory_space<vmem>> -> memref<1x1x128xi32, #tpu.memory_space<vmem>>
      %dma_start3A_300 = tpu.memref_squeeze %dma_start3A_299 : memref<1x1x128xi32, #tpu.memory_space<vmem>> -> memref<128xi32, #tpu.memory_space<vmem>>
      %dma_start3A_301 = arith.constant 0 : i32
      %dma_start3A_302 = arith.constant 0 : i32
      %dma_start3A_303 = tpu.memref_slice %arg5[%dma_start3A_301, %dma_start3A_302] : memref<10000x128xf32, #tpu.memory_space<vmem_shared>> -> memref<10000x128xf32, #tpu.memory_space<vmem_shared>>
      tpu.enqueue_indirect_dma source(%arg14 : memref<128x128xf32, #tpu.memory_space<vmem>>) target(%dma_start3A_303 : memref<10000x128xf32, #tpu.memory_space<vmem_shared>>) offsets(%dma_start3A_300 : memref<128xi32, #tpu.memory_space<vmem>>) semaphore(%arg26 : memref<!tpu.dma_semaphore, #tpu.memory_space<semaphore_mem>>) {add = true}
      %dma_wait3A_304 = arith.constant 0 : i32
      %dma_wait3A_305 = arith.constant 1 : i32
      %dma_wait3A_306 = arith.constant 0 : i32
      %dma_wait3A_307 = tpu.memref_slice %arg6[%dma_wait3A_304, %dma_wait3A_305, %dma_wait3A_306] : memref<1x2x128xi32, #tpu.memory_space<vmem>> -> memref<1x1x128xi32, #tpu.memory_space<vmem>>
      %dma_wait3A_308 = tpu.memref_squeeze %dma_wait3A_307 : memref<1x1x128xi32, #tpu.memory_space<vmem>> -> memref<128xi32, #tpu.memory_space<vmem>>
      %dma_wait3A_309 = arith.constant 0 : i32
      %dma_wait3A_310 = arith.constant 0 : i32
      %dma_wait3A_311 = tpu.memref_slice %arg5[%dma_wait3A_309, %dma_wait3A_310] : memref<10000x128xf32, #tpu.memory_space<vmem_shared>> -> memref<10000x128xf32, #tpu.memory_space<vmem_shared>>
      tpu.wait_indirect_dma semaphore(%arg26 : memref<!tpu.dma_semaphore, #tpu.memory_space<semaphore_mem>>) src(%arg14 : memref<128x128xf32, #tpu.memory_space<vmem>>) dst(%dma_wait3A_311 : memref<10000x128xf32, #tpu.memory_space<vmem_shared>>)
      %add3A_312 = arith.constant 2 : i32
      %add3A_313 = arith.addi %add3A_287, %add3A_312 : i32
      %lt3A_314 = arith.constant 84 : i32
      %lt3A_315 = arith.cmpi slt, %add3A_313, %lt3A_314 : i32
      %convert_element_type3A_316 = arith.extui %lt3A_315 : i1 to i32
      %cond3A_317 = arith.constant 0 : i32
      %cond3A_318 = arith.cmpi ne, %convert_element_type3A_316, %cond3A_317 : i32
      scf.if %cond3A_318 {
        %dma_wait3A_446 = arith.constant 0 : i32
        %dma_wait3A_447 = arith.constant 0 : i32
        %dma_wait3A_448 = tpu.memref_slice %arg3[%add3A, %dma_wait3A_446, %dma_wait3A_447] : memref<2688x2x128xi32, #tpu.memory_space<hbm>> -> memref<1x2x128xi32, #tpu.memory_space<hbm>>
        %dma_wait3A_449 = arith.constant 0 : i32
        %dma_wait3A_450 = arith.constant 0 : i32
        %dma_wait3A_451 = tpu.memref_slice %arg3[%add3A, %dma_wait3A_449, %dma_wait3A_450] : memref<2688x2x128xi32, #tpu.memory_space<hbm>> -> memref<1x2x128xi32, #tpu.memory_space<hbm>>
        tpu.wait_dma2 semaphore(%arg19 : memref<!tpu.dma_semaphore, #tpu.memory_space<semaphore_mem>>) src(%dma_wait3A_451 : memref<1x2x128xi32, #tpu.memory_space<hbm>>) dst(%arg10 : memref<1x2x128xi32, #tpu.memory_space<vmem>>)
        %dma_start3A_452 = arith.constant 0 : i32
        %dma_start3A_453 = arith.constant 0 : i32
        %dma_start3A_454 = arith.constant 0 : i32
        %dma_start3A_455 = tpu.memref_slice %arg10[%dma_start3A_452, %dma_start3A_453, %dma_start3A_454] : memref<1x2x128xi32, #tpu.memory_space<vmem>> -> memref<1x1x128xi32, #tpu.memory_space<vmem>>
        %dma_start3A_456 = tpu.memref_squeeze %dma_start3A_455 : memref<1x1x128xi32, #tpu.memory_space<vmem>> -> memref<128xi32, #tpu.memory_space<vmem>>
        %dma_start3A_457 = arith.constant 0 : i32
        %dma_start3A_458 = arith.constant 0 : i32
        %dma_start3A_459 = tpu.memref_slice %arg2[%dma_start3A_457, %dma_start3A_458] : memref<10016x128xf32, #tpu.memory_space<hbm>> -> memref<10016x128xf32, #tpu.memory_space<hbm>>
        tpu.enqueue_indirect_dma source(%dma_start3A_459 : memref<10016x128xf32, #tpu.memory_space<hbm>>) target(%arg13 : memref<128x128xf32, #tpu.memory_space<vmem>>) offsets(%dma_start3A_456 : memref<128xi32, #tpu.memory_space<vmem>>) semaphore(%arg22 : memref<!tpu.dma_semaphore, #tpu.memory_space<semaphore_mem>>)
      } else {
      }
      %add3A_319 = arith.constant 6 : i32
      %add3A_320 = arith.addi %add3A_287, %add3A_319 : i32
      %lt3A_321 = arith.constant 84 : i32
      %lt3A_322 = arith.cmpi slt, %add3A_320, %lt3A_321 : i32
      %convert_element_type3A_323 = arith.extui %lt3A_322 : i1 to i32
      %cond3A_324 = arith.constant 0 : i32
      %cond3A_325 = arith.cmpi ne, %convert_element_type3A_323, %cond3A_324 : i32
      scf.if %cond3A_325 {
        %mul3A_446 = arith.constant 32 : i32
        %mul3A_447 = arith.muli %mul3A_446, %add3A_320 : i32
        %add3A_448 = arith.addi %add3A, %mul3A_447 : i32
        %dma_start3A_449 = arith.constant 0 : i32
        %dma_start3A_450 = arith.constant 0 : i32
        %dma_start3A_451 = tpu.memref_slice %arg3[%add3A_448, %dma_start3A_449, %dma_start3A_450] : memref<2688x2x128xi32, #tpu.memory_space<hbm>> -> memref<1x2x128xi32, #tpu.memory_space<hbm>>
        %dma_start3A_452 = arith.constant 0 : i32
        %dma_start3A_453 = arith.constant 0 : i32
        %dma_start3A_454 = tpu.memref_slice %arg3[%add3A_448, %dma_start3A_452, %dma_start3A_453] : memref<2688x2x128xi32, #tpu.memory_space<hbm>> -> memref<1x2x128xi32, #tpu.memory_space<hbm>>
        tpu.enqueue_dma source(%dma_start3A_454 : memref<1x2x128xi32, #tpu.memory_space<hbm>>) target(%arg8 : memref<1x2x128xi32, #tpu.memory_space<vmem>>) target_semaphore(%arg17 : memref<!tpu.dma_semaphore, #tpu.memory_space<semaphore_mem>>)
      } else {
      }
      %add3A_326 = arith.constant 3 : i32
      %add3A_327 = arith.addi %add3A_205, %add3A_326 : i32
      %dma_wait3A_328 = arith.constant 0 : i32
      %dma_wait3A_329 = arith.constant 0 : i32
      %dma_wait3A_330 = arith.constant 0 : i32
      %dma_wait3A_331 = tpu.memref_slice %arg6[%dma_wait3A_328, %dma_wait3A_329, %dma_wait3A_330] : memref<1x2x128xi32, #tpu.memory_space<vmem>> -> memref<1x1x128xi32, #tpu.memory_space<vmem>>
      %dma_wait3A_332 = tpu.memref_squeeze %dma_wait3A_331 : memref<1x1x128xi32, #tpu.memory_space<vmem>> -> memref<128xi32, #tpu.memory_space<vmem>>
      %dma_wait3A_333 = arith.constant 0 : i32
      %dma_wait3A_334 = arith.constant 0 : i32
      %dma_wait3A_335 = tpu.memref_slice %arg2[%dma_wait3A_333, %dma_wait3A_334] : memref<10016x128xf32, #tpu.memory_space<hbm>> -> memref<10016x128xf32, #tpu.memory_space<hbm>>
      tpu.wait_indirect_dma semaphore(%arg21 : memref<!tpu.dma_semaphore, #tpu.memory_space<semaphore_mem>>) src(%dma_wait3A_335 : memref<10016x128xf32, #tpu.memory_space<hbm>>) dst(%arg12 : memref<128x128xf32, #tpu.memory_space<vmem>>)
      %dma_start3A_336 = arith.constant 0 : i32
      %dma_start3A_337 = arith.constant 1 : i32
      %dma_start3A_338 = arith.constant 0 : i32
      %dma_start3A_339 = tpu.memref_slice %arg9[%dma_start3A_336, %dma_start3A_337, %dma_start3A_338] : memref<1x2x128xi32, #tpu.memory_space<vmem>> -> memref<1x1x128xi32, #tpu.memory_space<vmem>>
      %dma_start3A_340 = tpu.memref_squeeze %dma_start3A_339 : memref<1x1x128xi32, #tpu.memory_space<vmem>> -> memref<128xi32, #tpu.memory_space<vmem>>
      %dma_start3A_341 = arith.constant 0 : i32
      %dma_start3A_342 = arith.constant 0 : i32
      %dma_start3A_343 = tpu.memref_slice %arg5[%dma_start3A_341, %dma_start3A_342] : memref<10000x128xf32, #tpu.memory_space<vmem_shared>> -> memref<10000x128xf32, #tpu.memory_space<vmem_shared>>
      tpu.enqueue_indirect_dma source(%arg12 : memref<128x128xf32, #tpu.memory_space<vmem>>) target(%dma_start3A_343 : memref<10000x128xf32, #tpu.memory_space<vmem_shared>>) offsets(%dma_start3A_340 : memref<128xi32, #tpu.memory_space<vmem>>) semaphore(%arg24 : memref<!tpu.dma_semaphore, #tpu.memory_space<semaphore_mem>>) {add = true}
      %dma_wait3A_344 = arith.constant 0 : i32
      %dma_wait3A_345 = arith.constant 1 : i32
      %dma_wait3A_346 = arith.constant 0 : i32
      %dma_wait3A_347 = tpu.memref_slice %arg6[%dma_wait3A_344, %dma_wait3A_345, %dma_wait3A_346] : memref<1x2x128xi32, #tpu.memory_space<vmem>> -> memref<1x1x128xi32, #tpu.memory_space<vmem>>
      %dma_wait3A_348 = tpu.memref_squeeze %dma_wait3A_347 : memref<1x1x128xi32, #tpu.memory_space<vmem>> -> memref<128xi32, #tpu.memory_space<vmem>>
      %dma_wait3A_349 = arith.constant 0 : i32
      %dma_wait3A_350 = arith.constant 0 : i32
      %dma_wait3A_351 = tpu.memref_slice %arg5[%dma_wait3A_349, %dma_wait3A_350] : memref<10000x128xf32, #tpu.memory_space<vmem_shared>> -> memref<10000x128xf32, #tpu.memory_space<vmem_shared>>
      tpu.wait_indirect_dma semaphore(%arg24 : memref<!tpu.dma_semaphore, #tpu.memory_space<semaphore_mem>>) src(%arg12 : memref<128x128xf32, #tpu.memory_space<vmem>>) dst(%dma_wait3A_351 : memref<10000x128xf32, #tpu.memory_space<vmem_shared>>)
      %add3A_352 = arith.constant 2 : i32
      %add3A_353 = arith.addi %add3A_327, %add3A_352 : i32
      %lt3A_354 = arith.constant 84 : i32
      %lt3A_355 = arith.cmpi slt, %add3A_353, %lt3A_354 : i32
      %convert_element_type3A_356 = arith.extui %lt3A_355 : i1 to i32
      %cond3A_357 = arith.constant 0 : i32
      %cond3A_358 = arith.cmpi ne, %convert_element_type3A_356, %cond3A_357 : i32
      scf.if %cond3A_358 {
        %dma_wait3A_446 = arith.constant 0 : i32
        %dma_wait3A_447 = arith.constant 0 : i32
        %dma_wait3A_448 = tpu.memref_slice %arg3[%add3A, %dma_wait3A_446, %dma_wait3A_447] : memref<2688x2x128xi32, #tpu.memory_space<hbm>> -> memref<1x2x128xi32, #tpu.memory_space<hbm>>
        %dma_wait3A_449 = arith.constant 0 : i32
        %dma_wait3A_450 = arith.constant 0 : i32
        %dma_wait3A_451 = tpu.memref_slice %arg3[%add3A, %dma_wait3A_449, %dma_wait3A_450] : memref<2688x2x128xi32, #tpu.memory_space<hbm>> -> memref<1x2x128xi32, #tpu.memory_space<hbm>>
        tpu.wait_dma2 semaphore(%arg20 : memref<!tpu.dma_semaphore, #tpu.memory_space<semaphore_mem>>) src(%dma_wait3A_451 : memref<1x2x128xi32, #tpu.memory_space<hbm>>) dst(%arg11 : memref<1x2x128xi32, #tpu.memory_space<vmem>>)
        %dma_start3A_452 = arith.constant 0 : i32
        %dma_start3A_453 = arith.constant 0 : i32
        %dma_start3A_454 = arith.constant 0 : i32
        %dma_start3A_455 = tpu.memref_slice %arg11[%dma_start3A_452, %dma_start3A_453, %dma_start3A_454] : memref<1x2x128xi32, #tpu.memory_space<vmem>> -> memref<1x1x128xi32, #tpu.memory_space<vmem>>
        %dma_start3A_456 = tpu.memref_squeeze %dma_start3A_455 : memref<1x1x128xi32, #tpu.memory_space<vmem>> -> memref<128xi32, #tpu.memory_space<vmem>>
        %dma_start3A_457 = arith.constant 0 : i32
        %dma_start3A_458 = arith.constant 0 : i32
        %dma_start3A_459 = tpu.memref_slice %arg2[%dma_start3A_457, %dma_start3A_458] : memref<10016x128xf32, #tpu.memory_space<hbm>> -> memref<10016x128xf32, #tpu.memory_space<hbm>>
        tpu.enqueue_indirect_dma source(%dma_start3A_459 : memref<10016x128xf32, #tpu.memory_space<hbm>>) target(%arg14 : memref<128x128xf32, #tpu.memory_space<vmem>>) offsets(%dma_start3A_456 : memref<128xi32, #tpu.memory_space<vmem>>) semaphore(%arg23 : memref<!tpu.dma_semaphore, #tpu.memory_space<semaphore_mem>>)
      } else {
      }
      %add3A_359 = arith.constant 6 : i32
      %add3A_360 = arith.addi %add3A_327, %add3A_359 : i32
      %lt3A_361 = arith.constant 84 : i32
      %lt3A_362 = arith.cmpi slt, %add3A_360, %lt3A_361 : i32
      %convert_element_type3A_363 = arith.extui %lt3A_362 : i1 to i32
      %cond3A_364 = arith.constant 0 : i32
      %cond3A_365 = arith.cmpi ne, %convert_element_type3A_363, %cond3A_364 : i32
      scf.if %cond3A_365 {
        %mul3A_446 = arith.constant 32 : i32
        %mul3A_447 = arith.muli %mul3A_446, %add3A_360 : i32
        %add3A_448 = arith.addi %add3A, %mul3A_447 : i32
        %dma_start3A_449 = arith.constant 0 : i32
        %dma_start3A_450 = arith.constant 0 : i32
        %dma_start3A_451 = tpu.memref_slice %arg3[%add3A_448, %dma_start3A_449, %dma_start3A_450] : memref<2688x2x128xi32, #tpu.memory_space<hbm>> -> memref<1x2x128xi32, #tpu.memory_space<hbm>>
        %dma_start3A_452 = arith.constant 0 : i32
        %dma_start3A_453 = arith.constant 0 : i32
        %dma_start3A_454 = tpu.memref_slice %arg3[%add3A_448, %dma_start3A_452, %dma_start3A_453] : memref<2688x2x128xi32, #tpu.memory_space<hbm>> -> memref<1x2x128xi32, #tpu.memory_space<hbm>>
        tpu.enqueue_dma source(%dma_start3A_454 : memref<1x2x128xi32, #tpu.memory_space<hbm>>) target(%arg9 : memref<1x2x128xi32, #tpu.memory_space<vmem>>) target_semaphore(%arg18 : memref<!tpu.dma_semaphore, #tpu.memory_space<semaphore_mem>>)
      } else {
      }
      %add3A_366 = arith.constant 4 : i32
      %add3A_367 = arith.addi %add3A_205, %add3A_366 : i32
      %dma_wait3A_368 = arith.constant 0 : i32
      %dma_wait3A_369 = arith.constant 0 : i32
      %dma_wait3A_370 = arith.constant 0 : i32
      %dma_wait3A_371 = tpu.memref_slice %arg6[%dma_wait3A_368, %dma_wait3A_369, %dma_wait3A_370] : memref<1x2x128xi32, #tpu.memory_space<vmem>> -> memref<1x1x128xi32, #tpu.memory_space<vmem>>
      %dma_wait3A_372 = tpu.memref_squeeze %dma_wait3A_371 : memref<1x1x128xi32, #tpu.memory_space<vmem>> -> memref<128xi32, #tpu.memory_space<vmem>>
      %dma_wait3A_373 = arith.constant 0 : i32
      %dma_wait3A_374 = arith.constant 0 : i32
      %dma_wait3A_375 = tpu.memref_slice %arg2[%dma_wait3A_373, %dma_wait3A_374] : memref<10016x128xf32, #tpu.memory_space<hbm>> -> memref<10016x128xf32, #tpu.memory_space<hbm>>
      tpu.wait_indirect_dma semaphore(%arg22 : memref<!tpu.dma_semaphore, #tpu.memory_space<semaphore_mem>>) src(%dma_wait3A_375 : memref<10016x128xf32, #tpu.memory_space<hbm>>) dst(%arg13 : memref<128x128xf32, #tpu.memory_space<vmem>>)
      %dma_start3A_376 = arith.constant 0 : i32
      %dma_start3A_377 = arith.constant 1 : i32
      %dma_start3A_378 = arith.constant 0 : i32
      %dma_start3A_379 = tpu.memref_slice %arg10[%dma_start3A_376, %dma_start3A_377, %dma_start3A_378] : memref<1x2x128xi32, #tpu.memory_space<vmem>> -> memref<1x1x128xi32, #tpu.memory_space<vmem>>
      %dma_start3A_380 = tpu.memref_squeeze %dma_start3A_379 : memref<1x1x128xi32, #tpu.memory_space<vmem>> -> memref<128xi32, #tpu.memory_space<vmem>>
      %dma_start3A_381 = arith.constant 0 : i32
      %dma_start3A_382 = arith.constant 0 : i32
      %dma_start3A_383 = tpu.memref_slice %arg5[%dma_start3A_381, %dma_start3A_382] : memref<10000x128xf32, #tpu.memory_space<vmem_shared>> -> memref<10000x128xf32, #tpu.memory_space<vmem_shared>>
      tpu.enqueue_indirect_dma source(%arg13 : memref<128x128xf32, #tpu.memory_space<vmem>>) target(%dma_start3A_383 : memref<10000x128xf32, #tpu.memory_space<vmem_shared>>) offsets(%dma_start3A_380 : memref<128xi32, #tpu.memory_space<vmem>>) semaphore(%arg25 : memref<!tpu.dma_semaphore, #tpu.memory_space<semaphore_mem>>) {add = true}
      %dma_wait3A_384 = arith.constant 0 : i32
      %dma_wait3A_385 = arith.constant 1 : i32
      %dma_wait3A_386 = arith.constant 0 : i32
      %dma_wait3A_387 = tpu.memref_slice %arg6[%dma_wait3A_384, %dma_wait3A_385, %dma_wait3A_386] : memref<1x2x128xi32, #tpu.memory_space<vmem>> -> memref<1x1x128xi32, #tpu.memory_space<vmem>>
      %dma_wait3A_388 = tpu.memref_squeeze %dma_wait3A_387 : memref<1x1x128xi32, #tpu.memory_space<vmem>> -> memref<128xi32, #tpu.memory_space<vmem>>
      %dma_wait3A_389 = arith.constant 0 : i32
      %dma_wait3A_390 = arith.constant 0 : i32
      %dma_wait3A_391 = tpu.memref_slice %arg5[%dma_wait3A_389, %dma_wait3A_390] : memref<10000x128xf32, #tpu.memory_space<vmem_shared>> -> memref<10000x128xf32, #tpu.memory_space<vmem_shared>>
      tpu.wait_indirect_dma semaphore(%arg25 : memref<!tpu.dma_semaphore, #tpu.memory_space<semaphore_mem>>) src(%arg13 : memref<128x128xf32, #tpu.memory_space<vmem>>) dst(%dma_wait3A_391 : memref<10000x128xf32, #tpu.memory_space<vmem_shared>>)
      %add3A_392 = arith.constant 2 : i32
      %add3A_393 = arith.addi %add3A_367, %add3A_392 : i32
      %lt3A_394 = arith.constant 84 : i32
      %lt3A_395 = arith.cmpi slt, %add3A_393, %lt3A_394 : i32
      %convert_element_type3A_396 = arith.extui %lt3A_395 : i1 to i32
      %cond3A_397 = arith.constant 0 : i32
      %cond3A_398 = arith.cmpi ne, %convert_element_type3A_396, %cond3A_397 : i32
      scf.if %cond3A_398 {
        %dma_wait3A_446 = arith.constant 0 : i32
        %dma_wait3A_447 = arith.constant 0 : i32
        %dma_wait3A_448 = tpu.memref_slice %arg3[%add3A, %dma_wait3A_446, %dma_wait3A_447] : memref<2688x2x128xi32, #tpu.memory_space<hbm>> -> memref<1x2x128xi32, #tpu.memory_space<hbm>>
        %dma_wait3A_449 = arith.constant 0 : i32
        %dma_wait3A_450 = arith.constant 0 : i32
        %dma_wait3A_451 = tpu.memref_slice %arg3[%add3A, %dma_wait3A_449, %dma_wait3A_450] : memref<2688x2x128xi32, #tpu.memory_space<hbm>> -> memref<1x2x128xi32, #tpu.memory_space<hbm>>
        tpu.wait_dma2 semaphore(%arg15 : memref<!tpu.dma_semaphore, #tpu.memory_space<semaphore_mem>>) src(%dma_wait3A_451 : memref<1x2x128xi32, #tpu.memory_space<hbm>>) dst(%arg6 : memref<1x2x128xi32, #tpu.memory_space<vmem>>)
        %dma_start3A_452 = arith.constant 0 : i32
        %dma_start3A_453 = arith.constant 0 : i32
        %dma_start3A_454 = arith.constant 0 : i32
        %dma_start3A_455 = tpu.memref_slice %arg6[%dma_start3A_452, %dma_start3A_453, %dma_start3A_454] : memref<1x2x128xi32, #tpu.memory_space<vmem>> -> memref<1x1x128xi32, #tpu.memory_space<vmem>>
        %dma_start3A_456 = tpu.memref_squeeze %dma_start3A_455 : memref<1x1x128xi32, #tpu.memory_space<vmem>> -> memref<128xi32, #tpu.memory_space<vmem>>
        %dma_start3A_457 = arith.constant 0 : i32
        %dma_start3A_458 = arith.constant 0 : i32
        %dma_start3A_459 = tpu.memref_slice %arg2[%dma_start3A_457, %dma_start3A_458] : memref<10016x128xf32, #tpu.memory_space<hbm>> -> memref<10016x128xf32, #tpu.memory_space<hbm>>
        tpu.enqueue_indirect_dma source(%dma_start3A_459 : memref<10016x128xf32, #tpu.memory_space<hbm>>) target(%arg12 : memref<128x128xf32, #tpu.memory_space<vmem>>) offsets(%dma_start3A_456 : memref<128xi32, #tpu.memory_space<vmem>>) semaphore(%arg21 : memref<!tpu.dma_semaphore, #tpu.memory_space<semaphore_mem>>)
      } else {
      }
      %add3A_399 = arith.constant 6 : i32
      %add3A_400 = arith.addi %add3A_367, %add3A_399 : i32
      %lt3A_401 = arith.constant 84 : i32
      %lt3A_402 = arith.cmpi slt, %add3A_400, %lt3A_401 : i32
      %convert_element_type3A_403 = arith.extui %lt3A_402 : i1 to i32
      %cond3A_404 = arith.constant 0 : i32
      %cond3A_405 = arith.cmpi ne, %convert_element_type3A_403, %cond3A_404 : i32
      scf.if %cond3A_405 {
        %mul3A_446 = arith.constant 32 : i32
        %mul3A_447 = arith.muli %mul3A_446, %add3A_400 : i32
        %add3A_448 = arith.addi %add3A, %mul3A_447 : i32
        %dma_start3A_449 = arith.constant 0 : i32
        %dma_start3A_450 = arith.constant 0 : i32
        %dma_start3A_451 = tpu.memref_slice %arg3[%add3A_448, %dma_start3A_449, %dma_start3A_450] : memref<2688x2x128xi32, #tpu.memory_space<hbm>> -> memref<1x2x128xi32, #tpu.memory_space<hbm>>
        %dma_start3A_452 = arith.constant 0 : i32
        %dma_start3A_453 = arith.constant 0 : i32
        %dma_start3A_454 = tpu.memref_slice %arg3[%add3A_448, %dma_start3A_452, %dma_start3A_453] : memref<2688x2x128xi32, #tpu.memory_space<hbm>> -> memref<1x2x128xi32, #tpu.memory_space<hbm>>
        tpu.enqueue_dma source(%dma_start3A_454 : memref<1x2x128xi32, #tpu.memory_space<hbm>>) target(%arg10 : memref<1x2x128xi32, #tpu.memory_space<vmem>>) target_semaphore(%arg19 : memref<!tpu.dma_semaphore, #tpu.memory_space<semaphore_mem>>)
      } else {
      }
      %add3A_406 = arith.constant 5 : i32
      %add3A_407 = arith.addi %add3A_205, %add3A_406 : i32
      %dma_wait3A_408 = arith.constant 0 : i32
      %dma_wait3A_409 = arith.constant 0 : i32
      %dma_wait3A_410 = arith.constant 0 : i32
      %dma_wait3A_411 = tpu.memref_slice %arg6[%dma_wait3A_408, %dma_wait3A_409, %dma_wait3A_410] : memref<1x2x128xi32, #tpu.memory_space<vmem>> -> memref<1x1x128xi32, #tpu.memory_space<vmem>>
      %dma_wait3A_412 = tpu.memref_squeeze %dma_wait3A_411 : memref<1x1x128xi32, #tpu.memory_space<vmem>> -> memref<128xi32, #tpu.memory_space<vmem>>
      %dma_wait3A_413 = arith.constant 0 : i32
      %dma_wait3A_414 = arith.constant 0 : i32
      %dma_wait3A_415 = tpu.memref_slice %arg2[%dma_wait3A_413, %dma_wait3A_414] : memref<10016x128xf32, #tpu.memory_space<hbm>> -> memref<10016x128xf32, #tpu.memory_space<hbm>>
      tpu.wait_indirect_dma semaphore(%arg23 : memref<!tpu.dma_semaphore, #tpu.memory_space<semaphore_mem>>) src(%dma_wait3A_415 : memref<10016x128xf32, #tpu.memory_space<hbm>>) dst(%arg14 : memref<128x128xf32, #tpu.memory_space<vmem>>)
      %dma_start3A_416 = arith.constant 0 : i32
      %dma_start3A_417 = arith.constant 1 : i32
      %dma_start3A_418 = arith.constant 0 : i32
      %dma_start3A_419 = tpu.memref_slice %arg11[%dma_start3A_416, %dma_start3A_417, %dma_start3A_418] : memref<1x2x128xi32, #tpu.memory_space<vmem>> -> memref<1x1x128xi32, #tpu.memory_space<vmem>>
      %dma_start3A_420 = tpu.memref_squeeze %dma_start3A_419 : memref<1x1x128xi32, #tpu.memory_space<vmem>> -> memref<128xi32, #tpu.memory_space<vmem>>
      %dma_start3A_421 = arith.constant 0 : i32
      %dma_start3A_422 = arith.constant 0 : i32
      %dma_start3A_423 = tpu.memref_slice %arg5[%dma_start3A_421, %dma_start3A_422] : memref<10000x128xf32, #tpu.memory_space<vmem_shared>> -> memref<10000x128xf32, #tpu.memory_space<vmem_shared>>
      tpu.enqueue_indirect_dma source(%arg14 : memref<128x128xf32, #tpu.memory_space<vmem>>) target(%dma_start3A_423 : memref<10000x128xf32, #tpu.memory_space<vmem_shared>>) offsets(%dma_start3A_420 : memref<128xi32, #tpu.memory_space<vmem>>) semaphore(%arg26 : memref<!tpu.dma_semaphore, #tpu.memory_space<semaphore_mem>>) {add = true}
      %dma_wait3A_424 = arith.constant 0 : i32
      %dma_wait3A_425 = arith.constant 1 : i32
      %dma_wait3A_426 = arith.constant 0 : i32
      %dma_wait3A_427 = tpu.memref_slice %arg6[%dma_wait3A_424, %dma_wait3A_425, %dma_wait3A_426] : memref<1x2x128xi32, #tpu.memory_space<vmem>> -> memref<1x1x128xi32, #tpu.memory_space<vmem>>
      %dma_wait3A_428 = tpu.memref_squeeze %dma_wait3A_427 : memref<1x1x128xi32, #tpu.memory_space<vmem>> -> memref<128xi32, #tpu.memory_space<vmem>>
      %dma_wait3A_429 = arith.constant 0 : i32
      %dma_wait3A_430 = arith.constant 0 : i32
      %dma_wait3A_431 = tpu.memref_slice %arg5[%dma_wait3A_429, %dma_wait3A_430] : memref<10000x128xf32, #tpu.memory_space<vmem_shared>> -> memref<10000x128xf32, #tpu.memory_space<vmem_shared>>
      tpu.wait_indirect_dma semaphore(%arg26 : memref<!tpu.dma_semaphore, #tpu.memory_space<semaphore_mem>>) src(%arg14 : memref<128x128xf32, #tpu.memory_space<vmem>>) dst(%dma_wait3A_431 : memref<10000x128xf32, #tpu.memory_space<vmem_shared>>)
      %add3A_432 = arith.constant 2 : i32
      %add3A_433 = arith.addi %add3A_407, %add3A_432 : i32
      %lt3A_434 = arith.constant 84 : i32
      %lt3A_435 = arith.cmpi slt, %add3A_433, %lt3A_434 : i32
      %convert_element_type3A_436 = arith.extui %lt3A_435 : i1 to i32
      %cond3A_437 = arith.constant 0 : i32
      %cond3A_438 = arith.cmpi ne, %convert_element_type3A_436, %cond3A_437 : i32
      scf.if %cond3A_438 {
        %dma_wait3A_446 = arith.constant 0 : i32
        %dma_wait3A_447 = arith.constant 0 : i32
        %dma_wait3A_448 = tpu.memref_slice %arg3[%add3A, %dma_wait3A_446, %dma_wait3A_447] : memref<2688x2x128xi32, #tpu.memory_space<hbm>> -> memref<1x2x128xi32, #tpu.memory_space<hbm>>
        %dma_wait3A_449 = arith.constant 0 : i32
        %dma_wait3A_450 = arith.constant 0 : i32
        %dma_wait3A_451 = tpu.memref_slice %arg3[%add3A, %dma_wait3A_449, %dma_wait3A_450] : memref<2688x2x128xi32, #tpu.memory_space<hbm>> -> memref<1x2x128xi32, #tpu.memory_space<hbm>>
        tpu.wait_dma2 semaphore(%arg16 : memref<!tpu.dma_semaphore, #tpu.memory_space<semaphore_mem>>) src(%dma_wait3A_451 : memref<1x2x128xi32, #tpu.memory_space<hbm>>) dst(%arg7 : memref<1x2x128xi32, #tpu.memory_space<vmem>>)
        %dma_start3A_452 = arith.constant 0 : i32
        %dma_start3A_453 = arith.constant 0 : i32
        %dma_start3A_454 = arith.constant 0 : i32
        %dma_start3A_455 = tpu.memref_slice %arg7[%dma_start3A_452, %dma_start3A_453, %dma_start3A_454] : memref<1x2x128xi32, #tpu.memory_space<vmem>> -> memref<1x1x128xi32, #tpu.memory_space<vmem>>
        %dma_start3A_456 = tpu.memref_squeeze %dma_start3A_455 : memref<1x1x128xi32, #tpu.memory_space<vmem>> -> memref<128xi32, #tpu.memory_space<vmem>>
        %dma_start3A_457 = arith.constant 0 : i32
        %dma_start3A_458 = arith.constant 0 : i32
        %dma_start3A_459 = tpu.memref_slice %arg2[%dma_start3A_457, %dma_start3A_458] : memref<10016x128xf32, #tpu.memory_space<hbm>> -> memref<10016x128xf32, #tpu.memory_space<hbm>>
        tpu.enqueue_indirect_dma source(%dma_start3A_459 : memref<10016x128xf32, #tpu.memory_space<hbm>>) target(%arg13 : memref<128x128xf32, #tpu.memory_space<vmem>>) offsets(%dma_start3A_456 : memref<128xi32, #tpu.memory_space<vmem>>) semaphore(%arg22 : memref<!tpu.dma_semaphore, #tpu.memory_space<semaphore_mem>>)
      } else {
      }
      %add3A_439 = arith.constant 6 : i32
      %add3A_440 = arith.addi %add3A_407, %add3A_439 : i32
      %lt3A_441 = arith.constant 84 : i32
      %lt3A_442 = arith.cmpi slt, %add3A_440, %lt3A_441 : i32
      %convert_element_type3A_443 = arith.extui %lt3A_442 : i1 to i32
      %cond3A_444 = arith.constant 0 : i32
      %cond3A_445 = arith.cmpi ne, %convert_element_type3A_443, %cond3A_444 : i32
      scf.if %cond3A_445 {
        %mul3A_446 = arith.constant 32 : i32
        %mul3A_447 = arith.muli %mul3A_446, %add3A_440 : i32
        %add3A_448 = arith.addi %add3A, %mul3A_447 : i32
        %dma_start3A_449 = arith.constant 0 : i32
        %dma_start3A_450 = arith.constant 0 : i32
        %dma_start3A_451 = tpu.memref_slice %arg3[%add3A_448, %dma_start3A_449, %dma_start3A_450] : memref<2688x2x128xi32, #tpu.memory_space<hbm>> -> memref<1x2x128xi32, #tpu.memory_space<hbm>>
        %dma_start3A_452 = arith.constant 0 : i32
        %dma_start3A_453 = arith.constant 0 : i32
        %dma_start3A_454 = tpu.memref_slice %arg3[%add3A_448, %dma_start3A_452, %dma_start3A_453] : memref<2688x2x128xi32, #tpu.memory_space<hbm>> -> memref<1x2x128xi32, #tpu.memory_space<hbm>>
        tpu.enqueue_dma source(%dma_start3A_454 : memref<1x2x128xi32, #tpu.memory_space<hbm>>) target(%arg11 : memref<1x2x128xi32, #tpu.memory_space<vmem>>) target_semaphore(%arg20 : memref<!tpu.dma_semaphore, #tpu.memory_space<semaphore_mem>>)
      } else {
      }
    }
    %scan3A_139 = arith.constant 14 : i32
    %barrier3A_140 = arith.constant 0 : index
    tpu.barrier barrier_id(%barrier3A_140)
    %add3A_141 = arith.constant 0 : i32
    %add3A_142 = arith.addi %arg1, %add3A_141 : i32
    %lt3A_143 = arith.constant 78 : i32
    %lt3A_144 = arith.cmpi slt, %add3A_142, %lt3A_143 : i32
    %convert_element_type3A_145 = arith.extui %lt3A_144 : i1 to i32
    %cond3A_146 = arith.constant 0 : i32
    %cond3A_147 = arith.cmpi ne, %convert_element_type3A_145, %cond3A_146 : i32
    scf.if %cond3A_147 {
      %mul3A_201 = arith.constant 128 : i32
      %mul3A_202 = arith.muli %add3A_142, %mul3A_201 : i32
      %mul3A_203 = arith.constant 128 : i32
      %mul3A_204 = arith.muli %add3A_142, %mul3A_203 : i32
      "tpu.region"() ({
        %run_scoped3A = tpu.sem_alloc : memref<!tpu.dma_semaphore, #tpu.memory_space<semaphore_mem>>
        %dma_start3A_205 = arith.constant 0 : i32
        %dma_start3A_206 = arith.constant 0 : i32
        %dma_start3A_207 = tpu.memref_slice %arg4[%arg0, %dma_start3A_205, %dma_start3A_206] : memref<2x10000x128xf32, #tpu.memory_space<hbm>> -> memref<1x10000x128xf32, #tpu.memory_space<hbm>>
        %dma_start3A_208 = tpu.memref_squeeze %dma_start3A_207 : memref<1x10000x128xf32, #tpu.memory_space<hbm>> -> memref<10000x128xf32, #tpu.memory_space<hbm>>
        %dma_start3A_209 = arith.constant 0 : i32
        %dma_start3A_210 = tpu.memref_slice %dma_start3A_208[%mul3A_204, %dma_start3A_209] : memref<10000x128xf32, #tpu.memory_space<hbm>> -> memref<128x128xf32, #tpu.memory_space<hbm>>
        %dma_start3A_211 = arith.constant 0 : i32
        %dma_start3A_212 = tpu.memref_slice %arg5[%mul3A_202, %dma_start3A_211] : memref<10000x128xf32, #tpu.memory_space<vmem_shared>> -> memref<128x128xf32, #tpu.memory_space<vmem_shared>>
        tpu.enqueue_dma source(%dma_start3A_212 : memref<128x128xf32, #tpu.memory_space<vmem_shared>>) target(%dma_start3A_210 : memref<128x128xf32, #tpu.memory_space<hbm>>) target_semaphore(%run_scoped3A : memref<!tpu.dma_semaphore, #tpu.memory_space<semaphore_mem>>)
        %dma_wait3A_213 = arith.constant 0 : i32
        %dma_wait3A_214 = arith.constant 0 : i32
        %dma_wait3A_215 = tpu.memref_slice %arg4[%arg0, %dma_wait3A_213, %dma_wait3A_214] : memref<2x10000x128xf32, #tpu.memory_space<hbm>> -> memref<1x10000x128xf32, #tpu.memory_space<hbm>>
        %dma_wait3A_216 = tpu.memref_squeeze %dma_wait3A_215 : memref<1x10000x128xf32, #tpu.memory_space<hbm>> -> memref<10000x128xf32, #tpu.memory_space<hbm>>
        %dma_wait3A_217 = arith.constant 0 : i32
        %dma_wait3A_218 = tpu.memref_slice %dma_wait3A_216[%mul3A_204, %dma_wait3A_217] : memref<10000x128xf32, #tpu.memory_space<hbm>> -> memref<128x128xf32, #tpu.memory_space<hbm>>
        %dma_wait3A_219 = arith.constant 0 : i32
        %dma_wait3A_220 = tpu.memref_slice %arg5[%mul3A_202, %dma_wait3A_219] : memref<10000x128xf32, #tpu.memory_space<vmem_shared>> -> memref<128x128xf32, #tpu.memory_space<vmem_shared>>
        tpu.wait_dma2 semaphore(%run_scoped3A : memref<!tpu.dma_semaphore, #tpu.memory_space<semaphore_mem>>) src(%dma_wait3A_220 : memref<128x128xf32, #tpu.memory_space<vmem_shared>>) dst(%dma_wait3A_218 : memref<128x128xf32, #tpu.memory_space<hbm>>)
        tpu.yield
      }) : () -> ()
    } else {
    }
    %eq3A_148 = arith.constant 78 : i32
    %eq3A_149 = arith.cmpi eq, %add3A_142, %eq3A_148 : i32
    %convert_element_type3A_150 = arith.extui %eq3A_149 : i1 to i32
    %cond3A_151 = arith.constant 0 : i32
    %cond3A_152 = arith.cmpi ne, %convert_element_type3A_150, %cond3A_151 : i32
    scf.if %cond3A_152 {
      %mul3A_201 = arith.constant 128 : i32
      %mul3A_202 = arith.muli %add3A_142, %mul3A_201 : i32
      %mul3A_203 = arith.constant 128 : i32
      %mul3A_204 = arith.muli %add3A_142, %mul3A_203 : i32
      "tpu.region"() ({
        %run_scoped3A = tpu.sem_alloc : memref<!tpu.dma_semaphore, #tpu.memory_space<semaphore_mem>>
        %dma_start3A_205 = arith.constant 0 : i32
        %dma_start3A_206 = arith.constant 0 : i32
        %dma_start3A_207 = tpu.memref_slice %arg4[%arg0, %dma_start3A_205, %dma_start3A_206] : memref<2x10000x128xf32, #tpu.memory_space<hbm>> -> memref<1x10000x128xf32, #tpu.memory_space<hbm>>
        %dma_start3A_208 = tpu.memref_squeeze %dma_start3A_207 : memref<1x10000x128xf32, #tpu.memory_space<hbm>> -> memref<10000x128xf32, #tpu.memory_space<hbm>>
        %dma_start3A_209 = arith.constant 0 : i32
        %dma_start3A_210 = tpu.memref_slice %dma_start3A_208[%mul3A_204, %dma_start3A_209] : memref<10000x128xf32, #tpu.memory_space<hbm>> -> memref<16x128xf32, #tpu.memory_space<hbm>>
        %dma_start3A_211 = arith.constant 0 : i32
        %dma_start3A_212 = tpu.memref_slice %arg5[%mul3A_202, %dma_start3A_211] : memref<10000x128xf32, #tpu.memory_space<vmem_shared>> -> memref<16x128xf32, #tpu.memory_space<vmem_shared>>
        tpu.enqueue_dma source(%dma_start3A_212 : memref<16x128xf32, #tpu.memory_space<vmem_shared>>) target(%dma_start3A_210 : memref<16x128xf32, #tpu.memory_space<hbm>>) target_semaphore(%run_scoped3A : memref<!tpu.dma_semaphore, #tpu.memory_space<semaphore_mem>>)
        %dma_wait3A_213 = arith.constant 0 : i32
        %dma_wait3A_214 = arith.constant 0 : i32
        %dma_wait3A_215 = tpu.memref_slice %arg4[%arg0, %dma_wait3A_213, %dma_wait3A_214] : memref<2x10000x128xf32, #tpu.memory_space<hbm>> -> memref<1x10000x128xf32, #tpu.memory_space<hbm>>
        %dma_wait3A_216 = tpu.memref_squeeze %dma_wait3A_215 : memref<1x10000x128xf32, #tpu.memory_space<hbm>> -> memref<10000x128xf32, #tpu.memory_space<hbm>>
        %dma_wait3A_217 = arith.constant 0 : i32
        %dma_wait3A_218 = tpu.memref_slice %dma_wait3A_216[%mul3A_204, %dma_wait3A_217] : memref<10000x128xf32, #tpu.memory_space<hbm>> -> memref<16x128xf32, #tpu.memory_space<hbm>>
        %dma_wait3A_219 = arith.constant 0 : i32
        %dma_wait3A_220 = tpu.memref_slice %arg5[%mul3A_202, %dma_wait3A_219] : memref<10000x128xf32, #tpu.memory_space<vmem_shared>> -> memref<16x128xf32, #tpu.memory_space<vmem_shared>>
        tpu.wait_dma2 semaphore(%run_scoped3A : memref<!tpu.dma_semaphore, #tpu.memory_space<semaphore_mem>>) src(%dma_wait3A_220 : memref<16x128xf32, #tpu.memory_space<vmem_shared>>) dst(%dma_wait3A_218 : memref<16x128xf32, #tpu.memory_space<hbm>>)
        tpu.yield
      }) : () -> ()
    } else {
    }
    %add3A_153 = arith.constant 16 : i32
    %add3A_154 = arith.addi %arg1, %add3A_153 : i32
    %lt3A_155 = arith.constant 78 : i32
    %lt3A_156 = arith.cmpi slt, %add3A_154, %lt3A_155 : i32
    %convert_element_type3A_157 = arith.extui %lt3A_156 : i1 to i32
    %cond3A_158 = arith.constant 0 : i32
    %cond3A_159 = arith.cmpi ne, %convert_element_type3A_157, %cond3A_158 : i32
    scf.if %cond3A_159 {
      %mul3A_201 = arith.constant 128 : i32
      %mul3A_202 = arith.muli %add3A_154, %mul3A_201 : i32
      %mul3A_203 = arith.constant 128 : i32
      %mul3A_204 = arith.muli %add3A_154, %mul3A_203 : i32
      "tpu.region"() ({
        %run_scoped3A = tpu.sem_alloc : memref<!tpu.dma_semaphore, #tpu.memory_space<semaphore_mem>>
        %dma_start3A_205 = arith.constant 0 : i32
        %dma_start3A_206 = arith.constant 0 : i32
        %dma_start3A_207 = tpu.memref_slice %arg4[%arg0, %dma_start3A_205, %dma_start3A_206] : memref<2x10000x128xf32, #tpu.memory_space<hbm>> -> memref<1x10000x128xf32, #tpu.memory_space<hbm>>
        %dma_start3A_208 = tpu.memref_squeeze %dma_start3A_207 : memref<1x10000x128xf32, #tpu.memory_space<hbm>> -> memref<10000x128xf32, #tpu.memory_space<hbm>>
        %dma_start3A_209 = arith.constant 0 : i32
        %dma_start3A_210 = tpu.memref_slice %dma_start3A_208[%mul3A_204, %dma_start3A_209] : memref<10000x128xf32, #tpu.memory_space<hbm>> -> memref<128x128xf32, #tpu.memory_space<hbm>>
        %dma_start3A_211 = arith.constant 0 : i32
        %dma_start3A_212 = tpu.memref_slice %arg5[%mul3A_202, %dma_start3A_211] : memref<10000x128xf32, #tpu.memory_space<vmem_shared>> -> memref<128x128xf32, #tpu.memory_space<vmem_shared>>
        tpu.enqueue_dma source(%dma_start3A_212 : memref<128x128xf32, #tpu.memory_space<vmem_shared>>) target(%dma_start3A_210 : memref<128x128xf32, #tpu.memory_space<hbm>>) target_semaphore(%run_scoped3A : memref<!tpu.dma_semaphore, #tpu.memory_space<semaphore_mem>>)
        %dma_wait3A_213 = arith.constant 0 : i32
        %dma_wait3A_214 = arith.constant 0 : i32
        %dma_wait3A_215 = tpu.memref_slice %arg4[%arg0, %dma_wait3A_213, %dma_wait3A_214] : memref<2x10000x128xf32, #tpu.memory_space<hbm>> -> memref<1x10000x128xf32, #tpu.memory_space<hbm>>
        %dma_wait3A_216 = tpu.memref_squeeze %dma_wait3A_215 : memref<1x10000x128xf32, #tpu.memory_space<hbm>> -> memref<10000x128xf32, #tpu.memory_space<hbm>>
        %dma_wait3A_217 = arith.constant 0 : i32
        %dma_wait3A_218 = tpu.memref_slice %dma_wait3A_216[%mul3A_204, %dma_wait3A_217] : memref<10000x128xf32, #tpu.memory_space<hbm>> -> memref<128x128xf32, #tpu.memory_space<hbm>>
        %dma_wait3A_219 = arith.constant 0 : i32
        %dma_wait3A_220 = tpu.memref_slice %arg5[%mul3A_202, %dma_wait3A_219] : memref<10000x128xf32, #tpu.memory_space<vmem_shared>> -> memref<128x128xf32, #tpu.memory_space<vmem_shared>>
        tpu.wait_dma2 semaphore(%run_scoped3A : memref<!tpu.dma_semaphore, #tpu.memory_space<semaphore_mem>>) src(%dma_wait3A_220 : memref<128x128xf32, #tpu.memory_space<vmem_shared>>) dst(%dma_wait3A_218 : memref<128x128xf32, #tpu.memory_space<hbm>>)
        tpu.yield
      }) : () -> ()
    } else {
    }
    %eq3A_160 = arith.constant 78 : i32
    %eq3A_161 = arith.cmpi eq, %add3A_154, %eq3A_160 : i32
    %convert_element_type3A_162 = arith.extui %eq3A_161 : i1 to i32
    %cond3A_163 = arith.constant 0 : i32
    %cond3A_164 = arith.cmpi ne, %convert_element_type3A_162, %cond3A_163 : i32
    scf.if %cond3A_164 {
      %mul3A_201 = arith.constant 128 : i32
      %mul3A_202 = arith.muli %add3A_154, %mul3A_201 : i32
      %mul3A_203 = arith.constant 128 : i32
      %mul3A_204 = arith.muli %add3A_154, %mul3A_203 : i32
      "tpu.region"() ({
        %run_scoped3A = tpu.sem_alloc : memref<!tpu.dma_semaphore, #tpu.memory_space<semaphore_mem>>
        %dma_start3A_205 = arith.constant 0 : i32
        %dma_start3A_206 = arith.constant 0 : i32
        %dma_start3A_207 = tpu.memref_slice %arg4[%arg0, %dma_start3A_205, %dma_start3A_206] : memref<2x10000x128xf32, #tpu.memory_space<hbm>> -> memref<1x10000x128xf32, #tpu.memory_space<hbm>>
        %dma_start3A_208 = tpu.memref_squeeze %dma_start3A_207 : memref<1x10000x128xf32, #tpu.memory_space<hbm>> -> memref<10000x128xf32, #tpu.memory_space<hbm>>
        %dma_start3A_209 = arith.constant 0 : i32
        %dma_start3A_210 = tpu.memref_slice %dma_start3A_208[%mul3A_204, %dma_start3A_209] : memref<10000x128xf32, #tpu.memory_space<hbm>> -> memref<16x128xf32, #tpu.memory_space<hbm>>
        %dma_start3A_211 = arith.constant 0 : i32
        %dma_start3A_212 = tpu.memref_slice %arg5[%mul3A_202, %dma_start3A_211] : memref<10000x128xf32, #tpu.memory_space<vmem_shared>> -> memref<16x128xf32, #tpu.memory_space<vmem_shared>>
        tpu.enqueue_dma source(%dma_start3A_212 : memref<16x128xf32, #tpu.memory_space<vmem_shared>>) target(%dma_start3A_210 : memref<16x128xf32, #tpu.memory_space<hbm>>) target_semaphore(%run_scoped3A : memref<!tpu.dma_semaphore, #tpu.memory_space<semaphore_mem>>)
        %dma_wait3A_213 = arith.constant 0 : i32
        %dma_wait3A_214 = arith.constant 0 : i32
        %dma_wait3A_215 = tpu.memref_slice %arg4[%arg0, %dma_wait3A_213, %dma_wait3A_214] : memref<2x10000x128xf32, #tpu.memory_space<hbm>> -> memref<1x10000x128xf32, #tpu.memory_space<hbm>>
        %dma_wait3A_216 = tpu.memref_squeeze %dma_wait3A_215 : memref<1x10000x128xf32, #tpu.memory_space<hbm>> -> memref<10000x128xf32, #tpu.memory_space<hbm>>
        %dma_wait3A_217 = arith.constant 0 : i32
        %dma_wait3A_218 = tpu.memref_slice %dma_wait3A_216[%mul3A_204, %dma_wait3A_217] : memref<10000x128xf32, #tpu.memory_space<hbm>> -> memref<16x128xf32, #tpu.memory_space<hbm>>
        %dma_wait3A_219 = arith.constant 0 : i32
        %dma_wait3A_220 = tpu.memref_slice %arg5[%mul3A_202, %dma_wait3A_219] : memref<10000x128xf32, #tpu.memory_space<vmem_shared>> -> memref<16x128xf32, #tpu.memory_space<vmem_shared>>
        tpu.wait_dma2 semaphore(%run_scoped3A : memref<!tpu.dma_semaphore, #tpu.memory_space<semaphore_mem>>) src(%dma_wait3A_220 : memref<16x128xf32, #tpu.memory_space<vmem_shared>>) dst(%dma_wait3A_218 : memref<16x128xf32, #tpu.memory_space<hbm>>)
        tpu.yield
      }) : () -> ()
    } else {
    }
    %add3A_165 = arith.constant 32 : i32
    %add3A_166 = arith.addi %arg1, %add3A_165 : i32
    %lt3A_167 = arith.constant 78 : i32
    %lt3A_168 = arith.cmpi slt, %add3A_166, %lt3A_167 : i32
    %convert_element_type3A_169 = arith.extui %lt3A_168 : i1 to i32
    %cond3A_170 = arith.constant 0 : i32
    %cond3A_171 = arith.cmpi ne, %convert_element_type3A_169, %cond3A_170 : i32
    scf.if %cond3A_171 {
      %mul3A_201 = arith.constant 128 : i32
      %mul3A_202 = arith.muli %add3A_166, %mul3A_201 : i32
      %mul3A_203 = arith.constant 128 : i32
      %mul3A_204 = arith.muli %add3A_166, %mul3A_203 : i32
      "tpu.region"() ({
        %run_scoped3A = tpu.sem_alloc : memref<!tpu.dma_semaphore, #tpu.memory_space<semaphore_mem>>
        %dma_start3A_205 = arith.constant 0 : i32
        %dma_start3A_206 = arith.constant 0 : i32
        %dma_start3A_207 = tpu.memref_slice %arg4[%arg0, %dma_start3A_205, %dma_start3A_206] : memref<2x10000x128xf32, #tpu.memory_space<hbm>> -> memref<1x10000x128xf32, #tpu.memory_space<hbm>>
        %dma_start3A_208 = tpu.memref_squeeze %dma_start3A_207 : memref<1x10000x128xf32, #tpu.memory_space<hbm>> -> memref<10000x128xf32, #tpu.memory_space<hbm>>
        %dma_start3A_209 = arith.constant 0 : i32
        %dma_start3A_210 = tpu.memref_slice %dma_start3A_208[%mul3A_204, %dma_start3A_209] : memref<10000x128xf32, #tpu.memory_space<hbm>> -> memref<128x128xf32, #tpu.memory_space<hbm>>
        %dma_start3A_211 = arith.constant 0 : i32
        %dma_start3A_212 = tpu.memref_slice %arg5[%mul3A_202, %dma_start3A_211] : memref<10000x128xf32, #tpu.memory_space<vmem_shared>> -> memref<128x128xf32, #tpu.memory_space<vmem_shared>>
        tpu.enqueue_dma source(%dma_start3A_212 : memref<128x128xf32, #tpu.memory_space<vmem_shared>>) target(%dma_start3A_210 : memref<128x128xf32, #tpu.memory_space<hbm>>) target_semaphore(%run_scoped3A : memref<!tpu.dma_semaphore, #tpu.memory_space<semaphore_mem>>)
        %dma_wait3A_213 = arith.constant 0 : i32
        %dma_wait3A_214 = arith.constant 0 : i32
        %dma_wait3A_215 = tpu.memref_slice %arg4[%arg0, %dma_wait3A_213, %dma_wait3A_214] : memref<2x10000x128xf32, #tpu.memory_space<hbm>> -> memref<1x10000x128xf32, #tpu.memory_space<hbm>>
        %dma_wait3A_216 = tpu.memref_squeeze %dma_wait3A_215 : memref<1x10000x128xf32, #tpu.memory_space<hbm>> -> memref<10000x128xf32, #tpu.memory_space<hbm>>
        %dma_wait3A_217 = arith.constant 0 : i32
        %dma_wait3A_218 = tpu.memref_slice %dma_wait3A_216[%mul3A_204, %dma_wait3A_217] : memref<10000x128xf32, #tpu.memory_space<hbm>> -> memref<128x128xf32, #tpu.memory_space<hbm>>
        %dma_wait3A_219 = arith.constant 0 : i32
        %dma_wait3A_220 = tpu.memref_slice %arg5[%mul3A_202, %dma_wait3A_219] : memref<10000x128xf32, #tpu.memory_space<vmem_shared>> -> memref<128x128xf32, #tpu.memory_space<vmem_shared>>
        tpu.wait_dma2 semaphore(%run_scoped3A : memref<!tpu.dma_semaphore, #tpu.memory_space<semaphore_mem>>) src(%dma_wait3A_220 : memref<128x128xf32, #tpu.memory_space<vmem_shared>>) dst(%dma_wait3A_218 : memref<128x128xf32, #tpu.memory_space<hbm>>)
        tpu.yield
      }) : () -> ()
    } else {
    }
    %eq3A_172 = arith.constant 78 : i32
    %eq3A_173 = arith.cmpi eq, %add3A_166, %eq3A_172 : i32
    %convert_element_type3A_174 = arith.extui %eq3A_173 : i1 to i32
    %cond3A_175 = arith.constant 0 : i32
    %cond3A_176 = arith.cmpi ne, %convert_element_type3A_174, %cond3A_175 : i32
    scf.if %cond3A_176 {
      %mul3A_201 = arith.constant 128 : i32
      %mul3A_202 = arith.muli %add3A_166, %mul3A_201 : i32
      %mul3A_203 = arith.constant 128 : i32
      %mul3A_204 = arith.muli %add3A_166, %mul3A_203 : i32
      "tpu.region"() ({
        %run_scoped3A = tpu.sem_alloc : memref<!tpu.dma_semaphore, #tpu.memory_space<semaphore_mem>>
        %dma_start3A_205 = arith.constant 0 : i32
        %dma_start3A_206 = arith.constant 0 : i32
        %dma_start3A_207 = tpu.memref_slice %arg4[%arg0, %dma_start3A_205, %dma_start3A_206] : memref<2x10000x128xf32, #tpu.memory_space<hbm>> -> memref<1x10000x128xf32, #tpu.memory_space<hbm>>
        %dma_start3A_208 = tpu.memref_squeeze %dma_start3A_207 : memref<1x10000x128xf32, #tpu.memory_space<hbm>> -> memref<10000x128xf32, #tpu.memory_space<hbm>>
        %dma_start3A_209 = arith.constant 0 : i32
        %dma_start3A_210 = tpu.memref_slice %dma_start3A_208[%mul3A_204, %dma_start3A_209] : memref<10000x128xf32, #tpu.memory_space<hbm>> -> memref<16x128xf32, #tpu.memory_space<hbm>>
        %dma_start3A_211 = arith.constant 0 : i32
        %dma_start3A_212 = tpu.memref_slice %arg5[%mul3A_202, %dma_start3A_211] : memref<10000x128xf32, #tpu.memory_space<vmem_shared>> -> memref<16x128xf32, #tpu.memory_space<vmem_shared>>
        tpu.enqueue_dma source(%dma_start3A_212 : memref<16x128xf32, #tpu.memory_space<vmem_shared>>) target(%dma_start3A_210 : memref<16x128xf32, #tpu.memory_space<hbm>>) target_semaphore(%run_scoped3A : memref<!tpu.dma_semaphore, #tpu.memory_space<semaphore_mem>>)
        %dma_wait3A_213 = arith.constant 0 : i32
        %dma_wait3A_214 = arith.constant 0 : i32
        %dma_wait3A_215 = tpu.memref_slice %arg4[%arg0, %dma_wait3A_213, %dma_wait3A_214] : memref<2x10000x128xf32, #tpu.memory_space<hbm>> -> memref<1x10000x128xf32, #tpu.memory_space<hbm>>
        %dma_wait3A_216 = tpu.memref_squeeze %dma_wait3A_215 : memref<1x10000x128xf32, #tpu.memory_space<hbm>> -> memref<10000x128xf32, #tpu.memory_space<hbm>>
        %dma_wait3A_217 = arith.constant 0 : i32
        %dma_wait3A_218 = tpu.memref_slice %dma_wait3A_216[%mul3A_204, %dma_wait3A_217] : memref<10000x128xf32, #tpu.memory_space<hbm>> -> memref<16x128xf32, #tpu.memory_space<hbm>>
        %dma_wait3A_219 = arith.constant 0 : i32
        %dma_wait3A_220 = tpu.memref_slice %arg5[%mul3A_202, %dma_wait3A_219] : memref<10000x128xf32, #tpu.memory_space<vmem_shared>> -> memref<16x128xf32, #tpu.memory_space<vmem_shared>>
        tpu.wait_dma2 semaphore(%run_scoped3A : memref<!tpu.dma_semaphore, #tpu.memory_space<semaphore_mem>>) src(%dma_wait3A_220 : memref<16x128xf32, #tpu.memory_space<vmem_shared>>) dst(%dma_wait3A_218 : memref<16x128xf32, #tpu.memory_space<hbm>>)
        tpu.yield
      }) : () -> ()
    } else {
    }
    %add3A_177 = arith.constant 48 : i32
    %add3A_178 = arith.addi %arg1, %add3A_177 : i32
    %lt3A_179 = arith.constant 78 : i32
    %lt3A_180 = arith.cmpi slt, %add3A_178, %lt3A_179 : i32
    %convert_element_type3A_181 = arith.extui %lt3A_180 : i1 to i32
    %cond3A_182 = arith.constant 0 : i32
    %cond3A_183 = arith.cmpi ne, %convert_element_type3A_181, %cond3A_182 : i32
    scf.if %cond3A_183 {
      %mul3A_201 = arith.constant 128 : i32
      %mul3A_202 = arith.muli %add3A_178, %mul3A_201 : i32
      %mul3A_203 = arith.constant 128 : i32
      %mul3A_204 = arith.muli %add3A_178, %mul3A_203 : i32
      "tpu.region"() ({
        %run_scoped3A = tpu.sem_alloc : memref<!tpu.dma_semaphore, #tpu.memory_space<semaphore_mem>>
        %dma_start3A_205 = arith.constant 0 : i32
        %dma_start3A_206 = arith.constant 0 : i32
        %dma_start3A_207 = tpu.memref_slice %arg4[%arg0, %dma_start3A_205, %dma_start3A_206] : memref<2x10000x128xf32, #tpu.memory_space<hbm>> -> memref<1x10000x128xf32, #tpu.memory_space<hbm>>
        %dma_start3A_208 = tpu.memref_squeeze %dma_start3A_207 : memref<1x10000x128xf32, #tpu.memory_space<hbm>> -> memref<10000x128xf32, #tpu.memory_space<hbm>>
        %dma_start3A_209 = arith.constant 0 : i32
        %dma_start3A_210 = tpu.memref_slice %dma_start3A_208[%mul3A_204, %dma_start3A_209] : memref<10000x128xf32, #tpu.memory_space<hbm>> -> memref<128x128xf32, #tpu.memory_space<hbm>>
        %dma_start3A_211 = arith.constant 0 : i32
        %dma_start3A_212 = tpu.memref_slice %arg5[%mul3A_202, %dma_start3A_211] : memref<10000x128xf32, #tpu.memory_space<vmem_shared>> -> memref<128x128xf32, #tpu.memory_space<vmem_shared>>
        tpu.enqueue_dma source(%dma_start3A_212 : memref<128x128xf32, #tpu.memory_space<vmem_shared>>) target(%dma_start3A_210 : memref<128x128xf32, #tpu.memory_space<hbm>>) target_semaphore(%run_scoped3A : memref<!tpu.dma_semaphore, #tpu.memory_space<semaphore_mem>>)
        %dma_wait3A_213 = arith.constant 0 : i32
        %dma_wait3A_214 = arith.constant 0 : i32
        %dma_wait3A_215 = tpu.memref_slice %arg4[%arg0, %dma_wait3A_213, %dma_wait3A_214] : memref<2x10000x128xf32, #tpu.memory_space<hbm>> -> memref<1x10000x128xf32, #tpu.memory_space<hbm>>
        %dma_wait3A_216 = tpu.memref_squeeze %dma_wait3A_215 : memref<1x10000x128xf32, #tpu.memory_space<hbm>> -> memref<10000x128xf32, #tpu.memory_space<hbm>>
        %dma_wait3A_217 = arith.constant 0 : i32
        %dma_wait3A_218 = tpu.memref_slice %dma_wait3A_216[%mul3A_204, %dma_wait3A_217] : memref<10000x128xf32, #tpu.memory_space<hbm>> -> memref<128x128xf32, #tpu.memory_space<hbm>>
        %dma_wait3A_219 = arith.constant 0 : i32
        %dma_wait3A_220 = tpu.memref_slice %arg5[%mul3A_202, %dma_wait3A_219] : memref<10000x128xf32, #tpu.memory_space<vmem_shared>> -> memref<128x128xf32, #tpu.memory_space<vmem_shared>>
        tpu.wait_dma2 semaphore(%run_scoped3A : memref<!tpu.dma_semaphore, #tpu.memory_space<semaphore_mem>>) src(%dma_wait3A_220 : memref<128x128xf32, #tpu.memory_space<vmem_shared>>) dst(%dma_wait3A_218 : memref<128x128xf32, #tpu.memory_space<hbm>>)
        tpu.yield
      }) : () -> ()
    } else {
    }
    %eq3A_184 = arith.constant 78 : i32
    %eq3A_185 = arith.cmpi eq, %add3A_178, %eq3A_184 : i32
    %convert_element_type3A_186 = arith.extui %eq3A_185 : i1 to i32
    %cond3A_187 = arith.constant 0 : i32
    %cond3A_188 = arith.cmpi ne, %convert_element_type3A_186, %cond3A_187 : i32
    scf.if %cond3A_188 {
      %mul3A_201 = arith.constant 128 : i32
      %mul3A_202 = arith.muli %add3A_178, %mul3A_201 : i32
      %mul3A_203 = arith.constant 128 : i32
      %mul3A_204 = arith.muli %add3A_178, %mul3A_203 : i32
      "tpu.region"() ({
        %run_scoped3A = tpu.sem_alloc : memref<!tpu.dma_semaphore, #tpu.memory_space<semaphore_mem>>
        %dma_start3A_205 = arith.constant 0 : i32
        %dma_start3A_206 = arith.constant 0 : i32
        %dma_start3A_207 = tpu.memref_slice %arg4[%arg0, %dma_start3A_205, %dma_start3A_206] : memref<2x10000x128xf32, #tpu.memory_space<hbm>> -> memref<1x10000x128xf32, #tpu.memory_space<hbm>>
        %dma_start3A_208 = tpu.memref_squeeze %dma_start3A_207 : memref<1x10000x128xf32, #tpu.memory_space<hbm>> -> memref<10000x128xf32, #tpu.memory_space<hbm>>
        %dma_start3A_209 = arith.constant 0 : i32
        %dma_start3A_210 = tpu.memref_slice %dma_start3A_208[%mul3A_204, %dma_start3A_209] : memref<10000x128xf32, #tpu.memory_space<hbm>> -> memref<16x128xf32, #tpu.memory_space<hbm>>
        %dma_start3A_211 = arith.constant 0 : i32
        %dma_start3A_212 = tpu.memref_slice %arg5[%mul3A_202, %dma_start3A_211] : memref<10000x128xf32, #tpu.memory_space<vmem_shared>> -> memref<16x128xf32, #tpu.memory_space<vmem_shared>>
        tpu.enqueue_dma source(%dma_start3A_212 : memref<16x128xf32, #tpu.memory_space<vmem_shared>>) target(%dma_start3A_210 : memref<16x128xf32, #tpu.memory_space<hbm>>) target_semaphore(%run_scoped3A : memref<!tpu.dma_semaphore, #tpu.memory_space<semaphore_mem>>)
        %dma_wait3A_213 = arith.constant 0 : i32
        %dma_wait3A_214 = arith.constant 0 : i32
        %dma_wait3A_215 = tpu.memref_slice %arg4[%arg0, %dma_wait3A_213, %dma_wait3A_214] : memref<2x10000x128xf32, #tpu.memory_space<hbm>> -> memref<1x10000x128xf32, #tpu.memory_space<hbm>>
        %dma_wait3A_216 = tpu.memref_squeeze %dma_wait3A_215 : memref<1x10000x128xf32, #tpu.memory_space<hbm>> -> memref<10000x128xf32, #tpu.memory_space<hbm>>
        %dma_wait3A_217 = arith.constant 0 : i32
        %dma_wait3A_218 = tpu.memref_slice %dma_wait3A_216[%mul3A_204, %dma_wait3A_217] : memref<10000x128xf32, #tpu.memory_space<hbm>> -> memref<16x128xf32, #tpu.memory_space<hbm>>
        %dma_wait3A_219 = arith.constant 0 : i32
        %dma_wait3A_220 = tpu.memref_slice %arg5[%mul3A_202, %dma_wait3A_219] : memref<10000x128xf32, #tpu.memory_space<vmem_shared>> -> memref<16x128xf32, #tpu.memory_space<vmem_shared>>
        tpu.wait_dma2 semaphore(%run_scoped3A : memref<!tpu.dma_semaphore, #tpu.memory_space<semaphore_mem>>) src(%dma_wait3A_220 : memref<16x128xf32, #tpu.memory_space<vmem_shared>>) dst(%dma_wait3A_218 : memref<16x128xf32, #tpu.memory_space<hbm>>)
        tpu.yield
      }) : () -> ()
    } else {
    }
    %add3A_189 = arith.constant 64 : i32
    %add3A_190 = arith.addi %arg1, %add3A_189 : i32
    %lt3A_191 = arith.constant 78 : i32
    %lt3A_192 = arith.cmpi slt, %add3A_190, %lt3A_191 : i32
    %convert_element_type3A_193 = arith.extui %lt3A_192 : i1 to i32
    %cond3A_194 = arith.constant 0 : i32
    %cond3A_195 = arith.cmpi ne, %convert_element_type3A_193, %cond3A_194 : i32
    scf.if %cond3A_195 {
      %mul3A_201 = arith.constant 128 : i32
      %mul3A_202 = arith.muli %add3A_190, %mul3A_201 : i32
      %mul3A_203 = arith.constant 128 : i32
      %mul3A_204 = arith.muli %add3A_190, %mul3A_203 : i32
      "tpu.region"() ({
        %run_scoped3A = tpu.sem_alloc : memref<!tpu.dma_semaphore, #tpu.memory_space<semaphore_mem>>
        %dma_start3A_205 = arith.constant 0 : i32
        %dma_start3A_206 = arith.constant 0 : i32
        %dma_start3A_207 = tpu.memref_slice %arg4[%arg0, %dma_start3A_205, %dma_start3A_206] : memref<2x10000x128xf32, #tpu.memory_space<hbm>> -> memref<1x10000x128xf32, #tpu.memory_space<hbm>>
        %dma_start3A_208 = tpu.memref_squeeze %dma_start3A_207 : memref<1x10000x128xf32, #tpu.memory_space<hbm>> -> memref<10000x128xf32, #tpu.memory_space<hbm>>
        %dma_start3A_209 = arith.constant 0 : i32
        %dma_start3A_210 = tpu.memref_slice %dma_start3A_208[%mul3A_204, %dma_start3A_209] : memref<10000x128xf32, #tpu.memory_space<hbm>> -> memref<128x128xf32, #tpu.memory_space<hbm>>
        %dma_start3A_211 = arith.constant 0 : i32
        %dma_start3A_212 = tpu.memref_slice %arg5[%mul3A_202, %dma_start3A_211] : memref<10000x128xf32, #tpu.memory_space<vmem_shared>> -> memref<128x128xf32, #tpu.memory_space<vmem_shared>>
        tpu.enqueue_dma source(%dma_start3A_212 : memref<128x128xf32, #tpu.memory_space<vmem_shared>>) target(%dma_start3A_210 : memref<128x128xf32, #tpu.memory_space<hbm>>) target_semaphore(%run_scoped3A : memref<!tpu.dma_semaphore, #tpu.memory_space<semaphore_mem>>)
        %dma_wait3A_213 = arith.constant 0 : i32
        %dma_wait3A_214 = arith.constant 0 : i32
        %dma_wait3A_215 = tpu.memref_slice %arg4[%arg0, %dma_wait3A_213, %dma_wait3A_214] : memref<2x10000x128xf32, #tpu.memory_space<hbm>> -> memref<1x10000x128xf32, #tpu.memory_space<hbm>>
        %dma_wait3A_216 = tpu.memref_squeeze %dma_wait3A_215 : memref<1x10000x128xf32, #tpu.memory_space<hbm>> -> memref<10000x128xf32, #tpu.memory_space<hbm>>
        %dma_wait3A_217 = arith.constant 0 : i32
        %dma_wait3A_218 = tpu.memref_slice %dma_wait3A_216[%mul3A_204, %dma_wait3A_217] : memref<10000x128xf32, #tpu.memory_space<hbm>> -> memref<128x128xf32, #tpu.memory_space<hbm>>
        %dma_wait3A_219 = arith.constant 0 : i32
        %dma_wait3A_220 = tpu.memref_slice %arg5[%mul3A_202, %dma_wait3A_219] : memref<10000x128xf32, #tpu.memory_space<vmem_shared>> -> memref<128x128xf32, #tpu.memory_space<vmem_shared>>
        tpu.wait_dma2 semaphore(%run_scoped3A : memref<!tpu.dma_semaphore, #tpu.memory_space<semaphore_mem>>) src(%dma_wait3A_220 : memref<128x128xf32, #tpu.memory_space<vmem_shared>>) dst(%dma_wait3A_218 : memref<128x128xf32, #tpu.memory_space<hbm>>)
        tpu.yield
      }) : () -> ()
    } else {
    }
    %eq3A_196 = arith.constant 78 : i32
    %eq3A_197 = arith.cmpi eq, %add3A_190, %eq3A_196 : i32
    %convert_element_type3A_198 = arith.extui %eq3A_197 : i1 to i32
    %cond3A_199 = arith.constant 0 : i32
    %cond3A_200 = arith.cmpi ne, %convert_element_type3A_198, %cond3A_199 : i32
    scf.if %cond3A_200 {
      %mul3A_201 = arith.constant 128 : i32
      %mul3A_202 = arith.muli %add3A_190, %mul3A_201 : i32
      %mul3A_203 = arith.constant 128 : i32
      %mul3A_204 = arith.muli %add3A_190, %mul3A_203 : i32
      "tpu.region"() ({
        %run_scoped3A = tpu.sem_alloc : memref<!tpu.dma_semaphore, #tpu.memory_space<semaphore_mem>>
        %dma_start3A_205 = arith.constant 0 : i32
        %dma_start3A_206 = arith.constant 0 : i32
        %dma_start3A_207 = tpu.memref_slice %arg4[%arg0, %dma_start3A_205, %dma_start3A_206] : memref<2x10000x128xf32, #tpu.memory_space<hbm>> -> memref<1x10000x128xf32, #tpu.memory_space<hbm>>
        %dma_start3A_208 = tpu.memref_squeeze %dma_start3A_207 : memref<1x10000x128xf32, #tpu.memory_space<hbm>> -> memref<10000x128xf32, #tpu.memory_space<hbm>>
        %dma_start3A_209 = arith.constant 0 : i32
        %dma_start3A_210 = tpu.memref_slice %dma_start3A_208[%mul3A_204, %dma_start3A_209] : memref<10000x128xf32, #tpu.memory_space<hbm>> -> memref<16x128xf32, #tpu.memory_space<hbm>>
        %dma_start3A_211 = arith.constant 0 : i32
        %dma_start3A_212 = tpu.memref_slice %arg5[%mul3A_202, %dma_start3A_211] : memref<10000x128xf32, #tpu.memory_space<vmem_shared>> -> memref<16x128xf32, #tpu.memory_space<vmem_shared>>
        tpu.enqueue_dma source(%dma_start3A_212 : memref<16x128xf32, #tpu.memory_space<vmem_shared>>) target(%dma_start3A_210 : memref<16x128xf32, #tpu.memory_space<hbm>>) target_semaphore(%run_scoped3A : memref<!tpu.dma_semaphore, #tpu.memory_space<semaphore_mem>>)
        %dma_wait3A_213 = arith.constant 0 : i32
        %dma_wait3A_214 = arith.constant 0 : i32
        %dma_wait3A_215 = tpu.memref_slice %arg4[%arg0, %dma_wait3A_213, %dma_wait3A_214] : memref<2x10000x128xf32, #tpu.memory_space<hbm>> -> memref<1x10000x128xf32, #tpu.memory_space<hbm>>
        %dma_wait3A_216 = tpu.memref_squeeze %dma_wait3A_215 : memref<1x10000x128xf32, #tpu.memory_space<hbm>> -> memref<10000x128xf32, #tpu.memory_space<hbm>>
        %dma_wait3A_217 = arith.constant 0 : i32
        %dma_wait3A_218 = tpu.memref_slice %dma_wait3A_216[%mul3A_204, %dma_wait3A_217] : memref<10000x128xf32, #tpu.memory_space<hbm>> -> memref<16x128xf32, #tpu.memory_space<hbm>>
        %dma_wait3A_219 = arith.constant 0 : i32
        %dma_wait3A_220 = tpu.memref_slice %arg5[%mul3A_202, %dma_wait3A_219] : memref<10000x128xf32, #tpu.memory_space<vmem_shared>> -> memref<16x128xf32, #tpu.memory_space<vmem_shared>>
        tpu.wait_dma2 semaphore(%run_scoped3A : memref<!tpu.dma_semaphore, #tpu.memory_space<semaphore_mem>>) src(%dma_wait3A_220 : memref<16x128xf32, #tpu.memory_space<vmem_shared>>) dst(%dma_wait3A_218 : memref<16x128xf32, #tpu.memory_space<hbm>>)
        tpu.yield
      }) : () -> ()
    } else {
    }
    return
  }
}

module attributes {stable_mosaic.version = 14 : i64} {
  func.func @_mm_body(%arg0: i32, %arg1: memref<1000x128xf32, #tpu.memory_space<vmem>>, %arg2: memref<128x128xf32, #tpu.memory_space<vmem>>, %arg3: memref<1000x128xf32, #tpu.memory_space<vmem>>) attributes {dimension_semantics = [#tpu.dimension_semantics<arbitrary>], iteration_bounds = array<i64: 10>, scalar_prefetch = 0 : i64, scratch_operands = 0 : i64, tpu.core_type = #tpu.core_type<tc>, window_params = [{transform_indices = @transform_0, window_bounds = array<i64: 1000, 128>}, {pipeline_mode = #tpu.pipeline_mode<synchronous>, transform_indices = @transform_1, window_bounds = array<i64: 128, 128>}, {transform_indices = @transform_2, window_bounds = array<i64: 1000, 128>}]} {
    %get3A = arith.constant 0 : index
    %get3A_0 = arith.constant 0 : index
    %get3A_1 = vector.load %arg1[%get3A, %get3A_0] : memref<1000x128xf32, #tpu.memory_space<vmem>>, vector<1000x128xf32>
    %get3A_2 = arith.constant 0 : index
    %get3A_3 = arith.constant 0 : index
    %get3A_4 = vector.load %arg2[%get3A_2, %get3A_3] : memref<128x128xf32, #tpu.memory_space<vmem>>, vector<128x128xf32>
    %dot_general3A = arith.constant dense<0.000000e+00> : vector<1000x128xf32>
    %dot_general3A_5 = tpu.matmul %get3A_1, %get3A_4, %dot_general3A {dimension_numbers = #tpu.dot_dimension_numbers<[1], [0], [0], [1], [0, 0, 1, 1], [], []>, transpose_lhs_hint = false} : vector<1000x128xf32>, vector<128x128xf32>, vector<1000x128xf32> -> vector<1000x128xf32>
    %swap3A = arith.constant 0 : index
    %swap3A_6 = arith.constant 0 : index
    %swap3A_7 = vector.load %arg3[%swap3A, %swap3A_6] : memref<1000x128xf32, #tpu.memory_space<vmem>>, vector<1000x128xf32>
    tpu.vector_store %arg3[%swap3A, %swap3A_6], %dot_general3A_5 {strides = array<i32>} : memref<1000x128xf32, #tpu.memory_space<vmem>>, vector<1000x128xf32>,
    return
  }
  func.func @transform_0(%arg0: i32) -> (i32, i32) {
    %c0_i32 = arith.constant 0 : i32
    %c0_i32_0 = arith.constant 0 : i32
    return %arg0, %c0_i32 : i32, i32
  }
  func.func @transform_1(%arg0: i32) -> (i32, i32) {
    %c0_i32 = arith.constant 0 : i32
    %c0_i32_0 = arith.constant 0 : i32
    %c0_i32_1 = arith.constant 0 : i32
    return %c0_i32, %c0_i32_0 : i32, i32
  }
  func.func @transform_2(%arg0: i32) -> (i32, i32) {
    %c0_i32 = arith.constant 0 : i32
    %c0_i32_0 = arith.constant 0 : i32
    return %arg0, %c0_i32 : i32, i32
  }
}

module attributes {stable_mosaic.version = 14 : i64} {
  func.func @_scale_body(%arg0: i32, %arg1: memref<2x1000x16xf32, #tpu.memory_space<vmem>>, %arg2: memref<1000x128xf32, #tpu.memory_space<vmem>>, %arg3: memref<1000x128xf32, #tpu.memory_space<vmem>>, %arg4: memref<1000x1xf32, #tpu.memory_space<vmem>>) attributes {dimension_semantics = [#tpu.dimension_semantics<arbitrary>], iteration_bounds = array<i64: 10>, scalar_prefetch = 0 : i64, scratch_operands = 0 : i64, tpu.core_type = #tpu.core_type<tc>, window_params = [{transform_indices = @transform_0, window_bounds = array<i64: 2, 1000, 16>}, {transform_indices = @transform_1, window_bounds = array<i64: 1000, 128>}, {transform_indices = @transform_2, window_bounds = array<i64: 1000, 128>}, {transform_indices = @transform_3, window_bounds = array<i64: 1000, 1>}]} {
    %get3A = arith.constant 0 : index
    %get3A_0 = arith.constant 0 : index
    %get3A_1 = arith.constant 0 : index
    %get3A_2 = vector.load %arg1[%get3A, %get3A_0, %get3A_1] : memref<2x1000x16xf32, #tpu.memory_space<vmem>>, vector<1x1000x1xf32>
    %get3A_3 = vector.shape_cast %get3A_2 : vector<1x1000x1xf32> to vector<1000x1xf32>
    %get3A_4 = arith.constant 1 : index
    %get3A_5 = arith.constant 0 : index
    %get3A_6 = arith.constant 0 : index
    %get3A_7 = vector.load %arg1[%get3A_4, %get3A_5, %get3A_6] : memref<2x1000x16xf32, #tpu.memory_space<vmem>>, vector<1x1000x1xf32>
    %get3A_8 = vector.shape_cast %get3A_7 : vector<1x1000x1xf32> to vector<1000x1xf32>
    %add3A = arith.addf %get3A_3, %get3A_8 : vector<1000x1xf32>
    %add3A_9 = arith.constant 1.000000e+00 : f32
    %add3A_10 = vector.broadcast %add3A_9 : f32 to vector<1000x1xf32>
    %add3A_11 = arith.addf %add3A, %add3A_10 : vector<1000x1xf32>
    %rsqrt3A = math.rsqrt %add3A_11 : vector<1000x1xf32>
    %swap3A = arith.constant 0 : index
    %swap3A_12 = arith.constant 0 : index
    %swap3A_13 = vector.load %arg4[%swap3A, %swap3A_12] : memref<1000x1xf32, #tpu.memory_space<vmem>>, vector<1000x1xf32>
    tpu.vector_store %arg4[%swap3A, %swap3A_12], %rsqrt3A {strides = array<i32>} : memref<1000x1xf32, #tpu.memory_space<vmem>>, vector<1000x1xf32>,
    %get3A_14 = arith.constant 0 : index
    %get3A_15 = arith.constant 0 : index
    %get3A_16 = vector.load %arg2[%get3A_14, %get3A_15] : memref<1000x128xf32, #tpu.memory_space<vmem>>, vector<1000x128xf32>
    %mul3A = vector.broadcast %rsqrt3A : vector<1000x1xf32> to vector<1000x128xf32>
    %mul3A_17 = arith.mulf %get3A_16, %mul3A : vector<1000x128xf32>
    %swap3A_18 = arith.constant 0 : index
    %swap3A_19 = arith.constant 0 : index
    %swap3A_20 = vector.load %arg3[%swap3A_18, %swap3A_19] : memref<1000x128xf32, #tpu.memory_space<vmem>>, vector<1000x128xf32>
    tpu.vector_store %arg3[%swap3A_18, %swap3A_19], %mul3A_17 {strides = array<i32>} : memref<1000x128xf32, #tpu.memory_space<vmem>>, vector<1000x128xf32>,
    return
  }
  func.func @transform_0(%arg0: i32) -> (i32, i32, i32) {
    %c0_i32 = arith.constant 0 : i32
    %c0_i32_0 = arith.constant 0 : i32
    %c0_i32_1 = arith.constant 0 : i32
    return %c0_i32, %arg0, %c0_i32_0 : i32, i32, i32
  }
  func.func @transform_1(%arg0: i32) -> (i32, i32) {
    %c0_i32 = arith.constant 0 : i32
    %c0_i32_0 = arith.constant 0 : i32
    return %arg0, %c0_i32 : i32, i32
  }
  func.func @transform_2(%arg0: i32) -> (i32, i32) {
    %c0_i32 = arith.constant 0 : i32
    %c0_i32_0 = arith.constant 0 : i32
    return %arg0, %c0_i32 : i32, i32
  }
  func.func @transform_3(%arg0: i32) -> (i32, i32) {
    %c0_i32 = arith.constant 0 : i32
    %c0_i32_0 = arith.constant 0 : i32
    return %arg0, %c0_i32 : i32, i32
  }
}

module attributes {stable_mosaic.version = 14 : i64} {
  func.func @_final_body(%arg0: i32, %arg1: memref<2x1000x128xf32, #tpu.memory_space<vmem>>, %arg2: memref<1000x128xf32, #tpu.memory_space<vmem>>, %arg3: memref<1000x1xf32, #tpu.memory_space<vmem>>, %arg4: memref<1x128xf32, #tpu.memory_space<vmem>>, %arg5: memref<1000x128xf32, #tpu.memory_space<vmem>>) attributes {dimension_semantics = [#tpu.dimension_semantics<arbitrary>], iteration_bounds = array<i64: 10>, scalar_prefetch = 0 : i64, scratch_operands = 0 : i64, tpu.core_type = #tpu.core_type<tc>, window_params = [{transform_indices = @transform_0, window_bounds = array<i64: 2, 1000, 128>}, {transform_indices = @transform_1, window_bounds = array<i64: 1000, 128>}, {transform_indices = @transform_2, window_bounds = array<i64: 1000, 1>}, {pipeline_mode = #tpu.pipeline_mode<synchronous>, transform_indices = @transform_3, window_bounds = array<i64: 1, 128>}, {transform_indices = @transform_4, window_bounds = array<i64: 1000, 128>}]} {
    %get3A = arith.constant 0 : index
    %get3A_0 = arith.constant 0 : index
    %get3A_1 = arith.constant 0 : index
    %get3A_2 = vector.load %arg1[%get3A, %get3A_0, %get3A_1] : memref<2x1000x128xf32, #tpu.memory_space<vmem>>, vector<1x1000x128xf32>
    %get3A_3 = vector.shape_cast %get3A_2 : vector<1x1000x128xf32> to vector<1000x128xf32>
    %get3A_4 = arith.constant 1 : index
    %get3A_5 = arith.constant 0 : index
    %get3A_6 = arith.constant 0 : index
    %get3A_7 = vector.load %arg1[%get3A_4, %get3A_5, %get3A_6] : memref<2x1000x128xf32, #tpu.memory_space<vmem>>, vector<1x1000x128xf32>
    %get3A_8 = vector.shape_cast %get3A_7 : vector<1x1000x128xf32> to vector<1000x128xf32>
    %add3A = arith.addf %get3A_3, %get3A_8 : vector<1000x128xf32>
    %get3A_9 = arith.constant 0 : index
    %get3A_10 = arith.constant 0 : index
    %get3A_11 = vector.load %arg2[%get3A_9, %get3A_10] : memref<1000x128xf32, #tpu.memory_space<vmem>>, vector<1000x128xf32>
    %add3A_12 = arith.addf %add3A, %get3A_11 : vector<1000x128xf32>
    %get3A_13 = arith.constant 0 : index
    %get3A_14 = arith.constant 0 : index
    %get3A_15 = vector.load %arg3[%get3A_13, %get3A_14] : memref<1000x1xf32, #tpu.memory_space<vmem>>, vector<1000x1xf32>
    %mul3A = vector.broadcast %get3A_15 : vector<1000x1xf32> to vector<1000x128xf32>
    %mul3A_16 = arith.mulf %add3A_12, %mul3A : vector<1000x128xf32>
    %get3A_17 = arith.constant 0 : index
    %get3A_18 = arith.constant 0 : index
    %get3A_19 = vector.load %arg4[%get3A_17, %get3A_18] : memref<1x128xf32, #tpu.memory_space<vmem>>, vector<1x128xf32>
    %add3A_20 = vector.broadcast %get3A_19 : vector<1x128xf32> to vector<1000x128xf32>
    %add3A_21 = arith.addf %mul3A_16, %add3A_20 : vector<1000x128xf32>
    %max3A = arith.constant 0.000000e+00 : f32
    %max3A_22 = vector.broadcast %max3A : f32 to vector<1000x128xf32>
    %max3A_23 = arith.maximumf %add3A_21, %max3A_22 : vector<1000x128xf32>
    %swap3A = arith.constant 0 : index
    %swap3A_24 = arith.constant 0 : index
    %swap3A_25 = vector.load %arg5[%swap3A, %swap3A_24] : memref<1000x128xf32, #tpu.memory_space<vmem>>, vector<1000x128xf32>
    tpu.vector_store %arg5[%swap3A, %swap3A_24], %max3A_23 {strides = array<i32>} : memref<1000x128xf32, #tpu.memory_space<vmem>>, vector<1000x128xf32>,
    return
  }
  func.func @transform_0(%arg0: i32) -> (i32, i32, i32) {
    %c0_i32 = arith.constant 0 : i32
    %c0_i32_0 = arith.constant 0 : i32
    %c0_i32_1 = arith.constant 0 : i32
    return %c0_i32, %arg0, %c0_i32_0 : i32, i32, i32
  }
  func.func @transform_1(%arg0: i32) -> (i32, i32) {
    %c0_i32 = arith.constant 0 : i32
    %c0_i32_0 = arith.constant 0 : i32
    return %arg0, %c0_i32 : i32, i32
  }
  func.func @transform_2(%arg0: i32) -> (i32, i32) {
    %c0_i32 = arith.constant 0 : i32
    %c0_i32_0 = arith.constant 0 : i32
    return %arg0, %c0_i32 : i32, i32
  }
  func.func @transform_3(%arg0: i32) -> (i32, i32) {
    %c0_i32 = arith.constant 0 : i32
    %c0_i32_0 = arith.constant 0 : i32
    %c0_i32_1 = arith.constant 0 : i32
    return %c0_i32, %c0_i32_0 : i32, i32
  }
  func.func @transform_4(%arg0: i32) -> (i32, i32) {
    %c0_i32 = arith.constant 0 : i32
    %c0_i32_0 = arith.constant 0 : i32
    return %arg0, %c0_i32 : i32, i32
  }
}

module attributes {stable_mosaic.version = 14 : i64} {
  func.func @_layer_body(%arg0: i32, %arg1: memref<2x1000x128xf32, #tpu.memory_space<vmem>>, %arg2: memref<1000x128xf32, #tpu.memory_space<vmem>>, %arg3: memref<1000x1xf32, #tpu.memory_space<vmem>>, %arg4: memref<1x128xf32, #tpu.memory_space<vmem>>, %arg5: memref<128x128xf32, #tpu.memory_space<vmem>>, %arg6: memref<1000x128xf32, #tpu.memory_space<vmem>>) attributes {dimension_semantics = [#tpu.dimension_semantics<arbitrary>], iteration_bounds = array<i64: 10>, scalar_prefetch = 0 : i64, scratch_operands = 0 : i64, tpu.core_type = #tpu.core_type<tc>, window_params = [{transform_indices = @transform_0, window_bounds = array<i64: 2, 1000, 128>}, {transform_indices = @transform_1, window_bounds = array<i64: 1000, 128>}, {transform_indices = @transform_2, window_bounds = array<i64: 1000, 1>}, {pipeline_mode = #tpu.pipeline_mode<synchronous>, transform_indices = @transform_3, window_bounds = array<i64: 1, 128>}, {pipeline_mode = #tpu.pipeline_mode<synchronous>, transform_indices = @transform_4, window_bounds = array<i64: 128, 128>}, {transform_indices = @transform_5, window_bounds = array<i64: 1000, 128>}]} {
    %get3A = arith.constant 0 : index
    %get3A_0 = arith.constant 0 : index
    %get3A_1 = vector.load %arg3[%get3A, %get3A_0] : memref<1000x1xf32, #tpu.memory_space<vmem>>, vector<1000x1xf32>
    %get3A_2 = arith.constant 0 : index
    %get3A_3 = arith.constant 0 : index
    %get3A_4 = arith.constant 0 : index
    %get3A_5 = vector.load %arg1[%get3A_2, %get3A_3, %get3A_4] : memref<2x1000x128xf32, #tpu.memory_space<vmem>>, vector<1x1000x128xf32>
    %get3A_6 = vector.shape_cast %get3A_5 : vector<1x1000x128xf32> to vector<1000x128xf32>
    %get3A_7 = arith.constant 1 : index
    %get3A_8 = arith.constant 0 : index
    %get3A_9 = arith.constant 0 : index
    %get3A_10 = vector.load %arg1[%get3A_7, %get3A_8, %get3A_9] : memref<2x1000x128xf32, #tpu.memory_space<vmem>>, vector<1x1000x128xf32>
    %get3A_11 = vector.shape_cast %get3A_10 : vector<1x1000x128xf32> to vector<1000x128xf32>
    %add3A = arith.addf %get3A_6, %get3A_11 : vector<1000x128xf32>
    %get3A_12 = arith.constant 0 : index
    %get3A_13 = arith.constant 0 : index
    %get3A_14 = vector.load %arg2[%get3A_12, %get3A_13] : memref<1000x128xf32, #tpu.memory_space<vmem>>, vector<1000x128xf32>
    %add3A_15 = arith.addf %add3A, %get3A_14 : vector<1000x128xf32>
    %mul3A = vector.broadcast %get3A_1 : vector<1000x1xf32> to vector<1000x128xf32>
    %mul3A_16 = arith.mulf %add3A_15, %mul3A : vector<1000x128xf32>
    %get3A_17 = arith.constant 0 : index
    %get3A_18 = arith.constant 0 : index
    %get3A_19 = vector.load %arg4[%get3A_17, %get3A_18] : memref<1x128xf32, #tpu.memory_space<vmem>>, vector<1x128xf32>
    %add3A_20 = vector.broadcast %get3A_19 : vector<1x128xf32> to vector<1000x128xf32>
    %add3A_21 = arith.addf %mul3A_16, %add3A_20 : vector<1000x128xf32>
    %max3A = arith.constant 0.000000e+00 : f32
    %max3A_22 = vector.broadcast %max3A : f32 to vector<1000x128xf32>
    %max3A_23 = arith.maximumf %add3A_21, %max3A_22 : vector<1000x128xf32>
    %get3A_24 = arith.constant 0 : index
    %get3A_25 = arith.constant 0 : index
    %get3A_26 = vector.load %arg5[%get3A_24, %get3A_25] : memref<128x128xf32, #tpu.memory_space<vmem>>, vector<128x128xf32>
    %dot_general3A = arith.constant dense<0.000000e+00> : vector<1000x128xf32>
    %dot_general3A_27 = tpu.matmul %max3A_23, %get3A_26, %dot_general3A {dimension_numbers = #tpu.dot_dimension_numbers<[1], [0], [0], [1], [0, 0, 1, 1], [], []>, transpose_lhs_hint = false} : vector<1000x128xf32>, vector<128x128xf32>, vector<1000x128xf32> -> vector<1000x128xf32>
    %mul3A_28 = vector.broadcast %get3A_1 : vector<1000x1xf32> to vector<1000x128xf32>
    %mul3A_29 = arith.mulf %dot_general3A_27, %mul3A_28 : vector<1000x128xf32>
    %swap3A = arith.constant 0 : index
    %swap3A_30 = arith.constant 0 : index
    %swap3A_31 = vector.load %arg6[%swap3A, %swap3A_30] : memref<1000x128xf32, #tpu.memory_space<vmem>>, vector<1000x128xf32>
    tpu.vector_store %arg6[%swap3A, %swap3A_30], %mul3A_29 {strides = array<i32>} : memref<1000x128xf32, #tpu.memory_space<vmem>>, vector<1000x128xf32>,
    return
  }
  func.func @transform_0(%arg0: i32) -> (i32, i32, i32) {
    %c0_i32 = arith.constant 0 : i32
    %c0_i32_0 = arith.constant 0 : i32
    %c0_i32_1 = arith.constant 0 : i32
    return %c0_i32, %arg0, %c0_i32_0 : i32, i32, i32
  }
  func.func @transform_1(%arg0: i32) -> (i32, i32) {
    %c0_i32 = arith.constant 0 : i32
    %c0_i32_0 = arith.constant 0 : i32
    return %arg0, %c0_i32 : i32, i32
  }
  func.func @transform_2(%arg0: i32) -> (i32, i32) {
    %c0_i32 = arith.constant 0 : i32
    %c0_i32_0 = arith.constant 0 : i32
    return %arg0, %c0_i32 : i32, i32
  }
  func.func @transform_3(%arg0: i32) -> (i32, i32) {
    %c0_i32 = arith.constant 0 : i32
    %c0_i32_0 = arith.constant 0 : i32
    %c0_i32_1 = arith.constant 0 : i32
    return %c0_i32, %c0_i32_0 : i32, i32
  }
  func.func @transform_4(%arg0: i32) -> (i32, i32) {
    %c0_i32 = arith.constant 0 : i32
    %c0_i32_0 = arith.constant 0 : i32
    %c0_i32_1 = arith.constant 0 : i32
    return %c0_i32, %c0_i32_0 : i32, i32
  }
  func.func @transform_5(%arg0: i32) -> (i32, i32) {
    %c0_i32 = arith.constant 0 : i32
    %c0_i32_0 = arith.constant 0 : i32
    return %arg0, %c0_i32 : i32, i32
  }
}

</mosaic_0001>

<sc_bundles>
// kernel: kernel.11.cloned.1.call-start
scs
__scs_entry_jumppad:
0x0: {  	(pc) =	sbr.rel $0x88, $3  }
0x1: {  	(tag) =	ssettag $0x0;
	lr =	simm.s32 $0x1  }
0x2: {  	[smem:$0x3F99] =	sst lr;
	_ =	strace $0xD0000000  }
0x3: {  	_ = 	snop  }
0x4: {  	_ = 	snop  }
0x5: {  	_ = 	snop  }
0x6: {  	_ = 	snop  }
0x7: {  	_ = 	snop  }
__scs_overlays_trampoline_lowered:
0x8: {  	[smem:$0x3FA8] =	sst s0  }
0x9: {  	[smem:$0x3FA9] =	sst s1  }
0xa: {  	[smem:$0x3FAA] =	sst s2  }
0xb: {  	[smem:$0x3FAB] =	sst s3  }
0xc: {  	[smem:$0x3FAC] =	sst s4  }
0xd: {  	[smem:$0x3FAD] =	sst s5  }
0xe: {  	[smem:$0x3FAE] =	sst s6  }
0xf: {  	[smem:$0x3FAF] =	sst s7  }
0x10: {  	[smem:$0x3FB0] =	sst s8  }
0x11: {  	[smem:$0x3FB1] =	sst s9;
	s0 =	simm.s32 @!p0 $0x0  }
0x12: {  	s1 =	sld [smem:$0x3F97];
	s0 =	simm.s32 @p0 $0x1  }
0x13: {  	[smem:$0x3FB2] =	sst s0;
	s0 =	simm.s32 @!p1 $0x0  }
0x14: {  	s2 =	sld [smem:$0x3F96];
	s0 =	simm.s32 @p1 $0x1  }
0x15: {  	[smem:$0x3FB3] =	sst s0;
	s0 =	simm.s32 @!p2 $0x0  }
0x16: {  	s3 =	sld [smem:$0x3FDB];
	s0 =	simm.s32 @p2 $0x1  }
0x17: {  	s4 =	simm.s32 $0x1BF5;
	[smem:$0x3FB5] =	sst s0  }
0x18: {  	s0 =	sld [smem:$0x3F98];
	_ =	swait.ge [sflag:s4], $0x0  }
0x19: {  	s7 =	sld [smem:$0x3F99]  }
0x1a: {  	s8 =	sadd.s32 $0xFFFFE003, lr  }
0x1b: {  	s9 =	sadd.s32 $0xFFFFFEF7, lr;
	s5 =	simm.s32 $0xFFFFFFFF;
	p2 =	slt.u32 s8, $0xFFFFF086  }
0x1c: {  	p1 =	slt.u32 s9, $0xF7A;
	s5 =	simm.s32 @!p2 $0x0  }
0x1d: {  	s5 =	simm.s32 @p1 $0x1;
	p0 =	seq.s32 s7, s2  }
0x1e: {  	s7 =	smul.u32 @!p0 $0xF7A, s2;
	p2 =	seq.s32 @!p0 s5, $0x0  }
0x1f: {  	s9 =	smul.u32 $0xF7A, s1;
	s8 =	simm.s32 @!p0 $0x1BF5;
	p2 =	por !p2, p0  }
0x20: {  	[sflag:s8] =	ssyncset.s32 @!p0 $0xFFFFF086;
	s6 =	sadd.s32 @!p0 s3, s7;
	s7 =	simm.s32 @!p0 $0x108  }
0x21: {  	s3 =	sadd.s32 s3, s9;
	s6 =	sadd.s32 @!p0 $0x88, s6;
	s7 =	simm.s32 @p2 $0x1082  }
0x22: {  	[simem:s7], [sflag:s8] =	dma.local @!p0 [hbm:s6], $0xF7A  }
0x23: {  	s9 =	sor.u32 $0xD0000000, s2;
	s6 =	simm.s32 $0x108;
	_ =	swait.ge @!p0 [sflag:s8], $0x0  }
0x24: {  	s3 =	sadd.s32 $0x88, s3;
	s6 =	simm.s32 @!p1 $0x1082;
	[sflag:s4] =	ssyncset.s32 $0xFFFFF086  }
0x25: {  	[simem:s6], [sflag:s4] =	dma.local [hbm:s3], $0xF7A  }
0x26: {  	[smem:$0x3F99] =	sst s1;
	(tag) =	ssettag s2;
	_ =	strace s9  }
0x27: {  	s1 =	sld [smem:$0x3FA9]  }
0x28: {  	s2 =	sld [smem:$0x3FAA]  }
0x29: {  	s4 =	sld [smem:$0x3FAC]  }
0x2a: {  	p0 =	seq.s32 s5, $0x0;
	s5 =	sld [smem:$0x3FAD]  }
0x2b: {  	s6 =	sld [smem:$0x3FAE]  }
0x2c: {  	s7 =	sld [smem:$0x3FAF]  }
0x2d: {  	s3 =	simm.s32 $0x108;
	s8 =	sld [smem:$0x3FB0]  }
0x2e: {  	s3 =	simm.s32 @!p0 $0x1082;
	s9 =	sld [smem:$0x3FB1]  }
0x2f: {  	lr =	sadd.s32 s0, s3;
	s0 =	sld [smem:$0x3FA8]  }
0x30: {  	s3 =	sld [smem:$0x3FAB]  }
0x31: {  	[smem:$0x3FB4] =	sst s10  }
0x32: {  	s10 =	sld [smem:$0x3FB2];
	_ =	sdelay $0x3  }
0x33: {  	p0 =	seq.s32 s10, $0x1;
	s10 =	sld [smem:$0x3FB4];
	_ =	sdelay $0x3  }
0x34: {  	[smem:$0x3FB4] =	sst s10  }
0x35: {  	s10 =	sld [smem:$0x3FB3];
	_ =	sdelay $0x3  }
0x36: {  	p1 =	seq.s32 s10, $0x1;
	s10 =	sld [smem:$0x3FB4];
	_ =	sdelay $0x3  }
0x37: {  	[smem:$0x3FB4] =	sst s10  }
0x38: {  	s10 =	sld [smem:$0x3FB5]  }
0x39: {  	_ = 	snop;
	(pc) =	sbr.ind lr, $3  }
0x3a: {  	_ = 	snop  }
0x3b: {  	_ = 	snop  }
0x3c: {  	p2 =	seq.s32 s10, $0x1;
	s10 =	sld [smem:$0x3FB4]  }
0x3d: {  	_ =	shalt  }
0x3e: {  	_ =	shalt  }
0x3f: {  	_ =	shalt  }
0x40: {  	_ =	shalt  }
0x41: {  	_ =	shalt  }
0x42: {  	_ =	shalt  }
0x43: {  	_ =	shalt  }
0x44: {  	_ =	shalt  }
0x45: {  	_ =	shalt  }
0x46: {  	_ =	shalt  }
0x47: {  	_ =	shalt  }
0x48: {  	_ =	shalt  }
0x49: {  	_ =	shalt  }
0x4a: {  	_ =	shalt  }
0x4b: {  	_ =	shalt  }
0x4c: {  	_ =	shalt  }
0x4d: {  	_ =	shalt  }
0x4e: {  	_ =	shalt  }
0x4f: {  	_ =	shalt  }
0x50: {  	_ =	shalt  }
0x51: {  	_ =	shalt  }
0x52: {  	_ =	shalt  }
0x53: {  	_ =	shalt  }
0x54: {  	_ =	shalt  }
0x55: {  	_ =	shalt  }
0x56: {  	_ =	shalt  }
0x57: {  	_ =	shalt  }
0x58: {  	_ =	shalt  }
0x59: {  	_ =	shalt  }
0x5a: {  	_ =	shalt  }
0x5b: {  	_ =	shalt  }
0x5c: {  	_ =	shalt  }
0x5d: {  	_ =	shalt  }
0x5e: {  	_ =	shalt  }
0x5f: {  	_ =	shalt  }
0x60: {  	_ =	shalt  }
0x61: {  	_ =	shalt  }
0x62: {  	_ =	shalt  }
0x63: {  	_ =	shalt  }
0x64: {  	_ =	shalt  }
0x65: {  	_ =	shalt  }
0x66: {  	_ =	shalt  }
0x67: {  	_ =	shalt  }
0x68: {  	_ =	shalt  }
0x69: {  	_ =	shalt  }
0x6a: {  	_ =	shalt  }
0x6b: {  	_ =	shalt  }
0x6c: {  	_ =	shalt  }
0x6d: {  	_ =	shalt  }
0x6e: {  	_ =	shalt  }
0x6f: {  	_ =	shalt  }
0x70: {  	_ =	shalt  }
0x71: {  	_ =	shalt  }
0x72: {  	_ =	shalt  }
0x73: {  	_ =	shalt  }
0x74: {  	_ =	shalt  }
0x75: {  	_ =	shalt  }
0x76: {  	_ =	shalt  }
0x77: {  	_ =	shalt  }
0x78: {  	_ =	shalt  }
0x79: {  	_ =	shalt  }
0x7a: {  	_ =	shalt  }
0x7b: {  	_ =	shalt  }
0x7c: {  	_ =	shalt  }
0x7d: {  	_ =	shalt  }
0x7e: {  	_ =	shalt  }
0x7f: {  	_ =	shalt  }
0x80: {  	_ =	shalt  }
0x81: {  	_ =	shalt  }
0x82: {  	_ =	shalt  }
0x83: {  	_ =	shalt  }
0x84: {  	_ =	shalt  }
0x85: {  	_ =	shalt  }
0x86: {  	_ =	shalt  }
0x87: {  	_ =	shalt  }
.Lfunc_end0:
.L_simem_size_0:
called_computation_lowered:
.L_overlay_start_0:
0x88: {  	s2 =	sld [smem:$0x3FD9]  }
0x89: {  	s3 =	sld [smem:$0x3FFE];
	_ =	sdelay $0x1  }
0x8a: {  	s1 =	srdreg.scid  }
0x8b: {  	s0 =	sand.u32 $0x1, s1  }
0x8c: {  	s16 =	sshll.u32 s0, $0xA;
	s2 =	sadd.s32 s3, s2  }
0x8d: {  	s2 =	sadd.s32 s2, s16  }
0x8e: {  	[smem:$0x3FC0] =	sst s2  }
0x8f: {  	_ = 	snop  }
0x90: {  	(tm) =	ssettm $0x1  }
0x91: {  	s17 =	sld [smem:$0x3FFB];
	_ =	sdelay $0x3  }
0x92: {  	_ =	strace s17  }
0x93: {  	s2 =	sld [smem:$0x3FFC];
	_ =	sdelay $0x3  }
0x94: {  	_ =	strace s2  }
0x95: {  	s2 =	sld [smem:$0x3FFD];
	_ =	sdelay $0x3  }
0x96: {  	_ =	strace s2  }
0x97: {  	_ =	strace $0x8FFFFFFF  }
0x98: {  	s18 =	sld [smem:$0x3FDB];
	_ =	sdelay $0x1  }
0x99: {  	s19 =	simm.s32 $_scs_section_size  }
0x9a: {  	s4 =	simm.s32 $_size__tile_overlayer_lowered;
	s5 =	simm.s32 $_tile_overlayer_lowered  }
0x9b: {  	s22 =	simm.s32 $0x1BFF;
	s21 =	sshll.u32 s5, $0x1;
	s2 =	sadd.s32 s19, s18  }
0x9c: {  	s6 =	simm.s32 $0x0;
	s20 =	sshll.u32 s4, $0x1;
	s4 =	sadd.s32 s21, s2  }
0x9d: {  	[timem:s6], [sflag:s22] =	dma.local [hbm:s4], s20  }
0x9e: {  	_ =	swait.ge [sflag:s22], s20  }
0x9f: {  	s3 =	ssub.s32 $0x0, s20;
	[sflag:s22] =	ssyncset.done $0x0  }
0xa0: {  	[sflag:s22] =	ssyncadd.s32 s3;
	_ =	sdelay $0x1  }
0xa1: {  	s23 =	simm.s32 $0x1B8B  }
0xa2: {  	_ =	swait.ge [sflag:s23], $0x1  }
0xa3: {  	[sflag:s23] =	ssyncset.done $0x0  }
0xa4: {  	s25 =	simm.s32 $0x1B8E;
	s24 =	sld [smem:$0x3FFE];
	[sflag:s23] =	ssyncadd.s32 $0xFFFFFFFF  }
0xa5: {  	s26 =	simm.s32 $execute0_lowered;
	[smem:$0x3FD2] =	sst s25  }
0xa6: {  	s4 =	sshll.u32 s26, $0x1;
	_ =	strace $0x80000046;
	[dreg:$0x1] =	wrdreg $0xFFFFFFFF  }
0xa7: {  	s28 =	simm.s32 $_size_execute0_lowered;
	s2 =	sadd.s32 s2, s4;
	[dreg:$0x0] =	wrdreg $0x0  }
0xa8: {  	s4 =	sshll.u32 s28, $0x1;
	[dreg:$0x2] =	wrdreg s2  }
0xa9: {  	[dreg:$0x3] =	wrdreg s4  }
0xaa: {  	[dreg:$0x4] =	wrdreg $0xC0  }
0xab: {  	_ =	task [dreg:s6], $0x5FFFF  }
0xac: {  	[dreg:$0x1] =	wrdreg $0xFFFFFFFF  }
0xad: {  	[dreg:$0x0] =	wrdreg $0x60  }
0xae: {  	[dreg:$0x2] =	wrdreg s24  }
0xaf: {  	[dreg:$0x3] =	wrdreg $0x0  }
0xb0: {  	[dreg:$0x4] =	wrdreg $0x9  }
0xb1: {  	_ =	task.clear_ibuf [dreg:s6], $0x5FFFF;
	_ =	strace $0x90000046  }
0xb2: {  	s29 =	simm.s32 $0x9;
	_ =	strace $0x80000048  }
0xb3: {  	_ =	swait.ge [sflag:s29], $0x1  }
0xb4: {  	[sflag:s29] =	ssyncadd.s32 $0xFFFFFFFF  }
0xb5: {  	_ =	strace $0x90000048  }
0xb6: {  	_ =	sfence  }
0xb7: {  	s30 =	sld [smem:$0x0];
	_ =	sdelay $0x2  }
0xb8: {  	s31 =	sshll.u32 s1, $0xD;
	s1 =	sshrl.u32 s1, $0x2  }
0xb9: {  	s3 =	sand.u32 $0x4000, s31;
	s1 =	sadd.s32 s1, s30  }
0xba: {  	s0 =	sor.u32 s3, s0;
	s1 =	sshll.u32 s1, $0x11  }
0xbb: {  	s0 =	sor.u32 s1, s0  }
0xbc: {  	s0 =	sadd.s32 $0x8F2B, s0  }
0xbd: {  	[sflag:s0] =	ssyncadd.remote.s32 $0x1  }
0xbe: {  	_ =	sfence.sel $0xFFFF  }
0xbf: {  	[dreg:$0x0] =	wrdreg $0xFFFFFFFF;
	(pc) =	sbr.abs _section_cstart, $3  }
0xc0: {  	[dreg:$0x1] =	wrdreg $0xFFFFFFFF  }
0xc1: {  	_ =	task.clear_ibuf [dreg:s6], $0x2FFFF;
	_ =	strace $0x9FFFFFFF  }
0xc2: {  	(tm) =	ssettm $0x7FFFFFFF  }
0xc3: {  	_ =	shalt  }
tec
execute0_lowered:
.L_overlay_start_1:
0x0: {  	(tag) =	ssettag $0x1  }
0x1: {  	s0 =	srdreg.scid;
	s5 =	rddreg [dreg:$0x0]  }
0x2: {  	s2 =	rddreg [dreg:$0x1];
	s3 =	simm.s32 $0x0;
	s12 =	simm.s32 $0x5  }
0x3: {  	s13 =	simm.s32 $0x2800;
	s14 =	simm.s32 $0x80;
	s15 =	simm.s32 $0x2880  }
0x4: {  	s16 =	simm.s32 $0x2900;
	s17 =	simm.s32 $0x2980;
	s18 =	simm.s32 $0x1  }
0x5: {  	s19 =	simm.s32 $0x2;
	s4 =	sand.u32 $0x1, s0;
	s0 =	stileid.u32  }
0x6: {  	s20 =	simm.s32 $0x3;
	s21 =	simm.s32 $0x4;
	s7 =	smul.u32 $0x50000, s0  }
0x7: {  	[smem:$0x7FF] =	sst s3;
	s1 =	sshll.u32 s4, $0x4;
	s8 =	smul.u32 $0x28000, s4  }
0x8: {  	s29 =	ssub.s32 $0x2, s4;
	s23 =	smul.u32 $0x2800, s0;
	s24 =	sshll.u32 s0, $0x6  }
0x9: {  	s6 =	sor.u32 s0, s1;
	s1 =	rddreg [dreg:$0x2];
	_ =	strace $0x80000047  }
0xa: {  	s31 =	sshrl.u32 s29, $0x1;
	s6 =	smul.u32 $0x500, s6;
	s30 =	sshrl.u32 s7, $0x2  }
0xb: {  	s10 =	sadd.s32 s8, s5;
	s11 =	ssub.s32 s29, s31;
	s4 =	sadd.s32 s30, s2  }
0xc: {  	s22 =	sadd.s32 $0xC800, s10;
	s10 =	smax.u32 s11, $0x1;
	s11 =	simm.s32 $0x5000  }
0xd: {  	s9 =	sadd.s32 s6, s5;
	s5 =	sadd.s32 $0x4000, s4;
	s6 =	sadd.s32 $0x8000, s4  }
0xe: {  	s7 =	sadd.s32 $0xC000, s4;
	s8 =	sadd.s32 $0x10000, s4;
	s22 =	sadd.s32 s23, s22  }
0xf: {  	v0 =	vimm.f32 $0.0e+00;
	v1 =	vimm.f32 $1.000000000e+00;
	s23 =	sor.u32 $0x1C05, s24;
	s24 =	simm.s32 $0x0;
	s9 =	sadd.s32 $0x2800, s9  }
.LBB2_1:
0x10: {  	s25 =	simm.s32 $0x200;
	s26 =	simm.s32 $0x0  }
.LBB2_2:
0x11: {  	p0 =	sne.s32 s25, $0xFE00;
	[tilespmem:s26+$0x5000] =	vst v0;
	s26 =	smov.u32 s25;
	s25 =	sadd.s32 $0x200, s25  }
.Ltmp0:
0x12: {  	(pc) =	sbr.rel @p0 .LBB2_2-.Ltmp0, $2  }
0x13: {  	_ =	sdelay $0x2  }
0x14: {  	s26 =	sshra.s32 s26, $0x2  }
0x15: {  	[tilespmem:s26+$0x5000] =	vst v0  }
0x16: {  	[spmem:s4] =	stream.linear.scatter [tilespmem:s11], [sflag:$0x5], $0x4000, $0x38;
	[tilespmem:$0x9000] =	vst v63  }
0x17: {  	_ =	swait.ge [sflag:s12], $0x4000  }
0x18: {  	[sflag:s12] =	ssyncset.done $0x0  }
0x19: {  	[sflag:s12] =	ssyncadd.s32 $0xFFFFC000  }
0x1a: {  	[spmem:s5] =	stream.linear.scatter [tilespmem:s11], [sflag:$0x5], $0x4000, $0x38;
	[tilespmem:$0x9000] =	vst v63  }
0x1b: {  	_ =	swait.ge [sflag:s12], $0x4000  }
0x1c: {  	[sflag:s12] =	ssyncset.done $0x0  }
0x1d: {  	[sflag:s12] =	ssyncadd.s32 $0xFFFFC000  }
0x1e: {  	[spmem:s6] =	stream.linear.scatter [tilespmem:s11], [sflag:$0x5], $0x4000, $0x38;
	[tilespmem:$0x9000] =	vst v63  }
0x1f: {  	_ =	swait.ge [sflag:s12], $0x4000  }
0x20: {  	[sflag:s12] =	ssyncset.done $0x0  }
0x21: {  	[sflag:s12] =	ssyncadd.s32 $0xFFFFC000  }
0x22: {  	[spmem:s7] =	stream.linear.scatter [tilespmem:s11], [sflag:$0x5], $0x4000, $0x38;
	[tilespmem:$0x9000] =	vst v63  }
0x23: {  	_ =	swait.ge [sflag:s12], $0x4000  }
0x24: {  	[sflag:s12] =	ssyncset.done $0x0  }
0x25: {  	[sflag:s12] =	ssyncadd.s32 $0xFFFFC000  }
0x26: {  	[spmem:s8] =	stream.linear.scatter [tilespmem:s11], [sflag:$0x5], $0x4000, $0x38;
	[tilespmem:$0x9000] =	vst v63  }
0x27: {  	_ =	swait.ge [sflag:s12], $0x4000  }
0x28: {  	[sflag:s12] =	ssyncset.done $0x0  }
0x29: {  	s25 =	simm.s32 $0x200;
	s26 =	simm.s32 $0x0;
	[sflag:s12] =	ssyncadd.s32 $0xFFFFC000  }
.LBB2_4:
0x2a: {  	p0 =	sne.s32 s25, $0xFE00;
	[tilespmem:s26+$0x5000] =	vst v1;
	s26 =	smov.u32 s25;
	s25 =	sadd.s32 $0x200, s25  }
.Ltmp1:
0x2b: {  	(pc) =	sbr.rel @p0 .LBB2_4-.Ltmp1, $2  }
0x2c: {  	_ =	sdelay $0x2  }
0x2d: {  	s26 =	sshra.s32 s26, $0x2  }
0x2e: {  	[tilespmem:s26+$0x5000] =	vst v1  }
0x2f: {  	[tilespmem:s13], [sflag:$0x5] =	stream.linear.gather [hbm4b:s9+s3], $0x2800, $0x38;
	[tilespmem:$0x9000] =	vst v63  }
0x30: {  	_ =	swait.ge [sflag:s12], $0x2800  }
0x31: {  	[sflag:s12] =	ssyncset.done $0x0  }
0x32: {  	[sflag:s12] =	ssyncadd.s32 $0xFFFFD800  }
0x33: {  	[bflag:$0x0] =	sbarrier.arrive $0xFFFF  }
0x34: {  	[spmem:s2] =	stream.indirect.scatter.add.f32 [tilespmem:s11], [sflag:$0x1], $0x10, s13, s14, $0xb8;
	[tilespmem:$0x9000] =	vst v63  }
0x35: {  	_ = 	snop  }
0x36: {  	[spmem:s2] =	stream.indirect.scatter.add.f32 [tilespmem:s11], [sflag:$0x2], $0x10, s15, s14, $0xb8;
	[tilespmem:$0x9000] =	vst v63  }
0x37: {  	_ = 	snop  }
0x38: {  	[spmem:s2] =	stream.indirect.scatter.add.f32 [tilespmem:s11], [sflag:$0x3], $0x10, s16, s14, $0xb8;
	[tilespmem:$0x9000] =	vst v63  }
0x39: {  	_ = 	snop  }
0x3a: {  	[spmem:s2] =	stream.indirect.scatter.add.f32 [tilespmem:s11], [sflag:$0x4], $0x10, s17, s14, $0xb8;
	[tilespmem:$0x9000] =	vst v63  }
0x3b: {  	_ =	swait.ge [sflag:s18], $0x800  }
0x3c: {  	[sflag:s18] =	ssyncset.done $0x0  }
0x3d: {  	s25 =	simm.s32 $0x2A00;
	[sflag:s18] =	ssyncadd.s32 $0xFFFFF800  }
0x3e: {  	[spmem:s2] =	stream.indirect.scatter.add.f32 [tilespmem:s11], [sflag:$0x1], $0x10, s25, s14, $0xb8;
	[tilespmem:$0x9000] =	vst v63  }
0x3f: {  	_ =	swait.ge [sflag:s19], $0x800  }
0x40: {  	[sflag:s19] =	ssyncset.done $0x0  }
0x41: {  	s30 =	simm.s32 $0x2A80;
	[sflag:s19] =	ssyncadd.s32 $0xFFFFF800  }
0x42: {  	[spmem:s2] =	stream.indirect.scatter.add.f32 [tilespmem:s11], [sflag:$0x2], $0x10, s30, s14, $0xb8;
	[tilespmem:$0x9000] =	vst v63  }
0x43: {  	_ =	swait.ge [sflag:s20], $0x800  }
0x44: {  	[sflag:s20] =	ssyncset.done $0x0  }
0x45: {  	s31 =	simm.s32 $0x2B00;
	[sflag:s20] =	ssyncadd.s32 $0xFFFFF800  }
0x46: {  	[spmem:s2] =	stream.indirect.scatter.add.f32 [tilespmem:s11], [sflag:$0x3], $0x10, s31, s14, $0xb8;
	[tilespmem:$0x9000] =	vst v63  }
0x47: {  	_ =	swait.ge [sflag:s21], $0x800  }
0x48: {  	[sflag:s21] =	ssyncset.done $0x0  }
0x49: {  	s26 =	simm.s32 $0x2B80;
	s25 =	simm.s32 $0xFFFF7000;
	[sflag:s21] =	ssyncadd.s32 $0xFFFFF800  }
.LBB2_6:
0x4a: {  	[spmem:s2] =	stream.indirect.scatter.add.f32 [tilespmem:s11], [sflag:$0x4], $0x10, s26, s14, $0xb8;
	[tilespmem:$0x9000] =	vst v63  }
0x4b: {  	s26 =	smov.u32 s25  }
0x4c: {  	p0 =	sne.s32 s25, $0xFFFFF800;
	s25 =	sadd.s32 $0x800, s25;
	_ =	swait.ge [sflag:s18], $0x800  }
0x4d: {  	s26 =	sshra.s32 s26, $0x2;
	[sflag:s18] =	ssyncset.done $0x0  }
0x4e: {  	s28 =	sadd.s32 $0x5000, s26;
	[sflag:s18] =	ssyncadd.s32 $0xFFFFF800  }
0x4f: {  	[spmem:s2] =	stream.indirect.scatter.add.f32 [tilespmem:s11], [sflag:$0x1], $0x10, s28, s14, $0xb8;
	[tilespmem:$0x9000] =	vst v63  }
0x50: {  	_ =	swait.ge [sflag:s19], $0x800  }
0x51: {  	[sflag:s19] =	ssyncset.done $0x0  }
0x52: {  	s28 =	sadd.s32 $0x5080, s26;
	[sflag:s19] =	ssyncadd.s32 $0xFFFFF800  }
0x53: {  	[spmem:s2] =	stream.indirect.scatter.add.f32 [tilespmem:s11], [sflag:$0x2], $0x10, s28, s14, $0xb8;
	[tilespmem:$0x9000] =	vst v63  }
0x54: {  	_ =	swait.ge [sflag:s20], $0x800  }
0x55: {  	[sflag:s20] =	ssyncset.done $0x0  }
.Ltmp2:
0x56: {  	s28 =	sadd.s32 $0x5100, s26;
	[sflag:s20] =	ssyncadd.s32 $0xFFFFF800;
	(pc) =	sbr.rel @p0 .LBB2_6-.Ltmp2, $4  }
0x57: {  	[spmem:s2] =	stream.indirect.scatter.add.f32 [tilespmem:s11], [sflag:$0x3], $0x10, s28, s14, $0xb8;
	[tilespmem:$0x9000] =	vst v63  }
0x58: {  	_ =	swait.ge [sflag:s21], $0x800  }
0x59: {  	[sflag:s21] =	ssyncset.done $0x0  }
0x5a: {  	s26 =	sadd.s32 $0x5180, s26;
	[sflag:s21] =	ssyncadd.s32 $0xFFFFF800  }
0x5b: {  	[spmem:s2] =	stream.indirect.scatter.add.f32 [tilespmem:s11], [sflag:$0x4], $0x10, s26, s14, $0xb8;
	[tilespmem:$0x9000] =	vst v63  }
0x5c: {  	_ =	swait.ge [sflag:s18], $0x800  }
0x5d: {  	[sflag:s18] =	ssyncset.done $0x0  }
0x5e: {  	[sflag:s18] =	ssyncadd.s32 $0xFFFFF800  }
0x5f: {  	_ =	swait.ge [sflag:s19], $0x800  }
0x60: {  	[sflag:s19] =	ssyncset.done $0x0  }
0x61: {  	[sflag:s19] =	ssyncadd.s32 $0xFFFFF800  }
0x62: {  	_ =	swait.ge [sflag:s20], $0x800  }
0x63: {  	[sflag:s20] =	ssyncset.done $0x0  }
0x64: {  	[sflag:s20] =	ssyncadd.s32 $0xFFFFF800  }
0x65: {  	_ =	swait.ge [sflag:s21], $0x800  }
0x66: {  	s24 =	sadd.s32 $0x1, s24;
	[sflag:s21] =	ssyncset.done $0x0  }
0x67: {  	p0 =	sne.s32 s24, s10;
	[sflag:s21] =	ssyncadd.s32 $0xFFFFF800  }
.Ltmp3:
0x68: {  	s25 =	sshrl.u32 s4, $0x3;
	[bflag:$0x0] =	sbarrier.arrive $0xFFFF;
	(pc) =	sbr.rel @p0 .LBB2_1-.Ltmp3, $4  }
0x69: {  	[hbm:s22], [sflag:s23] =	dma.local [spmem:s25], $0x2800  }
0x6a: {  	_ =	swait.ge [sflag:s12], $0x2800  }
0x6b: {  	[sflag:s12] =	ssyncset.done $0x0  }
0x6c: {  	[sflag:s12] =	ssyncadd.s32 $0xFFFFD800  }
0x6d: {  	_ =	sfence.sel $0x180000  }
0x6e: {  	[bflag:$0x0] =	sbarrier.arrive $0xFFFF  }
0x6f: {  	p0 =	sne.s32 s0, $0x0;
	_ =	strace $0x90000047  }
0x70: {  	s0 =	sadd.s32 @!p0 $0x100000, s1;
	[bflag:$0x2] =	sbarrier.arrive $0xFFFF  }
0x71: {  	[sflag:s0] =	ssyncadd.tile.s32 @!p0 $0x1;
	_ =	shalt  }
.Lfunc_end2:
_tile_overlayer_lowered:
.L_overlay_start_2:
0x72: {  	(tag) =	ssettag $0x2  }
0x73: {  	s0 =	rddreg [dreg:$0x0];
	s2 =	stileid.u32  }
0x74: {  	s1 =	rddreg [dreg:$0x1];
	p0 =	sne.s32 s2, $0x0  }
0x75: {  	s3 =	rddreg [dreg:$0x2];
	[bflag:$0x3] =	sbarrier.arrive $0xFFFF;
	s2 =	simm.s32 @!p0 $0x1C05  }
0x76: {  	[timem:s3], [sflag:s2] =	dma.local @!p0 [hbm:s0], s1  }
0x77: {  	s0 =	simm.s32 @!p0 $0x5  }
0x78: {  	_ =	swait.ge @!p0 [sflag:s0], s1  }
0x79: {  	s1 =	ssub.s32 @!p0 $0x0, s1;
	[sflag:s0] =	ssyncset.done @!p0 $0x0  }
0x7a: {  	[sflag:s0] =	ssyncadd.s32 @!p0 s1  }
0x7b: {  	[bflag:$0x3] =	sbarrier.arrive $0xFFFF  }
0x7c: {  	_ =	shalt  }

// kernel: kernel.14.cloned.1.call-start
scs
__scs_entry_jumppad:
0x0: {  	(pc) =	sbr.rel $0x88, $3  }
0x1: {  	(tag) =	ssettag $0x0;
	lr =	simm.s32 $0x1  }
0x2: {  	[smem:$0x3F99] =	sst lr;
	_ =	strace $0xD0000000  }
0x3: {  	_ = 	snop  }
0x4: {  	_ = 	snop  }
0x5: {  	_ = 	snop  }
0x6: {  	_ = 	snop  }
0x7: {  	_ = 	snop  }
__scs_overlays_trampoline_lowered:
0x8: {  	[smem:$0x3FA8] =	sst s0  }
0x9: {  	[smem:$0x3FA9] =	sst s1  }
0xa: {  	[smem:$0x3FAA] =	sst s2  }
0xb: {  	[smem:$0x3FAB] =	sst s3  }
0xc: {  	[smem:$0x3FAC] =	sst s4  }
0xd: {  	[smem:$0x3FAD] =	sst s5  }
0xe: {  	[smem:$0x3FAE] =	sst s6  }
0xf: {  	[smem:$0x3FAF] =	sst s7  }
0x10: {  	[smem:$0x3FB0] =	sst s8  }
0x11: {  	[smem:$0x3FB1] =	sst s9;
	s0 =	simm.s32 @!p0 $0x0  }
0x12: {  	s1 =	sld [smem:$0x3F97];
	s0 =	simm.s32 @p0 $0x1  }
0x13: {  	[smem:$0x3FB2] =	sst s0;
	s0 =	simm.s32 @!p1 $0x0  }
0x14: {  	s2 =	sld [smem:$0x3F96];
	s0 =	simm.s32 @p1 $0x1  }
0x15: {  	[smem:$0x3FB3] =	sst s0;
	s0 =	simm.s32 @!p2 $0x0  }
0x16: {  	s3 =	sld [smem:$0x3FDB];
	s0 =	simm.s32 @p2 $0x1  }
0x17: {  	s4 =	simm.s32 $0x1BF5;
	[smem:$0x3FB5] =	sst s0  }
0x18: {  	s0 =	sld [smem:$0x3F98];
	_ =	swait.ge [sflag:s4], $0x0  }
0x19: {  	s7 =	sld [smem:$0x3F99]  }
0x1a: {  	s8 =	sadd.s32 $0xFFFFE003, lr  }
0x1b: {  	s9 =	sadd.s32 $0xFFFFFEF7, lr;
	s5 =	simm.s32 $0xFFFFFFFF;
	p2 =	slt.u32 s8, $0xFFFFF086  }
0x1c: {  	p1 =	slt.u32 s9, $0xF7A;
	s5 =	simm.s32 @!p2 $0x0  }
0x1d: {  	s5 =	simm.s32 @p1 $0x1;
	p0 =	seq.s32 s7, s2  }
0x1e: {  	s7 =	smul.u32 @!p0 $0xF7A, s2;
	p2 =	seq.s32 @!p0 s5, $0x0  }
0x1f: {  	s9 =	smul.u32 $0xF7A, s1;
	s8 =	simm.s32 @!p0 $0x1BF5;
	p2 =	por !p2, p0  }
0x20: {  	[sflag:s8] =	ssyncset.s32 @!p0 $0xFFFFF086;
	s6 =	sadd.s32 @!p0 s3, s7;
	s7 =	simm.s32 @!p0 $0x108  }
0x21: {  	s3 =	sadd.s32 s3, s9;
	s6 =	sadd.s32 @!p0 $0x88, s6;
	s7 =	simm.s32 @p2 $0x1082  }
0x22: {  	[simem:s7], [sflag:s8] =	dma.local @!p0 [hbm:s6], $0xF7A  }
0x23: {  	s9 =	sor.u32 $0xD0000000, s2;
	s6 =	simm.s32 $0x108;
	_ =	swait.ge @!p0 [sflag:s8], $0x0  }
0x24: {  	s3 =	sadd.s32 $0x88, s3;
	s6 =	simm.s32 @!p1 $0x1082;
	[sflag:s4] =	ssyncset.s32 $0xFFFFF086  }
0x25: {  	[simem:s6], [sflag:s4] =	dma.local [hbm:s3], $0xF7A  }
0x26: {  	[smem:$0x3F99] =	sst s1;
	(tag) =	ssettag s2;
	_ =	strace s9  }
0x27: {  	s1 =	sld [smem:$0x3FA9]  }
0x28: {  	s2 =	sld [smem:$0x3FAA]  }
0x29: {  	s4 =	sld [smem:$0x3FAC]  }
0x2a: {  	p0 =	seq.s32 s5, $0x0;
	s5 =	sld [smem:$0x3FAD]  }
0x2b: {  	s6 =	sld [smem:$0x3FAE]  }
0x2c: {  	s7 =	sld [smem:$0x3FAF]  }
0x2d: {  	s3 =	simm.s32 $0x108;
	s8 =	sld [smem:$0x3FB0]  }
0x2e: {  	s3 =	simm.s32 @!p0 $0x1082;
	s9 =	sld [smem:$0x3FB1]  }
0x2f: {  	lr =	sadd.s32 s0, s3;
	s0 =	sld [smem:$0x3FA8]  }
0x30: {  	s3 =	sld [smem:$0x3FAB]  }
0x31: {  	[smem:$0x3FB4] =	sst s10  }
0x32: {  	s10 =	sld [smem:$0x3FB2];
	_ =	sdelay $0x3  }
0x33: {  	p0 =	seq.s32 s10, $0x1;
	s10 =	sld [smem:$0x3FB4];
	_ =	sdelay $0x3  }
0x34: {  	[smem:$0x3FB4] =	sst s10  }
0x35: {  	s10 =	sld [smem:$0x3FB3];
	_ =	sdelay $0x3  }
0x36: {  	p1 =	seq.s32 s10, $0x1;
	s10 =	sld [smem:$0x3FB4];
	_ =	sdelay $0x3  }
0x37: {  	[smem:$0x3FB4] =	sst s10  }
0x38: {  	s10 =	sld [smem:$0x3FB5]  }
0x39: {  	_ = 	snop;
	(pc) =	sbr.ind lr, $3  }
0x3a: {  	_ = 	snop  }
0x3b: {  	_ = 	snop  }
0x3c: {  	p2 =	seq.s32 s10, $0x1;
	s10 =	sld [smem:$0x3FB4]  }
0x3d: {  	_ =	shalt  }
0x3e: {  	_ =	shalt  }
0x3f: {  	_ =	shalt  }
0x40: {  	_ =	shalt  }
0x41: {  	_ =	shalt  }
0x42: {  	_ =	shalt  }
0x43: {  	_ =	shalt  }
0x44: {  	_ =	shalt  }
0x45: {  	_ =	shalt  }
0x46: {  	_ =	shalt  }
0x47: {  	_ =	shalt  }
0x48: {  	_ =	shalt  }
0x49: {  	_ =	shalt  }
0x4a: {  	_ =	shalt  }
0x4b: {  	_ =	shalt  }
0x4c: {  	_ =	shalt  }
0x4d: {  	_ =	shalt  }
0x4e: {  	_ =	shalt  }
0x4f: {  	_ =	shalt  }
0x50: {  	_ =	shalt  }
0x51: {  	_ =	shalt  }
0x52: {  	_ =	shalt  }
0x53: {  	_ =	shalt  }
0x54: {  	_ =	shalt  }
0x55: {  	_ =	shalt  }
0x56: {  	_ =	shalt  }
0x57: {  	_ =	shalt  }
0x58: {  	_ =	shalt  }
0x59: {  	_ =	shalt  }
0x5a: {  	_ =	shalt  }
0x5b: {  	_ =	shalt  }
0x5c: {  	_ =	shalt  }
0x5d: {  	_ =	shalt  }
0x5e: {  	_ =	shalt  }
0x5f: {  	_ =	shalt  }
0x60: {  	_ =	shalt  }
0x61: {  	_ =	shalt  }
0x62: {  	_ =	shalt  }
0x63: {  	_ =	shalt  }
0x64: {  	_ =	shalt  }
0x65: {  	_ =	shalt  }
0x66: {  	_ =	shalt  }
0x67: {  	_ =	shalt  }
0x68: {  	_ =	shalt  }
0x69: {  	_ =	shalt  }
0x6a: {  	_ =	shalt  }
0x6b: {  	_ =	shalt  }
0x6c: {  	_ =	shalt  }
0x6d: {  	_ =	shalt  }
0x6e: {  	_ =	shalt  }
0x6f: {  	_ =	shalt  }
0x70: {  	_ =	shalt  }
0x71: {  	_ =	shalt  }
0x72: {  	_ =	shalt  }
0x73: {  	_ =	shalt  }
0x74: {  	_ =	shalt  }
0x75: {  	_ =	shalt  }
0x76: {  	_ =	shalt  }
0x77: {  	_ =	shalt  }
0x78: {  	_ =	shalt  }
0x79: {  	_ =	shalt  }
0x7a: {  	_ =	shalt  }
0x7b: {  	_ =	shalt  }
0x7c: {  	_ =	shalt  }
0x7d: {  	_ =	shalt  }
0x7e: {  	_ =	shalt  }
0x7f: {  	_ =	shalt  }
0x80: {  	_ =	shalt  }
0x81: {  	_ =	shalt  }
0x82: {  	_ =	shalt  }
0x83: {  	_ =	shalt  }
0x84: {  	_ =	shalt  }
0x85: {  	_ =	shalt  }
0x86: {  	_ =	shalt  }
0x87: {  	_ =	shalt  }
.Lfunc_end0:
.L_simem_size_0:
called_computation.1_lowered:
.L_overlay_start_0:
0x88: {  	s2 =	sld [smem:$0x3FD9]  }
0x89: {  	s3 =	sld [smem:$0x3FFE];
	_ =	sdelay $0x1  }
0x8a: {  	s1 =	srdreg.scid  }
0x8b: {  	s0 =	sand.u32 $0x1, s1  }
0x8c: {  	s17 =	sshll.u32 s0, $0xA;
	s2 =	sadd.s32 s3, s2  }
0x8d: {  	s2 =	sadd.s32 s2, s17  }
0x8e: {  	[smem:$0x3FC0] =	sst s2  }
0x8f: {  	_ = 	snop  }
0x90: {  	s2 =	sld [smem:$0x3FD0];
	(tm) =	ssettm $0x1  }
0x91: {  	s18 =	sld [smem:$0x3FFB];
	_ =	sdelay $0x3  }
0x92: {  	_ =	strace s18  }
0x93: {  	s3 =	sld [smem:$0x3FFC];
	_ =	sdelay $0x3  }
0x94: {  	_ =	strace s3  }
0x95: {  	s3 =	sld [smem:$0x3FFD];
	_ =	sdelay $0x3  }
0x96: {  	_ =	strace s3  }
0x97: {  	_ =	strace $0x8FFFFFFF  }
0x98: {  	s19 =	sld [smem:$0x3FDB];
	_ =	sdelay $0x1  }
0x99: {  	s4 =	simm.s32 $_scs_section_size  }
0x9a: {  	s5 =	simm.s32 $_size__tile_overlayer_lowered;
	s6 =	simm.s32 $_tile_overlayer_lowered  }
0x9b: {  	s22 =	simm.s32 $0x1BFF;
	s21 =	sshll.u32 s6, $0x1;
	s3 =	sadd.s32 s4, s19  }
0x9c: {  	s7 =	simm.s32 $0x0;
	s20 =	sshll.u32 s5, $0x1;
	s5 =	sadd.s32 s21, s3  }
0x9d: {  	[timem:s7], [sflag:s22] =	dma.local [hbm:s5], s20  }
0x9e: {  	_ =	swait.ge [sflag:s22], s20  }
0x9f: {  	s4 =	ssub.s32 $0x0, s20;
	[sflag:s22] =	ssyncset.done $0x0  }
0xa0: {  	[sflag:s22] =	ssyncadd.s32 s4;
	_ =	sdelay $0x1  }
0xa1: {  	s23 =	simm.s32 $0x1B8B  }
0xa2: {  	_ =	swait.ge [sflag:s23], $0x1  }
0xa3: {  	[sflag:s23] =	ssyncset.done $0x0  }
0xa4: {  	s25 =	simm.s32 $0x1B8E;
	s24 =	sld [smem:$0x3FFE];
	[sflag:s23] =	ssyncadd.s32 $0xFFFFFFFF  }
0xa5: {  	s26 =	simm.s32 $execute0_lowered;
	[smem:$0x3FD2] =	sst s25  }
0xa6: {  	s5 =	sshll.u32 s26, $0x1;
	_ =	strace $0x80000049;
	[dreg:$0x1] =	wrdreg $0xFFFFFFFF  }
0xa7: {  	s28 =	simm.s32 $_size_execute0_lowered;
	s3 =	sadd.s32 s3, s5;
	[dreg:$0x0] =	wrdreg $0x0  }
0xa8: {  	s5 =	sshll.u32 s28, $0x1;
	[dreg:$0x2] =	wrdreg s3  }
0xa9: {  	[dreg:$0x3] =	wrdreg s5  }
0xaa: {  	[dreg:$0x4] =	wrdreg $0xC0  }
0xab: {  	_ =	task [dreg:s7], $0x5FFFF  }
0xac: {  	[dreg:$0x1] =	wrdreg $0xFFFFFFFF  }
0xad: {  	[dreg:$0x0] =	wrdreg $0x60  }
0xae: {  	[dreg:$0x2] =	wrdreg s24  }
0xaf: {  	[dreg:$0x3] =	wrdreg s2  }
0xb0: {  	[dreg:$0x4] =	wrdreg $0x0  }
0xb1: {  	[dreg:$0x5] =	wrdreg $0x9  }
0xb2: {  	_ =	task.clear_ibuf [dreg:s7], $0x6FFFF;
	_ =	strace $0x90000049  }
0xb3: {  	s29 =	simm.s32 $0x9;
	_ =	strace $0x8000004B  }
0xb4: {  	_ =	swait.ge [sflag:s29], $0x1  }
0xb5: {  	[sflag:s29] =	ssyncadd.s32 $0xFFFFFFFF  }
0xb6: {  	_ =	strace $0x9000004B  }
0xb7: {  	_ =	sfence  }
0xb8: {  	s30 =	sld [smem:$0x0];
	_ =	sdelay $0x2  }
0xb9: {  	s31 =	sshll.u32 s1, $0xD;
	s1 =	sshrl.u32 s1, $0x2  }
0xba: {  	s3 =	sand.u32 $0x4000, s31;
	s1 =	sadd.s32 s1, s30  }
0xbb: {  	s0 =	sor.u32 s3, s0;
	s1 =	sshll.u32 s1, $0x11  }
0xbc: {  	s0 =	sor.u32 s1, s0  }
0xbd: {  	s0 =	sadd.s32 $0x8F2B, s0  }
0xbe: {  	[sflag:s0] =	ssyncadd.remote.s32 $0x1  }
0xbf: {  	_ =	sfence.sel $0xFFFF  }
0xc0: {  	[dreg:$0x0] =	wrdreg $0xFFFFFFFF;
	(pc) =	sbr.abs _section_cstart, $3  }
0xc1: {  	[dreg:$0x1] =	wrdreg $0xFFFFFFFF  }
0xc2: {  	_ =	task.clear_ibuf [dreg:s7], $0x2FFFF;
	_ =	strace $0x9FFFFFFF  }
0xc3: {  	(tm) =	ssettm $0x7FFFFFFF  }
tec
execute0_lowered:
.L_overlay_start_1:
0x0: {  	(tag) =	ssettag $0x1  }
0x1: {  	s0 =	rddreg [dreg:$0x0]  }
0x2: {  	s12 =	rddreg [dreg:$0x1]  }
0x3: {  	s2 =	rddreg [dreg:$0x2];
	s3 =	simm.s32 $0x0  }
0x4: {  	s1 =	srdreg.scid;
	s13 =	stileid.u32;
	s28 =	simm.s32 $0x2  }
0x5: {  	s29 =	simm.s32 $0x17E80;
	s31 =	simm.s32 $0xA;
	[smem:$0x7FF] =	sst s3  }
0x6: {  	s1 =	sand.u32 $0x1, s1;
	s5 =	sadd.s32 $0x2800, s0;
	s26 =	sshll.u32 s13, $0xE  }
0x7: {  	s15 =	sor.u32 $0x20, s13;
	s9 =	sor.u32 $0x30, s13;
	s18 =	sor.u32 $0x40, s13  }
0x8: {  	s10 =	sshll.u32 s13, $0x5;
	s20 =	sadd.s32 $0x138000, s2;
	s21 =	sshll.u32 s13, $0xB  }
0x9: {  	s22 =	sshll.u32 s13, $0x8;
	p0 =	sgt.u32 s13, $0xD;
	_ =	strace $0x8000004A  }
0xa: {  	s24 =	smul.u32 $0x27100, s1;
	s4 =	ssub.s32 $0x2, s1;
	s23 =	sadd.s32 s26, s2  }
0xb: {  	s8 =	sshll.u32 s15, $0xE;
	s17 =	sshll.u32 s9, $0xE;
	s11 =	sshll.u32 s1, $0x9  }
0xc: {  	s19 =	sshll.u32 s18, $0xE;
	[dreg:$0x8] =	wrdreg s20;
	s1 =	sshll.u32 s1, $0xC  }
0xd: {  	s9 =	sshll.u32 s9, $0xB;
	p2 =	sne.s32 @p0 s13, $0xE;
	s6 =	sshrl.u32 s4, $0x1  }
0xe: {  	s16 =	sadd.s32 s8, s2;
	s10 =	sor.u32 s10, s11;
	s8 =	sshll.u32 s18, $0xB  }
0xf: {  	s1 =	sor.u32 s22, s1;
	p1 =	por p2, !p0;
	p2 =	por !p2, !p0  }
0x10: {  	[dreg:$0x4] =	wrdreg s23;
	s0 =	sadd.s32 s24, s0;
	s25 =	ssub.s32 s4, s6  }
0x11: {  	s6 =	sor.u32 $0x10, s13;
	[dreg:$0x6] =	wrdreg s16;
	s11 =	sadd.s32 s12, s10  }
0x12: {  	s24 =	sor.u32 $0x16000, s1;
	s10 =	sor.u32 $0xE000, s1;
	s7 =	sshll.u32 s6, $0xE  }
0x13: {  	s14 =	sadd.s32 $0x29A00, s0;
	s3 =	smax.u32 s25, $0x1;
	[dreg:$0xa] =	wrdreg s11  }
0x14: {  	s4 =	sshll.u32 s6, $0xB;
	s6 =	sshll.u32 s15, $0xB;
	[dreg:$0xc] =	wrdreg s3  }
0x15: {  	s25 =	sor.u32 $0x12000, s1;
	s22 =	sadd.s32 $0x800, s11;
	[dreg:$0xb] =	wrdreg s14  }
0x16: {  	s30 =	sadd.s32 s7, s2;
	s7 =	sadd.s32 s17, s2;
	[dreg:$0x14] =	wrdreg s22  }
0x17: {  	s3 =	sshrl.u32 s24, $0x3;
	s0 =	sadd.s32 s21, s14;
	[dreg:$0x7] =	wrdreg s7  }
0x18: {  	s26 =	sshrl.u32 s25, $0x3;
	s13 =	sadd.s32 s6, s14;
	[dreg:$0xe] =	wrdreg s0  }
0x19: {  	s20 =	sadd.s32 s9, s14;
	s21 =	sadd.s32 $0x400, s11;
	[dreg:$0x10] =	wrdreg s13  }
0x1a: {  	s24 =	sadd.s32 $0xC00, s11;
	s25 =	sadd.s32 $0x1000, s11;
	[dreg:$0x11] =	wrdreg s20  }
0x1b: {  	s9 =	simm.s32 $0x9;
	s7 =	sadd.s32 s19, s2;
	[dreg:$0x13] =	wrdreg s21  }
0x1c: {  	s15 =	sadd.s32 s3, s12;
	s17 =	sadd.s32 s26, s12;
	[dreg:$0x15] =	wrdreg s24  }
0x1d: {  	s0 =	sadd.s32 @!p0 s8, s14;
	[dreg:$0x16] =	wrdreg s25;
	s26 =	sadd.s32 $0x1400, s11  }
0x1e: {  	s24 =	simm.s32 $0x13D80;
	s13 =	simm.s32 $0x1BE80;
	[dreg:$0x5] =	wrdreg s30  }
0x1f: {  	s25 =	simm.s32 $0x8;
	s8 =	simm.s32 $0x4;
	[dreg:$0x9] =	wrdreg s7  }
0x20: {  	s11 =	simm.s32 $0xC;
	s7 =	sor.u32 $0x14000, s1;
	[dreg:$0x12] =	wrdreg s0  }
0x21: {  	[dreg:$0x17] =	wrdreg s26;
	s0 =	simm.s32 $0x13E80;
	s7 =	sshrl.u32 s7, $0x3  }
0x22: {  	s26 =	simm.s32 $0x80;
	s16 =	sadd.s32 s7, s12;
	s7 =	sor.u32 $0x10000, s1  }
.Ltmp0:
0x23: {  	s1 =	sor.u32 $0xC000, s1;
	s3 =	sshrl.u32 s7, $0x3;
	(pc) =	sbr.rel .LBB2_1-.Ltmp0, $4  }
0x24: {  	s7 =	sshrl.u32 s10, $0x3;
	[dreg:$0xd] =	wrdreg s1;
	s1 =	simm.s32 $0x6  }
0x25: {  	s10 =	simm.s32 $0x0;
	s18 =	sadd.s32 s3, s12;
	s19 =	sadd.s32 s7, s12  }
0x26: {  	s12 =	sadd.s32 s4, s14;
	s14 =	simm.s32 $0x7;
	s7 =	simm.s32 $0xB  }
0x27: {  	v0 =	vimm.f32 $0.0e+00;
	s4 =	simm.s32 $0x5;
	[dreg:$0xf] =	wrdreg s12;
	s12 =	simm.s32 $0x3  }
.LBB2_6:
0x28: {  	s3 =	stileid.u32;
	[bflag:$0x0] =	sbarrier.arrive $0xFFFF  }
0x29: {  	s20 =	simm.s32 $0xD;
	s3 =	sshll.u32 s3, $0x6;
	s23 =	rddreg [dreg:$0x4]  }
0x2a: {  	s10 =	rddreg [dreg:$0xe];
	s3 =	sor.u32 $0x1C0D, s3;
	s6 =	sshrl.u32 s23, $0x3  }
0x2b: {  	[hbm:s10], [sflag:s3] =	dma.local [spmem:s6], $0x800  }
0x2c: {  	_ =	swait.ge [sflag:s20], $0x800  }
0x2d: {  	[sflag:s20] =	ssyncset.done $0x0;
	s30 =	rddreg [dreg:$0x5]  }
0x2e: {  	s22 =	rddreg [dreg:$0xf];
	[sflag:s20] =	ssyncadd.s32 $0xFFFFF800;
	s21 =	sshrl.u32 s30, $0x3  }
0x2f: {  	[hbm:s22], [sflag:s3] =	dma.local [spmem:s21], $0x800  }
0x30: {  	_ =	swait.ge [sflag:s20], $0x800  }
0x31: {  	[sflag:s20] =	ssyncset.done $0x0;
	s21 =	rddreg [dreg:$0x6]  }
0x32: {  	s22 =	rddreg [dreg:$0x10];
	[sflag:s20] =	ssyncadd.s32 $0xFFFFF800;
	s6 =	sshrl.u32 s21, $0x3  }
0x33: {  	[hbm:s22], [sflag:s3] =	dma.local [spmem:s6], $0x800  }
0x34: {  	_ =	swait.ge [sflag:s20], $0x800  }
0x35: {  	[sflag:s20] =	ssyncset.done $0x0;
	s21 =	rddreg [dreg:$0x7]  }
0x36: {  	s22 =	rddreg [dreg:$0x11];
	[sflag:s20] =	ssyncadd.s32 $0xFFFFF800;
	s6 =	sshrl.u32 s21, $0x3  }
0x37: {  	[hbm:s22], [sflag:s3] =	dma.local [spmem:s6], $0x800  }
0x38: {  	_ =	swait.ge [sflag:s20], $0x800  }
0x39: {  	[sflag:s20] =	ssyncset.done $0x0;
	s6 =	rddreg [dreg:$0x9]  }
0x3a: {  	s10 =	rddreg [dreg:$0x12];
	[sflag:s20] =	ssyncadd.s32 $0xFFFFF800;
	s6 =	sshrl.u32 @!p0 s6, $0x3  }
0x3b: {  	[hbm:s10], [sflag:s3] =	dma.local @!p0 [spmem:s6], $0x800  }
0x3c: {  	s6 =	simm.s32 @!p0 $0xD  }
0x3d: {  	_ =	swait.ge @!p0 [sflag:s6], $0x800  }
0x3e: {  	[sflag:s6] =	ssyncset.done @!p0 $0x0;
	s10 =	rddreg [dreg:$0x8]  }
0x3f: {  	[sflag:s6] =	ssyncadd.s32 @!p0 $0xFFFFF800;
	s6 =	rddreg [dreg:$0xb]  }
0x40: {  	s10 =	sshrl.u32 @p3 s10, $0x3;
	s6 =	sadd.s32 @p3 $0x27000, s6  }
0x41: {  	[hbm:s6], [sflag:s3] =	dma.local @p3 [spmem:s10], $0x100  }
0x42: {  	s3 =	simm.s32 @p3 $0xD  }
0x43: {  	_ =	swait.ge @p3 [sflag:s3], $0x100  }
0x44: {  	s21 =	rddreg [dreg:$0x18]  }
0x45: {  	s22 =	rddreg [dreg:$0xc];
	s10 =	sadd.s32 $0x1, s21  }
0x46: {  	p4 =	sne.s32 s10, s22  }
.Ltmp1:
0x47: {  	_ = 	snop;
	(pc) =	sbr.rel @!p4 .LBB2_7-.Ltmp1, $3  }
0x48: {  	_ =	sdelay $0x1  }
0x49: {  	[sflag:s3] =	ssyncset.done @p3 $0x0  }
0x4a: {  	[sflag:s3] =	ssyncadd.s32 @p3 $0xFFFFFF00  }
.LBB2_1:
0x4b: {  	[dreg:$0x18] =	wrdreg s10;
	s20 =	simm.s32 $0x0;
	s22 =	simm.s32 $0x200  }
.LBB2_2:
0x4c: {  	p3 =	sne.s32 s22, $0xFE00;
	[tilespmem:s20+$0x13EF0] =	vst v0  }
0x4d: {  	[tilespmem:s20+$0x13E80] =	vst v0  }
0x4e: {  	[tilespmem:s20+$0x13E90] =	vst v0  }
.Ltmp2:
0x4f: {  	[tilespmem:s20+$0x13EA0] =	vst v0;
	(pc) =	sbr.rel @p3 .LBB2_2-.Ltmp2, $4  }
0x50: {  	[tilespmem:s20+$0x13EB0] =	vst v0  }
0x51: {  	[tilespmem:s20+$0x13EC0] =	vst v0  }
0x52: {  	[tilespmem:s20+$0x13ED0] =	vst v0  }
0x53: {  	[tilespmem:s20+$0x13EE0] =	vst v0;
	s20 =	sshra.s32 s22, $0x2;
	s22 =	sadd.s32 $0x200, s22  }
0x54: {  	[tilespmem:s20+$0x13EF0] =	vst v0  }
0x55: {  	[tilespmem:s20+$0x13E80] =	vst v0  }
0x56: {  	[tilespmem:s20+$0x13E90] =	vst v0  }
0x57: {  	[tilespmem:s20+$0x13EA0] =	vst v0  }
0x58: {  	[tilespmem:s20+$0x13EB0] =	vst v0  }
0x59: {  	[tilespmem:s20+$0x13EC0] =	vst v0  }
0x5a: {  	[tilespmem:s20+$0x13ED0] =	vst v0  }
0x5b: {  	[tilespmem:s20+$0x13EE0] =	vst v0;
	s6 =	simm.s32 $0xD  }
0x5c: {  	[spmem:s23] =	stream.linear.scatter [tilespmem:s0], [sflag:$0xD], $0x4000, $0x38;
	[tilespmem:$0x1FE80] =	vst v63  }
0x5d: {  	_ =	swait.ge [sflag:s6], $0x4000  }
0x5e: {  	[sflag:s6] =	ssyncset.done $0x0  }
0x5f: {  	[sflag:s6] =	ssyncadd.s32 $0xFFFFC000  }
0x60: {  	[spmem:s30] =	stream.linear.scatter [tilespmem:s0], [sflag:$0xD], $0x4000, $0x38;
	[tilespmem:$0x1FE80] =	vst v63  }
0x61: {  	_ =	swait.ge [sflag:s6], $0x4000  }
0x62: {  	[sflag:s6] =	ssyncset.done $0x0  }
0x63: {  	s3 =	rddreg [dreg:$0x6];
	[sflag:s6] =	ssyncadd.s32 $0xFFFFC000  }
0x64: {  	[spmem:s3] =	stream.linear.scatter [tilespmem:s0], [sflag:$0xD], $0x4000, $0x38;
	[tilespmem:$0x1FE80] =	vst v63  }
0x65: {  	_ =	swait.ge [sflag:s6], $0x4000  }
0x66: {  	[sflag:s6] =	ssyncset.done $0x0  }
0x67: {  	s20 =	rddreg [dreg:$0x7];
	[sflag:s6] =	ssyncadd.s32 $0xFFFFC000  }
0x68: {  	[spmem:s20] =	stream.linear.scatter [tilespmem:s0], [sflag:$0xD], $0x4000, $0x38;
	[tilespmem:$0x1FE80] =	vst v63  }
0x69: {  	_ =	swait.ge [sflag:s6], $0x4000  }
0x6a: {  	[sflag:s6] =	ssyncset.done $0x0  }
0x6b: {  	s20 =	simm.s32 @!p1 $0x13E80;
	s3 =	rddreg [dreg:$0x8];
	[sflag:s6] =	ssyncadd.s32 $0xFFFFC000  }
0x6c: {  	[spmem:s3] =	stream.linear.scatter @!p1 [tilespmem:s20], [sflag:$0xD], $0x800, $0x38;
	[tilespmem:$0x1FE80] =	vst v63  }
0x6d: {  	s20 =	simm.s32 @!p1 $0xD  }
0x6e: {  	_ =	swait.ge @!p1 [sflag:s20], $0x800  }
0x6f: {  	[sflag:s20] =	ssyncset.done @!p1 $0x0  }
0x70: {  	s3 =	rddreg [dreg:$0x9];
	[sflag:s20] =	ssyncadd.s32 @!p1 $0xFFFFF800;
	s20 =	simm.s32 @!p0 $0x13E80  }
0x71: {  	[spmem:s3] =	stream.linear.scatter @!p0 [tilespmem:s20], [sflag:$0xD], $0x4000, $0x38;
	[tilespmem:$0x1FE80] =	vst v63  }
0x72: {  	s20 =	simm.s32 @!p0 $0xD  }
0x73: {  	_ =	swait.ge @!p0 [sflag:s20], $0x4000  }
0x74: {  	s6 =	simm.s32 $0x13880;
	[sflag:s20] =	ssyncset.done @!p0 $0x0  }
0x75: {  	s21 =	rddreg [dreg:$0xa];
	[sflag:s20] =	ssyncadd.s32 @!p0 $0xFFFFC000;
	s20 =	simm.s32 $0x0  }
0x76: {  	[tilespmem:s6], [sflag:$0x1] =	stream.linear.gather [hbm4b:s21+s20], $0x100, $0x38;
	[tilespmem:$0x1FE80] =	vst v63  }
0x77: {  	s10 =	simm.s32 $0x13980;
	s22 =	rddreg [dreg:$0x13]  }
0x78: {  	[tilespmem:s10], [sflag:$0x2] =	stream.linear.gather [hbm4b:s22+s20], $0x100, $0x38;
	[tilespmem:$0x1FE80] =	vst v63  }
0x79: {  	s23 =	rddreg [dreg:$0x14];
	s21 =	simm.s32 $0x13A80  }
0x7a: {  	[tilespmem:s21], [sflag:$0x3] =	stream.linear.gather [hbm4b:s23+s20], $0x100, $0x38;
	[tilespmem:$0x1FE80] =	vst v63  }
0x7b: {  	s22 =	rddreg [dreg:$0x15];
	s23 =	simm.s32 $0x13B80  }
0x7c: {  	[tilespmem:s23], [sflag:$0x4] =	stream.linear.gather [hbm4b:s22+s20], $0x100, $0x38;
	[tilespmem:$0x1FE80] =	vst v63  }
0x7d: {  	s22 =	rddreg [dreg:$0x16];
	s23 =	simm.s32 $0x13C80  }
0x7e: {  	[tilespmem:s23], [sflag:$0x5] =	stream.linear.gather [hbm4b:s22+s20], $0x100, $0x38;
	[tilespmem:$0x1FE80] =	vst v63  }
0x7f: {  	s22 =	rddreg [dreg:$0x17];
	s23 =	simm.s32 $0x1  }
0x80: {  	[tilespmem:s24], [sflag:$0x6] =	stream.linear.gather [hbm4b:s22+s20], $0x100, $0x38;
	[tilespmem:$0x1FE80] =	vst v63  }
0x81: {  	_ =	swait.ge [sflag:s23], $0x100  }
0x82: {  	[sflag:s23] =	ssyncset.done $0x0  }
0x83: {  	[sflag:s23] =	ssyncadd.s32 $0xFFFFFF00  }
0x84: {  	[tilespmem:s0], [sflag:$0x7] =	stream.indirect.gather [hbm4b:s5+s26], $0x80, s6, s26, $0xb8;
	[tilespmem:$0x1FE80] =	vst v63  }
0x85: {  	_ =	swait.ge [sflag:s28], $0x100  }
0x86: {  	[sflag:s28] =	ssyncset.done $0x0  }
0x87: {  	p4 =	por @p0 $0x0, $0x0;
	p3 =	por @!p1 $0x1, $0x1;
	[sflag:s28] =	ssyncadd.s32 $0xFFFFFF00  }
0x88: {  	[tilespmem:s29], [sflag:$0x8] =	stream.indirect.gather [hbm4b:s5+s26], $0x80, s10, s26, $0xb8;
	[tilespmem:$0x1FE80] =	vst v63  }
0x89: {  	p3 =	por @!p2 p4, p4;
	p4 =	por @!p0 $0x0, $0x0;
	[bflag:$0x0] =	sbarrier.arrive $0xFFFF  }
0x8a: {  	p3 =	por @!p0 p4, p4;
	s21 =	simm.s32 $0x13980;
	s30 =	rddreg [dreg:$0xd]  }
.LBB2_4:
0x8b: {  	_ =	swait.ge [sflag:s14], $0x4000  }
0x8c: {  	[sflag:s14] =	ssyncset.done $0x0  }
0x8d: {  	s3 =	simm.s32 $0x13900;
	[sflag:s14] =	ssyncadd.s32 $0xFFFFC000  }
0x8e: {  	[spmem:s2] =	stream.indirect.scatter.add.f32 [tilespmem:s0], [sflag:$0xA], $0x80, s3, s26, $0xb8;
	[tilespmem:$0x1FE80] =	vst v63  }
0x8f: {  	_ =	swait.ge [sflag:s31], $0x4000  }
0x90: {  	[sflag:s31] =	ssyncset.done $0x0  }
0x91: {  	[sflag:s31] =	ssyncadd.s32 $0xFFFFC000  }
0x92: {  	_ =	swait.ge [sflag:s12], $0x100  }
0x93: {  	[sflag:s12] =	ssyncset.done $0x0  }
0x94: {  	s6 =	simm.s32 $0x13A80;
	p4 =	seq.s32 s20, $0x13800;
	[sflag:s12] =	ssyncadd.s32 $0xFFFFFF00  }
0x95: {  	[tilespmem:s13], [sflag:$0x9] =	stream.indirect.gather [hbm4b:s5+s26], $0x80, s6, s26, $0xb8;
	[tilespmem:$0x1FE80] =	vst v63  }
0x96: {  	s22 =	sshrl.u32 @!p4 s30, $0x3;
	s3 =	rddreg [dreg:$0x1]  }
0x97: {  	s23 =	simm.s32 @!p4 $0x13880;
	s6 =	sadd.s32 @!p4 s3, s22;
	s22 =	simm.s32 @!p4 $0x0  }
0x98: {  	[tilespmem:s23], [sflag:$0x1] =	stream.linear.gather @!p4 [hbm4b:s6+s22], $0x100, $0x38;
	[tilespmem:$0x1FE80] =	vst v63  }
0x99: {  	_ =	swait.ge [sflag:s25], $0x4000  }
0x9a: {  	[sflag:s25] =	ssyncset.done $0x0  }
0x9b: {  	s10 =	simm.s32 $0x13A00;
	[sflag:s25] =	ssyncadd.s32 $0xFFFFC000  }
0x9c: {  	[spmem:s2] =	stream.indirect.scatter.add.f32 [tilespmem:s29], [sflag:$0xB], $0x80, s10, s26, $0xb8;
	[tilespmem:$0x1FE80] =	vst v63  }
0x9d: {  	_ =	swait.ge [sflag:s7], $0x4000  }
0x9e: {  	[sflag:s7] =	ssyncset.done $0x0  }
0x9f: {  	[sflag:s7] =	ssyncadd.s32 $0xFFFFC000  }
0xa0: {  	_ =	swait.ge [sflag:s8], $0x100  }
0xa1: {  	[sflag:s8] =	ssyncset.done $0x0  }
0xa2: {  	s6 =	simm.s32 $0x13B80;
	[sflag:s8] =	ssyncadd.s32 $0xFFFFFF00  }
0xa3: {  	[tilespmem:s0], [sflag:$0x7] =	stream.indirect.gather [hbm4b:s5+s26], $0x80, s6, s26, $0xb8;
	[tilespmem:$0x1FE80] =	vst v63  }
0xa4: {  	s10 =	simm.s32 @!p4 $0x13980;
	s6 =	sadd.s32 @!p4 s20, s19  }
0xa5: {  	[tilespmem:s10], [sflag:$0x2] =	stream.linear.gather @!p4 [hbm4b:s6+s22], $0x100, $0x38;
	[tilespmem:$0x1FE80] =	vst v63  }
0xa6: {  	_ =	swait.ge [sflag:s9], $0x4000  }
0xa7: {  	[sflag:s9] =	ssyncset.done $0x0  }
0xa8: {  	s10 =	simm.s32 $0x13B00;
	[sflag:s9] =	ssyncadd.s32 $0xFFFFC000  }
0xa9: {  	[spmem:s2] =	stream.indirect.scatter.add.f32 [tilespmem:s13], [sflag:$0xC], $0x80, s10, s26, $0xb8;
	[tilespmem:$0x1FE80] =	vst v63  }
0xaa: {  	_ =	swait.ge [sflag:s11], $0x4000  }
0xab: {  	[sflag:s11] =	ssyncset.done $0x0  }
0xac: {  	[sflag:s11] =	ssyncadd.s32 $0xFFFFC000  }
0xad: {  	_ =	swait.ge [sflag:s4], $0x100  }
0xae: {  	[sflag:s4] =	ssyncset.done $0x0  }
0xaf: {  	s6 =	simm.s32 $0x13C80;
	[sflag:s4] =	ssyncadd.s32 $0xFFFFFF00  }
0xb0: {  	[tilespmem:s29], [sflag:$0x8] =	stream.indirect.gather [hbm4b:s5+s26], $0x80, s6, s26, $0xb8;
	[tilespmem:$0x1FE80] =	vst v63  }
0xb1: {  	s10 =	simm.s32 @!p4 $0x13A80;
	s6 =	sadd.s32 @!p4 s20, s18  }
0xb2: {  	[tilespmem:s10], [sflag:$0x3] =	stream.linear.gather @!p4 [hbm4b:s6+s22], $0x100, $0x38;
	[tilespmem:$0x1FE80] =	vst v63  }
0xb3: {  	_ =	swait.ge [sflag:s14], $0x4000  }
0xb4: {  	[sflag:s14] =	ssyncset.done $0x0  }
0xb5: {  	s10 =	simm.s32 $0x13C00;
	[sflag:s14] =	ssyncadd.s32 $0xFFFFC000  }
0xb6: {  	[spmem:s2] =	stream.indirect.scatter.add.f32 [tilespmem:s0], [sflag:$0xA], $0x80, s10, s26, $0xb8;
	[tilespmem:$0x1FE80] =	vst v63  }
0xb7: {  	_ =	swait.ge [sflag:s31], $0x4000  }
0xb8: {  	[sflag:s31] =	ssyncset.done $0x0  }
0xb9: {  	[sflag:s31] =	ssyncadd.s32 $0xFFFFC000  }
0xba: {  	_ =	swait.ge [sflag:s1], $0x100  }
0xbb: {  	[sflag:s1] =	ssyncset.done $0x0  }
0xbc: {  	s6 =	simm.s32 @p4 $0x8;
	[sflag:s1] =	ssyncadd.s32 $0xFFFFFF00  }
0xbd: {  	[tilespmem:s13], [sflag:$0x9] =	stream.indirect.gather [hbm4b:s5+s26], $0x80, s24, s26, $0xb8;
	[tilespmem:$0x1FE80] =	vst v63  }
0xbe: {  	_ =	swait.ge @p4 [sflag:s6], $0x4000  }
0xbf: {  	s3 =	simm.s32 @p4 $0x17E80;
	[sflag:s6] =	ssyncset.done @p4 $0x0  }
0xc0: {  	s10 =	simm.s32 @p4 $0x13D00;
	[sflag:s6] =	ssyncadd.s32 @p4 $0xFFFFC000;
	s6 =	simm.s32 @p4 $0x80  }
0xc1: {  	[spmem:s2] =	stream.indirect.scatter.add.f32 @p4 [tilespmem:s3], [sflag:$0xB], $0x80, s10, s6, $0xb8;
	[tilespmem:$0x1FE80] =	vst v63  }
0xc2: {  	s3 =	simm.s32 @p4 $0xB  }
0xc3: {  	_ =	swait.ge @p4 [sflag:s3], $0x4000  }
0xc4: {  	[sflag:s3] =	ssyncset.done @p4 $0x0  }
0xc5: {  	s6 =	simm.s32 @!p4 $0x13B80;
	[sflag:s3] =	ssyncadd.s32 @p4 $0xFFFFC000;
	s3 =	sadd.s32 @!p4 s20, s17  }
0xc6: {  	[tilespmem:s6], [sflag:$0x4] =	stream.linear.gather @!p4 [hbm4b:s3+s22], $0x100, $0x38;
	[tilespmem:$0x1FE80] =	vst v63  }
0xc7: {  	s3 =	simm.s32 @!p4 $0x8  }
0xc8: {  	_ =	swait.ge @!p4 [sflag:s3], $0x4000  }
0xc9: {  	s10 =	simm.s32 @!p4 $0x17E80;
	[sflag:s3] =	ssyncset.done @!p4 $0x0  }
0xca: {  	s6 =	simm.s32 @!p4 $0x13D00;
	[sflag:s3] =	ssyncadd.s32 @!p4 $0xFFFFC000;
	s3 =	simm.s32 @!p4 $0x80  }
0xcb: {  	[spmem:s2] =	stream.indirect.scatter.add.f32 @!p4 [tilespmem:s10], [sflag:$0xB], $0x80, s6, s3, $0xb8;
	[tilespmem:$0x1FE80] =	vst v63  }
0xcc: {  	s6 =	simm.s32 @!p4 $0xB  }
0xcd: {  	_ =	swait.ge @!p4 [sflag:s6], $0x4000  }
0xce: {  	[sflag:s6] =	ssyncset.done @!p4 $0x0  }
0xcf: {  	[sflag:s6] =	ssyncadd.s32 @!p4 $0xFFFFC000;
	s6 =	simm.s32 @!p4 $0x1  }
0xd0: {  	_ =	swait.ge @!p4 [sflag:s6], $0x100  }
0xd1: {  	[sflag:s6] =	ssyncset.done @!p4 $0x0  }
0xd2: {  	[sflag:s6] =	ssyncadd.s32 @!p4 $0xFFFFFF00;
	s6 =	simm.s32 @!p4 $0x13E80  }
0xd3: {  	[tilespmem:s6], [sflag:$0x7] =	stream.indirect.gather @!p4 [hbm4b:s5+s3], $0x80, s23, s3, $0xb8;
	[tilespmem:$0x1FE80] =	vst v63  }
0xd4: {  	s3 =	sadd.s32 @!p4 s20, s16;
	s6 =	simm.s32 @!p4 $0x13C80  }
0xd5: {  	[tilespmem:s6], [sflag:$0x5] =	stream.linear.gather @!p4 [hbm4b:s3+s22], $0x100, $0x38;
	[tilespmem:$0x1FE80] =	vst v63  }
0xd6: {  	_ =	swait.ge [sflag:s9], $0x4000  }
0xd7: {  	[sflag:s9] =	ssyncset.done $0x0  }
.Ltmp3:
0xd8: {  	s23 =	simm.s32 $0x13E00;
	[sflag:s9] =	ssyncadd.s32 $0xFFFFC000;
	(pc) =	sbr.rel @p4 .LBB2_6-.Ltmp3, $4  }
0xd9: {  	[spmem:s2] =	stream.indirect.scatter.add.f32 [tilespmem:s13], [sflag:$0xC], $0x80, s23, s26, $0xb8;
	[tilespmem:$0x1FE80] =	vst v63  }
0xda: {  	_ =	swait.ge [sflag:s11], $0x4000  }
0xdb: {  	[sflag:s11] =	ssyncset.done $0x0  }
0xdc: {  	[sflag:s11] =	ssyncadd.s32 $0xFFFFC000  }
0xdd: {  	_ =	swait.ge [sflag:s28], $0x100  }
.Ltmp4:
0xde: {  	[sflag:s28] =	ssyncset.done $0x0;
	(pc) =	sbr.rel .LBB2_4-.Ltmp4, $4  }
0xdf: {  	s3 =	sadd.s32 s20, s15;
	[sflag:s28] =	ssyncadd.s32 $0xFFFFFF00  }
0xe0: {  	[tilespmem:s29], [sflag:$0x8] =	stream.indirect.gather [hbm4b:s5+s26], $0x80, s21, s26, $0xb8;
	[tilespmem:$0x1FE80] =	vst v63  }
0xe1: {  	s6 =	simm.s32 $0x0;
	s20 =	sadd.s32 $0x1800, s20;
	s30 =	sadd.s32 $0xC000, s30  }
0xe2: {  	[tilespmem:s24], [sflag:$0x6] =	stream.linear.gather [hbm4b:s3+s6], $0x100, $0x38;
	[tilespmem:$0x1FE80] =	vst v63  }
.LBB2_7:
0xe3: {  	_ =	sfence.sel $0x180000  }
0xe4: {  	[bflag:$0x0] =	sbarrier.arrive $0xFFFF  }
0xe5: {  	_ =	strace $0x9000004A  }
0xe6: {  	s0 =	stileid.u32;
	[bflag:$0x2] =	sbarrier.arrive $0xFFFF  }
0xe7: {  	p0 =	sne.s32 s0, $0x0;
	s0 =	rddreg [dreg:$0x3]  }
0xe8: {  	s0 =	sadd.s32 @!p0 $0x100000, s0  }
0xe9: {  	[sflag:s0] =	ssyncadd.tile.s32 @!p0 $0x1;
	_ =	shalt  }
.Lfunc_end2:
_tile_overlayer_lowered:
.L_overlay_start_2:
0xea: {  	(tag) =	ssettag $0x2  }
0xeb: {  	s0 =	rddreg [dreg:$0x0];
	s2 =	stileid.u32  }
0xec: {  	s1 =	rddreg [dreg:$0x1];
	p0 =	sne.s32 s2, $0x0  }
0xed: {  	s3 =	rddreg [dreg:$0x2];
	[bflag:$0x3] =	sbarrier.arrive $0xFFFF;
	s2 =	simm.s32 @!p0 $0x1C0D  }
0xee: {  	[timem:s3], [sflag:s2] =	dma.local @!p0 [hbm:s0], s1  }
0xef: {  	s0 =	simm.s32 @!p0 $0xD  }
0xf0: {  	_ =	swait.ge @!p0 [sflag:s0], s1  }
0xf1: {  	s1 =	ssub.s32 @!p0 $0x0, s1;
	[sflag:s0] =	ssyncset.done @!p0 $0x0  }
0xf2: {  	[sflag:s0] =	ssyncadd.s32 @!p0 s1  }
0xf3: {  	[bflag:$0x3] =	sbarrier.arrive $0xFFFF  }
0xf4: {  	_ =	shalt  }

// kernel: kernel.17.cloned.1.call-start
scs
__scs_entry_jumppad:
0x0: {  	(pc) =	sbr.rel $0x88, $3  }
0x1: {  	(tag) =	ssettag $0x0;
	lr =	simm.s32 $0x1  }
0x2: {  	[smem:$0x3F99] =	sst lr;
	_ =	strace $0xD0000000  }
0x3: {  	_ = 	snop  }
0x4: {  	_ = 	snop  }
0x5: {  	_ = 	snop  }
0x6: {  	_ = 	snop  }
0x7: {  	_ = 	snop  }
__scs_overlays_trampoline_lowered:
0x8: {  	[smem:$0x3FA8] =	sst s0  }
0x9: {  	[smem:$0x3FA9] =	sst s1  }
0xa: {  	[smem:$0x3FAA] =	sst s2  }
0xb: {  	[smem:$0x3FAB] =	sst s3  }
0xc: {  	[smem:$0x3FAC] =	sst s4  }
0xd: {  	[smem:$0x3FAD] =	sst s5  }
0xe: {  	[smem:$0x3FAE] =	sst s6  }
0xf: {  	[smem:$0x3FAF] =	sst s7  }
0x10: {  	[smem:$0x3FB0] =	sst s8  }
0x11: {  	[smem:$0x3FB1] =	sst s9;
	s0 =	simm.s32 @!p0 $0x0  }
0x12: {  	s1 =	sld [smem:$0x3F97];
	s0 =	simm.s32 @p0 $0x1  }
0x13: {  	[smem:$0x3FB2] =	sst s0;
	s0 =	simm.s32 @!p1 $0x0  }
0x14: {  	s2 =	sld [smem:$0x3F96];
	s0 =	simm.s32 @p1 $0x1  }
0x15: {  	[smem:$0x3FB3] =	sst s0;
	s0 =	simm.s32 @!p2 $0x0  }
0x16: {  	s3 =	sld [smem:$0x3FDB];
	s0 =	simm.s32 @p2 $0x1  }
0x17: {  	s4 =	simm.s32 $0x1BF5;
	[smem:$0x3FB5] =	sst s0  }
0x18: {  	s0 =	sld [smem:$0x3F98];
	_ =	swait.ge [sflag:s4], $0x0  }
0x19: {  	s7 =	sld [smem:$0x3F99]  }
0x1a: {  	s8 =	sadd.s32 $0xFFFFE003, lr  }
0x1b: {  	s9 =	sadd.s32 $0xFFFFFEF7, lr;
	s5 =	simm.s32 $0xFFFFFFFF;
	p2 =	slt.u32 s8, $0xFFFFF086  }
0x1c: {  	p1 =	slt.u32 s9, $0xF7A;
	s5 =	simm.s32 @!p2 $0x0  }
0x1d: {  	s5 =	simm.s32 @p1 $0x1;
	p0 =	seq.s32 s7, s2  }
0x1e: {  	s7 =	smul.u32 @!p0 $0xF7A, s2;
	p2 =	seq.s32 @!p0 s5, $0x0  }
0x1f: {  	s9 =	smul.u32 $0xF7A, s1;
	s8 =	simm.s32 @!p0 $0x1BF5;
	p2 =	por !p2, p0  }
0x20: {  	[sflag:s8] =	ssyncset.s32 @!p0 $0xFFFFF086;
	s6 =	sadd.s32 @!p0 s3, s7;
	s7 =	simm.s32 @!p0 $0x108  }
0x21: {  	s3 =	sadd.s32 s3, s9;
	s6 =	sadd.s32 @!p0 $0x88, s6;
	s7 =	simm.s32 @p2 $0x1082  }
0x22: {  	[simem:s7], [sflag:s8] =	dma.local @!p0 [hbm:s6], $0xF7A  }
0x23: {  	s9 =	sor.u32 $0xD0000000, s2;
	s6 =	simm.s32 $0x108;
	_ =	swait.ge @!p0 [sflag:s8], $0x0  }
0x24: {  	s3 =	sadd.s32 $0x88, s3;
	s6 =	simm.s32 @!p1 $0x1082;
	[sflag:s4] =	ssyncset.s32 $0xFFFFF086  }
0x25: {  	[simem:s6], [sflag:s4] =	dma.local [hbm:s3], $0xF7A  }
0x26: {  	[smem:$0x3F99] =	sst s1;
	(tag) =	ssettag s2;
	_ =	strace s9  }
0x27: {  	s1 =	sld [smem:$0x3FA9]  }
0x28: {  	s2 =	sld [smem:$0x3FAA]  }
0x29: {  	s4 =	sld [smem:$0x3FAC]  }
0x2a: {  	p0 =	seq.s32 s5, $0x0;
	s5 =	sld [smem:$0x3FAD]  }
0x2b: {  	s6 =	sld [smem:$0x3FAE]  }
0x2c: {  	s7 =	sld [smem:$0x3FAF]  }
0x2d: {  	s3 =	simm.s32 $0x108;
	s8 =	sld [smem:$0x3FB0]  }
0x2e: {  	s3 =	simm.s32 @!p0 $0x1082;
	s9 =	sld [smem:$0x3FB1]  }
0x2f: {  	lr =	sadd.s32 s0, s3;
	s0 =	sld [smem:$0x3FA8]  }
0x30: {  	s3 =	sld [smem:$0x3FAB]  }
0x31: {  	[smem:$0x3FB4] =	sst s10  }
0x32: {  	s10 =	sld [smem:$0x3FB2];
	_ =	sdelay $0x3  }
0x33: {  	p0 =	seq.s32 s10, $0x1;
	s10 =	sld [smem:$0x3FB4];
	_ =	sdelay $0x3  }
0x34: {  	[smem:$0x3FB4] =	sst s10  }
0x35: {  	s10 =	sld [smem:$0x3FB3];
	_ =	sdelay $0x3  }
0x36: {  	p1 =	seq.s32 s10, $0x1;
	s10 =	sld [smem:$0x3FB4];
	_ =	sdelay $0x3  }
0x37: {  	[smem:$0x3FB4] =	sst s10  }
0x38: {  	s10 =	sld [smem:$0x3FB5]  }
0x39: {  	_ = 	snop;
	(pc) =	sbr.ind lr, $3  }
0x3a: {  	_ = 	snop  }
0x3b: {  	_ = 	snop  }
0x3c: {  	p2 =	seq.s32 s10, $0x1;
	s10 =	sld [smem:$0x3FB4]  }
0x3d: {  	_ =	shalt  }
0x3e: {  	_ =	shalt  }
0x3f: {  	_ =	shalt  }
0x40: {  	_ =	shalt  }
0x41: {  	_ =	shalt  }
0x42: {  	_ =	shalt  }
0x43: {  	_ =	shalt  }
0x44: {  	_ =	shalt  }
0x45: {  	_ =	shalt  }
0x46: {  	_ =	shalt  }
0x47: {  	_ =	shalt  }
0x48: {  	_ =	shalt  }
0x49: {  	_ =	shalt  }
0x4a: {  	_ =	shalt  }
0x4b: {  	_ =	shalt  }
0x4c: {  	_ =	shalt  }
0x4d: {  	_ =	shalt  }
0x4e: {  	_ =	shalt  }
0x4f: {  	_ =	shalt  }
0x50: {  	_ =	shalt  }
0x51: {  	_ =	shalt  }
0x52: {  	_ =	shalt  }
0x53: {  	_ =	shalt  }
0x54: {  	_ =	shalt  }
0x55: {  	_ =	shalt  }
0x56: {  	_ =	shalt  }
0x57: {  	_ =	shalt  }
0x58: {  	_ =	shalt  }
0x59: {  	_ =	shalt  }
0x5a: {  	_ =	shalt  }
0x5b: {  	_ =	shalt  }
0x5c: {  	_ =	shalt  }
0x5d: {  	_ =	shalt  }
0x5e: {  	_ =	shalt  }
0x5f: {  	_ =	shalt  }
0x60: {  	_ =	shalt  }
0x61: {  	_ =	shalt  }
0x62: {  	_ =	shalt  }
0x63: {  	_ =	shalt  }
0x64: {  	_ =	shalt  }
0x65: {  	_ =	shalt  }
0x66: {  	_ =	shalt  }
0x67: {  	_ =	shalt  }
0x68: {  	_ =	shalt  }
0x69: {  	_ =	shalt  }
0x6a: {  	_ =	shalt  }
0x6b: {  	_ =	shalt  }
0x6c: {  	_ =	shalt  }
0x6d: {  	_ =	shalt  }
0x6e: {  	_ =	shalt  }
0x6f: {  	_ =	shalt  }
0x70: {  	_ =	shalt  }
0x71: {  	_ =	shalt  }
0x72: {  	_ =	shalt  }
0x73: {  	_ =	shalt  }
0x74: {  	_ =	shalt  }
0x75: {  	_ =	shalt  }
0x76: {  	_ =	shalt  }
0x77: {  	_ =	shalt  }
0x78: {  	_ =	shalt  }
0x79: {  	_ =	shalt  }
0x7a: {  	_ =	shalt  }
0x7b: {  	_ =	shalt  }
0x7c: {  	_ =	shalt  }
0x7d: {  	_ =	shalt  }
0x7e: {  	_ =	shalt  }
0x7f: {  	_ =	shalt  }
0x80: {  	_ =	shalt  }
0x81: {  	_ =	shalt  }
0x82: {  	_ =	shalt  }
0x83: {  	_ =	shalt  }
0x84: {  	_ =	shalt  }
0x85: {  	_ =	shalt  }
0x86: {  	_ =	shalt  }
0x87: {  	_ =	shalt  }
.Lfunc_end0:
.L_simem_size_0:
called_computation.2_lowered:
.L_overlay_start_0:
0x88: {  	s2 =	sld [smem:$0x3FD9]  }
0x89: {  	s3 =	sld [smem:$0x3FFE];
	_ =	sdelay $0x1  }
0x8a: {  	s1 =	srdreg.scid  }
0x8b: {  	s0 =	sand.u32 $0x1, s1  }
0x8c: {  	s17 =	sshll.u32 s0, $0xA;
	s2 =	sadd.s32 s3, s2  }
0x8d: {  	s2 =	sadd.s32 s2, s17  }
0x8e: {  	[smem:$0x3FC0] =	sst s2  }
0x8f: {  	_ = 	snop  }
0x90: {  	s2 =	sld [smem:$0x3FD0];
	(tm) =	ssettm $0x1  }
0x91: {  	s18 =	sld [smem:$0x3FFB];
	_ =	sdelay $0x3  }
0x92: {  	_ =	strace s18  }
0x93: {  	s3 =	sld [smem:$0x3FFC];
	_ =	sdelay $0x3  }
0x94: {  	_ =	strace s3  }
0x95: {  	s3 =	sld [smem:$0x3FFD];
	_ =	sdelay $0x3  }
0x96: {  	_ =	strace s3  }
0x97: {  	_ =	strace $0x8FFFFFFF  }
0x98: {  	s19 =	sld [smem:$0x3FDB];
	_ =	sdelay $0x1  }
0x99: {  	s4 =	simm.s32 $_scs_section_size  }
0x9a: {  	s5 =	simm.s32 $_size__tile_overlayer_lowered;
	s6 =	simm.s32 $_tile_overlayer_lowered  }
0x9b: {  	s22 =	simm.s32 $0x1BFF;
	s21 =	sshll.u32 s6, $0x1;
	s3 =	sadd.s32 s4, s19  }
0x9c: {  	s7 =	simm.s32 $0x0;
	s20 =	sshll.u32 s5, $0x1;
	s5 =	sadd.s32 s21, s3  }
0x9d: {  	[timem:s7], [sflag:s22] =	dma.local [hbm:s5], s20  }
0x9e: {  	_ =	swait.ge [sflag:s22], s20  }
0x9f: {  	s4 =	ssub.s32 $0x0, s20;
	[sflag:s22] =	ssyncset.done $0x0  }
0xa0: {  	[sflag:s22] =	ssyncadd.s32 s4;
	_ =	sdelay $0x1  }
0xa1: {  	s23 =	simm.s32 $0x1B8B  }
0xa2: {  	_ =	swait.ge [sflag:s23], $0x1  }
0xa3: {  	[sflag:s23] =	ssyncset.done $0x0  }
0xa4: {  	s25 =	simm.s32 $0x1B8E;
	s24 =	sld [smem:$0x3FFE];
	[sflag:s23] =	ssyncadd.s32 $0xFFFFFFFF  }
0xa5: {  	s26 =	simm.s32 $execute0_lowered;
	[smem:$0x3FD2] =	sst s25  }
0xa6: {  	s5 =	sshll.u32 s26, $0x1;
	_ =	strace $0x8000004C;
	[dreg:$0x1] =	wrdreg $0xFFFFFFFF  }
0xa7: {  	s28 =	simm.s32 $_size_execute0_lowered;
	s3 =	sadd.s32 s3, s5;
	[dreg:$0x0] =	wrdreg $0x0  }
0xa8: {  	s5 =	sshll.u32 s28, $0x1;
	[dreg:$0x2] =	wrdreg s3  }
0xa9: {  	[dreg:$0x3] =	wrdreg s5  }
0xaa: {  	[dreg:$0x4] =	wrdreg $0xC0  }
0xab: {  	_ =	task [dreg:s7], $0x5FFFF  }
0xac: {  	[dreg:$0x1] =	wrdreg $0xFFFFFFFF  }
0xad: {  	[dreg:$0x0] =	wrdreg $0x60  }
0xae: {  	[dreg:$0x2] =	wrdreg s24  }
0xaf: {  	[dreg:$0x3] =	wrdreg s2  }
0xb0: {  	[dreg:$0x4] =	wrdreg $0x0  }
0xb1: {  	[dreg:$0x5] =	wrdreg $0x9  }
0xb2: {  	_ =	task.clear_ibuf [dreg:s7], $0x6FFFF;
	_ =	strace $0x9000004C  }
0xb3: {  	s29 =	simm.s32 $0x9;
	_ =	strace $0x8000004E  }
0xb4: {  	_ =	swait.ge [sflag:s29], $0x1  }
0xb5: {  	[sflag:s29] =	ssyncadd.s32 $0xFFFFFFFF  }
0xb6: {  	_ =	strace $0x9000004E  }
0xb7: {  	_ =	sfence  }
0xb8: {  	s30 =	sld [smem:$0x0];
	_ =	sdelay $0x2  }
0xb9: {  	s31 =	sshll.u32 s1, $0xD;
	s1 =	sshrl.u32 s1, $0x2  }
0xba: {  	s3 =	sand.u32 $0x4000, s31;
	s1 =	sadd.s32 s1, s30  }
0xbb: {  	s0 =	sor.u32 s3, s0;
	s1 =	sshll.u32 s1, $0x11  }
0xbc: {  	s0 =	sor.u32 s1, s0  }
0xbd: {  	s0 =	sadd.s32 $0x8F2B, s0  }
0xbe: {  	[sflag:s0] =	ssyncadd.remote.s32 $0x1  }
0xbf: {  	_ =	sfence.sel $0xFFFF  }
0xc0: {  	[dreg:$0x0] =	wrdreg $0xFFFFFFFF;
	(pc) =	sbr.abs _section_cstart, $3  }
0xc1: {  	[dreg:$0x1] =	wrdreg $0xFFFFFFFF  }
0xc2: {  	_ =	task.clear_ibuf [dreg:s7], $0x2FFFF;
	_ =	strace $0x9FFFFFFF  }
0xc3: {  	(tm) =	ssettm $0x7FFFFFFF  }
tec
execute0_lowered:
.L_overlay_start_1:
0x0: {  	(tag) =	ssettag $0x1  }
0x1: {  	s0 =	rddreg [dreg:$0x0]  }
0x2: {  	s12 =	rddreg [dreg:$0x1]  }
0x3: {  	s2 =	rddreg [dreg:$0x2];
	s3 =	simm.s32 $0x0  }
0x4: {  	s1 =	srdreg.scid;
	s13 =	stileid.u32;
	s28 =	simm.s32 $0x2  }
0x5: {  	s29 =	simm.s32 $0x17E80;
	s31 =	simm.s32 $0xA;
	[smem:$0x7FF] =	sst s3  }
0x6: {  	s1 =	sand.u32 $0x1, s1;
	s5 =	sadd.s32 $0x2800, s0;
	s26 =	sshll.u32 s13, $0xE  }
0x7: {  	s15 =	sor.u32 $0x20, s13;
	s9 =	sor.u32 $0x30, s13;
	s18 =	sor.u32 $0x40, s13  }
0x8: {  	s10 =	sshll.u32 s13, $0x5;
	s20 =	sadd.s32 $0x138000, s2;
	s21 =	sshll.u32 s13, $0xB  }
0x9: {  	s22 =	sshll.u32 s13, $0x8;
	p0 =	sgt.u32 s13, $0xD;
	_ =	strace $0x8000004D  }
0xa: {  	s24 =	smul.u32 $0x27100, s1;
	s4 =	ssub.s32 $0x2, s1;
	s23 =	sadd.s32 s26, s2  }
0xb: {  	s8 =	sshll.u32 s15, $0xE;
	s17 =	sshll.u32 s9, $0xE;
	s11 =	sshll.u32 s1, $0x9  }
0xc: {  	s19 =	sshll.u32 s18, $0xE;
	[dreg:$0x8] =	wrdreg s20;
	s1 =	sshll.u32 s1, $0xC  }
0xd: {  	s9 =	sshll.u32 s9, $0xB;
	p2 =	sne.s32 @p0 s13, $0xE;
	s6 =	sshrl.u32 s4, $0x1  }
0xe: {  	s16 =	sadd.s32 s8, s2;
	s10 =	sor.u32 s10, s11;
	s8 =	sshll.u32 s18, $0xB  }
0xf: {  	s1 =	sor.u32 s22, s1;
	p1 =	por p2, !p0;
	p2 =	por !p2, !p0  }
0x10: {  	[dreg:$0x4] =	wrdreg s23;
	s0 =	sadd.s32 s24, s0;
	s25 =	ssub.s32 s4, s6  }
0x11: {  	s6 =	sor.u32 $0x10, s13;
	[dreg:$0x6] =	wrdreg s16;
	s11 =	sadd.s32 s12, s10  }
0x12: {  	s24 =	sor.u32 $0x16000, s1;
	s10 =	sor.u32 $0xE000, s1;
	s7 =	sshll.u32 s6, $0xE  }
0x13: {  	s14 =	sadd.s32 $0x29A00, s0;
	s3 =	smax.u32 s25, $0x1;
	[dreg:$0xa] =	wrdreg s11  }
0x14: {  	s4 =	sshll.u32 s6, $0xB;
	s6 =	sshll.u32 s15, $0xB;
	[dreg:$0xc] =	wrdreg s3  }
0x15: {  	s25 =	sor.u32 $0x12000, s1;
	s22 =	sadd.s32 $0x800, s11;
	[dreg:$0xb] =	wrdreg s14  }
0x16: {  	s30 =	sadd.s32 s7, s2;
	s7 =	sadd.s32 s17, s2;
	[dreg:$0x14] =	wrdreg s22  }
0x17: {  	s3 =	sshrl.u32 s24, $0x3;
	s0 =	sadd.s32 s21, s14;
	[dreg:$0x7] =	wrdreg s7  }
0x18: {  	s26 =	sshrl.u32 s25, $0x3;
	s13 =	sadd.s32 s6, s14;
	[dreg:$0xe] =	wrdreg s0  }
0x19: {  	s20 =	sadd.s32 s9, s14;
	s21 =	sadd.s32 $0x400, s11;
	[dreg:$0x10] =	wrdreg s13  }
0x1a: {  	s24 =	sadd.s32 $0xC00, s11;
	s25 =	sadd.s32 $0x1000, s11;
	[dreg:$0x11] =	wrdreg s20  }
0x1b: {  	s9 =	simm.s32 $0x9;
	s7 =	sadd.s32 s19, s2;
	[dreg:$0x13] =	wrdreg s21  }
0x1c: {  	s15 =	sadd.s32 s3, s12;
	s17 =	sadd.s32 s26, s12;
	[dreg:$0x15] =	wrdreg s24  }
0x1d: {  	s0 =	sadd.s32 @!p0 s8, s14;
	[dreg:$0x16] =	wrdreg s25;
	s26 =	sadd.s32 $0x1400, s11  }
0x1e: {  	s24 =	simm.s32 $0x13D80;
	s13 =	simm.s32 $0x1BE80;
	[dreg:$0x5] =	wrdreg s30  }
0x1f: {  	s25 =	simm.s32 $0x8;
	s8 =	simm.s32 $0x4;
	[dreg:$0x9] =	wrdreg s7  }
0x20: {  	s11 =	simm.s32 $0xC;
	s7 =	sor.u32 $0x14000, s1;
	[dreg:$0x12] =	wrdreg s0  }
0x21: {  	[dreg:$0x17] =	wrdreg s26;
	s0 =	simm.s32 $0x13E80;
	s7 =	sshrl.u32 s7, $0x3  }
0x22: {  	s26 =	simm.s32 $0x80;
	s16 =	sadd.s32 s7, s12;
	s7 =	sor.u32 $0x10000, s1  }
.Ltmp0:
0x23: {  	s1 =	sor.u32 $0xC000, s1;
	s3 =	sshrl.u32 s7, $0x3;
	(pc) =	sbr.rel .LBB2_1-.Ltmp0, $4  }
0x24: {  	s7 =	sshrl.u32 s10, $0x3;
	[dreg:$0xd] =	wrdreg s1;
	s1 =	simm.s32 $0x6  }
0x25: {  	s10 =	simm.s32 $0x0;
	s18 =	sadd.s32 s3, s12;
	s19 =	sadd.s32 s7, s12  }
0x26: {  	s12 =	sadd.s32 s4, s14;
	s14 =	simm.s32 $0x7;
	s7 =	simm.s32 $0xB  }
0x27: {  	v0 =	vimm.f32 $0.0e+00;
	s4 =	simm.s32 $0x5;
	[dreg:$0xf] =	wrdreg s12;
	s12 =	simm.s32 $0x3  }
.LBB2_6:
0x28: {  	s3 =	stileid.u32;
	[bflag:$0x0] =	sbarrier.arrive $0xFFFF  }
0x29: {  	s20 =	simm.s32 $0xD;
	s3 =	sshll.u32 s3, $0x6;
	s23 =	rddreg [dreg:$0x4]  }
0x2a: {  	s10 =	rddreg [dreg:$0xe];
	s3 =	sor.u32 $0x1C0D, s3;
	s6 =	sshrl.u32 s23, $0x3  }
0x2b: {  	[hbm:s10], [sflag:s3] =	dma.local [spmem:s6], $0x800  }
0x2c: {  	_ =	swait.ge [sflag:s20], $0x800  }
0x2d: {  	[sflag:s20] =	ssyncset.done $0x0;
	s30 =	rddreg [dreg:$0x5]  }
0x2e: {  	s22 =	rddreg [dreg:$0xf];
	[sflag:s20] =	ssyncadd.s32 $0xFFFFF800;
	s21 =	sshrl.u32 s30, $0x3  }
0x2f: {  	[hbm:s22], [sflag:s3] =	dma.local [spmem:s21], $0x800  }
0x30: {  	_ =	swait.ge [sflag:s20], $0x800  }
0x31: {  	[sflag:s20] =	ssyncset.done $0x0;
	s21 =	rddreg [dreg:$0x6]  }
0x32: {  	s22 =	rddreg [dreg:$0x10];
	[sflag:s20] =	ssyncadd.s32 $0xFFFFF800;
	s6 =	sshrl.u32 s21, $0x3  }
0x33: {  	[hbm:s22], [sflag:s3] =	dma.local [spmem:s6], $0x800  }
0x34: {  	_ =	swait.ge [sflag:s20], $0x800  }
0x35: {  	[sflag:s20] =	ssyncset.done $0x0;
	s21 =	rddreg [dreg:$0x7]  }
0x36: {  	s22 =	rddreg [dreg:$0x11];
	[sflag:s20] =	ssyncadd.s32 $0xFFFFF800;
	s6 =	sshrl.u32 s21, $0x3  }
0x37: {  	[hbm:s22], [sflag:s3] =	dma.local [spmem:s6], $0x800  }
0x38: {  	_ =	swait.ge [sflag:s20], $0x800  }
0x39: {  	[sflag:s20] =	ssyncset.done $0x0;
	s6 =	rddreg [dreg:$0x9]  }
0x3a: {  	s10 =	rddreg [dreg:$0x12];
	[sflag:s20] =	ssyncadd.s32 $0xFFFFF800;
	s6 =	sshrl.u32 @!p0 s6, $0x3  }
0x3b: {  	[hbm:s10], [sflag:s3] =	dma.local @!p0 [spmem:s6], $0x800  }
0x3c: {  	s6 =	simm.s32 @!p0 $0xD  }
0x3d: {  	_ =	swait.ge @!p0 [sflag:s6], $0x800  }
0x3e: {  	[sflag:s6] =	ssyncset.done @!p0 $0x0;
	s10 =	rddreg [dreg:$0x8]  }
0x3f: {  	[sflag:s6] =	ssyncadd.s32 @!p0 $0xFFFFF800;
	s6 =	rddreg [dreg:$0xb]  }
0x40: {  	s10 =	sshrl.u32 @p3 s10, $0x3;
	s6 =	sadd.s32 @p3 $0x27000, s6  }
0x41: {  	[hbm:s6], [sflag:s3] =	dma.local @p3 [spmem:s10], $0x100  }
0x42: {  	s3 =	simm.s32 @p3 $0xD  }
0x43: {  	_ =	swait.ge @p3 [sflag:s3], $0x100  }
0x44: {  	s21 =	rddreg [dreg:$0x18]  }
0x45: {  	s22 =	rddreg [dreg:$0xc];
	s10 =	sadd.s32 $0x1, s21  }
0x46: {  	p4 =	sne.s32 s10, s22  }
.Ltmp1:
0x47: {  	_ = 	snop;
	(pc) =	sbr.rel @!p4 .LBB2_7-.Ltmp1, $3  }
0x48: {  	_ =	sdelay $0x1  }
0x49: {  	[sflag:s3] =	ssyncset.done @p3 $0x0  }
0x4a: {  	[sflag:s3] =	ssyncadd.s32 @p3 $0xFFFFFF00  }
.LBB2_1:
0x4b: {  	[dreg:$0x18] =	wrdreg s10;
	s20 =	simm.s32 $0x0;
	s22 =	simm.s32 $0x200  }
.LBB2_2:
0x4c: {  	p3 =	sne.s32 s22, $0xFE00;
	[tilespmem:s20+$0x13EF0] =	vst v0  }
0x4d: {  	[tilespmem:s20+$0x13E80] =	vst v0  }
0x4e: {  	[tilespmem:s20+$0x13E90] =	vst v0  }
.Ltmp2:
0x4f: {  	[tilespmem:s20+$0x13EA0] =	vst v0;
	(pc) =	sbr.rel @p3 .LBB2_2-.Ltmp2, $4  }
0x50: {  	[tilespmem:s20+$0x13EB0] =	vst v0  }
0x51: {  	[tilespmem:s20+$0x13EC0] =	vst v0  }
0x52: {  	[tilespmem:s20+$0x13ED0] =	vst v0  }
0x53: {  	[tilespmem:s20+$0x13EE0] =	vst v0;
	s20 =	sshra.s32 s22, $0x2;
	s22 =	sadd.s32 $0x200, s22  }
0x54: {  	[tilespmem:s20+$0x13EF0] =	vst v0  }
0x55: {  	[tilespmem:s20+$0x13E80] =	vst v0  }
0x56: {  	[tilespmem:s20+$0x13E90] =	vst v0  }
0x57: {  	[tilespmem:s20+$0x13EA0] =	vst v0  }
0x58: {  	[tilespmem:s20+$0x13EB0] =	vst v0  }
0x59: {  	[tilespmem:s20+$0x13EC0] =	vst v0  }
0x5a: {  	[tilespmem:s20+$0x13ED0] =	vst v0  }
0x5b: {  	[tilespmem:s20+$0x13EE0] =	vst v0;
	s6 =	simm.s32 $0xD  }
0x5c: {  	[spmem:s23] =	stream.linear.scatter [tilespmem:s0], [sflag:$0xD], $0x4000, $0x38;
	[tilespmem:$0x1FE80] =	vst v63  }
0x5d: {  	_ =	swait.ge [sflag:s6], $0x4000  }
0x5e: {  	[sflag:s6] =	ssyncset.done $0x0  }
0x5f: {  	[sflag:s6] =	ssyncadd.s32 $0xFFFFC000  }
0x60: {  	[spmem:s30] =	stream.linear.scatter [tilespmem:s0], [sflag:$0xD], $0x4000, $0x38;
	[tilespmem:$0x1FE80] =	vst v63  }
0x61: {  	_ =	swait.ge [sflag:s6], $0x4000  }
0x62: {  	[sflag:s6] =	ssyncset.done $0x0  }
0x63: {  	s3 =	rddreg [dreg:$0x6];
	[sflag:s6] =	ssyncadd.s32 $0xFFFFC000  }
0x64: {  	[spmem:s3] =	stream.linear.scatter [tilespmem:s0], [sflag:$0xD], $0x4000, $0x38;
	[tilespmem:$0x1FE80] =	vst v63  }
0x65: {  	_ =	swait.ge [sflag:s6], $0x4000  }
0x66: {  	[sflag:s6] =	ssyncset.done $0x0  }
0x67: {  	s20 =	rddreg [dreg:$0x7];
	[sflag:s6] =	ssyncadd.s32 $0xFFFFC000  }
0x68: {  	[spmem:s20] =	stream.linear.scatter [tilespmem:s0], [sflag:$0xD], $0x4000, $0x38;
	[tilespmem:$0x1FE80] =	vst v63  }
0x69: {  	_ =	swait.ge [sflag:s6], $0x4000  }
0x6a: {  	[sflag:s6] =	ssyncset.done $0x0  }
0x6b: {  	s20 =	simm.s32 @!p1 $0x13E80;
	s3 =	rddreg [dreg:$0x8];
	[sflag:s6] =	ssyncadd.s32 $0xFFFFC000  }
0x6c: {  	[spmem:s3] =	stream.linear.scatter @!p1 [tilespmem:s20], [sflag:$0xD], $0x800, $0x38;
	[tilespmem:$0x1FE80] =	vst v63  }
0x6d: {  	s20 =	simm.s32 @!p1 $0xD  }
0x6e: {  	_ =	swait.ge @!p1 [sflag:s20], $0x800  }
0x6f: {  	[sflag:s20] =	ssyncset.done @!p1 $0x0  }
0x70: {  	s3 =	rddreg [dreg:$0x9];
	[sflag:s20] =	ssyncadd.s32 @!p1 $0xFFFFF800;
	s20 =	simm.s32 @!p0 $0x13E80  }
0x71: {  	[spmem:s3] =	stream.linear.scatter @!p0 [tilespmem:s20], [sflag:$0xD], $0x4000, $0x38;
	[tilespmem:$0x1FE80] =	vst v63  }
0x72: {  	s20 =	simm.s32 @!p0 $0xD  }
0x73: {  	_ =	swait.ge @!p0 [sflag:s20], $0x4000  }
0x74: {  	s6 =	simm.s32 $0x13880;
	[sflag:s20] =	ssyncset.done @!p0 $0x0  }
0x75: {  	s21 =	rddreg [dreg:$0xa];
	[sflag:s20] =	ssyncadd.s32 @!p0 $0xFFFFC000;
	s20 =	simm.s32 $0x0  }
0x76: {  	[tilespmem:s6], [sflag:$0x1] =	stream.linear.gather [hbm4b:s21+s20], $0x100, $0x38;
	[tilespmem:$0x1FE80] =	vst v63  }
0x77: {  	s10 =	simm.s32 $0x13980;
	s22 =	rddreg [dreg:$0x13]  }
0x78: {  	[tilespmem:s10], [sflag:$0x2] =	stream.linear.gather [hbm4b:s22+s20], $0x100, $0x38;
	[tilespmem:$0x1FE80] =	vst v63  }
0x79: {  	s23 =	rddreg [dreg:$0x14];
	s21 =	simm.s32 $0x13A80  }
0x7a: {  	[tilespmem:s21], [sflag:$0x3] =	stream.linear.gather [hbm4b:s23+s20], $0x100, $0x38;
	[tilespmem:$0x1FE80] =	vst v63  }
0x7b: {  	s22 =	rddreg [dreg:$0x15];
	s23 =	simm.s32 $0x13B80  }
0x7c: {  	[tilespmem:s23], [sflag:$0x4] =	stream.linear.gather [hbm4b:s22+s20], $0x100, $0x38;
	[tilespmem:$0x1FE80] =	vst v63  }
0x7d: {  	s22 =	rddreg [dreg:$0x16];
	s23 =	simm.s32 $0x13C80  }
0x7e: {  	[tilespmem:s23], [sflag:$0x5] =	stream.linear.gather [hbm4b:s22+s20], $0x100, $0x38;
	[tilespmem:$0x1FE80] =	vst v63  }
0x7f: {  	s22 =	rddreg [dreg:$0x17];
	s23 =	simm.s32 $0x1  }
0x80: {  	[tilespmem:s24], [sflag:$0x6] =	stream.linear.gather [hbm4b:s22+s20], $0x100, $0x38;
	[tilespmem:$0x1FE80] =	vst v63  }
0x81: {  	_ =	swait.ge [sflag:s23], $0x100  }
0x82: {  	[sflag:s23] =	ssyncset.done $0x0  }
0x83: {  	[sflag:s23] =	ssyncadd.s32 $0xFFFFFF00  }
0x84: {  	[tilespmem:s0], [sflag:$0x7] =	stream.indirect.gather [hbm4b:s5+s26], $0x80, s6, s26, $0xb8;
	[tilespmem:$0x1FE80] =	vst v63  }
0x85: {  	_ =	swait.ge [sflag:s28], $0x100  }
0x86: {  	[sflag:s28] =	ssyncset.done $0x0  }
0x87: {  	p4 =	por @p0 $0x0, $0x0;
	p3 =	por @!p1 $0x1, $0x1;
	[sflag:s28] =	ssyncadd.s32 $0xFFFFFF00  }
0x88: {  	[tilespmem:s29], [sflag:$0x8] =	stream.indirect.gather [hbm4b:s5+s26], $0x80, s10, s26, $0xb8;
	[tilespmem:$0x1FE80] =	vst v63  }
0x89: {  	p3 =	por @!p2 p4, p4;
	p4 =	por @!p0 $0x0, $0x0;
	[bflag:$0x0] =	sbarrier.arrive $0xFFFF  }
0x8a: {  	p3 =	por @!p0 p4, p4;
	s21 =	simm.s32 $0x13980;
	s30 =	rddreg [dreg:$0xd]  }
.LBB2_4:
0x8b: {  	_ =	swait.ge [sflag:s14], $0x4000  }
0x8c: {  	[sflag:s14] =	ssyncset.done $0x0  }
0x8d: {  	s3 =	simm.s32 $0x13900;
	[sflag:s14] =	ssyncadd.s32 $0xFFFFC000  }
0x8e: {  	[spmem:s2] =	stream.indirect.scatter.add.f32 [tilespmem:s0], [sflag:$0xA], $0x80, s3, s26, $0xb8;
	[tilespmem:$0x1FE80] =	vst v63  }
0x8f: {  	_ =	swait.ge [sflag:s31], $0x4000  }
0x90: {  	[sflag:s31] =	ssyncset.done $0x0  }
0x91: {  	[sflag:s31] =	ssyncadd.s32 $0xFFFFC000  }
0x92: {  	_ =	swait.ge [sflag:s12], $0x100  }
0x93: {  	[sflag:s12] =	ssyncset.done $0x0  }
0x94: {  	s6 =	simm.s32 $0x13A80;
	p4 =	seq.s32 s20, $0x13800;
	[sflag:s12] =	ssyncadd.s32 $0xFFFFFF00  }
0x95: {  	[tilespmem:s13], [sflag:$0x9] =	stream.indirect.gather [hbm4b:s5+s26], $0x80, s6, s26, $0xb8;
	[tilespmem:$0x1FE80] =	vst v63  }
0x96: {  	s22 =	sshrl.u32 @!p4 s30, $0x3;
	s3 =	rddreg [dreg:$0x1]  }
0x97: {  	s23 =	simm.s32 @!p4 $0x13880;
	s6 =	sadd.s32 @!p4 s3, s22;
	s22 =	simm.s32 @!p4 $0x0  }
0x98: {  	[tilespmem:s23], [sflag:$0x1] =	stream.linear.gather @!p4 [hbm4b:s6+s22], $0x100, $0x38;
	[tilespmem:$0x1FE80] =	vst v63  }
0x99: {  	_ =	swait.ge [sflag:s25], $0x4000  }
0x9a: {  	[sflag:s25] =	ssyncset.done $0x0  }
0x9b: {  	s10 =	simm.s32 $0x13A00;
	[sflag:s25] =	ssyncadd.s32 $0xFFFFC000  }
0x9c: {  	[spmem:s2] =	stream.indirect.scatter.add.f32 [tilespmem:s29], [sflag:$0xB], $0x80, s10, s26, $0xb8;
	[tilespmem:$0x1FE80] =	vst v63  }
0x9d: {  	_ =	swait.ge [sflag:s7], $0x4000  }
0x9e: {  	[sflag:s7] =	ssyncset.done $0x0  }
0x9f: {  	[sflag:s7] =	ssyncadd.s32 $0xFFFFC000  }
0xa0: {  	_ =	swait.ge [sflag:s8], $0x100  }
0xa1: {  	[sflag:s8] =	ssyncset.done $0x0  }
0xa2: {  	s6 =	simm.s32 $0x13B80;
	[sflag:s8] =	ssyncadd.s32 $0xFFFFFF00  }
0xa3: {  	[tilespmem:s0], [sflag:$0x7] =	stream.indirect.gather [hbm4b:s5+s26], $0x80, s6, s26, $0xb8;
	[tilespmem:$0x1FE80] =	vst v63  }
0xa4: {  	s10 =	simm.s32 @!p4 $0x13980;
	s6 =	sadd.s32 @!p4 s20, s19  }
0xa5: {  	[tilespmem:s10], [sflag:$0x2] =	stream.linear.gather @!p4 [hbm4b:s6+s22], $0x100, $0x38;
	[tilespmem:$0x1FE80] =	vst v63  }
0xa6: {  	_ =	swait.ge [sflag:s9], $0x4000  }
0xa7: {  	[sflag:s9] =	ssyncset.done $0x0  }
0xa8: {  	s10 =	simm.s32 $0x13B00;
	[sflag:s9] =	ssyncadd.s32 $0xFFFFC000  }
0xa9: {  	[spmem:s2] =	stream.indirect.scatter.add.f32 [tilespmem:s13], [sflag:$0xC], $0x80, s10, s26, $0xb8;
	[tilespmem:$0x1FE80] =	vst v63  }
0xaa: {  	_ =	swait.ge [sflag:s11], $0x4000  }
0xab: {  	[sflag:s11] =	ssyncset.done $0x0  }
0xac: {  	[sflag:s11] =	ssyncadd.s32 $0xFFFFC000  }
0xad: {  	_ =	swait.ge [sflag:s4], $0x100  }
0xae: {  	[sflag:s4] =	ssyncset.done $0x0  }
0xaf: {  	s6 =	simm.s32 $0x13C80;
	[sflag:s4] =	ssyncadd.s32 $0xFFFFFF00  }
0xb0: {  	[tilespmem:s29], [sflag:$0x8] =	stream.indirect.gather [hbm4b:s5+s26], $0x80, s6, s26, $0xb8;
	[tilespmem:$0x1FE80] =	vst v63  }
0xb1: {  	s10 =	simm.s32 @!p4 $0x13A80;
	s6 =	sadd.s32 @!p4 s20, s18  }
0xb2: {  	[tilespmem:s10], [sflag:$0x3] =	stream.linear.gather @!p4 [hbm4b:s6+s22], $0x100, $0x38;
	[tilespmem:$0x1FE80] =	vst v63  }
0xb3: {  	_ =	swait.ge [sflag:s14], $0x4000  }
0xb4: {  	[sflag:s14] =	ssyncset.done $0x0  }
0xb5: {  	s10 =	simm.s32 $0x13C00;
	[sflag:s14] =	ssyncadd.s32 $0xFFFFC000  }
0xb6: {  	[spmem:s2] =	stream.indirect.scatter.add.f32 [tilespmem:s0], [sflag:$0xA], $0x80, s10, s26, $0xb8;
	[tilespmem:$0x1FE80] =	vst v63  }
0xb7: {  	_ =	swait.ge [sflag:s31], $0x4000  }
0xb8: {  	[sflag:s31] =	ssyncset.done $0x0  }
0xb9: {  	[sflag:s31] =	ssyncadd.s32 $0xFFFFC000  }
0xba: {  	_ =	swait.ge [sflag:s1], $0x100  }
0xbb: {  	[sflag:s1] =	ssyncset.done $0x0  }
0xbc: {  	s6 =	simm.s32 @p4 $0x8;
	[sflag:s1] =	ssyncadd.s32 $0xFFFFFF00  }
0xbd: {  	[tilespmem:s13], [sflag:$0x9] =	stream.indirect.gather [hbm4b:s5+s26], $0x80, s24, s26, $0xb8;
	[tilespmem:$0x1FE80] =	vst v63  }
0xbe: {  	_ =	swait.ge @p4 [sflag:s6], $0x4000  }
0xbf: {  	s3 =	simm.s32 @p4 $0x17E80;
	[sflag:s6] =	ssyncset.done @p4 $0x0  }
0xc0: {  	s10 =	simm.s32 @p4 $0x13D00;
	[sflag:s6] =	ssyncadd.s32 @p4 $0xFFFFC000;
	s6 =	simm.s32 @p4 $0x80  }
0xc1: {  	[spmem:s2] =	stream.indirect.scatter.add.f32 @p4 [tilespmem:s3], [sflag:$0xB], $0x80, s10, s6, $0xb8;
	[tilespmem:$0x1FE80] =	vst v63  }
0xc2: {  	s3 =	simm.s32 @p4 $0xB  }
0xc3: {  	_ =	swait.ge @p4 [sflag:s3], $0x4000  }
0xc4: {  	[sflag:s3] =	ssyncset.done @p4 $0x0  }
0xc5: {  	s6 =	simm.s32 @!p4 $0x13B80;
	[sflag:s3] =	ssyncadd.s32 @p4 $0xFFFFC000;
	s3 =	sadd.s32 @!p4 s20, s17  }
0xc6: {  	[tilespmem:s6], [sflag:$0x4] =	stream.linear.gather @!p4 [hbm4b:s3+s22], $0x100, $0x38;
	[tilespmem:$0x1FE80] =	vst v63  }
0xc7: {  	s3 =	simm.s32 @!p4 $0x8  }
0xc8: {  	_ =	swait.ge @!p4 [sflag:s3], $0x4000  }
0xc9: {  	s10 =	simm.s32 @!p4 $0x17E80;
	[sflag:s3] =	ssyncset.done @!p4 $0x0  }
0xca: {  	s6 =	simm.s32 @!p4 $0x13D00;
	[sflag:s3] =	ssyncadd.s32 @!p4 $0xFFFFC000;
	s3 =	simm.s32 @!p4 $0x80  }
0xcb: {  	[spmem:s2] =	stream.indirect.scatter.add.f32 @!p4 [tilespmem:s10], [sflag:$0xB], $0x80, s6, s3, $0xb8;
	[tilespmem:$0x1FE80] =	vst v63  }
0xcc: {  	s6 =	simm.s32 @!p4 $0xB  }
0xcd: {  	_ =	swait.ge @!p4 [sflag:s6], $0x4000  }
0xce: {  	[sflag:s6] =	ssyncset.done @!p4 $0x0  }
0xcf: {  	[sflag:s6] =	ssyncadd.s32 @!p4 $0xFFFFC000;
	s6 =	simm.s32 @!p4 $0x1  }
0xd0: {  	_ =	swait.ge @!p4 [sflag:s6], $0x100  }
0xd1: {  	[sflag:s6] =	ssyncset.done @!p4 $0x0  }
0xd2: {  	[sflag:s6] =	ssyncadd.s32 @!p4 $0xFFFFFF00;
	s6 =	simm.s32 @!p4 $0x13E80  }
0xd3: {  	[tilespmem:s6], [sflag:$0x7] =	stream.indirect.gather @!p4 [hbm4b:s5+s3], $0x80, s23, s3, $0xb8;
	[tilespmem:$0x1FE80] =	vst v63  }
0xd4: {  	s3 =	sadd.s32 @!p4 s20, s16;
	s6 =	simm.s32 @!p4 $0x13C80  }
0xd5: {  	[tilespmem:s6], [sflag:$0x5] =	stream.linear.gather @!p4 [hbm4b:s3+s22], $0x100, $0x38;
	[tilespmem:$0x1FE80] =	vst v63  }
0xd6: {  	_ =	swait.ge [sflag:s9], $0x4000  }
0xd7: {  	[sflag:s9] =	ssyncset.done $0x0  }
.Ltmp3:
0xd8: {  	s23 =	simm.s32 $0x13E00;
	[sflag:s9] =	ssyncadd.s32 $0xFFFFC000;
	(pc) =	sbr.rel @p4 .LBB2_6-.Ltmp3, $4  }
0xd9: {  	[spmem:s2] =	stream.indirect.scatter.add.f32 [tilespmem:s13], [sflag:$0xC], $0x80, s23, s26, $0xb8;
	[tilespmem:$0x1FE80] =	vst v63  }
0xda: {  	_ =	swait.ge [sflag:s11], $0x4000  }
0xdb: {  	[sflag:s11] =	ssyncset.done $0x0  }
0xdc: {  	[sflag:s11] =	ssyncadd.s32 $0xFFFFC000  }
0xdd: {  	_ =	swait.ge [sflag:s28], $0x100  }
.Ltmp4:
0xde: {  	[sflag:s28] =	ssyncset.done $0x0;
	(pc) =	sbr.rel .LBB2_4-.Ltmp4, $4  }
0xdf: {  	s3 =	sadd.s32 s20, s15;
	[sflag:s28] =	ssyncadd.s32 $0xFFFFFF00  }
0xe0: {  	[tilespmem:s29], [sflag:$0x8] =	stream.indirect.gather [hbm4b:s5+s26], $0x80, s21, s26, $0xb8;
	[tilespmem:$0x1FE80] =	vst v63  }
0xe1: {  	s6 =	simm.s32 $0x0;
	s20 =	sadd.s32 $0x1800, s20;
	s30 =	sadd.s32 $0xC000, s30  }
0xe2: {  	[tilespmem:s24], [sflag:$0x6] =	stream.linear.gather [hbm4b:s3+s6], $0x100, $0x38;
	[tilespmem:$0x1FE80] =	vst v63  }
.LBB2_7:
0xe3: {  	_ =	sfence.sel $0x180000  }
0xe4: {  	[bflag:$0x0] =	sbarrier.arrive $0xFFFF  }
0xe5: {  	_ =	strace $0x9000004D  }
0xe6: {  	s0 =	stileid.u32;
	[bflag:$0x2] =	sbarrier.arrive $0xFFFF  }
0xe7: {  	p0 =	sne.s32 s0, $0x0;
	s0 =	rddreg [dreg:$0x3]  }
0xe8: {  	s0 =	sadd.s32 @!p0 $0x100000, s0  }
0xe9: {  	[sflag:s0] =	ssyncadd.tile.s32 @!p0 $0x1;
	_ =	shalt  }
.Lfunc_end2:
_tile_overlayer_lowered:
.L_overlay_start_2:
0xea: {  	(tag) =	ssettag $0x2  }
0xeb: {  	s0 =	rddreg [dreg:$0x0];
	s2 =	stileid.u32  }
0xec: {  	s1 =	rddreg [dreg:$0x1];
	p0 =	sne.s32 s2, $0x0  }
0xed: {  	s3 =	rddreg [dreg:$0x2];
	[bflag:$0x3] =	sbarrier.arrive $0xFFFF;
	s2 =	simm.s32 @!p0 $0x1C0D  }
0xee: {  	[timem:s3], [sflag:s2] =	dma.local @!p0 [hbm:s0], s1  }
0xef: {  	s0 =	simm.s32 @!p0 $0xD  }
0xf0: {  	_ =	swait.ge @!p0 [sflag:s0], s1  }
0xf1: {  	s1 =	ssub.s32 @!p0 $0x0, s1;
	[sflag:s0] =	ssyncset.done @!p0 $0x0  }
0xf2: {  	[sflag:s0] =	ssyncadd.s32 @!p0 s1  }
0xf3: {  	[bflag:$0x3] =	sbarrier.arrive $0xFFFF  }
0xf4: {  	_ =	shalt  }

// kernel: kernel.20.cloned.1.call-start
scs
__scs_entry_jumppad:
0x0: {  	(pc) =	sbr.rel $0x88, $3  }
0x1: {  	(tag) =	ssettag $0x0;
	lr =	simm.s32 $0x1  }
0x2: {  	[smem:$0x3F99] =	sst lr;
	_ =	strace $0xD0000000  }
0x3: {  	_ = 	snop  }
0x4: {  	_ = 	snop  }
0x5: {  	_ = 	snop  }
0x6: {  	_ = 	snop  }
0x7: {  	_ = 	snop  }
__scs_overlays_trampoline_lowered:
0x8: {  	[smem:$0x3FA8] =	sst s0  }
0x9: {  	[smem:$0x3FA9] =	sst s1  }
0xa: {  	[smem:$0x3FAA] =	sst s2  }
0xb: {  	[smem:$0x3FAB] =	sst s3  }
0xc: {  	[smem:$0x3FAC] =	sst s4  }
0xd: {  	[smem:$0x3FAD] =	sst s5  }
0xe: {  	[smem:$0x3FAE] =	sst s6  }
0xf: {  	[smem:$0x3FAF] =	sst s7  }
0x10: {  	[smem:$0x3FB0] =	sst s8  }
0x11: {  	[smem:$0x3FB1] =	sst s9;
	s0 =	simm.s32 @!p0 $0x0  }
0x12: {  	s1 =	sld [smem:$0x3F97];
	s0 =	simm.s32 @p0 $0x1  }
0x13: {  	[smem:$0x3FB2] =	sst s0;
	s0 =	simm.s32 @!p1 $0x0  }
0x14: {  	s2 =	sld [smem:$0x3F96];
	s0 =	simm.s32 @p1 $0x1  }
0x15: {  	[smem:$0x3FB3] =	sst s0;
	s0 =	simm.s32 @!p2 $0x0  }
0x16: {  	s3 =	sld [smem:$0x3FDB];
	s0 =	simm.s32 @p2 $0x1  }
0x17: {  	s4 =	simm.s32 $0x1BF5;
	[smem:$0x3FB5] =	sst s0  }
0x18: {  	s0 =	sld [smem:$0x3F98];
	_ =	swait.ge [sflag:s4], $0x0  }
0x19: {  	s7 =	sld [smem:$0x3F99]  }
0x1a: {  	s8 =	sadd.s32 $0xFFFFE003, lr  }
0x1b: {  	s9 =	sadd.s32 $0xFFFFFEF7, lr;
	s5 =	simm.s32 $0xFFFFFFFF;
	p2 =	slt.u32 s8, $0xFFFFF086  }
0x1c: {  	p1 =	slt.u32 s9, $0xF7A;
	s5 =	simm.s32 @!p2 $0x0  }
0x1d: {  	s5 =	simm.s32 @p1 $0x1;
	p0 =	seq.s32 s7, s2  }
0x1e: {  	s7 =	smul.u32 @!p0 $0xF7A, s2;
	p2 =	seq.s32 @!p0 s5, $0x0  }
0x1f: {  	s9 =	smul.u32 $0xF7A, s1;
	s8 =	simm.s32 @!p0 $0x1BF5;
	p2 =	por !p2, p0  }
0x20: {  	[sflag:s8] =	ssyncset.s32 @!p0 $0xFFFFF086;
	s6 =	sadd.s32 @!p0 s3, s7;
	s7 =	simm.s32 @!p0 $0x108  }
0x21: {  	s3 =	sadd.s32 s3, s9;
	s6 =	sadd.s32 @!p0 $0x88, s6;
	s7 =	simm.s32 @p2 $0x1082  }
0x22: {  	[simem:s7], [sflag:s8] =	dma.local @!p0 [hbm:s6], $0xF7A  }
0x23: {  	s9 =	sor.u32 $0xD0000000, s2;
	s6 =	simm.s32 $0x108;
	_ =	swait.ge @!p0 [sflag:s8], $0x0  }
0x24: {  	s3 =	sadd.s32 $0x88, s3;
	s6 =	simm.s32 @!p1 $0x1082;
	[sflag:s4] =	ssyncset.s32 $0xFFFFF086  }
0x25: {  	[simem:s6], [sflag:s4] =	dma.local [hbm:s3], $0xF7A  }
0x26: {  	[smem:$0x3F99] =	sst s1;
	(tag) =	ssettag s2;
	_ =	strace s9  }
0x27: {  	s1 =	sld [smem:$0x3FA9]  }
0x28: {  	s2 =	sld [smem:$0x3FAA]  }
0x29: {  	s4 =	sld [smem:$0x3FAC]  }
0x2a: {  	p0 =	seq.s32 s5, $0x0;
	s5 =	sld [smem:$0x3FAD]  }
0x2b: {  	s6 =	sld [smem:$0x3FAE]  }
0x2c: {  	s7 =	sld [smem:$0x3FAF]  }
0x2d: {  	s3 =	simm.s32 $0x108;
	s8 =	sld [smem:$0x3FB0]  }
0x2e: {  	s3 =	simm.s32 @!p0 $0x1082;
	s9 =	sld [smem:$0x3FB1]  }
0x2f: {  	lr =	sadd.s32 s0, s3;
	s0 =	sld [smem:$0x3FA8]  }
0x30: {  	s3 =	sld [smem:$0x3FAB]  }
0x31: {  	[smem:$0x3FB4] =	sst s10  }
0x32: {  	s10 =	sld [smem:$0x3FB2];
	_ =	sdelay $0x3  }
0x33: {  	p0 =	seq.s32 s10, $0x1;
	s10 =	sld [smem:$0x3FB4];
	_ =	sdelay $0x3  }
0x34: {  	[smem:$0x3FB4] =	sst s10  }
0x35: {  	s10 =	sld [smem:$0x3FB3];
	_ =	sdelay $0x3  }
0x36: {  	p1 =	seq.s32 s10, $0x1;
	s10 =	sld [smem:$0x3FB4];
	_ =	sdelay $0x3  }
0x37: {  	[smem:$0x3FB4] =	sst s10  }
0x38: {  	s10 =	sld [smem:$0x3FB5]  }
0x39: {  	_ = 	snop;
	(pc) =	sbr.ind lr, $3  }
0x3a: {  	_ = 	snop  }
0x3b: {  	_ = 	snop  }
0x3c: {  	p2 =	seq.s32 s10, $0x1;
	s10 =	sld [smem:$0x3FB4]  }
0x3d: {  	_ =	shalt  }
0x3e: {  	_ =	shalt  }
0x3f: {  	_ =	shalt  }
0x40: {  	_ =	shalt  }
0x41: {  	_ =	shalt  }
0x42: {  	_ =	shalt  }
0x43: {  	_ =	shalt  }
0x44: {  	_ =	shalt  }
0x45: {  	_ =	shalt  }
0x46: {  	_ =	shalt  }
0x47: {  	_ =	shalt  }
0x48: {  	_ =	shalt  }
0x49: {  	_ =	shalt  }
0x4a: {  	_ =	shalt  }
0x4b: {  	_ =	shalt  }
0x4c: {  	_ =	shalt  }
0x4d: {  	_ =	shalt  }
0x4e: {  	_ =	shalt  }
0x4f: {  	_ =	shalt  }
0x50: {  	_ =	shalt  }
0x51: {  	_ =	shalt  }
0x52: {  	_ =	shalt  }
0x53: {  	_ =	shalt  }
0x54: {  	_ =	shalt  }
0x55: {  	_ =	shalt  }
0x56: {  	_ =	shalt  }
0x57: {  	_ =	shalt  }
0x58: {  	_ =	shalt  }
0x59: {  	_ =	shalt  }
0x5a: {  	_ =	shalt  }
0x5b: {  	_ =	shalt  }
0x5c: {  	_ =	shalt  }
0x5d: {  	_ =	shalt  }
0x5e: {  	_ =	shalt  }
0x5f: {  	_ =	shalt  }
0x60: {  	_ =	shalt  }
0x61: {  	_ =	shalt  }
0x62: {  	_ =	shalt  }
0x63: {  	_ =	shalt  }
0x64: {  	_ =	shalt  }
0x65: {  	_ =	shalt  }
0x66: {  	_ =	shalt  }
0x67: {  	_ =	shalt  }
0x68: {  	_ =	shalt  }
0x69: {  	_ =	shalt  }
0x6a: {  	_ =	shalt  }
0x6b: {  	_ =	shalt  }
0x6c: {  	_ =	shalt  }
0x6d: {  	_ =	shalt  }
0x6e: {  	_ =	shalt  }
0x6f: {  	_ =	shalt  }
0x70: {  	_ =	shalt  }
0x71: {  	_ =	shalt  }
0x72: {  	_ =	shalt  }
0x73: {  	_ =	shalt  }
0x74: {  	_ =	shalt  }
0x75: {  	_ =	shalt  }
0x76: {  	_ =	shalt  }
0x77: {  	_ =	shalt  }
0x78: {  	_ =	shalt  }
0x79: {  	_ =	shalt  }
0x7a: {  	_ =	shalt  }
0x7b: {  	_ =	shalt  }
0x7c: {  	_ =	shalt  }
0x7d: {  	_ =	shalt  }
0x7e: {  	_ =	shalt  }
0x7f: {  	_ =	shalt  }
0x80: {  	_ =	shalt  }
0x81: {  	_ =	shalt  }
0x82: {  	_ =	shalt  }
0x83: {  	_ =	shalt  }
0x84: {  	_ =	shalt  }
0x85: {  	_ =	shalt  }
0x86: {  	_ =	shalt  }
0x87: {  	_ =	shalt  }
.Lfunc_end0:
.L_simem_size_0:
called_computation.3_lowered:
.L_overlay_start_0:
0x88: {  	s2 =	sld [smem:$0x3FD9]  }
0x89: {  	s3 =	sld [smem:$0x3FFE];
	_ =	sdelay $0x1  }
0x8a: {  	s1 =	srdreg.scid  }
0x8b: {  	s0 =	sand.u32 $0x1, s1  }
0x8c: {  	s17 =	sshll.u32 s0, $0xA;
	s2 =	sadd.s32 s3, s2  }
0x8d: {  	s2 =	sadd.s32 s2, s17  }
0x8e: {  	[smem:$0x3FC0] =	sst s2  }
0x8f: {  	_ = 	snop  }
0x90: {  	s2 =	sld [smem:$0x3FD0];
	(tm) =	ssettm $0x1  }
0x91: {  	s18 =	sld [smem:$0x3FFB];
	_ =	sdelay $0x3  }
0x92: {  	_ =	strace s18  }
0x93: {  	s3 =	sld [smem:$0x3FFC];
	_ =	sdelay $0x3  }
0x94: {  	_ =	strace s3  }
0x95: {  	s3 =	sld [smem:$0x3FFD];
	_ =	sdelay $0x3  }
0x96: {  	_ =	strace s3  }
0x97: {  	_ =	strace $0x8FFFFFFF  }
0x98: {  	s19 =	sld [smem:$0x3FDB];
	_ =	sdelay $0x1  }
0x99: {  	s4 =	simm.s32 $_scs_section_size  }
0x9a: {  	s5 =	simm.s32 $_size__tile_overlayer_lowered;
	s6 =	simm.s32 $_tile_overlayer_lowered  }
0x9b: {  	s22 =	simm.s32 $0x1BFF;
	s21 =	sshll.u32 s6, $0x1;
	s3 =	sadd.s32 s4, s19  }
0x9c: {  	s7 =	simm.s32 $0x0;
	s20 =	sshll.u32 s5, $0x1;
	s5 =	sadd.s32 s21, s3  }
0x9d: {  	[timem:s7], [sflag:s22] =	dma.local [hbm:s5], s20  }
0x9e: {  	_ =	swait.ge [sflag:s22], s20  }
0x9f: {  	s4 =	ssub.s32 $0x0, s20;
	[sflag:s22] =	ssyncset.done $0x0  }
0xa0: {  	[sflag:s22] =	ssyncadd.s32 s4;
	_ =	sdelay $0x1  }
0xa1: {  	s23 =	simm.s32 $0x1B8B  }
0xa2: {  	_ =	swait.ge [sflag:s23], $0x1  }
0xa3: {  	[sflag:s23] =	ssyncset.done $0x0  }
0xa4: {  	s25 =	simm.s32 $0x1B8E;
	s24 =	sld [smem:$0x3FFE];
	[sflag:s23] =	ssyncadd.s32 $0xFFFFFFFF  }
0xa5: {  	s26 =	simm.s32 $execute0_lowered;
	[smem:$0x3FD2] =	sst s25  }
0xa6: {  	s5 =	sshll.u32 s26, $0x1;
	_ =	strace $0x8000004F;
	[dreg:$0x1] =	wrdreg $0xFFFFFFFF  }
0xa7: {  	s28 =	simm.s32 $_size_execute0_lowered;
	s3 =	sadd.s32 s3, s5;
	[dreg:$0x0] =	wrdreg $0x0  }
0xa8: {  	s5 =	sshll.u32 s28, $0x1;
	[dreg:$0x2] =	wrdreg s3  }
0xa9: {  	[dreg:$0x3] =	wrdreg s5  }
0xaa: {  	[dreg:$0x4] =	wrdreg $0xC0  }
0xab: {  	_ =	task [dreg:s7], $0x5FFFF  }
0xac: {  	[dreg:$0x1] =	wrdreg $0xFFFFFFFF  }
0xad: {  	[dreg:$0x0] =	wrdreg $0x60  }
0xae: {  	[dreg:$0x2] =	wrdreg s24  }
0xaf: {  	[dreg:$0x3] =	wrdreg s2  }
0xb0: {  	[dreg:$0x4] =	wrdreg $0x0  }
0xb1: {  	[dreg:$0x5] =	wrdreg $0x9  }
0xb2: {  	_ =	task.clear_ibuf [dreg:s7], $0x6FFFF;
	_ =	strace $0x9000004F  }
0xb3: {  	s29 =	simm.s32 $0x9;
	_ =	strace $0x80000051  }
0xb4: {  	_ =	swait.ge [sflag:s29], $0x1  }
0xb5: {  	[sflag:s29] =	ssyncadd.s32 $0xFFFFFFFF  }
0xb6: {  	_ =	strace $0x90000051  }
0xb7: {  	_ =	sfence  }
0xb8: {  	s30 =	sld [smem:$0x0];
	_ =	sdelay $0x2  }
0xb9: {  	s31 =	sshll.u32 s1, $0xD;
	s1 =	sshrl.u32 s1, $0x2  }
0xba: {  	s3 =	sand.u32 $0x4000, s31;
	s1 =	sadd.s32 s1, s30  }
0xbb: {  	s0 =	sor.u32 s3, s0;
	s1 =	sshll.u32 s1, $0x11  }
0xbc: {  	s0 =	sor.u32 s1, s0  }
0xbd: {  	s0 =	sadd.s32 $0x8F2B, s0  }
0xbe: {  	[sflag:s0] =	ssyncadd.remote.s32 $0x1  }
0xbf: {  	_ =	sfence.sel $0xFFFF  }
0xc0: {  	[dreg:$0x0] =	wrdreg $0xFFFFFFFF;
	(pc) =	sbr.abs _section_cstart, $3  }
0xc1: {  	[dreg:$0x1] =	wrdreg $0xFFFFFFFF  }
0xc2: {  	_ =	task.clear_ibuf [dreg:s7], $0x2FFFF;
	_ =	strace $0x9FFFFFFF  }
0xc3: {  	(tm) =	ssettm $0x7FFFFFFF  }
tec
execute0_lowered:
.L_overlay_start_1:
0x0: {  	(tag) =	ssettag $0x1  }
0x1: {  	s0 =	rddreg [dreg:$0x0]  }
0x2: {  	s12 =	rddreg [dreg:$0x1]  }
0x3: {  	s2 =	rddreg [dreg:$0x2];
	s3 =	simm.s32 $0x0  }
0x4: {  	s1 =	srdreg.scid;
	s13 =	stileid.u32;
	s28 =	simm.s32 $0x2  }
0x5: {  	s29 =	simm.s32 $0x17E80;
	s31 =	simm.s32 $0xA;
	[smem:$0x7FF] =	sst s3  }
0x6: {  	s1 =	sand.u32 $0x1, s1;
	s5 =	sadd.s32 $0x2800, s0;
	s26 =	sshll.u32 s13, $0xE  }
0x7: {  	s15 =	sor.u32 $0x20, s13;
	s9 =	sor.u32 $0x30, s13;
	s18 =	sor.u32 $0x40, s13  }
0x8: {  	s10 =	sshll.u32 s13, $0x5;
	s20 =	sadd.s32 $0x138000, s2;
	s21 =	sshll.u32 s13, $0xB  }
0x9: {  	s22 =	sshll.u32 s13, $0x8;
	p0 =	sgt.u32 s13, $0xD;
	_ =	strace $0x80000050  }
0xa: {  	s24 =	smul.u32 $0x27100, s1;
	s4 =	ssub.s32 $0x2, s1;
	s23 =	sadd.s32 s26, s2  }
0xb: {  	s8 =	sshll.u32 s15, $0xE;
	s17 =	sshll.u32 s9, $0xE;
	s11 =	sshll.u32 s1, $0x9  }
0xc: {  	s19 =	sshll.u32 s18, $0xE;
	[dreg:$0x8] =	wrdreg s20;
	s1 =	sshll.u32 s1, $0xC  }
0xd: {  	s9 =	sshll.u32 s9, $0xB;
	p2 =	sne.s32 @p0 s13, $0xE;
	s6 =	sshrl.u32 s4, $0x1  }
0xe: {  	s16 =	sadd.s32 s8, s2;
	s10 =	sor.u32 s10, s11;
	s8 =	sshll.u32 s18, $0xB  }
0xf: {  	s1 =	sor.u32 s22, s1;
	p1 =	por p2, !p0;
	p2 =	por !p2, !p0  }
0x10: {  	[dreg:$0x4] =	wrdreg s23;
	s0 =	sadd.s32 s24, s0;
	s25 =	ssub.s32 s4, s6  }
0x11: {  	s6 =	sor.u32 $0x10, s13;
	[dreg:$0x6] =	wrdreg s16;
	s11 =	sadd.s32 s12, s10  }
0x12: {  	s24 =	sor.u32 $0x16000, s1;
	s10 =	sor.u32 $0xE000, s1;
	s7 =	sshll.u32 s6, $0xE  }
0x13: {  	s14 =	sadd.s32 $0x29A00, s0;
	s3 =	smax.u32 s25, $0x1;
	[dreg:$0xa] =	wrdreg s11  }
0x14: {  	s4 =	sshll.u32 s6, $0xB;
	s6 =	sshll.u32 s15, $0xB;
	[dreg:$0xc] =	wrdreg s3  }
0x15: {  	s25 =	sor.u32 $0x12000, s1;
	s22 =	sadd.s32 $0x800, s11;
	[dreg:$0xb] =	wrdreg s14  }
0x16: {  	s30 =	sadd.s32 s7, s2;
	s7 =	sadd.s32 s17, s2;
	[dreg:$0x14] =	wrdreg s22  }
0x17: {  	s3 =	sshrl.u32 s24, $0x3;
	s0 =	sadd.s32 s21, s14;
	[dreg:$0x7] =	wrdreg s7  }
0x18: {  	s26 =	sshrl.u32 s25, $0x3;
	s13 =	sadd.s32 s6, s14;
	[dreg:$0xe] =	wrdreg s0  }
0x19: {  	s20 =	sadd.s32 s9, s14;
	s21 =	sadd.s32 $0x400, s11;
	[dreg:$0x10] =	wrdreg s13  }
0x1a: {  	s24 =	sadd.s32 $0xC00, s11;
	s25 =	sadd.s32 $0x1000, s11;
	[dreg:$0x11] =	wrdreg s20  }
0x1b: {  	s9 =	simm.s32 $0x9;
	s7 =	sadd.s32 s19, s2;
	[dreg:$0x13] =	wrdreg s21  }
0x1c: {  	s15 =	sadd.s32 s3, s12;
	s17 =	sadd.s32 s26, s12;
	[dreg:$0x15] =	wrdreg s24  }
0x1d: {  	s0 =	sadd.s32 @!p0 s8, s14;
	[dreg:$0x16] =	wrdreg s25;
	s26 =	sadd.s32 $0x1400, s11  }
0x1e: {  	s24 =	simm.s32 $0x13D80;
	s13 =	simm.s32 $0x1BE80;
	[dreg:$0x5] =	wrdreg s30  }
0x1f: {  	s25 =	simm.s32 $0x8;
	s8 =	simm.s32 $0x4;
	[dreg:$0x9] =	wrdreg s7  }
0x20: {  	s11 =	simm.s32 $0xC;
	s7 =	sor.u32 $0x14000, s1;
	[dreg:$0x12] =	wrdreg s0  }
0x21: {  	[dreg:$0x17] =	wrdreg s26;
	s0 =	simm.s32 $0x13E80;
	s7 =	sshrl.u32 s7, $0x3  }
0x22: {  	s26 =	simm.s32 $0x80;
	s16 =	sadd.s32 s7, s12;
	s7 =	sor.u32 $0x10000, s1  }
.Ltmp0:
0x23: {  	s1 =	sor.u32 $0xC000, s1;
	s3 =	sshrl.u32 s7, $0x3;
	(pc) =	sbr.rel .LBB2_1-.Ltmp0, $4  }
0x24: {  	s7 =	sshrl.u32 s10, $0x3;
	[dreg:$0xd] =	wrdreg s1;
	s1 =	simm.s32 $0x6  }
0x25: {  	s10 =	simm.s32 $0x0;
	s18 =	sadd.s32 s3, s12;
	s19 =	sadd.s32 s7, s12  }
0x26: {  	s12 =	sadd.s32 s4, s14;
	s14 =	simm.s32 $0x7;
	s7 =	simm.s32 $0xB  }
0x27: {  	v0 =	vimm.f32 $0.0e+00;
	s4 =	simm.s32 $0x5;
	[dreg:$0xf] =	wrdreg s12;
	s12 =	simm.s32 $0x3  }
.LBB2_6:
0x28: {  	s3 =	stileid.u32;
	[bflag:$0x0] =	sbarrier.arrive $0xFFFF  }
0x29: {  	s20 =	simm.s32 $0xD;
	s3 =	sshll.u32 s3, $0x6;
	s23 =	rddreg [dreg:$0x4]  }
0x2a: {  	s10 =	rddreg [dreg:$0xe];
	s3 =	sor.u32 $0x1C0D, s3;
	s6 =	sshrl.u32 s23, $0x3  }
0x2b: {  	[hbm:s10], [sflag:s3] =	dma.local [spmem:s6], $0x800  }
0x2c: {  	_ =	swait.ge [sflag:s20], $0x800  }
0x2d: {  	[sflag:s20] =	ssyncset.done $0x0;
	s30 =	rddreg [dreg:$0x5]  }
0x2e: {  	s22 =	rddreg [dreg:$0xf];
	[sflag:s20] =	ssyncadd.s32 $0xFFFFF800;
	s21 =	sshrl.u32 s30, $0x3  }
0x2f: {  	[hbm:s22], [sflag:s3] =	dma.local [spmem:s21], $0x800  }
0x30: {  	_ =	swait.ge [sflag:s20], $0x800  }
0x31: {  	[sflag:s20] =	ssyncset.done $0x0;
	s21 =	rddreg [dreg:$0x6]  }
0x32: {  	s22 =	rddreg [dreg:$0x10];
	[sflag:s20] =	ssyncadd.s32 $0xFFFFF800;
	s6 =	sshrl.u32 s21, $0x3  }
0x33: {  	[hbm:s22], [sflag:s3] =	dma.local [spmem:s6], $0x800  }
0x34: {  	_ =	swait.ge [sflag:s20], $0x800  }
0x35: {  	[sflag:s20] =	ssyncset.done $0x0;
	s21 =	rddreg [dreg:$0x7]  }
0x36: {  	s22 =	rddreg [dreg:$0x11];
	[sflag:s20] =	ssyncadd.s32 $0xFFFFF800;
	s6 =	sshrl.u32 s21, $0x3  }
0x37: {  	[hbm:s22], [sflag:s3] =	dma.local [spmem:s6], $0x800  }
0x38: {  	_ =	swait.ge [sflag:s20], $0x800  }
0x39: {  	[sflag:s20] =	ssyncset.done $0x0;
	s6 =	rddreg [dreg:$0x9]  }
0x3a: {  	s10 =	rddreg [dreg:$0x12];
	[sflag:s20] =	ssyncadd.s32 $0xFFFFF800;
	s6 =	sshrl.u32 @!p0 s6, $0x3  }
0x3b: {  	[hbm:s10], [sflag:s3] =	dma.local @!p0 [spmem:s6], $0x800  }
0x3c: {  	s6 =	simm.s32 @!p0 $0xD  }
0x3d: {  	_ =	swait.ge @!p0 [sflag:s6], $0x800  }
0x3e: {  	[sflag:s6] =	ssyncset.done @!p0 $0x0;
	s10 =	rddreg [dreg:$0x8]  }
0x3f: {  	[sflag:s6] =	ssyncadd.s32 @!p0 $0xFFFFF800;
	s6 =	rddreg [dreg:$0xb]  }
0x40: {  	s10 =	sshrl.u32 @p3 s10, $0x3;
	s6 =	sadd.s32 @p3 $0x27000, s6  }
0x41: {  	[hbm:s6], [sflag:s3] =	dma.local @p3 [spmem:s10], $0x100  }
0x42: {  	s3 =	simm.s32 @p3 $0xD  }
0x43: {  	_ =	swait.ge @p3 [sflag:s3], $0x100  }
0x44: {  	s21 =	rddreg [dreg:$0x18]  }
0x45: {  	s22 =	rddreg [dreg:$0xc];
	s10 =	sadd.s32 $0x1, s21  }
0x46: {  	p4 =	sne.s32 s10, s22  }
.Ltmp1:
0x47: {  	_ = 	snop;
	(pc) =	sbr.rel @!p4 .LBB2_7-.Ltmp1, $3  }
0x48: {  	_ =	sdelay $0x1  }
0x49: {  	[sflag:s3] =	ssyncset.done @p3 $0x0  }
0x4a: {  	[sflag:s3] =	ssyncadd.s32 @p3 $0xFFFFFF00  }
.LBB2_1:
0x4b: {  	[dreg:$0x18] =	wrdreg s10;
	s20 =	simm.s32 $0x0;
	s22 =	simm.s32 $0x200  }
.LBB2_2:
0x4c: {  	p3 =	sne.s32 s22, $0xFE00;
	[tilespmem:s20+$0x13EF0] =	vst v0  }
0x4d: {  	[tilespmem:s20+$0x13E80] =	vst v0  }
0x4e: {  	[tilespmem:s20+$0x13E90] =	vst v0  }
.Ltmp2:
0x4f: {  	[tilespmem:s20+$0x13EA0] =	vst v0;
	(pc) =	sbr.rel @p3 .LBB2_2-.Ltmp2, $4  }
0x50: {  	[tilespmem:s20+$0x13EB0] =	vst v0  }
0x51: {  	[tilespmem:s20+$0x13EC0] =	vst v0  }
0x52: {  	[tilespmem:s20+$0x13ED0] =	vst v0  }
0x53: {  	[tilespmem:s20+$0x13EE0] =	vst v0;
	s20 =	sshra.s32 s22, $0x2;
	s22 =	sadd.s32 $0x200, s22  }
0x54: {  	[tilespmem:s20+$0x13EF0] =	vst v0  }
0x55: {  	[tilespmem:s20+$0x13E80] =	vst v0  }
0x56: {  	[tilespmem:s20+$0x13E90] =	vst v0  }
0x57: {  	[tilespmem:s20+$0x13EA0] =	vst v0  }
0x58: {  	[tilespmem:s20+$0x13EB0] =	vst v0  }
0x59: {  	[tilespmem:s20+$0x13EC0] =	vst v0  }
0x5a: {  	[tilespmem:s20+$0x13ED0] =	vst v0  }
0x5b: {  	[tilespmem:s20+$0x13EE0] =	vst v0;
	s6 =	simm.s32 $0xD  }
0x5c: {  	[spmem:s23] =	stream.linear.scatter [tilespmem:s0], [sflag:$0xD], $0x4000, $0x38;
	[tilespmem:$0x1FE80] =	vst v63  }
0x5d: {  	_ =	swait.ge [sflag:s6], $0x4000  }
0x5e: {  	[sflag:s6] =	ssyncset.done $0x0  }
0x5f: {  	[sflag:s6] =	ssyncadd.s32 $0xFFFFC000  }
0x60: {  	[spmem:s30] =	stream.linear.scatter [tilespmem:s0], [sflag:$0xD], $0x4000, $0x38;
	[tilespmem:$0x1FE80] =	vst v63  }
0x61: {  	_ =	swait.ge [sflag:s6], $0x4000  }
0x62: {  	[sflag:s6] =	ssyncset.done $0x0  }
0x63: {  	s3 =	rddreg [dreg:$0x6];
	[sflag:s6] =	ssyncadd.s32 $0xFFFFC000  }
0x64: {  	[spmem:s3] =	stream.linear.scatter [tilespmem:s0], [sflag:$0xD], $0x4000, $0x38;
	[tilespmem:$0x1FE80] =	vst v63  }
0x65: {  	_ =	swait.ge [sflag:s6], $0x4000  }
0x66: {  	[sflag:s6] =	ssyncset.done $0x0  }
0x67: {  	s20 =	rddreg [dreg:$0x7];
	[sflag:s6] =	ssyncadd.s32 $0xFFFFC000  }
0x68: {  	[spmem:s20] =	stream.linear.scatter [tilespmem:s0], [sflag:$0xD], $0x4000, $0x38;
	[tilespmem:$0x1FE80] =	vst v63  }
0x69: {  	_ =	swait.ge [sflag:s6], $0x4000  }
0x6a: {  	[sflag:s6] =	ssyncset.done $0x0  }
0x6b: {  	s20 =	simm.s32 @!p1 $0x13E80;
	s3 =	rddreg [dreg:$0x8];
	[sflag:s6] =	ssyncadd.s32 $0xFFFFC000  }
0x6c: {  	[spmem:s3] =	stream.linear.scatter @!p1 [tilespmem:s20], [sflag:$0xD], $0x800, $0x38;
	[tilespmem:$0x1FE80] =	vst v63  }
0x6d: {  	s20 =	simm.s32 @!p1 $0xD  }
0x6e: {  	_ =	swait.ge @!p1 [sflag:s20], $0x800  }
0x6f: {  	[sflag:s20] =	ssyncset.done @!p1 $0x0  }
0x70: {  	s3 =	rddreg [dreg:$0x9];
	[sflag:s20] =	ssyncadd.s32 @!p1 $0xFFFFF800;
	s20 =	simm.s32 @!p0 $0x13E80  }
0x71: {  	[spmem:s3] =	stream.linear.scatter @!p0 [tilespmem:s20], [sflag:$0xD], $0x4000, $0x38;
	[tilespmem:$0x1FE80] =	vst v63  }
0x72: {  	s20 =	simm.s32 @!p0 $0xD  }
0x73: {  	_ =	swait.ge @!p0 [sflag:s20], $0x4000  }
0x74: {  	s6 =	simm.s32 $0x13880;
	[sflag:s20] =	ssyncset.done @!p0 $0x0  }
0x75: {  	s21 =	rddreg [dreg:$0xa];
	[sflag:s20] =	ssyncadd.s32 @!p0 $0xFFFFC000;
	s20 =	simm.s32 $0x0  }
0x76: {  	[tilespmem:s6], [sflag:$0x1] =	stream.linear.gather [hbm4b:s21+s20], $0x100, $0x38;
	[tilespmem:$0x1FE80] =	vst v63  }
0x77: {  	s10 =	simm.s32 $0x13980;
	s22 =	rddreg [dreg:$0x13]  }
0x78: {  	[tilespmem:s10], [sflag:$0x2] =	stream.linear.gather [hbm4b:s22+s20], $0x100, $0x38;
	[tilespmem:$0x1FE80] =	vst v63  }
0x79: {  	s23 =	rddreg [dreg:$0x14];
	s21 =	simm.s32 $0x13A80  }
0x7a: {  	[tilespmem:s21], [sflag:$0x3] =	stream.linear.gather [hbm4b:s23+s20], $0x100, $0x38;
	[tilespmem:$0x1FE80] =	vst v63  }
0x7b: {  	s22 =	rddreg [dreg:$0x15];
	s23 =	simm.s32 $0x13B80  }
0x7c: {  	[tilespmem:s23], [sflag:$0x4] =	stream.linear.gather [hbm4b:s22+s20], $0x100, $0x38;
	[tilespmem:$0x1FE80] =	vst v63  }
0x7d: {  	s22 =	rddreg [dreg:$0x16];
	s23 =	simm.s32 $0x13C80  }
0x7e: {  	[tilespmem:s23], [sflag:$0x5] =	stream.linear.gather [hbm4b:s22+s20], $0x100, $0x38;
	[tilespmem:$0x1FE80] =	vst v63  }
0x7f: {  	s22 =	rddreg [dreg:$0x17];
	s23 =	simm.s32 $0x1  }
0x80: {  	[tilespmem:s24], [sflag:$0x6] =	stream.linear.gather [hbm4b:s22+s20], $0x100, $0x38;
	[tilespmem:$0x1FE80] =	vst v63  }
0x81: {  	_ =	swait.ge [sflag:s23], $0x100  }
0x82: {  	[sflag:s23] =	ssyncset.done $0x0  }
0x83: {  	[sflag:s23] =	ssyncadd.s32 $0xFFFFFF00  }
0x84: {  	[tilespmem:s0], [sflag:$0x7] =	stream.indirect.gather [hbm4b:s5+s26], $0x80, s6, s26, $0xb8;
	[tilespmem:$0x1FE80] =	vst v63  }
0x85: {  	_ =	swait.ge [sflag:s28], $0x100  }
0x86: {  	[sflag:s28] =	ssyncset.done $0x0  }
0x87: {  	p4 =	por @p0 $0x0, $0x0;
	p3 =	por @!p1 $0x1, $0x1;
	[sflag:s28] =	ssyncadd.s32 $0xFFFFFF00  }
0x88: {  	[tilespmem:s29], [sflag:$0x8] =	stream.indirect.gather [hbm4b:s5+s26], $0x80, s10, s26, $0xb8;
	[tilespmem:$0x1FE80] =	vst v63  }
0x89: {  	p3 =	por @!p2 p4, p4;
	p4 =	por @!p0 $0x0, $0x0;
	[bflag:$0x0] =	sbarrier.arrive $0xFFFF  }
0x8a: {  	p3 =	por @!p0 p4, p4;
	s21 =	simm.s32 $0x13980;
	s30 =	rddreg [dreg:$0xd]  }
.LBB2_4:
0x8b: {  	_ =	swait.ge [sflag:s14], $0x4000  }
0x8c: {  	[sflag:s14] =	ssyncset.done $0x0  }
0x8d: {  	s3 =	simm.s32 $0x13900;
	[sflag:s14] =	ssyncadd.s32 $0xFFFFC000  }
0x8e: {  	[spmem:s2] =	stream.indirect.scatter.add.f32 [tilespmem:s0], [sflag:$0xA], $0x80, s3, s26, $0xb8;
	[tilespmem:$0x1FE80] =	vst v63  }
0x8f: {  	_ =	swait.ge [sflag:s31], $0x4000  }
0x90: {  	[sflag:s31] =	ssyncset.done $0x0  }
0x91: {  	[sflag:s31] =	ssyncadd.s32 $0xFFFFC000  }
0x92: {  	_ =	swait.ge [sflag:s12], $0x100  }
0x93: {  	[sflag:s12] =	ssyncset.done $0x0  }
0x94: {  	s6 =	simm.s32 $0x13A80;
	p4 =	seq.s32 s20, $0x13800;
	[sflag:s12] =	ssyncadd.s32 $0xFFFFFF00  }
0x95: {  	[tilespmem:s13], [sflag:$0x9] =	stream.indirect.gather [hbm4b:s5+s26], $0x80, s6, s26, $0xb8;
	[tilespmem:$0x1FE80] =	vst v63  }
0x96: {  	s22 =	sshrl.u32 @!p4 s30, $0x3;
	s3 =	rddreg [dreg:$0x1]  }
0x97: {  	s23 =	simm.s32 @!p4 $0x13880;
	s6 =	sadd.s32 @!p4 s3, s22;
	s22 =	simm.s32 @!p4 $0x0  }
0x98: {  	[tilespmem:s23], [sflag:$0x1] =	stream.linear.gather @!p4 [hbm4b:s6+s22], $0x100, $0x38;
	[tilespmem:$0x1FE80] =	vst v63  }
0x99: {  	_ =	swait.ge [sflag:s25], $0x4000  }
0x9a: {  	[sflag:s25] =	ssyncset.done $0x0  }
0x9b: {  	s10 =	simm.s32 $0x13A00;
	[sflag:s25] =	ssyncadd.s32 $0xFFFFC000  }
0x9c: {  	[spmem:s2] =	stream.indirect.scatter.add.f32 [tilespmem:s29], [sflag:$0xB], $0x80, s10, s26, $0xb8;
	[tilespmem:$0x1FE80] =	vst v63  }
0x9d: {  	_ =	swait.ge [sflag:s7], $0x4000  }
0x9e: {  	[sflag:s7] =	ssyncset.done $0x0  }
0x9f: {  	[sflag:s7] =	ssyncadd.s32 $0xFFFFC000  }
0xa0: {  	_ =	swait.ge [sflag:s8], $0x100  }
0xa1: {  	[sflag:s8] =	ssyncset.done $0x0  }
0xa2: {  	s6 =	simm.s32 $0x13B80;
	[sflag:s8] =	ssyncadd.s32 $0xFFFFFF00  }
0xa3: {  	[tilespmem:s0], [sflag:$0x7] =	stream.indirect.gather [hbm4b:s5+s26], $0x80, s6, s26, $0xb8;
	[tilespmem:$0x1FE80] =	vst v63  }
0xa4: {  	s10 =	simm.s32 @!p4 $0x13980;
	s6 =	sadd.s32 @!p4 s20, s19  }
0xa5: {  	[tilespmem:s10], [sflag:$0x2] =	stream.linear.gather @!p4 [hbm4b:s6+s22], $0x100, $0x38;
	[tilespmem:$0x1FE80] =	vst v63  }
0xa6: {  	_ =	swait.ge [sflag:s9], $0x4000  }
0xa7: {  	[sflag:s9] =	ssyncset.done $0x0  }
0xa8: {  	s10 =	simm.s32 $0x13B00;
	[sflag:s9] =	ssyncadd.s32 $0xFFFFC000  }
0xa9: {  	[spmem:s2] =	stream.indirect.scatter.add.f32 [tilespmem:s13], [sflag:$0xC], $0x80, s10, s26, $0xb8;
	[tilespmem:$0x1FE80] =	vst v63  }
0xaa: {  	_ =	swait.ge [sflag:s11], $0x4000  }
0xab: {  	[sflag:s11] =	ssyncset.done $0x0  }
0xac: {  	[sflag:s11] =	ssyncadd.s32 $0xFFFFC000  }
0xad: {  	_ =	swait.ge [sflag:s4], $0x100  }
0xae: {  	[sflag:s4] =	ssyncset.done $0x0  }
0xaf: {  	s6 =	simm.s32 $0x13C80;
	[sflag:s4] =	ssyncadd.s32 $0xFFFFFF00  }
0xb0: {  	[tilespmem:s29], [sflag:$0x8] =	stream.indirect.gather [hbm4b:s5+s26], $0x80, s6, s26, $0xb8;
	[tilespmem:$0x1FE80] =	vst v63  }
0xb1: {  	s10 =	simm.s32 @!p4 $0x13A80;
	s6 =	sadd.s32 @!p4 s20, s18  }
0xb2: {  	[tilespmem:s10], [sflag:$0x3] =	stream.linear.gather @!p4 [hbm4b:s6+s22], $0x100, $0x38;
	[tilespmem:$0x1FE80] =	vst v63  }
0xb3: {  	_ =	swait.ge [sflag:s14], $0x4000  }
0xb4: {  	[sflag:s14] =	ssyncset.done $0x0  }
0xb5: {  	s10 =	simm.s32 $0x13C00;
	[sflag:s14] =	ssyncadd.s32 $0xFFFFC000  }
0xb6: {  	[spmem:s2] =	stream.indirect.scatter.add.f32 [tilespmem:s0], [sflag:$0xA], $0x80, s10, s26, $0xb8;
	[tilespmem:$0x1FE80] =	vst v63  }
0xb7: {  	_ =	swait.ge [sflag:s31], $0x4000  }
0xb8: {  	[sflag:s31] =	ssyncset.done $0x0  }
0xb9: {  	[sflag:s31] =	ssyncadd.s32 $0xFFFFC000  }
0xba: {  	_ =	swait.ge [sflag:s1], $0x100  }
0xbb: {  	[sflag:s1] =	ssyncset.done $0x0  }
0xbc: {  	s6 =	simm.s32 @p4 $0x8;
	[sflag:s1] =	ssyncadd.s32 $0xFFFFFF00  }
0xbd: {  	[tilespmem:s13], [sflag:$0x9] =	stream.indirect.gather [hbm4b:s5+s26], $0x80, s24, s26, $0xb8;
	[tilespmem:$0x1FE80] =	vst v63  }
0xbe: {  	_ =	swait.ge @p4 [sflag:s6], $0x4000  }
0xbf: {  	s3 =	simm.s32 @p4 $0x17E80;
	[sflag:s6] =	ssyncset.done @p4 $0x0  }
0xc0: {  	s10 =	simm.s32 @p4 $0x13D00;
	[sflag:s6] =	ssyncadd.s32 @p4 $0xFFFFC000;
	s6 =	simm.s32 @p4 $0x80  }
0xc1: {  	[spmem:s2] =	stream.indirect.scatter.add.f32 @p4 [tilespmem:s3], [sflag:$0xB], $0x80, s10, s6, $0xb8;
	[tilespmem:$0x1FE80] =	vst v63  }
0xc2: {  	s3 =	simm.s32 @p4 $0xB  }
0xc3: {  	_ =	swait.ge @p4 [sflag:s3], $0x4000  }
0xc4: {  	[sflag:s3] =	ssyncset.done @p4 $0x0  }
0xc5: {  	s6 =	simm.s32 @!p4 $0x13B80;
	[sflag:s3] =	ssyncadd.s32 @p4 $0xFFFFC000;
	s3 =	sadd.s32 @!p4 s20, s17  }
0xc6: {  	[tilespmem:s6], [sflag:$0x4] =	stream.linear.gather @!p4 [hbm4b:s3+s22], $0x100, $0x38;
	[tilespmem:$0x1FE80] =	vst v63  }
0xc7: {  	s3 =	simm.s32 @!p4 $0x8  }
0xc8: {  	_ =	swait.ge @!p4 [sflag:s3], $0x4000  }
0xc9: {  	s10 =	simm.s32 @!p4 $0x17E80;
	[sflag:s3] =	ssyncset.done @!p4 $0x0  }
0xca: {  	s6 =	simm.s32 @!p4 $0x13D00;
	[sflag:s3] =	ssyncadd.s32 @!p4 $0xFFFFC000;
	s3 =	simm.s32 @!p4 $0x80  }
0xcb: {  	[spmem:s2] =	stream.indirect.scatter.add.f32 @!p4 [tilespmem:s10], [sflag:$0xB], $0x80, s6, s3, $0xb8;
	[tilespmem:$0x1FE80] =	vst v63  }
0xcc: {  	s6 =	simm.s32 @!p4 $0xB  }
0xcd: {  	_ =	swait.ge @!p4 [sflag:s6], $0x4000  }
0xce: {  	[sflag:s6] =	ssyncset.done @!p4 $0x0  }
0xcf: {  	[sflag:s6] =	ssyncadd.s32 @!p4 $0xFFFFC000;
	s6 =	simm.s32 @!p4 $0x1  }
0xd0: {  	_ =	swait.ge @!p4 [sflag:s6], $0x100  }
0xd1: {  	[sflag:s6] =	ssyncset.done @!p4 $0x0  }
0xd2: {  	[sflag:s6] =	ssyncadd.s32 @!p4 $0xFFFFFF00;
	s6 =	simm.s32 @!p4 $0x13E80  }
0xd3: {  	[tilespmem:s6], [sflag:$0x7] =	stream.indirect.gather @!p4 [hbm4b:s5+s3], $0x80, s23, s3, $0xb8;
	[tilespmem:$0x1FE80] =	vst v63  }
0xd4: {  	s3 =	sadd.s32 @!p4 s20, s16;
	s6 =	simm.s32 @!p4 $0x13C80  }
0xd5: {  	[tilespmem:s6], [sflag:$0x5] =	stream.linear.gather @!p4 [hbm4b:s3+s22], $0x100, $0x38;
	[tilespmem:$0x1FE80] =	vst v63  }
0xd6: {  	_ =	swait.ge [sflag:s9], $0x4000  }
0xd7: {  	[sflag:s9] =	ssyncset.done $0x0  }
.Ltmp3:
0xd8: {  	s23 =	simm.s32 $0x13E00;
	[sflag:s9] =	ssyncadd.s32 $0xFFFFC000;
	(pc) =	sbr.rel @p4 .LBB2_6-.Ltmp3, $4  }
0xd9: {  	[spmem:s2] =	stream.indirect.scatter.add.f32 [tilespmem:s13], [sflag:$0xC], $0x80, s23, s26, $0xb8;
	[tilespmem:$0x1FE80] =	vst v63  }
0xda: {  	_ =	swait.ge [sflag:s11], $0x4000  }
0xdb: {  	[sflag:s11] =	ssyncset.done $0x0  }
0xdc: {  	[sflag:s11] =	ssyncadd.s32 $0xFFFFC000  }
0xdd: {  	_ =	swait.ge [sflag:s28], $0x100  }
.Ltmp4:
0xde: {  	[sflag:s28] =	ssyncset.done $0x0;
	(pc) =	sbr.rel .LBB2_4-.Ltmp4, $4  }
0xdf: {  	s3 =	sadd.s32 s20, s15;
	[sflag:s28] =	ssyncadd.s32 $0xFFFFFF00  }
0xe0: {  	[tilespmem:s29], [sflag:$0x8] =	stream.indirect.gather [hbm4b:s5+s26], $0x80, s21, s26, $0xb8;
	[tilespmem:$0x1FE80] =	vst v63  }
0xe1: {  	s6 =	simm.s32 $0x0;
	s20 =	sadd.s32 $0x1800, s20;
	s30 =	sadd.s32 $0xC000, s30  }
0xe2: {  	[tilespmem:s24], [sflag:$0x6] =	stream.linear.gather [hbm4b:s3+s6], $0x100, $0x38;
	[tilespmem:$0x1FE80] =	vst v63  }
.LBB2_7:
0xe3: {  	_ =	sfence.sel $0x180000  }
0xe4: {  	[bflag:$0x0] =	sbarrier.arrive $0xFFFF  }
0xe5: {  	_ =	strace $0x90000050  }
0xe6: {  	s0 =	stileid.u32;
	[bflag:$0x2] =	sbarrier.arrive $0xFFFF  }
0xe7: {  	p0 =	sne.s32 s0, $0x0;
	s0 =	rddreg [dreg:$0x3]  }
0xe8: {  	s0 =	sadd.s32 @!p0 $0x100000, s0  }
0xe9: {  	[sflag:s0] =	ssyncadd.tile.s32 @!p0 $0x1;
	_ =	shalt  }
.Lfunc_end2:
_tile_overlayer_lowered:
.L_overlay_start_2:
0xea: {  	(tag) =	ssettag $0x2  }
0xeb: {  	s0 =	rddreg [dreg:$0x0];
	s2 =	stileid.u32  }
0xec: {  	s1 =	rddreg [dreg:$0x1];
	p0 =	sne.s32 s2, $0x0  }
0xed: {  	s3 =	rddreg [dreg:$0x2];
	[bflag:$0x3] =	sbarrier.arrive $0xFFFF;
	s2 =	simm.s32 @!p0 $0x1C0D  }
0xee: {  	[timem:s3], [sflag:s2] =	dma.local @!p0 [hbm:s0], s1  }
0xef: {  	s0 =	simm.s32 @!p0 $0xD  }
0xf0: {  	_ =	swait.ge @!p0 [sflag:s0], s1  }
0xf1: {  	s1 =	ssub.s32 @!p0 $0x0, s1;
	[sflag:s0] =	ssyncset.done @!p0 $0x0  }
0xf2: {  	[sflag:s0] =	ssyncadd.s32 @!p0 s1  }
0xf3: {  	[bflag:$0x3] =	sbarrier.arrive $0xFFFF  }
0xf4: {  	_ =	shalt  }

</sc_bundles>
